<compile_context>
chip_gen: v7x
topology: tpu7x:2x2x1
jax: 0.10.2.dev20260603
libtpu: 0.0.44.dev20260713+nightly
codegen_flags: <defaults>
</compile_context>

<pallas_src>
import functools

import jax
import jax.numpy as jnp
from jax import lax
from jax.experimental import pallas as pl
from jax.experimental.pallas import tpu as pltpu
from jax.experimental.pallas import tpu_sc as plsc

B, L = 16384, 200
N = B * L
D = 32
NUM_CATS = 20
ITEM_PAD = 512
R = ITEM_PAD * NUM_CATS

LT, LIN = L // 8, 8
BT, BIN = B // 128, 128
DT, DIN = D // 8, 8

NC, NS = 2, 16
NW = NC * NS
BT_PER_W = BT // NW


def _proj_body(itab_ref, ctab_ref, w_ref, b_ref, out_ref):
    tbl = itab_ref[...]
    row = lax.broadcasted_iota(jnp.int32, (ITEM_PAD, D), 0)
    tbl = jnp.where(row == 0, jnp.float32(0.0), tbl)
    w = w_ref[...]
    wi = w[:, :D]
    wc = w[:, D:]
    pi = lax.dot_general(tbl, wi, (((1,), (1,)), ((), ())),
                         preferred_element_type=jnp.float32)
    pc = lax.dot_general(ctab_ref[...], wc, (((1,), (1,)), ((), ())),
                         preferred_element_type=jnp.float32)
    pc = pc + b_ref[...]
    f3 = (jnp.broadcast_to(pi[:, None, :], (ITEM_PAD, NUM_CATS, D))
          + jnp.broadcast_to(pc[None, :, :], (ITEM_PAD, NUM_CATS, D)))
    out_ref[...] = f3.astype(jnp.bfloat16)


def _build_fused(item_table, cat_table, W, b):
    itab = jnp.pad(item_table, ((0, ITEM_PAD - item_table.shape[0]), (0, 0)))
    fused3 = pl.pallas_call(
        _proj_body,
        out_shape=jax.ShapeDtypeStruct((ITEM_PAD, NUM_CATS, D), jnp.bfloat16),
    )(itab, cat_table, W, b.reshape(1, D))
    return fused3.reshape(R, D)


@functools.partial(
    pl.kernel,
    out_type=jax.ShapeDtypeStruct((L, DT, BT, DIN, BIN), jnp.float32),
    mesh=plsc.VectorSubcoreMesh(core_axis_name="c", subcore_axis_name="s"),
    compiler_params=pltpu.CompilerParams(use_tc_tiling_on_sc=False,
                                         needs_layout_passes=False),
    scratch_types=[
        pltpu.VMEM((2, LIN * BIN), jnp.int32),
        pltpu.VMEM((2, LIN * BIN), jnp.int32),
        pltpu.VMEM((LIN * BIN,), jnp.int32),
        pltpu.VMEM((LIN, BIN, D), jnp.bfloat16),
        pltpu.VMEM((DT * DIN, BIN + 1), jnp.float32),
        pltpu.VMEM((DT * DIN, BIN + 1), jnp.float32),
        pltpu.SemaphoreType.DMA,
        pltpu.SemaphoreType.DMA,
        pltpu.SemaphoreType.DMA,
        pltpu.SemaphoreType.DMA,
    ],
)
def _sc_gather(fused_hbm, item_hbm, cat_hbm, out_hbm,
               ia, ib, fi, gbuf, tbuf0, tbuf1,
               isem, gsem, osem0, osem1):
    cid = lax.axis_index("c")
    sid = lax.axis_index("s")
    wid = sid * NC + cid
    iota16 = lax.iota(jnp.int32, 16)
    one = jnp.full((16,), 1, jnp.int32)
    two = jnp.full((16,), 2, jnp.int32)
    row_lo = iota16
    row_hi = iota16 + 16
    tbufs = (tbuf0, tbuf1)
    osems = (osem0, osem1)
    NU = LT * BT_PER_W

    def unit_coords(u):
        lt = u // BT_PER_W
        bt = wid * BT_PER_W + (u % BT_PER_W)
        return lt, bt

    def fire_idx(u, p):
        lt, bt = unit_coords(u)
        pltpu.async_copy(item_hbm.at[lt, bt], ia.at[p], isem)
        pltpu.async_copy(cat_hbm.at[lt, bt], ib.at[p], isem)

    fire_idx(0, 0)

    def unit_body(u, carry):
        p = u % 2
        pltpu.make_async_copy(item_hbm.at[0, 0], ia.at[p], isem).wait()
        pltpu.make_async_copy(cat_hbm.at[0, 0], ib.at[p], isem).wait()

        def fi_body(k, _):
            fi[pl.ds(k * 16, 16)] = (ia[p, pl.ds(k * 16, 16)] * NUM_CATS
                                     + ib[p, pl.ds(k * 16, 16)])
            return 0

        lax.fori_loop(0, (LIN * BIN) // 16, fi_body, 0, unroll=8)

        lt, bt = unit_coords(u)
        gcps = [
            pltpu.async_copy(
                fused_hbm.at[fi.at[pl.ds(l_in * BIN, BIN)]],
                gbuf.at[l_in], gsem,
            )
            for l_in in range(LIN)
        ]
        un = jnp.minimum(u + 1, NU - 1)
        fire_idx(un, 1 - p)

        ocps = [None, None]
        for l_in in range(LIN):
            q = l_in % 2
            gcps[l_in].wait()
            tbuf = tbufs[q]
            if ocps[q] is not None:
                for cp in ocps[q]:
                    cp.wait()

            def tr_body(bb, bv):
                v = gbuf[l_in, bb]
                a, b2 = plsc.unpack(v, format=plsc.PackFormat.INTERLEAVED,
                                    preferred_element_type=jnp.float32)
                plsc.store_scatter(tbuf, [row_lo, bv], a)
                plsc.store_scatter(tbuf, [row_hi, bv], b2)
                return bv + one

            lax.fori_loop(0, BIN, tr_body, jnp.zeros((16,), jnp.int32),
                          unroll=4)
            l = lt * LIN + l_in
            ocps[q] = [
                pltpu.async_copy(
                    tbuf.at[pl.ds(dt * DIN, DIN), pl.ds(0, BIN)],
                    out_hbm.at[l, dt, bt], osems[q],
                )
                for dt in range(DT)
            ]
        for cps in ocps:
            if cps is not None:
                for cp in cps:
                    cp.wait()
        return 0

    lax.fori_loop(0, NU, unit_body, 0)
    pltpu.make_async_copy(item_hbm.at[0, 0], ia.at[0], isem).wait()
    pltpu.make_async_copy(cat_hbm.at[0, 0], ib.at[0], isem).wait()


def kernel(item_ids, category_ids, item_table, cat_table, W, b):
    perm = jnp.arange(D).reshape(2, D // 2).T.reshape(D)
    fused = _build_fused(item_table, cat_table, W[perm], b[perm])
    idx4 = (item_ids.astype(jnp.int32)
            .reshape(BT, BIN, LT, LIN).transpose(2, 0, 3, 1).reshape(LT, BT, LIN * BIN))
    cat4 = (category_ids.astype(jnp.int32)
            .reshape(BT, BIN, LT, LIN).transpose(2, 0, 3, 1).reshape(LT, BT, LIN * BIN))
    out5 = _sc_gather(fused, idx4, cat4)
    out = out5.transpose(2, 4, 0, 1, 3).reshape(B, L, D)
    return out

# --- scband reference (transcript-rebuilt; emitter-appended) ---
"""Pipeline reference for scband-item-embedding-62062277427441 (READ-ONLY COPY).

The authoritative reference and input builder live on the scoring server;
editing this copy changes nothing except your own understanding.
"""

import jax, jax.numpy as jnp
import numpy as np


def setup_inputs(seed: int = 0) -> dict:
    key = jax.random.key(seed)
    k1, k2, k3, k4, k5, k6 = jax.random.split(key, 6)
    item_ids = jax.random.randint(k1, (16384, 200), 0, 501)
    category_ids = jax.random.randint(k2, (16384, 200), 0, 20)
    # parameters (per EmbeddingConfig defaults: item_dim=32, num_items=500)
    item_table = jax.random.normal(k3, (501, 32), dtype=jnp.float32)
    cat_table = jax.random.normal(k4, (20, 8), dtype=jnp.float32)
    # nn.Linear(40, 32): weight [out,in]=[32,40], bias [32]
    W = jax.random.normal(k5, (32, 40), dtype=jnp.float32) * 0.05
    b = jax.random.normal(k6, (32,), dtype=jnp.float32) * 0.05
    return {"item_ids": item_ids, "category_ids": category_ids,
            "item_table": item_table, "cat_table": cat_table, "W": W, "b": b}


def reference(item_ids, category_ids, item_table, cat_table, W, b):
    # padding_idx=0: row 0 is held at zeros
    table = item_table.at[0].set(0.0)
    item_emb = jnp.take(table, item_ids, axis=0)          # (B, L, 32)
    cat_emb = jnp.take(cat_table, category_ids, axis=0)   # (B, L, 8)
    combined = jnp.concatenate([item_emb, cat_emb], axis=-1)  # (B, L, 40)
    return combined @ W.T + b                              # (B, L, 32)

if __name__ == "__main__":
    import jax
    _d = setup_inputs()
    print(jax.jit(kernel)(*tuple(_d.values())))

</pallas_src>

<mosaic_0001>
#map = affine_map<(d0, d1) -> (0, 0)>
#map1 = affine_map<(d0, d1) -> (0, 0, 0)>
#map2 = affine_map<(d0, d1) -> (0, 0, 0, 0, 0)>
module attributes {stable_mosaic.version = 14 : i64} {
  func.func @_sc_gather(%arg0: i32, %arg1: i32, %arg2: memref<10240x32xbf16, #tpu.memory_space<hbm>>, %arg3: memref<25x128x1024xi32, #tpu.memory_space<hbm>>, %arg4: memref<25x128x1024xi32, #tpu.memory_space<hbm>>, %arg5: memref<200x4x128x8x128xf32, #tpu.memory_space<hbm>>, %arg6: memref<2x1024xi32, #tpu.memory_space<vmem>>, %arg7: memref<2x1024xi32, #tpu.memory_space<vmem>>, %arg8: memref<1024xi32, #tpu.memory_space<vmem>>, %arg9: memref<8x128x32xbf16, #tpu.memory_space<vmem>>, %arg10: memref<32x129xf32, #tpu.memory_space<vmem>>, %arg11: memref<32x129xf32, #tpu.memory_space<vmem>>, %arg12: memref<!tpu.dma_semaphore, #tpu.memory_space<semaphore_mem>>, %arg13: memref<!tpu.dma_semaphore, #tpu.memory_space<semaphore_mem>>, %arg14: memref<!tpu.dma_semaphore, #tpu.memory_space<semaphore_mem>>, %arg15: memref<!tpu.dma_semaphore, #tpu.memory_space<semaphore_mem>>) attributes {dimension_semantics = [#tpu.dimension_semantics<core_parallel>, #tpu.dimension_semantics<subcore_parallel>], iteration_bounds = array<i64: 2, 16>, scalar_prefetch = 0 : i64, scratch_operands = 10 : i64, tpu.core_type = #tpu.core_type<sc_vector_subcore>, window_params = [{transform_indices = #map}, {transform_indices = #map1}, {transform_indices = #map1}, {transform_indices = #map2}]} {
    %mul3A = arith.constant 2 : i32
    %mul3A_0 = arith.muli %arg1, %mul3A : i32
    %add3A = arith.addi %mul3A_0, %arg0 : i32
    %iota3A = tpu.iota {dimensions = array<i32: 0>} : vector<16xi32>
    %broadcast_in_dim3A = arith.constant 1 : i32
    %broadcast_in_dim3A_1 = vector.broadcast %broadcast_in_dim3A : i32 to vector<16xi32>
    %broadcast_in_dim3A_2 = arith.constant 2 : i32
    %broadcast_in_dim3A_3 = vector.broadcast %broadcast_in_dim3A_2 : i32 to vector<16xi32>
    %add3A_4 = arith.constant 16 : i32
    %add3A_5 = vector.broadcast %add3A_4 : i32 to vector<16xi32>
    %add3A_6 = arith.addi %iota3A, %add3A_5 : vector<16xi32>
    %mul3A_7 = arith.constant 4 : i32
    %mul3A_8 = arith.muli %add3A, %mul3A_7 : i32
    %add3A_9 = arith.constant 0 : i32
    %add3A_10 = arith.addi %mul3A_8, %add3A_9 : i32
    %dma_start3A = arith.constant 0 : i32
    %dma_start3A_11 = arith.constant 0 : i32
    %dma_start3A_12 = arith.constant 0 : i32
    %dma_start3A_13 = tpu.memref_slice %arg6[%dma_start3A_11, %dma_start3A_12] : memref<2x1024xi32, #tpu.memory_space<vmem>> -> memref<1x1024xi32, #tpu.memory_space<vmem>>
    %dma_start3A_14 = tpu.memref_squeeze %dma_start3A_13 : memref<1x1024xi32, #tpu.memory_space<vmem>> -> memref<1024xi32, #tpu.memory_space<vmem>>
    %dma_start3A_15 = arith.constant 0 : i32
    %dma_start3A_16 = tpu.memref_slice %arg3[%dma_start3A, %add3A_10, %dma_start3A_15] : memref<25x128x1024xi32, #tpu.memory_space<hbm>> -> memref<1x1x1024xi32, #tpu.memory_space<hbm>>
    %dma_start3A_17 = tpu.memref_squeeze %dma_start3A_16 : memref<1x1x1024xi32, #tpu.memory_space<hbm>> -> memref<1024xi32, #tpu.memory_space<hbm>>
    %dma_start3A_18 = arith.constant 0 : i32
    %dma_start3A_19 = tpu.memref_slice %arg6[%dma_start3A_11, %dma_start3A_18] : memref<2x1024xi32, #tpu.memory_space<vmem>> -> memref<1x1024xi32, #tpu.memory_space<vmem>>
    %dma_start3A_20 = tpu.memref_squeeze %dma_start3A_19 : memref<1x1024xi32, #tpu.memory_space<vmem>> -> memref<1024xi32, #tpu.memory_space<vmem>>
    %dma_start3A_21 = arith.constant 0 : i32
    %dma_start3A_22 = tpu.memref_slice %arg3[%dma_start3A, %add3A_10, %dma_start3A_21] : memref<25x128x1024xi32, #tpu.memory_space<hbm>> -> memref<1x1x1024xi32, #tpu.memory_space<hbm>>
    %dma_start3A_23 = tpu.memref_squeeze %dma_start3A_22 : memref<1x1x1024xi32, #tpu.memory_space<hbm>> -> memref<1024xi32, #tpu.memory_space<hbm>>
    tpu.enqueue_dma source(%dma_start3A_23 : memref<1024xi32, #tpu.memory_space<hbm>>) target(%dma_start3A_20 : memref<1024xi32, #tpu.memory_space<vmem>>) target_semaphore(%arg12 : memref<!tpu.dma_semaphore, #tpu.memory_space<semaphore_mem>>)
    %dma_start3A_24 = arith.constant 0 : i32
    %dma_start3A_25 = arith.constant 0 : i32
    %dma_start3A_26 = arith.constant 0 : i32
    %dma_start3A_27 = tpu.memref_slice %arg7[%dma_start3A_25, %dma_start3A_26] : memref<2x1024xi32, #tpu.memory_space<vmem>> -> memref<1x1024xi32, #tpu.memory_space<vmem>>
    %dma_start3A_28 = tpu.memref_squeeze %dma_start3A_27 : memref<1x1024xi32, #tpu.memory_space<vmem>> -> memref<1024xi32, #tpu.memory_space<vmem>>
    %dma_start3A_29 = arith.constant 0 : i32
    %dma_start3A_30 = tpu.memref_slice %arg4[%dma_start3A_24, %add3A_10, %dma_start3A_29] : memref<25x128x1024xi32, #tpu.memory_space<hbm>> -> memref<1x1x1024xi32, #tpu.memory_space<hbm>>
    %dma_start3A_31 = tpu.memref_squeeze %dma_start3A_30 : memref<1x1x1024xi32, #tpu.memory_space<hbm>> -> memref<1024xi32, #tpu.memory_space<hbm>>
    %dma_start3A_32 = arith.constant 0 : i32
    %dma_start3A_33 = tpu.memref_slice %arg7[%dma_start3A_25, %dma_start3A_32] : memref<2x1024xi32, #tpu.memory_space<vmem>> -> memref<1x1024xi32, #tpu.memory_space<vmem>>
    %dma_start3A_34 = tpu.memref_squeeze %dma_start3A_33 : memref<1x1024xi32, #tpu.memory_space<vmem>> -> memref<1024xi32, #tpu.memory_space<vmem>>
    %dma_start3A_35 = arith.constant 0 : i32
    %dma_start3A_36 = tpu.memref_slice %arg4[%dma_start3A_24, %add3A_10, %dma_start3A_35] : memref<25x128x1024xi32, #tpu.memory_space<hbm>> -> memref<1x1x1024xi32, #tpu.memory_space<hbm>>
    %dma_start3A_37 = tpu.memref_squeeze %dma_start3A_36 : memref<1x1x1024xi32, #tpu.memory_space<hbm>> -> memref<1024xi32, #tpu.memory_space<hbm>>
    tpu.enqueue_dma source(%dma_start3A_37 : memref<1024xi32, #tpu.memory_space<hbm>>) target(%dma_start3A_34 : memref<1024xi32, #tpu.memory_space<vmem>>) target_semaphore(%arg12 : memref<!tpu.dma_semaphore, #tpu.memory_space<semaphore_mem>>)
    %scan3A = arith.constant 0 : i32
    %scan3A_38 = arith.constant 0 : i32
    %scan3A_39 = arith.constant 100 : i32
    %scan3A_40 = arith.addi %scan3A_38, %scan3A_39 : i32
    %scan3A_41 = arith.constant 1 : i32
    %scan3A_42 = scf.for %scan3A_73 = %scan3A_38 to %scan3A_40 step %scan3A_41 iter_args(%scan3A_74 = %scan3A) -> (i32)  : i32 {
      %jit3A = arith.constant 2 : i32
      %eq3A = arith.constant 0 : i32
      %eq3A_75 = arith.cmpi eq, %jit3A, %eq3A : i32
      %jit3A_76 = arith.constant 1 : i32
      %select_n3A = arith.select %eq3A_75, %jit3A_76, %jit3A : i32
      %rem3A = arith.remsi %scan3A_73, %select_n3A : i32
      %ne3A = arith.constant 0 : i32
      %ne3A_77 = arith.cmpi ne, %rem3A, %ne3A : i32
      %lt3A = arith.constant 0 : i32
      %lt3A_78 = arith.cmpi slt, %rem3A, %lt3A : i32
      %lt3A_79 = arith.constant 0 : i32
      %lt3A_80 = arith.cmpi slt, %select_n3A, %lt3A_79 : i32
      %ne3A_81 = arith.xori %lt3A_78, %lt3A_80 : i1
      %and3A = arith.andi %ne3A_81, %ne3A_77 : i1
      %add3A_82 = arith.addi %rem3A, %select_n3A : i32
      %select_n3A_83 = arith.select %and3A, %add3A_82, %rem3A : i32
      %dma_wait3A_84 = arith.constant 0 : i32
      %dma_wait3A_85 = arith.constant 0 : i32
      %dma_wait3A_86 = arith.constant 0 : i32
      %dma_wait3A_87 = tpu.memref_slice %arg6[%select_n3A_83, %dma_wait3A_86] : memref<2x1024xi32, #tpu.memory_space<vmem>> -> memref<1x1024xi32, #tpu.memory_space<vmem>>
      %dma_wait3A_88 = tpu.memref_squeeze %dma_wait3A_87 : memref<1x1024xi32, #tpu.memory_space<vmem>> -> memref<1024xi32, #tpu.memory_space<vmem>>
      %dma_wait3A_89 = arith.constant 0 : i32
      %dma_wait3A_90 = tpu.memref_slice %arg3[%dma_wait3A_84, %dma_wait3A_85, %dma_wait3A_89] : memref<25x128x1024xi32, #tpu.memory_space<hbm>> -> memref<1x1x1024xi32, #tpu.memory_space<hbm>>
      %dma_wait3A_91 = tpu.memref_squeeze %dma_wait3A_90 : memref<1x1x1024xi32, #tpu.memory_space<hbm>> -> memref<1024xi32, #tpu.memory_space<hbm>>
      %dma_wait3A_92 = arith.constant 0 : i32
      %dma_wait3A_93 = tpu.memref_slice %arg6[%select_n3A_83, %dma_wait3A_92] : memref<2x1024xi32, #tpu.memory_space<vmem>> -> memref<1x1024xi32, #tpu.memory_space<vmem>>
      %dma_wait3A_94 = tpu.memref_squeeze %dma_wait3A_93 : memref<1x1024xi32, #tpu.memory_space<vmem>> -> memref<1024xi32, #tpu.memory_space<vmem>>
      %dma_wait3A_95 = arith.constant 0 : i32
      %dma_wait3A_96 = tpu.memref_slice %arg3[%dma_wait3A_84, %dma_wait3A_85, %dma_wait3A_95] : memref<25x128x1024xi32, #tpu.memory_space<hbm>> -> memref<1x1x1024xi32, #tpu.memory_space<hbm>>
      %dma_wait3A_97 = tpu.memref_squeeze %dma_wait3A_96 : memref<1x1x1024xi32, #tpu.memory_space<hbm>> -> memref<1024xi32, #tpu.memory_space<hbm>>
      tpu.wait_dma2 semaphore(%arg12 : memref<!tpu.dma_semaphore, #tpu.memory_space<semaphore_mem>>) src(%dma_wait3A_97 : memref<1024xi32, #tpu.memory_space<hbm>>) dst(%dma_wait3A_94 : memref<1024xi32, #tpu.memory_space<vmem>>)
      %dma_wait3A_98 = arith.constant 0 : i32
      %dma_wait3A_99 = arith.constant 0 : i32
      %dma_wait3A_100 = arith.constant 0 : i32
      %dma_wait3A_101 = tpu.memref_slice %arg7[%select_n3A_83, %dma_wait3A_100] : memref<2x1024xi32, #tpu.memory_space<vmem>> -> memref<1x1024xi32, #tpu.memory_space<vmem>>
      %dma_wait3A_102 = tpu.memref_squeeze %dma_wait3A_101 : memref<1x1024xi32, #tpu.memory_space<vmem>> -> memref<1024xi32, #tpu.memory_space<vmem>>
      %dma_wait3A_103 = arith.constant 0 : i32
      %dma_wait3A_104 = tpu.memref_slice %arg4[%dma_wait3A_98, %dma_wait3A_99, %dma_wait3A_103] : memref<25x128x1024xi32, #tpu.memory_space<hbm>> -> memref<1x1x1024xi32, #tpu.memory_space<hbm>>
      %dma_wait3A_105 = tpu.memref_squeeze %dma_wait3A_104 : memref<1x1x1024xi32, #tpu.memory_space<hbm>> -> memref<1024xi32, #tpu.memory_space<hbm>>
      %dma_wait3A_106 = arith.constant 0 : i32
      %dma_wait3A_107 = tpu.memref_slice %arg7[%select_n3A_83, %dma_wait3A_106] : memref<2x1024xi32, #tpu.memory_space<vmem>> -> memref<1x1024xi32, #tpu.memory_space<vmem>>
      %dma_wait3A_108 = tpu.memref_squeeze %dma_wait3A_107 : memref<1x1024xi32, #tpu.memory_space<vmem>> -> memref<1024xi32, #tpu.memory_space<vmem>>
      %dma_wait3A_109 = arith.constant 0 : i32
      %dma_wait3A_110 = tpu.memref_slice %arg4[%dma_wait3A_98, %dma_wait3A_99, %dma_wait3A_109] : memref<25x128x1024xi32, #tpu.memory_space<hbm>> -> memref<1x1x1024xi32, #tpu.memory_space<hbm>>
      %dma_wait3A_111 = tpu.memref_squeeze %dma_wait3A_110 : memref<1x1x1024xi32, #tpu.memory_space<hbm>> -> memref<1024xi32, #tpu.memory_space<hbm>>
      tpu.wait_dma2 semaphore(%arg12 : memref<!tpu.dma_semaphore, #tpu.memory_space<semaphore_mem>>) src(%dma_wait3A_111 : memref<1024xi32, #tpu.memory_space<hbm>>) dst(%dma_wait3A_108 : memref<1024xi32, #tpu.memory_space<vmem>>)
      %scan3A_112 = arith.constant 0 : i32
      %scan3A_113 = arith.constant 0 : i32
      %scan3A_114 = arith.constant 64 : i32
      %scan3A_115 = arith.addi %scan3A_113, %scan3A_114 : i32
      %scan3A_116 = arith.constant 8 : i32
      %scan3A_117 = scf.for %scan3A_1448 = %scan3A_113 to %scan3A_115 step %scan3A_116 iter_args(%scan3A_1449 = %scan3A_112) -> (i32)  : i32 {
        %mul3A_1450 = arith.constant 16 : i32
        %mul3A_1451 = arith.muli %scan3A_1448, %mul3A_1450 : i32
        %get3A = arith.index_cast %select_n3A_83 : i32 to index
        %get3A_1452 = arith.index_cast %mul3A_1451 : i32 to index
        %get3A_1453 = tpu.vector_load %arg6[%get3A, %get3A_1452] {strides = array<i32>} : memref<2x1024xi32, #tpu.memory_space<vmem>>, vector<16xi32>,
        %mul3A_1454 = arith.constant 20 : i32
        %mul3A_1455 = vector.broadcast %mul3A_1454 : i32 to vector<16xi32>
        %mul3A_1456 = arith.muli %get3A_1453, %mul3A_1455 : vector<16xi32>
        %mul3A_1457 = arith.constant 16 : i32
        %mul3A_1458 = arith.muli %scan3A_1448, %mul3A_1457 : i32
        %get3A_1459 = arith.index_cast %select_n3A_83 : i32 to index
        %get3A_1460 = arith.index_cast %mul3A_1458 : i32 to index
        %get3A_1461 = tpu.vector_load %arg7[%get3A_1459, %get3A_1460] {strides = array<i32>} : memref<2x1024xi32, #tpu.memory_space<vmem>>, vector<16xi32>,
        %add3A_1462 = arith.addi %mul3A_1456, %get3A_1461 : vector<16xi32>
        %mul3A_1463 = arith.constant 16 : i32
        %mul3A_1464 = arith.muli %scan3A_1448, %mul3A_1463 : i32
        %swap3A = arith.index_cast %mul3A_1464 : i32 to index
        %swap3A_1465 = tpu.vector_load %arg8[%swap3A] {strides = array<i32>} : memref<1024xi32, #tpu.memory_space<vmem>>, vector<16xi32>,
        tpu.vector_store %arg8[%swap3A], %add3A_1462 {strides = array<i32>} : memref<1024xi32, #tpu.memory_space<vmem>>, vector<16xi32>,
        %scan3A_1466 = arith.constant 0 : i32
        %scan3A_1467 = arith.constant 1 : i32
        %scan3A_1468 = arith.addi %scan3A_1448, %scan3A_1467 : i32
        %mul3A_1469 = arith.constant 16 : i32
        %mul3A_1470 = arith.muli %scan3A_1468, %mul3A_1469 : i32
        %get3A_1471 = arith.index_cast %select_n3A_83 : i32 to index
        %get3A_1472 = arith.index_cast %mul3A_1470 : i32 to index
        %get3A_1473 = tpu.vector_load %arg6[%get3A_1471, %get3A_1472] {strides = array<i32>} : memref<2x1024xi32, #tpu.memory_space<vmem>>, vector<16xi32>,
        %mul3A_1474 = arith.constant 20 : i32
        %mul3A_1475 = vector.broadcast %mul3A_1474 : i32 to vector<16xi32>
        %mul3A_1476 = arith.muli %get3A_1473, %mul3A_1475 : vector<16xi32>
        %mul3A_1477 = arith.constant 16 : i32
        %mul3A_1478 = arith.muli %scan3A_1468, %mul3A_1477 : i32
        %get3A_1479 = arith.index_cast %select_n3A_83 : i32 to index
        %get3A_1480 = arith.index_cast %mul3A_1478 : i32 to index
        %get3A_1481 = tpu.vector_load %arg7[%get3A_1479, %get3A_1480] {strides = array<i32>} : memref<2x1024xi32, #tpu.memory_space<vmem>>, vector<16xi32>,
        %add3A_1482 = arith.addi %mul3A_1476, %get3A_1481 : vector<16xi32>
        %mul3A_1483 = arith.constant 16 : i32
        %mul3A_1484 = arith.muli %scan3A_1468, %mul3A_1483 : i32
        %swap3A_1485 = arith.index_cast %mul3A_1484 : i32 to index
        %swap3A_1486 = tpu.vector_load %arg8[%swap3A_1485] {strides = array<i32>} : memref<1024xi32, #tpu.memory_space<vmem>>, vector<16xi32>,
        tpu.vector_store %arg8[%swap3A_1485], %add3A_1482 {strides = array<i32>} : memref<1024xi32, #tpu.memory_space<vmem>>, vector<16xi32>,
        %scan3A_1487 = arith.constant 0 : i32
        %scan3A_1488 = arith.constant 2 : i32
        %scan3A_1489 = arith.addi %scan3A_1448, %scan3A_1488 : i32
        %mul3A_1490 = arith.constant 16 : i32
        %mul3A_1491 = arith.muli %scan3A_1489, %mul3A_1490 : i32
        %get3A_1492 = arith.index_cast %select_n3A_83 : i32 to index
        %get3A_1493 = arith.index_cast %mul3A_1491 : i32 to index
        %get3A_1494 = tpu.vector_load %arg6[%get3A_1492, %get3A_1493] {strides = array<i32>} : memref<2x1024xi32, #tpu.memory_space<vmem>>, vector<16xi32>,
        %mul3A_1495 = arith.constant 20 : i32
        %mul3A_1496 = vector.broadcast %mul3A_1495 : i32 to vector<16xi32>
        %mul3A_1497 = arith.muli %get3A_1494, %mul3A_1496 : vector<16xi32>
        %mul3A_1498 = arith.constant 16 : i32
        %mul3A_1499 = arith.muli %scan3A_1489, %mul3A_1498 : i32
        %get3A_1500 = arith.index_cast %select_n3A_83 : i32 to index
        %get3A_1501 = arith.index_cast %mul3A_1499 : i32 to index
        %get3A_1502 = tpu.vector_load %arg7[%get3A_1500, %get3A_1501] {strides = array<i32>} : memref<2x1024xi32, #tpu.memory_space<vmem>>, vector<16xi32>,
        %add3A_1503 = arith.addi %mul3A_1497, %get3A_1502 : vector<16xi32>
        %mul3A_1504 = arith.constant 16 : i32
        %mul3A_1505 = arith.muli %scan3A_1489, %mul3A_1504 : i32
        %swap3A_1506 = arith.index_cast %mul3A_1505 : i32 to index
        %swap3A_1507 = tpu.vector_load %arg8[%swap3A_1506] {strides = array<i32>} : memref<1024xi32, #tpu.memory_space<vmem>>, vector<16xi32>,
        tpu.vector_store %arg8[%swap3A_1506], %add3A_1503 {strides = array<i32>} : memref<1024xi32, #tpu.memory_space<vmem>>, vector<16xi32>,
        %scan3A_1508 = arith.constant 0 : i32
        %scan3A_1509 = arith.constant 3 : i32
        %scan3A_1510 = arith.addi %scan3A_1448, %scan3A_1509 : i32
        %mul3A_1511 = arith.constant 16 : i32
        %mul3A_1512 = arith.muli %scan3A_1510, %mul3A_1511 : i32
        %get3A_1513 = arith.index_cast %select_n3A_83 : i32 to index
        %get3A_1514 = arith.index_cast %mul3A_1512 : i32 to index
        %get3A_1515 = tpu.vector_load %arg6[%get3A_1513, %get3A_1514] {strides = array<i32>} : memref<2x1024xi32, #tpu.memory_space<vmem>>, vector<16xi32>,
        %mul3A_1516 = arith.constant 20 : i32
        %mul3A_1517 = vector.broadcast %mul3A_1516 : i32 to vector<16xi32>
        %mul3A_1518 = arith.muli %get3A_1515, %mul3A_1517 : vector<16xi32>
        %mul3A_1519 = arith.constant 16 : i32
        %mul3A_1520 = arith.muli %scan3A_1510, %mul3A_1519 : i32
        %get3A_1521 = arith.index_cast %select_n3A_83 : i32 to index
        %get3A_1522 = arith.index_cast %mul3A_1520 : i32 to index
        %get3A_1523 = tpu.vector_load %arg7[%get3A_1521, %get3A_1522] {strides = array<i32>} : memref<2x1024xi32, #tpu.memory_space<vmem>>, vector<16xi32>,
        %add3A_1524 = arith.addi %mul3A_1518, %get3A_1523 : vector<16xi32>
        %mul3A_1525 = arith.constant 16 : i32
        %mul3A_1526 = arith.muli %scan3A_1510, %mul3A_1525 : i32
        %swap3A_1527 = arith.index_cast %mul3A_1526 : i32 to index
        %swap3A_1528 = tpu.vector_load %arg8[%swap3A_1527] {strides = array<i32>} : memref<1024xi32, #tpu.memory_space<vmem>>, vector<16xi32>,
        tpu.vector_store %arg8[%swap3A_1527], %add3A_1524 {strides = array<i32>} : memref<1024xi32, #tpu.memory_space<vmem>>, vector<16xi32>,
        %scan3A_1529 = arith.constant 0 : i32
        %scan3A_1530 = arith.constant 4 : i32
        %scan3A_1531 = arith.addi %scan3A_1448, %scan3A_1530 : i32
        %mul3A_1532 = arith.constant 16 : i32
        %mul3A_1533 = arith.muli %scan3A_1531, %mul3A_1532 : i32
        %get3A_1534 = arith.index_cast %select_n3A_83 : i32 to index
        %get3A_1535 = arith.index_cast %mul3A_1533 : i32 to index
        %get3A_1536 = tpu.vector_load %arg6[%get3A_1534, %get3A_1535] {strides = array<i32>} : memref<2x1024xi32, #tpu.memory_space<vmem>>, vector<16xi32>,
        %mul3A_1537 = arith.constant 20 : i32
        %mul3A_1538 = vector.broadcast %mul3A_1537 : i32 to vector<16xi32>
        %mul3A_1539 = arith.muli %get3A_1536, %mul3A_1538 : vector<16xi32>
        %mul3A_1540 = arith.constant 16 : i32
        %mul3A_1541 = arith.muli %scan3A_1531, %mul3A_1540 : i32
        %get3A_1542 = arith.index_cast %select_n3A_83 : i32 to index
        %get3A_1543 = arith.index_cast %mul3A_1541 : i32 to index
        %get3A_1544 = tpu.vector_load %arg7[%get3A_1542, %get3A_1543] {strides = array<i32>} : memref<2x1024xi32, #tpu.memory_space<vmem>>, vector<16xi32>,
        %add3A_1545 = arith.addi %mul3A_1539, %get3A_1544 : vector<16xi32>
        %mul3A_1546 = arith.constant 16 : i32
        %mul3A_1547 = arith.muli %scan3A_1531, %mul3A_1546 : i32
        %swap3A_1548 = arith.index_cast %mul3A_1547 : i32 to index
        %swap3A_1549 = tpu.vector_load %arg8[%swap3A_1548] {strides = array<i32>} : memref<1024xi32, #tpu.memory_space<vmem>>, vector<16xi32>,
        tpu.vector_store %arg8[%swap3A_1548], %add3A_1545 {strides = array<i32>} : memref<1024xi32, #tpu.memory_space<vmem>>, vector<16xi32>,
        %scan3A_1550 = arith.constant 0 : i32
        %scan3A_1551 = arith.constant 5 : i32
        %scan3A_1552 = arith.addi %scan3A_1448, %scan3A_1551 : i32
        %mul3A_1553 = arith.constant 16 : i32
        %mul3A_1554 = arith.muli %scan3A_1552, %mul3A_1553 : i32
        %get3A_1555 = arith.index_cast %select_n3A_83 : i32 to index
        %get3A_1556 = arith.index_cast %mul3A_1554 : i32 to index
        %get3A_1557 = tpu.vector_load %arg6[%get3A_1555, %get3A_1556] {strides = array<i32>} : memref<2x1024xi32, #tpu.memory_space<vmem>>, vector<16xi32>,
        %mul3A_1558 = arith.constant 20 : i32
        %mul3A_1559 = vector.broadcast %mul3A_1558 : i32 to vector<16xi32>
        %mul3A_1560 = arith.muli %get3A_1557, %mul3A_1559 : vector<16xi32>
        %mul3A_1561 = arith.constant 16 : i32
        %mul3A_1562 = arith.muli %scan3A_1552, %mul3A_1561 : i32
        %get3A_1563 = arith.index_cast %select_n3A_83 : i32 to index
        %get3A_1564 = arith.index_cast %mul3A_1562 : i32 to index
        %get3A_1565 = tpu.vector_load %arg7[%get3A_1563, %get3A_1564] {strides = array<i32>} : memref<2x1024xi32, #tpu.memory_space<vmem>>, vector<16xi32>,
        %add3A_1566 = arith.addi %mul3A_1560, %get3A_1565 : vector<16xi32>
        %mul3A_1567 = arith.constant 16 : i32
        %mul3A_1568 = arith.muli %scan3A_1552, %mul3A_1567 : i32
        %swap3A_1569 = arith.index_cast %mul3A_1568 : i32 to index
        %swap3A_1570 = tpu.vector_load %arg8[%swap3A_1569] {strides = array<i32>} : memref<1024xi32, #tpu.memory_space<vmem>>, vector<16xi32>,
        tpu.vector_store %arg8[%swap3A_1569], %add3A_1566 {strides = array<i32>} : memref<1024xi32, #tpu.memory_space<vmem>>, vector<16xi32>,
        %scan3A_1571 = arith.constant 0 : i32
        %scan3A_1572 = arith.constant 6 : i32
        %scan3A_1573 = arith.addi %scan3A_1448, %scan3A_1572 : i32
        %mul3A_1574 = arith.constant 16 : i32
        %mul3A_1575 = arith.muli %scan3A_1573, %mul3A_1574 : i32
        %get3A_1576 = arith.index_cast %select_n3A_83 : i32 to index
        %get3A_1577 = arith.index_cast %mul3A_1575 : i32 to index
        %get3A_1578 = tpu.vector_load %arg6[%get3A_1576, %get3A_1577] {strides = array<i32>} : memref<2x1024xi32, #tpu.memory_space<vmem>>, vector<16xi32>,
        %mul3A_1579 = arith.constant 20 : i32
        %mul3A_1580 = vector.broadcast %mul3A_1579 : i32 to vector<16xi32>
        %mul3A_1581 = arith.muli %get3A_1578, %mul3A_1580 : vector<16xi32>
        %mul3A_1582 = arith.constant 16 : i32
        %mul3A_1583 = arith.muli %scan3A_1573, %mul3A_1582 : i32
        %get3A_1584 = arith.index_cast %select_n3A_83 : i32 to index
        %get3A_1585 = arith.index_cast %mul3A_1583 : i32 to index
        %get3A_1586 = tpu.vector_load %arg7[%get3A_1584, %get3A_1585] {strides = array<i32>} : memref<2x1024xi32, #tpu.memory_space<vmem>>, vector<16xi32>,
        %add3A_1587 = arith.addi %mul3A_1581, %get3A_1586 : vector<16xi32>
        %mul3A_1588 = arith.constant 16 : i32
        %mul3A_1589 = arith.muli %scan3A_1573, %mul3A_1588 : i32
        %swap3A_1590 = arith.index_cast %mul3A_1589 : i32 to index
        %swap3A_1591 = tpu.vector_load %arg8[%swap3A_1590] {strides = array<i32>} : memref<1024xi32, #tpu.memory_space<vmem>>, vector<16xi32>,
        tpu.vector_store %arg8[%swap3A_1590], %add3A_1587 {strides = array<i32>} : memref<1024xi32, #tpu.memory_space<vmem>>, vector<16xi32>,
        %scan3A_1592 = arith.constant 0 : i32
        %scan3A_1593 = arith.constant 7 : i32
        %scan3A_1594 = arith.addi %scan3A_1448, %scan3A_1593 : i32
        %mul3A_1595 = arith.constant 16 : i32
        %mul3A_1596 = arith.muli %scan3A_1594, %mul3A_1595 : i32
        %get3A_1597 = arith.index_cast %select_n3A_83 : i32 to index
        %get3A_1598 = arith.index_cast %mul3A_1596 : i32 to index
        %get3A_1599 = tpu.vector_load %arg6[%get3A_1597, %get3A_1598] {strides = array<i32>} : memref<2x1024xi32, #tpu.memory_space<vmem>>, vector<16xi32>,
        %mul3A_1600 = arith.constant 20 : i32
        %mul3A_1601 = vector.broadcast %mul3A_1600 : i32 to vector<16xi32>
        %mul3A_1602 = arith.muli %get3A_1599, %mul3A_1601 : vector<16xi32>
        %mul3A_1603 = arith.constant 16 : i32
        %mul3A_1604 = arith.muli %scan3A_1594, %mul3A_1603 : i32
        %get3A_1605 = arith.index_cast %select_n3A_83 : i32 to index
        %get3A_1606 = arith.index_cast %mul3A_1604 : i32 to index
        %get3A_1607 = tpu.vector_load %arg7[%get3A_1605, %get3A_1606] {strides = array<i32>} : memref<2x1024xi32, #tpu.memory_space<vmem>>, vector<16xi32>,
        %add3A_1608 = arith.addi %mul3A_1602, %get3A_1607 : vector<16xi32>
        %mul3A_1609 = arith.constant 16 : i32
        %mul3A_1610 = arith.muli %scan3A_1594, %mul3A_1609 : i32
        %swap3A_1611 = arith.index_cast %mul3A_1610 : i32 to index
        %swap3A_1612 = tpu.vector_load %arg8[%swap3A_1611] {strides = array<i32>} : memref<1024xi32, #tpu.memory_space<vmem>>, vector<16xi32>,
        tpu.vector_store %arg8[%swap3A_1611], %add3A_1608 {strides = array<i32>} : memref<1024xi32, #tpu.memory_space<vmem>>, vector<16xi32>,
        %scan3A_1613 = arith.constant 0 : i32
        scf.yield %scan3A_1613 : i32
      }
      %scan3A_118 = arith.constant 64 : i32
      %jit3A_119 = arith.constant 4 : i32
      %div3A = arith.divsi %scan3A_73, %jit3A_119 : i32
      %sign3A = arith.constant 0 : i32
      %sign3A_120 = arith.cmpi sgt, %scan3A_73, %sign3A : i32
      %sign3A_121 = arith.extui %sign3A_120 : i1 to i32
      %sign3A_122 = arith.constant 0 : i32
      %sign3A_123 = arith.cmpi slt, %scan3A_73, %sign3A_122 : i32
      %sign3A_124 = arith.extui %sign3A_123 : i1 to i32
      %sign3A_125 = arith.subi %sign3A_121, %sign3A_124 : i32
      %sign3A_126 = arith.constant 0 : i32
      %sign3A_127 = arith.cmpi sgt, %jit3A_119, %sign3A_126 : i32
      %sign3A_128 = arith.extui %sign3A_127 : i1 to i32
      %sign3A_129 = arith.constant 0 : i32
      %sign3A_130 = arith.cmpi slt, %jit3A_119, %sign3A_129 : i32
      %sign3A_131 = arith.extui %sign3A_130 : i1 to i32
      %sign3A_132 = arith.subi %sign3A_128, %sign3A_131 : i32
      %ne3A_133 = arith.cmpi ne, %sign3A_125, %sign3A_132 : i32
      %rem3A_134 = arith.remsi %scan3A_73, %jit3A_119 : i32
      %ne3A_135 = arith.constant 0 : i32
      %ne3A_136 = arith.cmpi ne, %rem3A_134, %ne3A_135 : i32
      %and3A_137 = arith.andi %ne3A_133, %ne3A_136 : i1
      %sub3A = arith.constant 1 : i32
      %sub3A_138 = arith.subi %div3A, %sub3A : i32
      %select_n3A_139 = arith.select %and3A_137, %sub3A_138, %div3A : i32
      %mul3A_140 = arith.constant 4 : i32
      %mul3A_141 = arith.muli %add3A, %mul3A_140 : i32
      %jit3A_142 = arith.constant 4 : i32
      %eq3A_143 = arith.constant 0 : i32
      %eq3A_144 = arith.cmpi eq, %jit3A_142, %eq3A_143 : i32
      %jit3A_145 = arith.constant 1 : i32
      %select_n3A_146 = arith.select %eq3A_144, %jit3A_145, %jit3A_142 : i32
      %rem3A_147 = arith.remsi %scan3A_73, %select_n3A_146 : i32
      %ne3A_148 = arith.constant 0 : i32
      %ne3A_149 = arith.cmpi ne, %rem3A_147, %ne3A_148 : i32
      %lt3A_150 = arith.constant 0 : i32
      %lt3A_151 = arith.cmpi slt, %rem3A_147, %lt3A_150 : i32
      %lt3A_152 = arith.constant 0 : i32
      %lt3A_153 = arith.cmpi slt, %select_n3A_146, %lt3A_152 : i32
      %ne3A_154 = arith.xori %lt3A_151, %lt3A_153 : i1
      %and3A_155 = arith.andi %ne3A_154, %ne3A_149 : i1
      %add3A_156 = arith.addi %rem3A_147, %select_n3A_146 : i32
      %select_n3A_157 = arith.select %and3A_155, %add3A_156, %rem3A_147 : i32
      %add3A_158 = arith.addi %mul3A_141, %select_n3A_157 : i32
      %dma_start3A_159 = arith.constant 0 : i32
      %dma_start3A_160 = arith.constant 0 : i32
      %dma_start3A_161 = arith.constant 0 : i32
      %dma_start3A_162 = tpu.memref_slice %arg9[%dma_start3A_159, %dma_start3A_160, %dma_start3A_161] : memref<8x128x32xbf16, #tpu.memory_space<vmem>> -> memref<1x128x32xbf16, #tpu.memory_space<vmem>>
      %dma_start3A_163 = tpu.memref_squeeze %dma_start3A_162 : memref<1x128x32xbf16, #tpu.memory_space<vmem>> -> memref<128x32xbf16, #tpu.memory_space<vmem>>
      %dma_start3A_164 = arith.constant 0 : i32
      %dma_start3A_165 = tpu.memref_slice %arg8[%dma_start3A_164] : memref<1024xi32, #tpu.memory_space<vmem>> -> memref<128xi32, #tpu.memory_space<vmem>>
      %dma_start3A_166 = arith.constant 0 : i32
      %dma_start3A_167 = arith.constant 0 : i32
      %dma_start3A_168 = tpu.memref_slice %arg2[%dma_start3A_166, %dma_start3A_167] : memref<10240x32xbf16, #tpu.memory_space<hbm>> -> memref<10240x32xbf16, #tpu.memory_space<hbm>>
      tpu.enqueue_indirect_dma source(%dma_start3A_168 : memref<10240x32xbf16, #tpu.memory_space<hbm>>) target(%dma_start3A_163 : memref<128x32xbf16, #tpu.memory_space<vmem>>) offsets(%dma_start3A_165 : memref<128xi32, #tpu.memory_space<vmem>>) semaphore(%arg13 : memref<!tpu.dma_semaphore, #tpu.memory_space<semaphore_mem>>)
      %dma_start3A_169 = arith.constant 1 : i32
      %dma_start3A_170 = arith.constant 0 : i32
      %dma_start3A_171 = arith.constant 0 : i32
      %dma_start3A_172 = tpu.memref_slice %arg9[%dma_start3A_169, %dma_start3A_170, %dma_start3A_171] : memref<8x128x32xbf16, #tpu.memory_space<vmem>> -> memref<1x128x32xbf16, #tpu.memory_space<vmem>>
      %dma_start3A_173 = tpu.memref_squeeze %dma_start3A_172 : memref<1x128x32xbf16, #tpu.memory_space<vmem>> -> memref<128x32xbf16, #tpu.memory_space<vmem>>
      %dma_start3A_174 = arith.constant 128 : i32
      %dma_start3A_175 = tpu.memref_slice %arg8[%dma_start3A_174] : memref<1024xi32, #tpu.memory_space<vmem>> -> memref<128xi32, #tpu.memory_space<vmem>>
      %dma_start3A_176 = arith.constant 0 : i32
      %dma_start3A_177 = arith.constant 0 : i32
      %dma_start3A_178 = tpu.memref_slice %arg2[%dma_start3A_176, %dma_start3A_177] : memref<10240x32xbf16, #tpu.memory_space<hbm>> -> memref<10240x32xbf16, #tpu.memory_space<hbm>>
      tpu.enqueue_indirect_dma source(%dma_start3A_178 : memref<10240x32xbf16, #tpu.memory_space<hbm>>) target(%dma_start3A_173 : memref<128x32xbf16, #tpu.memory_space<vmem>>) offsets(%dma_start3A_175 : memref<128xi32, #tpu.memory_space<vmem>>) semaphore(%arg13 : memref<!tpu.dma_semaphore, #tpu.memory_space<semaphore_mem>>)
      %dma_start3A_179 = arith.constant 2 : i32
      %dma_start3A_180 = arith.constant 0 : i32
      %dma_start3A_181 = arith.constant 0 : i32
      %dma_start3A_182 = tpu.memref_slice %arg9[%dma_start3A_179, %dma_start3A_180, %dma_start3A_181] : memref<8x128x32xbf16, #tpu.memory_space<vmem>> -> memref<1x128x32xbf16, #tpu.memory_space<vmem>>
      %dma_start3A_183 = tpu.memref_squeeze %dma_start3A_182 : memref<1x128x32xbf16, #tpu.memory_space<vmem>> -> memref<128x32xbf16, #tpu.memory_space<vmem>>
      %dma_start3A_184 = arith.constant 256 : i32
      %dma_start3A_185 = tpu.memref_slice %arg8[%dma_start3A_184] : memref<1024xi32, #tpu.memory_space<vmem>> -> memref<128xi32, #tpu.memory_space<vmem>>
      %dma_start3A_186 = arith.constant 0 : i32
      %dma_start3A_187 = arith.constant 0 : i32
      %dma_start3A_188 = tpu.memref_slice %arg2[%dma_start3A_186, %dma_start3A_187] : memref<10240x32xbf16, #tpu.memory_space<hbm>> -> memref<10240x32xbf16, #tpu.memory_space<hbm>>
      tpu.enqueue_indirect_dma source(%dma_start3A_188 : memref<10240x32xbf16, #tpu.memory_space<hbm>>) target(%dma_start3A_183 : memref<128x32xbf16, #tpu.memory_space<vmem>>) offsets(%dma_start3A_185 : memref<128xi32, #tpu.memory_space<vmem>>) semaphore(%arg13 : memref<!tpu.dma_semaphore, #tpu.memory_space<semaphore_mem>>)
      %dma_start3A_189 = arith.constant 3 : i32
      %dma_start3A_190 = arith.constant 0 : i32
      %dma_start3A_191 = arith.constant 0 : i32
      %dma_start3A_192 = tpu.memref_slice %arg9[%dma_start3A_189, %dma_start3A_190, %dma_start3A_191] : memref<8x128x32xbf16, #tpu.memory_space<vmem>> -> memref<1x128x32xbf16, #tpu.memory_space<vmem>>
      %dma_start3A_193 = tpu.memref_squeeze %dma_start3A_192 : memref<1x128x32xbf16, #tpu.memory_space<vmem>> -> memref<128x32xbf16, #tpu.memory_space<vmem>>
      %dma_start3A_194 = arith.constant 384 : i32
      %dma_start3A_195 = tpu.memref_slice %arg8[%dma_start3A_194] : memref<1024xi32, #tpu.memory_space<vmem>> -> memref<128xi32, #tpu.memory_space<vmem>>
      %dma_start3A_196 = arith.constant 0 : i32
      %dma_start3A_197 = arith.constant 0 : i32
      %dma_start3A_198 = tpu.memref_slice %arg2[%dma_start3A_196, %dma_start3A_197] : memref<10240x32xbf16, #tpu.memory_space<hbm>> -> memref<10240x32xbf16, #tpu.memory_space<hbm>>
      tpu.enqueue_indirect_dma source(%dma_start3A_198 : memref<10240x32xbf16, #tpu.memory_space<hbm>>) target(%dma_start3A_193 : memref<128x32xbf16, #tpu.memory_space<vmem>>) offsets(%dma_start3A_195 : memref<128xi32, #tpu.memory_space<vmem>>) semaphore(%arg13 : memref<!tpu.dma_semaphore, #tpu.memory_space<semaphore_mem>>)
      %dma_start3A_199 = arith.constant 4 : i32
      %dma_start3A_200 = arith.constant 0 : i32
      %dma_start3A_201 = arith.constant 0 : i32
      %dma_start3A_202 = tpu.memref_slice %arg9[%dma_start3A_199, %dma_start3A_200, %dma_start3A_201] : memref<8x128x32xbf16, #tpu.memory_space<vmem>> -> memref<1x128x32xbf16, #tpu.memory_space<vmem>>
      %dma_start3A_203 = tpu.memref_squeeze %dma_start3A_202 : memref<1x128x32xbf16, #tpu.memory_space<vmem>> -> memref<128x32xbf16, #tpu.memory_space<vmem>>
      %dma_start3A_204 = arith.constant 512 : i32
      %dma_start3A_205 = tpu.memref_slice %arg8[%dma_start3A_204] : memref<1024xi32, #tpu.memory_space<vmem>> -> memref<128xi32, #tpu.memory_space<vmem>>
      %dma_start3A_206 = arith.constant 0 : i32
      %dma_start3A_207 = arith.constant 0 : i32
      %dma_start3A_208 = tpu.memref_slice %arg2[%dma_start3A_206, %dma_start3A_207] : memref<10240x32xbf16, #tpu.memory_space<hbm>> -> memref<10240x32xbf16, #tpu.memory_space<hbm>>
      tpu.enqueue_indirect_dma source(%dma_start3A_208 : memref<10240x32xbf16, #tpu.memory_space<hbm>>) target(%dma_start3A_203 : memref<128x32xbf16, #tpu.memory_space<vmem>>) offsets(%dma_start3A_205 : memref<128xi32, #tpu.memory_space<vmem>>) semaphore(%arg13 : memref<!tpu.dma_semaphore, #tpu.memory_space<semaphore_mem>>)
      %dma_start3A_209 = arith.constant 5 : i32
      %dma_start3A_210 = arith.constant 0 : i32
      %dma_start3A_211 = arith.constant 0 : i32
      %dma_start3A_212 = tpu.memref_slice %arg9[%dma_start3A_209, %dma_start3A_210, %dma_start3A_211] : memref<8x128x32xbf16, #tpu.memory_space<vmem>> -> memref<1x128x32xbf16, #tpu.memory_space<vmem>>
      %dma_start3A_213 = tpu.memref_squeeze %dma_start3A_212 : memref<1x128x32xbf16, #tpu.memory_space<vmem>> -> memref<128x32xbf16, #tpu.memory_space<vmem>>
      %dma_start3A_214 = arith.constant 640 : i32
      %dma_start3A_215 = tpu.memref_slice %arg8[%dma_start3A_214] : memref<1024xi32, #tpu.memory_space<vmem>> -> memref<128xi32, #tpu.memory_space<vmem>>
      %dma_start3A_216 = arith.constant 0 : i32
      %dma_start3A_217 = arith.constant 0 : i32
      %dma_start3A_218 = tpu.memref_slice %arg2[%dma_start3A_216, %dma_start3A_217] : memref<10240x32xbf16, #tpu.memory_space<hbm>> -> memref<10240x32xbf16, #tpu.memory_space<hbm>>
      tpu.enqueue_indirect_dma source(%dma_start3A_218 : memref<10240x32xbf16, #tpu.memory_space<hbm>>) target(%dma_start3A_213 : memref<128x32xbf16, #tpu.memory_space<vmem>>) offsets(%dma_start3A_215 : memref<128xi32, #tpu.memory_space<vmem>>) semaphore(%arg13 : memref<!tpu.dma_semaphore, #tpu.memory_space<semaphore_mem>>)
      %dma_start3A_219 = arith.constant 6 : i32
      %dma_start3A_220 = arith.constant 0 : i32
      %dma_start3A_221 = arith.constant 0 : i32
      %dma_start3A_222 = tpu.memref_slice %arg9[%dma_start3A_219, %dma_start3A_220, %dma_start3A_221] : memref<8x128x32xbf16, #tpu.memory_space<vmem>> -> memref<1x128x32xbf16, #tpu.memory_space<vmem>>
      %dma_start3A_223 = tpu.memref_squeeze %dma_start3A_222 : memref<1x128x32xbf16, #tpu.memory_space<vmem>> -> memref<128x32xbf16, #tpu.memory_space<vmem>>
      %dma_start3A_224 = arith.constant 768 : i32
      %dma_start3A_225 = tpu.memref_slice %arg8[%dma_start3A_224] : memref<1024xi32, #tpu.memory_space<vmem>> -> memref<128xi32, #tpu.memory_space<vmem>>
      %dma_start3A_226 = arith.constant 0 : i32
      %dma_start3A_227 = arith.constant 0 : i32
      %dma_start3A_228 = tpu.memref_slice %arg2[%dma_start3A_226, %dma_start3A_227] : memref<10240x32xbf16, #tpu.memory_space<hbm>> -> memref<10240x32xbf16, #tpu.memory_space<hbm>>
      tpu.enqueue_indirect_dma source(%dma_start3A_228 : memref<10240x32xbf16, #tpu.memory_space<hbm>>) target(%dma_start3A_223 : memref<128x32xbf16, #tpu.memory_space<vmem>>) offsets(%dma_start3A_225 : memref<128xi32, #tpu.memory_space<vmem>>) semaphore(%arg13 : memref<!tpu.dma_semaphore, #tpu.memory_space<semaphore_mem>>)
      %dma_start3A_229 = arith.constant 7 : i32
      %dma_start3A_230 = arith.constant 0 : i32
      %dma_start3A_231 = arith.constant 0 : i32
      %dma_start3A_232 = tpu.memref_slice %arg9[%dma_start3A_229, %dma_start3A_230, %dma_start3A_231] : memref<8x128x32xbf16, #tpu.memory_space<vmem>> -> memref<1x128x32xbf16, #tpu.memory_space<vmem>>
      %dma_start3A_233 = tpu.memref_squeeze %dma_start3A_232 : memref<1x128x32xbf16, #tpu.memory_space<vmem>> -> memref<128x32xbf16, #tpu.memory_space<vmem>>
      %dma_start3A_234 = arith.constant 896 : i32
      %dma_start3A_235 = tpu.memref_slice %arg8[%dma_start3A_234] : memref<1024xi32, #tpu.memory_space<vmem>> -> memref<128xi32, #tpu.memory_space<vmem>>
      %dma_start3A_236 = arith.constant 0 : i32
      %dma_start3A_237 = arith.constant 0 : i32
      %dma_start3A_238 = tpu.memref_slice %arg2[%dma_start3A_236, %dma_start3A_237] : memref<10240x32xbf16, #tpu.memory_space<hbm>> -> memref<10240x32xbf16, #tpu.memory_space<hbm>>
      tpu.enqueue_indirect_dma source(%dma_start3A_238 : memref<10240x32xbf16, #tpu.memory_space<hbm>>) target(%dma_start3A_233 : memref<128x32xbf16, #tpu.memory_space<vmem>>) offsets(%dma_start3A_235 : memref<128xi32, #tpu.memory_space<vmem>>) semaphore(%arg13 : memref<!tpu.dma_semaphore, #tpu.memory_space<semaphore_mem>>)
      %add3A_239 = arith.constant 1 : i32
      %add3A_240 = arith.addi %scan3A_73, %add3A_239 : i32
      %min3A = arith.constant 99 : i32
      %min3A_241 = arith.minsi %add3A_240, %min3A : i32
      %sub3A_242 = arith.constant 1 : i32
      %sub3A_243 = arith.subi %sub3A_242, %select_n3A_83 : i32
      %jit3A_244 = arith.constant 4 : i32
      %div3A_245 = arith.divsi %min3A_241, %jit3A_244 : i32
      %sign3A_246 = arith.constant 0 : i32
      %sign3A_247 = arith.cmpi sgt, %min3A_241, %sign3A_246 : i32
      %sign3A_248 = arith.extui %sign3A_247 : i1 to i32
      %sign3A_249 = arith.constant 0 : i32
      %sign3A_250 = arith.cmpi slt, %min3A_241, %sign3A_249 : i32
      %sign3A_251 = arith.extui %sign3A_250 : i1 to i32
      %sign3A_252 = arith.subi %sign3A_248, %sign3A_251 : i32
      %sign3A_253 = arith.constant 0 : i32
      %sign3A_254 = arith.cmpi sgt, %jit3A_244, %sign3A_253 : i32
      %sign3A_255 = arith.extui %sign3A_254 : i1 to i32
      %sign3A_256 = arith.constant 0 : i32
      %sign3A_257 = arith.cmpi slt, %jit3A_244, %sign3A_256 : i32
      %sign3A_258 = arith.extui %sign3A_257 : i1 to i32
      %sign3A_259 = arith.subi %sign3A_255, %sign3A_258 : i32
      %ne3A_260 = arith.cmpi ne, %sign3A_252, %sign3A_259 : i32
      %rem3A_261 = arith.remsi %min3A_241, %jit3A_244 : i32
      %ne3A_262 = arith.constant 0 : i32
      %ne3A_263 = arith.cmpi ne, %rem3A_261, %ne3A_262 : i32
      %and3A_264 = arith.andi %ne3A_260, %ne3A_263 : i1
      %sub3A_265 = arith.constant 1 : i32
      %sub3A_266 = arith.subi %div3A_245, %sub3A_265 : i32
      %select_n3A_267 = arith.select %and3A_264, %sub3A_266, %div3A_245 : i32
      %mul3A_268 = arith.constant 4 : i32
      %mul3A_269 = arith.muli %add3A, %mul3A_268 : i32
      %jit3A_270 = arith.constant 4 : i32
      %eq3A_271 = arith.constant 0 : i32
      %eq3A_272 = arith.cmpi eq, %jit3A_270, %eq3A_271 : i32
      %jit3A_273 = arith.constant 1 : i32
      %select_n3A_274 = arith.select %eq3A_272, %jit3A_273, %jit3A_270 : i32
      %rem3A_275 = arith.remsi %min3A_241, %select_n3A_274 : i32
      %ne3A_276 = arith.constant 0 : i32
      %ne3A_277 = arith.cmpi ne, %rem3A_275, %ne3A_276 : i32
      %lt3A_278 = arith.constant 0 : i32
      %lt3A_279 = arith.cmpi slt, %rem3A_275, %lt3A_278 : i32
      %lt3A_280 = arith.constant 0 : i32
      %lt3A_281 = arith.cmpi slt, %select_n3A_274, %lt3A_280 : i32
      %ne3A_282 = arith.xori %lt3A_279, %lt3A_281 : i1
      %and3A_283 = arith.andi %ne3A_282, %ne3A_277 : i1
      %add3A_284 = arith.addi %rem3A_275, %select_n3A_274 : i32
      %select_n3A_285 = arith.select %and3A_283, %add3A_284, %rem3A_275 : i32
      %add3A_286 = arith.addi %mul3A_269, %select_n3A_285 : i32
      %dma_start3A_287 = arith.constant 0 : i32
      %dma_start3A_288 = tpu.memref_slice %arg6[%sub3A_243, %dma_start3A_287] : memref<2x1024xi32, #tpu.memory_space<vmem>> -> memref<1x1024xi32, #tpu.memory_space<vmem>>
      %dma_start3A_289 = tpu.memref_squeeze %dma_start3A_288 : memref<1x1024xi32, #tpu.memory_space<vmem>> -> memref<1024xi32, #tpu.memory_space<vmem>>
      %dma_start3A_290 = arith.constant 0 : i32
      %dma_start3A_291 = tpu.memref_slice %arg3[%select_n3A_267, %add3A_286, %dma_start3A_290] : memref<25x128x1024xi32, #tpu.memory_space<hbm>> -> memref<1x1x1024xi32, #tpu.memory_space<hbm>>
      %dma_start3A_292 = tpu.memref_squeeze %dma_start3A_291 : memref<1x1x1024xi32, #tpu.memory_space<hbm>> -> memref<1024xi32, #tpu.memory_space<hbm>>
      %dma_start3A_293 = arith.constant 0 : i32
      %dma_start3A_294 = tpu.memref_slice %arg6[%sub3A_243, %dma_start3A_293] : memref<2x1024xi32, #tpu.memory_space<vmem>> -> memref<1x1024xi32, #tpu.memory_space<vmem>>
      %dma_start3A_295 = tpu.memref_squeeze %dma_start3A_294 : memref<1x1024xi32, #tpu.memory_space<vmem>> -> memref<1024xi32, #tpu.memory_space<vmem>>
      %dma_start3A_296 = arith.constant 0 : i32
      %dma_start3A_297 = tpu.memref_slice %arg3[%select_n3A_267, %add3A_286, %dma_start3A_296] : memref<25x128x1024xi32, #tpu.memory_space<hbm>> -> memref<1x1x1024xi32, #tpu.memory_space<hbm>>
      %dma_start3A_298 = tpu.memref_squeeze %dma_start3A_297 : memref<1x1x1024xi32, #tpu.memory_space<hbm>> -> memref<1024xi32, #tpu.memory_space<hbm>>
      tpu.enqueue_dma source(%dma_start3A_298 : memref<1024xi32, #tpu.memory_space<hbm>>) target(%dma_start3A_295 : memref<1024xi32, #tpu.memory_space<vmem>>) target_semaphore(%arg12 : memref<!tpu.dma_semaphore, #tpu.memory_space<semaphore_mem>>)
      %dma_start3A_299 = arith.constant 0 : i32
      %dma_start3A_300 = tpu.memref_slice %arg7[%sub3A_243, %dma_start3A_299] : memref<2x1024xi32, #tpu.memory_space<vmem>> -> memref<1x1024xi32, #tpu.memory_space<vmem>>
      %dma_start3A_301 = tpu.memref_squeeze %dma_start3A_300 : memref<1x1024xi32, #tpu.memory_space<vmem>> -> memref<1024xi32, #tpu.memory_space<vmem>>
      %dma_start3A_302 = arith.constant 0 : i32
      %dma_start3A_303 = tpu.memref_slice %arg4[%select_n3A_267, %add3A_286, %dma_start3A_302] : memref<25x128x1024xi32, #tpu.memory_space<hbm>> -> memref<1x1x1024xi32, #tpu.memory_space<hbm>>
      %dma_start3A_304 = tpu.memref_squeeze %dma_start3A_303 : memref<1x1x1024xi32, #tpu.memory_space<hbm>> -> memref<1024xi32, #tpu.memory_space<hbm>>
      %dma_start3A_305 = arith.constant 0 : i32
      %dma_start3A_306 = tpu.memref_slice %arg7[%sub3A_243, %dma_start3A_305] : memref<2x1024xi32, #tpu.memory_space<vmem>> -> memref<1x1024xi32, #tpu.memory_space<vmem>>
      %dma_start3A_307 = tpu.memref_squeeze %dma_start3A_306 : memref<1x1024xi32, #tpu.memory_space<vmem>> -> memref<1024xi32, #tpu.memory_space<vmem>>
      %dma_start3A_308 = arith.constant 0 : i32
      %dma_start3A_309 = tpu.memref_slice %arg4[%select_n3A_267, %add3A_286, %dma_start3A_308] : memref<25x128x1024xi32, #tpu.memory_space<hbm>> -> memref<1x1x1024xi32, #tpu.memory_space<hbm>>
      %dma_start3A_310 = tpu.memref_squeeze %dma_start3A_309 : memref<1x1x1024xi32, #tpu.memory_space<hbm>> -> memref<1024xi32, #tpu.memory_space<hbm>>
      tpu.enqueue_dma source(%dma_start3A_310 : memref<1024xi32, #tpu.memory_space<hbm>>) target(%dma_start3A_307 : memref<1024xi32, #tpu.memory_space<vmem>>) target_semaphore(%arg12 : memref<!tpu.dma_semaphore, #tpu.memory_space<semaphore_mem>>)
      %dma_wait3A_311 = arith.constant 0 : i32
      %dma_wait3A_312 = arith.constant 0 : i32
      %dma_wait3A_313 = arith.constant 0 : i32
      %dma_wait3A_314 = tpu.memref_slice %arg9[%dma_wait3A_311, %dma_wait3A_312, %dma_wait3A_313] : memref<8x128x32xbf16, #tpu.memory_space<vmem>> -> memref<1x128x32xbf16, #tpu.memory_space<vmem>>
      %dma_wait3A_315 = tpu.memref_squeeze %dma_wait3A_314 : memref<1x128x32xbf16, #tpu.memory_space<vmem>> -> memref<128x32xbf16, #tpu.memory_space<vmem>>
      %dma_wait3A_316 = arith.constant 0 : i32
      %dma_wait3A_317 = tpu.memref_slice %arg8[%dma_wait3A_316] : memref<1024xi32, #tpu.memory_space<vmem>> -> memref<128xi32, #tpu.memory_space<vmem>>
      %dma_wait3A_318 = arith.constant 0 : i32
      %dma_wait3A_319 = arith.constant 0 : i32
      %dma_wait3A_320 = tpu.memref_slice %arg2[%dma_wait3A_318, %dma_wait3A_319] : memref<10240x32xbf16, #tpu.memory_space<hbm>> -> memref<10240x32xbf16, #tpu.memory_space<hbm>>
      tpu.wait_indirect_dma semaphore(%arg13 : memref<!tpu.dma_semaphore, #tpu.memory_space<semaphore_mem>>) src(%dma_wait3A_320 : memref<10240x32xbf16, #tpu.memory_space<hbm>>) dst(%dma_wait3A_315 : memref<128x32xbf16, #tpu.memory_space<vmem>>)
      %broadcast_in_dim3A_321 = arith.constant 0 : i32
      %broadcast_in_dim3A_322 = vector.broadcast %broadcast_in_dim3A_321 : i32 to vector<16xi32>
      %scan3A_323 = arith.constant 0 : i32
      %scan3A_324 = arith.constant 128 : i32
      %scan3A_325 = arith.addi %scan3A_323, %scan3A_324 : i32
      %scan3A_326 = arith.constant 4 : i32
      %scan3A_327 = scf.for %scan3A_1448 = %scan3A_323 to %scan3A_325 step %scan3A_326 iter_args(%scan3A_1449 = %broadcast_in_dim3A_322) -> (vector<16xi32>)  : i32 {
        %get3A = arith.constant 0 : i32
        %get3A_1450 = arith.index_cast %get3A : i32 to index
        %get3A_1451 = arith.index_cast %scan3A_1448 : i32 to index
        %get3A_1452 = arith.constant 0 : index
        %get3A_1453 = tpu.vector_load %arg9[%get3A_1450, %get3A_1451, %get3A_1452] {strides = array<i32>} : memref<8x128x32xbf16, #tpu.memory_space<vmem>>, vector<32xbf16>,
        %unpack3A = tpu.unpack_subelements %get3A_1453, 0 {pack_format = #tpu.pack_format<interleaved>} : vector<32xbf16> -> vector<16xf32>
        %unpack3A_1454 = tpu.unpack_subelements %get3A_1453, 1 {pack_format = #tpu.pack_format<interleaved>} : vector<32xbf16> -> vector<16xf32>
        tpu.vector_store_idx %arg10[%iota3A, %scan3A_1449], %unpack3A : memref<32x129xf32, #tpu.memory_space<vmem>>[vector<16xi32>, vector<16xi32>], vector<16xf32>,
        tpu.vector_store_idx %arg10[%add3A_6, %scan3A_1449], %unpack3A_1454 : memref<32x129xf32, #tpu.memory_space<vmem>>[vector<16xi32>, vector<16xi32>], vector<16xf32>,
        %add3A_1455 = arith.addi %scan3A_1449, %broadcast_in_dim3A_1 : vector<16xi32>
        %scan3A_1456 = arith.constant 1 : i32
        %scan3A_1457 = arith.addi %scan3A_1448, %scan3A_1456 : i32
        %get3A_1458 = arith.constant 0 : i32
        %get3A_1459 = arith.index_cast %get3A_1458 : i32 to index
        %get3A_1460 = arith.index_cast %scan3A_1457 : i32 to index
        %get3A_1461 = arith.constant 0 : index
        %get3A_1462 = tpu.vector_load %arg9[%get3A_1459, %get3A_1460, %get3A_1461] {strides = array<i32>} : memref<8x128x32xbf16, #tpu.memory_space<vmem>>, vector<32xbf16>,
        %unpack3A_1463 = tpu.unpack_subelements %get3A_1462, 0 {pack_format = #tpu.pack_format<interleaved>} : vector<32xbf16> -> vector<16xf32>
        %unpack3A_1464 = tpu.unpack_subelements %get3A_1462, 1 {pack_format = #tpu.pack_format<interleaved>} : vector<32xbf16> -> vector<16xf32>
        tpu.vector_store_idx %arg10[%iota3A, %add3A_1455], %unpack3A_1463 : memref<32x129xf32, #tpu.memory_space<vmem>>[vector<16xi32>, vector<16xi32>], vector<16xf32>,
        tpu.vector_store_idx %arg10[%add3A_6, %add3A_1455], %unpack3A_1464 : memref<32x129xf32, #tpu.memory_space<vmem>>[vector<16xi32>, vector<16xi32>], vector<16xf32>,
        %add3A_1465 = arith.addi %add3A_1455, %broadcast_in_dim3A_1 : vector<16xi32>
        %scan3A_1466 = arith.constant 2 : i32
        %scan3A_1467 = arith.addi %scan3A_1448, %scan3A_1466 : i32
        %get3A_1468 = arith.constant 0 : i32
        %get3A_1469 = arith.index_cast %get3A_1468 : i32 to index
        %get3A_1470 = arith.index_cast %scan3A_1467 : i32 to index
        %get3A_1471 = arith.constant 0 : index
        %get3A_1472 = tpu.vector_load %arg9[%get3A_1469, %get3A_1470, %get3A_1471] {strides = array<i32>} : memref<8x128x32xbf16, #tpu.memory_space<vmem>>, vector<32xbf16>,
        %unpack3A_1473 = tpu.unpack_subelements %get3A_1472, 0 {pack_format = #tpu.pack_format<interleaved>} : vector<32xbf16> -> vector<16xf32>
        %unpack3A_1474 = tpu.unpack_subelements %get3A_1472, 1 {pack_format = #tpu.pack_format<interleaved>} : vector<32xbf16> -> vector<16xf32>
        tpu.vector_store_idx %arg10[%iota3A, %add3A_1465], %unpack3A_1473 : memref<32x129xf32, #tpu.memory_space<vmem>>[vector<16xi32>, vector<16xi32>], vector<16xf32>,
        tpu.vector_store_idx %arg10[%add3A_6, %add3A_1465], %unpack3A_1474 : memref<32x129xf32, #tpu.memory_space<vmem>>[vector<16xi32>, vector<16xi32>], vector<16xf32>,
        %add3A_1475 = arith.addi %add3A_1465, %broadcast_in_dim3A_1 : vector<16xi32>
        %scan3A_1476 = arith.constant 3 : i32
        %scan3A_1477 = arith.addi %scan3A_1448, %scan3A_1476 : i32
        %get3A_1478 = arith.constant 0 : i32
        %get3A_1479 = arith.index_cast %get3A_1478 : i32 to index
        %get3A_1480 = arith.index_cast %scan3A_1477 : i32 to index
        %get3A_1481 = arith.constant 0 : index
        %get3A_1482 = tpu.vector_load %arg9[%get3A_1479, %get3A_1480, %get3A_1481] {strides = array<i32>} : memref<8x128x32xbf16, #tpu.memory_space<vmem>>, vector<32xbf16>,
        %unpack3A_1483 = tpu.unpack_subelements %get3A_1482, 0 {pack_format = #tpu.pack_format<interleaved>} : vector<32xbf16> -> vector<16xf32>
        %unpack3A_1484 = tpu.unpack_subelements %get3A_1482, 1 {pack_format = #tpu.pack_format<interleaved>} : vector<32xbf16> -> vector<16xf32>
        tpu.vector_store_idx %arg10[%iota3A, %add3A_1475], %unpack3A_1483 : memref<32x129xf32, #tpu.memory_space<vmem>>[vector<16xi32>, vector<16xi32>], vector<16xf32>,
        tpu.vector_store_idx %arg10[%add3A_6, %add3A_1475], %unpack3A_1484 : memref<32x129xf32, #tpu.memory_space<vmem>>[vector<16xi32>, vector<16xi32>], vector<16xf32>,
        %add3A_1485 = arith.addi %add3A_1475, %broadcast_in_dim3A_1 : vector<16xi32>
        scf.yield %add3A_1485 : vector<16xi32>
      }
      %scan3A_328 = arith.constant 128 : i32
      %mul3A_329 = arith.constant 8 : i32
      %mul3A_330 = arith.muli %select_n3A_139, %mul3A_329 : i32
      %add3A_331 = arith.constant 0 : i32
      %add3A_332 = arith.addi %mul3A_330, %add3A_331 : i32
      %dma_start3A_333 = arith.constant 0 : i32
      %dma_start3A_334 = arith.constant 0 : i32
      %dma_start3A_335 = arith.constant 0 : i32
      %dma_start3A_336 = tpu.memref_slice %arg10[%dma_start3A_334, %dma_start3A_335] : memref<32x129xf32, #tpu.memory_space<vmem>> -> memref<8x128xf32, #tpu.memory_space<vmem>>
      %dma_start3A_337 = arith.constant 0 : i32
      %dma_start3A_338 = arith.constant 0 : i32
      %dma_start3A_339 = tpu.memref_slice %arg5[%add3A_332, %dma_start3A_333, %add3A_158, %dma_start3A_337, %dma_start3A_338] : memref<200x4x128x8x128xf32, #tpu.memory_space<hbm>> -> memref<1x1x1x8x128xf32, #tpu.memory_space<hbm>>
      %dma_start3A_340 = tpu.memref_squeeze %dma_start3A_339 : memref<1x1x1x8x128xf32, #tpu.memory_space<hbm>> -> memref<8x128xf32, #tpu.memory_space<hbm>>
      %dma_start3A_341 = arith.constant 0 : i32
      %dma_start3A_342 = arith.constant 0 : i32
      %dma_start3A_343 = tpu.memref_slice %arg5[%add3A_332, %dma_start3A_333, %add3A_158, %dma_start3A_341, %dma_start3A_342] : memref<200x4x128x8x128xf32, #tpu.memory_space<hbm>> -> memref<1x1x1x8x128xf32, #tpu.memory_space<hbm>>
      %dma_start3A_344 = tpu.memref_squeeze %dma_start3A_343 : memref<1x1x1x8x128xf32, #tpu.memory_space<hbm>> -> memref<8x128xf32, #tpu.memory_space<hbm>>
      %dma_start3A_345 = arith.constant 0 : i32
      %dma_start3A_346 = arith.constant 0 : i32
      %dma_start3A_347 = tpu.memref_slice %arg10[%dma_start3A_345, %dma_start3A_346] : memref<32x129xf32, #tpu.memory_space<vmem>> -> memref<8x128xf32, #tpu.memory_space<vmem>>
      tpu.enqueue_dma source(%dma_start3A_347 : memref<8x128xf32, #tpu.memory_space<vmem>>) target(%dma_start3A_344 : memref<8x128xf32, #tpu.memory_space<hbm>>) target_semaphore(%arg14 : memref<!tpu.dma_semaphore, #tpu.memory_space<semaphore_mem>>)
      %dma_start3A_348 = arith.constant 1 : i32
      %dma_start3A_349 = arith.constant 8 : i32
      %dma_start3A_350 = arith.constant 0 : i32
      %dma_start3A_351 = tpu.memref_slice %arg10[%dma_start3A_349, %dma_start3A_350] : memref<32x129xf32, #tpu.memory_space<vmem>> -> memref<8x128xf32, #tpu.memory_space<vmem>>
      %dma_start3A_352 = arith.constant 0 : i32
      %dma_start3A_353 = arith.constant 0 : i32
      %dma_start3A_354 = tpu.memref_slice %arg5[%add3A_332, %dma_start3A_348, %add3A_158, %dma_start3A_352, %dma_start3A_353] : memref<200x4x128x8x128xf32, #tpu.memory_space<hbm>> -> memref<1x1x1x8x128xf32, #tpu.memory_space<hbm>>
      %dma_start3A_355 = tpu.memref_squeeze %dma_start3A_354 : memref<1x1x1x8x128xf32, #tpu.memory_space<hbm>> -> memref<8x128xf32, #tpu.memory_space<hbm>>
      %dma_start3A_356 = arith.constant 0 : i32
      %dma_start3A_357 = arith.constant 0 : i32
      %dma_start3A_358 = tpu.memref_slice %arg5[%add3A_332, %dma_start3A_348, %add3A_158, %dma_start3A_356, %dma_start3A_357] : memref<200x4x128x8x128xf32, #tpu.memory_space<hbm>> -> memref<1x1x1x8x128xf32, #tpu.memory_space<hbm>>
      %dma_start3A_359 = tpu.memref_squeeze %dma_start3A_358 : memref<1x1x1x8x128xf32, #tpu.memory_space<hbm>> -> memref<8x128xf32, #tpu.memory_space<hbm>>
      %dma_start3A_360 = arith.constant 8 : i32
      %dma_start3A_361 = arith.constant 0 : i32
      %dma_start3A_362 = tpu.memref_slice %arg10[%dma_start3A_360, %dma_start3A_361] : memref<32x129xf32, #tpu.memory_space<vmem>> -> memref<8x128xf32, #tpu.memory_space<vmem>>
      tpu.enqueue_dma source(%dma_start3A_362 : memref<8x128xf32, #tpu.memory_space<vmem>>) target(%dma_start3A_359 : memref<8x128xf32, #tpu.memory_space<hbm>>) target_semaphore(%arg14 : memref<!tpu.dma_semaphore, #tpu.memory_space<semaphore_mem>>)
      %dma_start3A_363 = arith.constant 2 : i32
      %dma_start3A_364 = arith.constant 16 : i32
      %dma_start3A_365 = arith.constant 0 : i32
      %dma_start3A_366 = tpu.memref_slice %arg10[%dma_start3A_364, %dma_start3A_365] : memref<32x129xf32, #tpu.memory_space<vmem>> -> memref<8x128xf32, #tpu.memory_space<vmem>>
      %dma_start3A_367 = arith.constant 0 : i32
      %dma_start3A_368 = arith.constant 0 : i32
      %dma_start3A_369 = tpu.memref_slice %arg5[%add3A_332, %dma_start3A_363, %add3A_158, %dma_start3A_367, %dma_start3A_368] : memref<200x4x128x8x128xf32, #tpu.memory_space<hbm>> -> memref<1x1x1x8x128xf32, #tpu.memory_space<hbm>>
      %dma_start3A_370 = tpu.memref_squeeze %dma_start3A_369 : memref<1x1x1x8x128xf32, #tpu.memory_space<hbm>> -> memref<8x128xf32, #tpu.memory_space<hbm>>
      %dma_start3A_371 = arith.constant 0 : i32
      %dma_start3A_372 = arith.constant 0 : i32
      %dma_start3A_373 = tpu.memref_slice %arg5[%add3A_332, %dma_start3A_363, %add3A_158, %dma_start3A_371, %dma_start3A_372] : memref<200x4x128x8x128xf32, #tpu.memory_space<hbm>> -> memref<1x1x1x8x128xf32, #tpu.memory_space<hbm>>
      %dma_start3A_374 = tpu.memref_squeeze %dma_start3A_373 : memref<1x1x1x8x128xf32, #tpu.memory_space<hbm>> -> memref<8x128xf32, #tpu.memory_space<hbm>>
      %dma_start3A_375 = arith.constant 16 : i32
      %dma_start3A_376 = arith.constant 0 : i32
      %dma_start3A_377 = tpu.memref_slice %arg10[%dma_start3A_375, %dma_start3A_376] : memref<32x129xf32, #tpu.memory_space<vmem>> -> memref<8x128xf32, #tpu.memory_space<vmem>>
      tpu.enqueue_dma source(%dma_start3A_377 : memref<8x128xf32, #tpu.memory_space<vmem>>) target(%dma_start3A_374 : memref<8x128xf32, #tpu.memory_space<hbm>>) target_semaphore(%arg14 : memref<!tpu.dma_semaphore, #tpu.memory_space<semaphore_mem>>)
      %dma_start3A_378 = arith.constant 3 : i32
      %dma_start3A_379 = arith.constant 24 : i32
      %dma_start3A_380 = arith.constant 0 : i32
      %dma_start3A_381 = tpu.memref_slice %arg10[%dma_start3A_379, %dma_start3A_380] : memref<32x129xf32, #tpu.memory_space<vmem>> -> memref<8x128xf32, #tpu.memory_space<vmem>>
      %dma_start3A_382 = arith.constant 0 : i32
      %dma_start3A_383 = arith.constant 0 : i32
      %dma_start3A_384 = tpu.memref_slice %arg5[%add3A_332, %dma_start3A_378, %add3A_158, %dma_start3A_382, %dma_start3A_383] : memref<200x4x128x8x128xf32, #tpu.memory_space<hbm>> -> memref<1x1x1x8x128xf32, #tpu.memory_space<hbm>>
      %dma_start3A_385 = tpu.memref_squeeze %dma_start3A_384 : memref<1x1x1x8x128xf32, #tpu.memory_space<hbm>> -> memref<8x128xf32, #tpu.memory_space<hbm>>
      %dma_start3A_386 = arith.constant 0 : i32
      %dma_start3A_387 = arith.constant 0 : i32
      %dma_start3A_388 = tpu.memref_slice %arg5[%add3A_332, %dma_start3A_378, %add3A_158, %dma_start3A_386, %dma_start3A_387] : memref<200x4x128x8x128xf32, #tpu.memory_space<hbm>> -> memref<1x1x1x8x128xf32, #tpu.memory_space<hbm>>
      %dma_start3A_389 = tpu.memref_squeeze %dma_start3A_388 : memref<1x1x1x8x128xf32, #tpu.memory_space<hbm>> -> memref<8x128xf32, #tpu.memory_space<hbm>>
      %dma_start3A_390 = arith.constant 24 : i32
      %dma_start3A_391 = arith.constant 0 : i32
      %dma_start3A_392 = tpu.memref_slice %arg10[%dma_start3A_390, %dma_start3A_391] : memref<32x129xf32, #tpu.memory_space<vmem>> -> memref<8x128xf32, #tpu.memory_space<vmem>>
      tpu.enqueue_dma source(%dma_start3A_392 : memref<8x128xf32, #tpu.memory_space<vmem>>) target(%dma_start3A_389 : memref<8x128xf32, #tpu.memory_space<hbm>>) target_semaphore(%arg14 : memref<!tpu.dma_semaphore, #tpu.memory_space<semaphore_mem>>)
      %dma_wait3A_393 = arith.constant 1 : i32
      %dma_wait3A_394 = arith.constant 0 : i32
      %dma_wait3A_395 = arith.constant 0 : i32
      %dma_wait3A_396 = tpu.memref_slice %arg9[%dma_wait3A_393, %dma_wait3A_394, %dma_wait3A_395] : memref<8x128x32xbf16, #tpu.memory_space<vmem>> -> memref<1x128x32xbf16, #tpu.memory_space<vmem>>
      %dma_wait3A_397 = tpu.memref_squeeze %dma_wait3A_396 : memref<1x128x32xbf16, #tpu.memory_space<vmem>> -> memref<128x32xbf16, #tpu.memory_space<vmem>>
      %dma_wait3A_398 = arith.constant 128 : i32
      %dma_wait3A_399 = tpu.memref_slice %arg8[%dma_wait3A_398] : memref<1024xi32, #tpu.memory_space<vmem>> -> memref<128xi32, #tpu.memory_space<vmem>>
      %dma_wait3A_400 = arith.constant 0 : i32
      %dma_wait3A_401 = arith.constant 0 : i32
      %dma_wait3A_402 = tpu.memref_slice %arg2[%dma_wait3A_400, %dma_wait3A_401] : memref<10240x32xbf16, #tpu.memory_space<hbm>> -> memref<10240x32xbf16, #tpu.memory_space<hbm>>
      tpu.wait_indirect_dma semaphore(%arg13 : memref<!tpu.dma_semaphore, #tpu.memory_space<semaphore_mem>>) src(%dma_wait3A_402 : memref<10240x32xbf16, #tpu.memory_space<hbm>>) dst(%dma_wait3A_397 : memref<128x32xbf16, #tpu.memory_space<vmem>>)
      %broadcast_in_dim3A_403 = arith.constant 0 : i32
      %broadcast_in_dim3A_404 = vector.broadcast %broadcast_in_dim3A_403 : i32 to vector<16xi32>
      %scan3A_405 = arith.constant 0 : i32
      %scan3A_406 = arith.constant 128 : i32
      %scan3A_407 = arith.addi %scan3A_405, %scan3A_406 : i32
      %scan3A_408 = arith.constant 4 : i32
      %scan3A_409 = scf.for %scan3A_1448 = %scan3A_405 to %scan3A_407 step %scan3A_408 iter_args(%scan3A_1449 = %broadcast_in_dim3A_404) -> (vector<16xi32>)  : i32 {
        %get3A = arith.constant 1 : i32
        %get3A_1450 = arith.index_cast %get3A : i32 to index
        %get3A_1451 = arith.index_cast %scan3A_1448 : i32 to index
        %get3A_1452 = arith.constant 0 : index
        %get3A_1453 = tpu.vector_load %arg9[%get3A_1450, %get3A_1451, %get3A_1452] {strides = array<i32>} : memref<8x128x32xbf16, #tpu.memory_space<vmem>>, vector<32xbf16>,
        %unpack3A = tpu.unpack_subelements %get3A_1453, 0 {pack_format = #tpu.pack_format<interleaved>} : vector<32xbf16> -> vector<16xf32>
        %unpack3A_1454 = tpu.unpack_subelements %get3A_1453, 1 {pack_format = #tpu.pack_format<interleaved>} : vector<32xbf16> -> vector<16xf32>
        tpu.vector_store_idx %arg11[%iota3A, %scan3A_1449], %unpack3A : memref<32x129xf32, #tpu.memory_space<vmem>>[vector<16xi32>, vector<16xi32>], vector<16xf32>,
        tpu.vector_store_idx %arg11[%add3A_6, %scan3A_1449], %unpack3A_1454 : memref<32x129xf32, #tpu.memory_space<vmem>>[vector<16xi32>, vector<16xi32>], vector<16xf32>,
        %add3A_1455 = arith.addi %scan3A_1449, %broadcast_in_dim3A_1 : vector<16xi32>
        %scan3A_1456 = arith.constant 1 : i32
        %scan3A_1457 = arith.addi %scan3A_1448, %scan3A_1456 : i32
        %get3A_1458 = arith.constant 1 : i32
        %get3A_1459 = arith.index_cast %get3A_1458 : i32 to index
        %get3A_1460 = arith.index_cast %scan3A_1457 : i32 to index
        %get3A_1461 = arith.constant 0 : index
        %get3A_1462 = tpu.vector_load %arg9[%get3A_1459, %get3A_1460, %get3A_1461] {strides = array<i32>} : memref<8x128x32xbf16, #tpu.memory_space<vmem>>, vector<32xbf16>,
        %unpack3A_1463 = tpu.unpack_subelements %get3A_1462, 0 {pack_format = #tpu.pack_format<interleaved>} : vector<32xbf16> -> vector<16xf32>
        %unpack3A_1464 = tpu.unpack_subelements %get3A_1462, 1 {pack_format = #tpu.pack_format<interleaved>} : vector<32xbf16> -> vector<16xf32>
        tpu.vector_store_idx %arg11[%iota3A, %add3A_1455], %unpack3A_1463 : memref<32x129xf32, #tpu.memory_space<vmem>>[vector<16xi32>, vector<16xi32>], vector<16xf32>,
        tpu.vector_store_idx %arg11[%add3A_6, %add3A_1455], %unpack3A_1464 : memref<32x129xf32, #tpu.memory_space<vmem>>[vector<16xi32>, vector<16xi32>], vector<16xf32>,
        %add3A_1465 = arith.addi %add3A_1455, %broadcast_in_dim3A_1 : vector<16xi32>
        %scan3A_1466 = arith.constant 2 : i32
        %scan3A_1467 = arith.addi %scan3A_1448, %scan3A_1466 : i32
        %get3A_1468 = arith.constant 1 : i32
        %get3A_1469 = arith.index_cast %get3A_1468 : i32 to index
        %get3A_1470 = arith.index_cast %scan3A_1467 : i32 to index
        %get3A_1471 = arith.constant 0 : index
        %get3A_1472 = tpu.vector_load %arg9[%get3A_1469, %get3A_1470, %get3A_1471] {strides = array<i32>} : memref<8x128x32xbf16, #tpu.memory_space<vmem>>, vector<32xbf16>,
        %unpack3A_1473 = tpu.unpack_subelements %get3A_1472, 0 {pack_format = #tpu.pack_format<interleaved>} : vector<32xbf16> -> vector<16xf32>
        %unpack3A_1474 = tpu.unpack_subelements %get3A_1472, 1 {pack_format = #tpu.pack_format<interleaved>} : vector<32xbf16> -> vector<16xf32>
        tpu.vector_store_idx %arg11[%iota3A, %add3A_1465], %unpack3A_1473 : memref<32x129xf32, #tpu.memory_space<vmem>>[vector<16xi32>, vector<16xi32>], vector<16xf32>,
        tpu.vector_store_idx %arg11[%add3A_6, %add3A_1465], %unpack3A_1474 : memref<32x129xf32, #tpu.memory_space<vmem>>[vector<16xi32>, vector<16xi32>], vector<16xf32>,
        %add3A_1475 = arith.addi %add3A_1465, %broadcast_in_dim3A_1 : vector<16xi32>
        %scan3A_1476 = arith.constant 3 : i32
        %scan3A_1477 = arith.addi %scan3A_1448, %scan3A_1476 : i32
        %get3A_1478 = arith.constant 1 : i32
        %get3A_1479 = arith.index_cast %get3A_1478 : i32 to index
        %get3A_1480 = arith.index_cast %scan3A_1477 : i32 to index
        %get3A_1481 = arith.constant 0 : index
        %get3A_1482 = tpu.vector_load %arg9[%get3A_1479, %get3A_1480, %get3A_1481] {strides = array<i32>} : memref<8x128x32xbf16, #tpu.memory_space<vmem>>, vector<32xbf16>,
        %unpack3A_1483 = tpu.unpack_subelements %get3A_1482, 0 {pack_format = #tpu.pack_format<interleaved>} : vector<32xbf16> -> vector<16xf32>
        %unpack3A_1484 = tpu.unpack_subelements %get3A_1482, 1 {pack_format = #tpu.pack_format<interleaved>} : vector<32xbf16> -> vector<16xf32>
        tpu.vector_store_idx %arg11[%iota3A, %add3A_1475], %unpack3A_1483 : memref<32x129xf32, #tpu.memory_space<vmem>>[vector<16xi32>, vector<16xi32>], vector<16xf32>,
        tpu.vector_store_idx %arg11[%add3A_6, %add3A_1475], %unpack3A_1484 : memref<32x129xf32, #tpu.memory_space<vmem>>[vector<16xi32>, vector<16xi32>], vector<16xf32>,
        %add3A_1485 = arith.addi %add3A_1475, %broadcast_in_dim3A_1 : vector<16xi32>
        scf.yield %add3A_1485 : vector<16xi32>
      }
      %scan3A_410 = arith.constant 128 : i32
      %mul3A_411 = arith.constant 8 : i32
      %mul3A_412 = arith.muli %select_n3A_139, %mul3A_411 : i32
      %add3A_413 = arith.constant 1 : i32
      %add3A_414 = arith.addi %mul3A_412, %add3A_413 : i32
      %dma_start3A_415 = arith.constant 0 : i32
      %dma_start3A_416 = arith.constant 0 : i32
      %dma_start3A_417 = arith.constant 0 : i32
      %dma_start3A_418 = tpu.memref_slice %arg11[%dma_start3A_416, %dma_start3A_417] : memref<32x129xf32, #tpu.memory_space<vmem>> -> memref<8x128xf32, #tpu.memory_space<vmem>>
      %dma_start3A_419 = arith.constant 0 : i32
      %dma_start3A_420 = arith.constant 0 : i32
      %dma_start3A_421 = tpu.memref_slice %arg5[%add3A_414, %dma_start3A_415, %add3A_158, %dma_start3A_419, %dma_start3A_420] : memref<200x4x128x8x128xf32, #tpu.memory_space<hbm>> -> memref<1x1x1x8x128xf32, #tpu.memory_space<hbm>>
      %dma_start3A_422 = tpu.memref_squeeze %dma_start3A_421 : memref<1x1x1x8x128xf32, #tpu.memory_space<hbm>> -> memref<8x128xf32, #tpu.memory_space<hbm>>
      %dma_start3A_423 = arith.constant 0 : i32
      %dma_start3A_424 = arith.constant 0 : i32
      %dma_start3A_425 = tpu.memref_slice %arg5[%add3A_414, %dma_start3A_415, %add3A_158, %dma_start3A_423, %dma_start3A_424] : memref<200x4x128x8x128xf32, #tpu.memory_space<hbm>> -> memref<1x1x1x8x128xf32, #tpu.memory_space<hbm>>
      %dma_start3A_426 = tpu.memref_squeeze %dma_start3A_425 : memref<1x1x1x8x128xf32, #tpu.memory_space<hbm>> -> memref<8x128xf32, #tpu.memory_space<hbm>>
      %dma_start3A_427 = arith.constant 0 : i32
      %dma_start3A_428 = arith.constant 0 : i32
      %dma_start3A_429 = tpu.memref_slice %arg11[%dma_start3A_427, %dma_start3A_428] : memref<32x129xf32, #tpu.memory_space<vmem>> -> memref<8x128xf32, #tpu.memory_space<vmem>>
      tpu.enqueue_dma source(%dma_start3A_429 : memref<8x128xf32, #tpu.memory_space<vmem>>) target(%dma_start3A_426 : memref<8x128xf32, #tpu.memory_space<hbm>>) target_semaphore(%arg15 : memref<!tpu.dma_semaphore, #tpu.memory_space<semaphore_mem>>)
      %dma_start3A_430 = arith.constant 1 : i32
      %dma_start3A_431 = arith.constant 8 : i32
      %dma_start3A_432 = arith.constant 0 : i32
      %dma_start3A_433 = tpu.memref_slice %arg11[%dma_start3A_431, %dma_start3A_432] : memref<32x129xf32, #tpu.memory_space<vmem>> -> memref<8x128xf32, #tpu.memory_space<vmem>>
      %dma_start3A_434 = arith.constant 0 : i32
      %dma_start3A_435 = arith.constant 0 : i32
      %dma_start3A_436 = tpu.memref_slice %arg5[%add3A_414, %dma_start3A_430, %add3A_158, %dma_start3A_434, %dma_start3A_435] : memref<200x4x128x8x128xf32, #tpu.memory_space<hbm>> -> memref<1x1x1x8x128xf32, #tpu.memory_space<hbm>>
      %dma_start3A_437 = tpu.memref_squeeze %dma_start3A_436 : memref<1x1x1x8x128xf32, #tpu.memory_space<hbm>> -> memref<8x128xf32, #tpu.memory_space<hbm>>
      %dma_start3A_438 = arith.constant 0 : i32
      %dma_start3A_439 = arith.constant 0 : i32
      %dma_start3A_440 = tpu.memref_slice %arg5[%add3A_414, %dma_start3A_430, %add3A_158, %dma_start3A_438, %dma_start3A_439] : memref<200x4x128x8x128xf32, #tpu.memory_space<hbm>> -> memref<1x1x1x8x128xf32, #tpu.memory_space<hbm>>
      %dma_start3A_441 = tpu.memref_squeeze %dma_start3A_440 : memref<1x1x1x8x128xf32, #tpu.memory_space<hbm>> -> memref<8x128xf32, #tpu.memory_space<hbm>>
      %dma_start3A_442 = arith.constant 8 : i32
      %dma_start3A_443 = arith.constant 0 : i32
      %dma_start3A_444 = tpu.memref_slice %arg11[%dma_start3A_442, %dma_start3A_443] : memref<32x129xf32, #tpu.memory_space<vmem>> -> memref<8x128xf32, #tpu.memory_space<vmem>>
      tpu.enqueue_dma source(%dma_start3A_444 : memref<8x128xf32, #tpu.memory_space<vmem>>) target(%dma_start3A_441 : memref<8x128xf32, #tpu.memory_space<hbm>>) target_semaphore(%arg15 : memref<!tpu.dma_semaphore, #tpu.memory_space<semaphore_mem>>)
      %dma_start3A_445 = arith.constant 2 : i32
      %dma_start3A_446 = arith.constant 16 : i32
      %dma_start3A_447 = arith.constant 0 : i32
      %dma_start3A_448 = tpu.memref_slice %arg11[%dma_start3A_446, %dma_start3A_447] : memref<32x129xf32, #tpu.memory_space<vmem>> -> memref<8x128xf32, #tpu.memory_space<vmem>>
      %dma_start3A_449 = arith.constant 0 : i32
      %dma_start3A_450 = arith.constant 0 : i32
      %dma_start3A_451 = tpu.memref_slice %arg5[%add3A_414, %dma_start3A_445, %add3A_158, %dma_start3A_449, %dma_start3A_450] : memref<200x4x128x8x128xf32, #tpu.memory_space<hbm>> -> memref<1x1x1x8x128xf32, #tpu.memory_space<hbm>>
      %dma_start3A_452 = tpu.memref_squeeze %dma_start3A_451 : memref<1x1x1x8x128xf32, #tpu.memory_space<hbm>> -> memref<8x128xf32, #tpu.memory_space<hbm>>
      %dma_start3A_453 = arith.constant 0 : i32
      %dma_start3A_454 = arith.constant 0 : i32
      %dma_start3A_455 = tpu.memref_slice %arg5[%add3A_414, %dma_start3A_445, %add3A_158, %dma_start3A_453, %dma_start3A_454] : memref<200x4x128x8x128xf32, #tpu.memory_space<hbm>> -> memref<1x1x1x8x128xf32, #tpu.memory_space<hbm>>
      %dma_start3A_456 = tpu.memref_squeeze %dma_start3A_455 : memref<1x1x1x8x128xf32, #tpu.memory_space<hbm>> -> memref<8x128xf32, #tpu.memory_space<hbm>>
      %dma_start3A_457 = arith.constant 16 : i32
      %dma_start3A_458 = arith.constant 0 : i32
      %dma_start3A_459 = tpu.memref_slice %arg11[%dma_start3A_457, %dma_start3A_458] : memref<32x129xf32, #tpu.memory_space<vmem>> -> memref<8x128xf32, #tpu.memory_space<vmem>>
      tpu.enqueue_dma source(%dma_start3A_459 : memref<8x128xf32, #tpu.memory_space<vmem>>) target(%dma_start3A_456 : memref<8x128xf32, #tpu.memory_space<hbm>>) target_semaphore(%arg15 : memref<!tpu.dma_semaphore, #tpu.memory_space<semaphore_mem>>)
      %dma_start3A_460 = arith.constant 3 : i32
      %dma_start3A_461 = arith.constant 24 : i32
      %dma_start3A_462 = arith.constant 0 : i32
      %dma_start3A_463 = tpu.memref_slice %arg11[%dma_start3A_461, %dma_start3A_462] : memref<32x129xf32, #tpu.memory_space<vmem>> -> memref<8x128xf32, #tpu.memory_space<vmem>>
      %dma_start3A_464 = arith.constant 0 : i32
      %dma_start3A_465 = arith.constant 0 : i32
      %dma_start3A_466 = tpu.memref_slice %arg5[%add3A_414, %dma_start3A_460, %add3A_158, %dma_start3A_464, %dma_start3A_465] : memref<200x4x128x8x128xf32, #tpu.memory_space<hbm>> -> memref<1x1x1x8x128xf32, #tpu.memory_space<hbm>>
      %dma_start3A_467 = tpu.memref_squeeze %dma_start3A_466 : memref<1x1x1x8x128xf32, #tpu.memory_space<hbm>> -> memref<8x128xf32, #tpu.memory_space<hbm>>
      %dma_start3A_468 = arith.constant 0 : i32
      %dma_start3A_469 = arith.constant 0 : i32
      %dma_start3A_470 = tpu.memref_slice %arg5[%add3A_414, %dma_start3A_460, %add3A_158, %dma_start3A_468, %dma_start3A_469] : memref<200x4x128x8x128xf32, #tpu.memory_space<hbm>> -> memref<1x1x1x8x128xf32, #tpu.memory_space<hbm>>
      %dma_start3A_471 = tpu.memref_squeeze %dma_start3A_470 : memref<1x1x1x8x128xf32, #tpu.memory_space<hbm>> -> memref<8x128xf32, #tpu.memory_space<hbm>>
      %dma_start3A_472 = arith.constant 24 : i32
      %dma_start3A_473 = arith.constant 0 : i32
      %dma_start3A_474 = tpu.memref_slice %arg11[%dma_start3A_472, %dma_start3A_473] : memref<32x129xf32, #tpu.memory_space<vmem>> -> memref<8x128xf32, #tpu.memory_space<vmem>>
      tpu.enqueue_dma source(%dma_start3A_474 : memref<8x128xf32, #tpu.memory_space<vmem>>) target(%dma_start3A_471 : memref<8x128xf32, #tpu.memory_space<hbm>>) target_semaphore(%arg15 : memref<!tpu.dma_semaphore, #tpu.memory_space<semaphore_mem>>)
      %dma_wait3A_475 = arith.constant 2 : i32
      %dma_wait3A_476 = arith.constant 0 : i32
      %dma_wait3A_477 = arith.constant 0 : i32
      %dma_wait3A_478 = tpu.memref_slice %arg9[%dma_wait3A_475, %dma_wait3A_476, %dma_wait3A_477] : memref<8x128x32xbf16, #tpu.memory_space<vmem>> -> memref<1x128x32xbf16, #tpu.memory_space<vmem>>
      %dma_wait3A_479 = tpu.memref_squeeze %dma_wait3A_478 : memref<1x128x32xbf16, #tpu.memory_space<vmem>> -> memref<128x32xbf16, #tpu.memory_space<vmem>>
      %dma_wait3A_480 = arith.constant 256 : i32
      %dma_wait3A_481 = tpu.memref_slice %arg8[%dma_wait3A_480] : memref<1024xi32, #tpu.memory_space<vmem>> -> memref<128xi32, #tpu.memory_space<vmem>>
      %dma_wait3A_482 = arith.constant 0 : i32
      %dma_wait3A_483 = arith.constant 0 : i32
      %dma_wait3A_484 = tpu.memref_slice %arg2[%dma_wait3A_482, %dma_wait3A_483] : memref<10240x32xbf16, #tpu.memory_space<hbm>> -> memref<10240x32xbf16, #tpu.memory_space<hbm>>
      tpu.wait_indirect_dma semaphore(%arg13 : memref<!tpu.dma_semaphore, #tpu.memory_space<semaphore_mem>>) src(%dma_wait3A_484 : memref<10240x32xbf16, #tpu.memory_space<hbm>>) dst(%dma_wait3A_479 : memref<128x32xbf16, #tpu.memory_space<vmem>>)
      %dma_wait3A_485 = arith.constant 0 : i32
      %dma_wait3A_486 = arith.constant 0 : i32
      %dma_wait3A_487 = arith.constant 0 : i32
      %dma_wait3A_488 = tpu.memref_slice %arg10[%dma_wait3A_486, %dma_wait3A_487] : memref<32x129xf32, #tpu.memory_space<vmem>> -> memref<8x128xf32, #tpu.memory_space<vmem>>
      %dma_wait3A_489 = arith.constant 0 : i32
      %dma_wait3A_490 = arith.constant 0 : i32
      %dma_wait3A_491 = tpu.memref_slice %arg5[%add3A_332, %dma_wait3A_485, %add3A_158, %dma_wait3A_489, %dma_wait3A_490] : memref<200x4x128x8x128xf32, #tpu.memory_space<hbm>> -> memref<1x1x1x8x128xf32, #tpu.memory_space<hbm>>
      %dma_wait3A_492 = tpu.memref_squeeze %dma_wait3A_491 : memref<1x1x1x8x128xf32, #tpu.memory_space<hbm>> -> memref<8x128xf32, #tpu.memory_space<hbm>>
      %dma_wait3A_493 = arith.constant 0 : i32
      %dma_wait3A_494 = arith.constant 0 : i32
      %dma_wait3A_495 = tpu.memref_slice %arg5[%add3A_332, %dma_wait3A_485, %add3A_158, %dma_wait3A_493, %dma_wait3A_494] : memref<200x4x128x8x128xf32, #tpu.memory_space<hbm>> -> memref<1x1x1x8x128xf32, #tpu.memory_space<hbm>>
      %dma_wait3A_496 = tpu.memref_squeeze %dma_wait3A_495 : memref<1x1x1x8x128xf32, #tpu.memory_space<hbm>> -> memref<8x128xf32, #tpu.memory_space<hbm>>
      %dma_wait3A_497 = arith.constant 0 : i32
      %dma_wait3A_498 = arith.constant 0 : i32
      %dma_wait3A_499 = tpu.memref_slice %arg10[%dma_wait3A_497, %dma_wait3A_498] : memref<32x129xf32, #tpu.memory_space<vmem>> -> memref<8x128xf32, #tpu.memory_space<vmem>>
      tpu.wait_dma2 semaphore(%arg14 : memref<!tpu.dma_semaphore, #tpu.memory_space<semaphore_mem>>) src(%dma_wait3A_499 : memref<8x128xf32, #tpu.memory_space<vmem>>) dst(%dma_wait3A_496 : memref<8x128xf32, #tpu.memory_space<hbm>>)
      %dma_wait3A_500 = arith.constant 1 : i32
      %dma_wait3A_501 = arith.constant 8 : i32
      %dma_wait3A_502 = arith.constant 0 : i32
      %dma_wait3A_503 = tpu.memref_slice %arg10[%dma_wait3A_501, %dma_wait3A_502] : memref<32x129xf32, #tpu.memory_space<vmem>> -> memref<8x128xf32, #tpu.memory_space<vmem>>
      %dma_wait3A_504 = arith.constant 0 : i32
      %dma_wait3A_505 = arith.constant 0 : i32
      %dma_wait3A_506 = tpu.memref_slice %arg5[%add3A_332, %dma_wait3A_500, %add3A_158, %dma_wait3A_504, %dma_wait3A_505] : memref<200x4x128x8x128xf32, #tpu.memory_space<hbm>> -> memref<1x1x1x8x128xf32, #tpu.memory_space<hbm>>
      %dma_wait3A_507 = tpu.memref_squeeze %dma_wait3A_506 : memref<1x1x1x8x128xf32, #tpu.memory_space<hbm>> -> memref<8x128xf32, #tpu.memory_space<hbm>>
      %dma_wait3A_508 = arith.constant 0 : i32
      %dma_wait3A_509 = arith.constant 0 : i32
      %dma_wait3A_510 = tpu.memref_slice %arg5[%add3A_332, %dma_wait3A_500, %add3A_158, %dma_wait3A_508, %dma_wait3A_509] : memref<200x4x128x8x128xf32, #tpu.memory_space<hbm>> -> memref<1x1x1x8x128xf32, #tpu.memory_space<hbm>>
      %dma_wait3A_511 = tpu.memref_squeeze %dma_wait3A_510 : memref<1x1x1x8x128xf32, #tpu.memory_space<hbm>> -> memref<8x128xf32, #tpu.memory_space<hbm>>
      %dma_wait3A_512 = arith.constant 8 : i32
      %dma_wait3A_513 = arith.constant 0 : i32
      %dma_wait3A_514 = tpu.memref_slice %arg10[%dma_wait3A_512, %dma_wait3A_513] : memref<32x129xf32, #tpu.memory_space<vmem>> -> memref<8x128xf32, #tpu.memory_space<vmem>>
      tpu.wait_dma2 semaphore(%arg14 : memref<!tpu.dma_semaphore, #tpu.memory_space<semaphore_mem>>) src(%dma_wait3A_514 : memref<8x128xf32, #tpu.memory_space<vmem>>) dst(%dma_wait3A_511 : memref<8x128xf32, #tpu.memory_space<hbm>>)
      %dma_wait3A_515 = arith.constant 2 : i32
      %dma_wait3A_516 = arith.constant 16 : i32
      %dma_wait3A_517 = arith.constant 0 : i32
      %dma_wait3A_518 = tpu.memref_slice %arg10[%dma_wait3A_516, %dma_wait3A_517] : memref<32x129xf32, #tpu.memory_space<vmem>> -> memref<8x128xf32, #tpu.memory_space<vmem>>
      %dma_wait3A_519 = arith.constant 0 : i32
      %dma_wait3A_520 = arith.constant 0 : i32
      %dma_wait3A_521 = tpu.memref_slice %arg5[%add3A_332, %dma_wait3A_515, %add3A_158, %dma_wait3A_519, %dma_wait3A_520] : memref<200x4x128x8x128xf32, #tpu.memory_space<hbm>> -> memref<1x1x1x8x128xf32, #tpu.memory_space<hbm>>
      %dma_wait3A_522 = tpu.memref_squeeze %dma_wait3A_521 : memref<1x1x1x8x128xf32, #tpu.memory_space<hbm>> -> memref<8x128xf32, #tpu.memory_space<hbm>>
      %dma_wait3A_523 = arith.constant 0 : i32
      %dma_wait3A_524 = arith.constant 0 : i32
      %dma_wait3A_525 = tpu.memref_slice %arg5[%add3A_332, %dma_wait3A_515, %add3A_158, %dma_wait3A_523, %dma_wait3A_524] : memref<200x4x128x8x128xf32, #tpu.memory_space<hbm>> -> memref<1x1x1x8x128xf32, #tpu.memory_space<hbm>>
      %dma_wait3A_526 = tpu.memref_squeeze %dma_wait3A_525 : memref<1x1x1x8x128xf32, #tpu.memory_space<hbm>> -> memref<8x128xf32, #tpu.memory_space<hbm>>
      %dma_wait3A_527 = arith.constant 16 : i32
      %dma_wait3A_528 = arith.constant 0 : i32
      %dma_wait3A_529 = tpu.memref_slice %arg10[%dma_wait3A_527, %dma_wait3A_528] : memref<32x129xf32, #tpu.memory_space<vmem>> -> memref<8x128xf32, #tpu.memory_space<vmem>>
      tpu.wait_dma2 semaphore(%arg14 : memref<!tpu.dma_semaphore, #tpu.memory_space<semaphore_mem>>) src(%dma_wait3A_529 : memref<8x128xf32, #tpu.memory_space<vmem>>) dst(%dma_wait3A_526 : memref<8x128xf32, #tpu.memory_space<hbm>>)
      %dma_wait3A_530 = arith.constant 3 : i32
      %dma_wait3A_531 = arith.constant 24 : i32
      %dma_wait3A_532 = arith.constant 0 : i32
      %dma_wait3A_533 = tpu.memref_slice %arg10[%dma_wait3A_531, %dma_wait3A_532] : memref<32x129xf32, #tpu.memory_space<vmem>> -> memref<8x128xf32, #tpu.memory_space<vmem>>
      %dma_wait3A_534 = arith.constant 0 : i32
      %dma_wait3A_535 = arith.constant 0 : i32
      %dma_wait3A_536 = tpu.memref_slice %arg5[%add3A_332, %dma_wait3A_530, %add3A_158, %dma_wait3A_534, %dma_wait3A_535] : memref<200x4x128x8x128xf32, #tpu.memory_space<hbm>> -> memref<1x1x1x8x128xf32, #tpu.memory_space<hbm>>
      %dma_wait3A_537 = tpu.memref_squeeze %dma_wait3A_536 : memref<1x1x1x8x128xf32, #tpu.memory_space<hbm>> -> memref<8x128xf32, #tpu.memory_space<hbm>>
      %dma_wait3A_538 = arith.constant 0 : i32
      %dma_wait3A_539 = arith.constant 0 : i32
      %dma_wait3A_540 = tpu.memref_slice %arg5[%add3A_332, %dma_wait3A_530, %add3A_158, %dma_wait3A_538, %dma_wait3A_539] : memref<200x4x128x8x128xf32, #tpu.memory_space<hbm>> -> memref<1x1x1x8x128xf32, #tpu.memory_space<hbm>>
      %dma_wait3A_541 = tpu.memref_squeeze %dma_wait3A_540 : memref<1x1x1x8x128xf32, #tpu.memory_space<hbm>> -> memref<8x128xf32, #tpu.memory_space<hbm>>
      %dma_wait3A_542 = arith.constant 24 : i32
      %dma_wait3A_543 = arith.constant 0 : i32
      %dma_wait3A_544 = tpu.memref_slice %arg10[%dma_wait3A_542, %dma_wait3A_543] : memref<32x129xf32, #tpu.memory_space<vmem>> -> memref<8x128xf32, #tpu.memory_space<vmem>>
      tpu.wait_dma2 semaphore(%arg14 : memref<!tpu.dma_semaphore, #tpu.memory_space<semaphore_mem>>) src(%dma_wait3A_544 : memref<8x128xf32, #tpu.memory_space<vmem>>) dst(%dma_wait3A_541 : memref<8x128xf32, #tpu.memory_space<hbm>>)
      %broadcast_in_dim3A_545 = arith.constant 0 : i32
      %broadcast_in_dim3A_546 = vector.broadcast %broadcast_in_dim3A_545 : i32 to vector<16xi32>
      %scan3A_547 = arith.constant 0 : i32
      %scan3A_548 = arith.constant 128 : i32
      %scan3A_549 = arith.addi %scan3A_547, %scan3A_548 : i32
      %scan3A_550 = arith.constant 4 : i32
      %scan3A_551 = scf.for %scan3A_1448 = %scan3A_547 to %scan3A_549 step %scan3A_550 iter_args(%scan3A_1449 = %broadcast_in_dim3A_546) -> (vector<16xi32>)  : i32 {
        %get3A = arith.constant 2 : i32
        %get3A_1450 = arith.index_cast %get3A : i32 to index
        %get3A_1451 = arith.index_cast %scan3A_1448 : i32 to index
        %get3A_1452 = arith.constant 0 : index
        %get3A_1453 = tpu.vector_load %arg9[%get3A_1450, %get3A_1451, %get3A_1452] {strides = array<i32>} : memref<8x128x32xbf16, #tpu.memory_space<vmem>>, vector<32xbf16>,
        %unpack3A = tpu.unpack_subelements %get3A_1453, 0 {pack_format = #tpu.pack_format<interleaved>} : vector<32xbf16> -> vector<16xf32>
        %unpack3A_1454 = tpu.unpack_subelements %get3A_1453, 1 {pack_format = #tpu.pack_format<interleaved>} : vector<32xbf16> -> vector<16xf32>
        tpu.vector_store_idx %arg10[%iota3A, %scan3A_1449], %unpack3A : memref<32x129xf32, #tpu.memory_space<vmem>>[vector<16xi32>, vector<16xi32>], vector<16xf32>,
        tpu.vector_store_idx %arg10[%add3A_6, %scan3A_1449], %unpack3A_1454 : memref<32x129xf32, #tpu.memory_space<vmem>>[vector<16xi32>, vector<16xi32>], vector<16xf32>,
        %add3A_1455 = arith.addi %scan3A_1449, %broadcast_in_dim3A_1 : vector<16xi32>
        %scan3A_1456 = arith.constant 1 : i32
        %scan3A_1457 = arith.addi %scan3A_1448, %scan3A_1456 : i32
        %get3A_1458 = arith.constant 2 : i32
        %get3A_1459 = arith.index_cast %get3A_1458 : i32 to index
        %get3A_1460 = arith.index_cast %scan3A_1457 : i32 to index
        %get3A_1461 = arith.constant 0 : index
        %get3A_1462 = tpu.vector_load %arg9[%get3A_1459, %get3A_1460, %get3A_1461] {strides = array<i32>} : memref<8x128x32xbf16, #tpu.memory_space<vmem>>, vector<32xbf16>,
        %unpack3A_1463 = tpu.unpack_subelements %get3A_1462, 0 {pack_format = #tpu.pack_format<interleaved>} : vector<32xbf16> -> vector<16xf32>
        %unpack3A_1464 = tpu.unpack_subelements %get3A_1462, 1 {pack_format = #tpu.pack_format<interleaved>} : vector<32xbf16> -> vector<16xf32>
        tpu.vector_store_idx %arg10[%iota3A, %add3A_1455], %unpack3A_1463 : memref<32x129xf32, #tpu.memory_space<vmem>>[vector<16xi32>, vector<16xi32>], vector<16xf32>,
        tpu.vector_store_idx %arg10[%add3A_6, %add3A_1455], %unpack3A_1464 : memref<32x129xf32, #tpu.memory_space<vmem>>[vector<16xi32>, vector<16xi32>], vector<16xf32>,
        %add3A_1465 = arith.addi %add3A_1455, %broadcast_in_dim3A_1 : vector<16xi32>
        %scan3A_1466 = arith.constant 2 : i32
        %scan3A_1467 = arith.addi %scan3A_1448, %scan3A_1466 : i32
        %get3A_1468 = arith.constant 2 : i32
        %get3A_1469 = arith.index_cast %get3A_1468 : i32 to index
        %get3A_1470 = arith.index_cast %scan3A_1467 : i32 to index
        %get3A_1471 = arith.constant 0 : index
        %get3A_1472 = tpu.vector_load %arg9[%get3A_1469, %get3A_1470, %get3A_1471] {strides = array<i32>} : memref<8x128x32xbf16, #tpu.memory_space<vmem>>, vector<32xbf16>,
        %unpack3A_1473 = tpu.unpack_subelements %get3A_1472, 0 {pack_format = #tpu.pack_format<interleaved>} : vector<32xbf16> -> vector<16xf32>
        %unpack3A_1474 = tpu.unpack_subelements %get3A_1472, 1 {pack_format = #tpu.pack_format<interleaved>} : vector<32xbf16> -> vector<16xf32>
        tpu.vector_store_idx %arg10[%iota3A, %add3A_1465], %unpack3A_1473 : memref<32x129xf32, #tpu.memory_space<vmem>>[vector<16xi32>, vector<16xi32>], vector<16xf32>,
        tpu.vector_store_idx %arg10[%add3A_6, %add3A_1465], %unpack3A_1474 : memref<32x129xf32, #tpu.memory_space<vmem>>[vector<16xi32>, vector<16xi32>], vector<16xf32>,
        %add3A_1475 = arith.addi %add3A_1465, %broadcast_in_dim3A_1 : vector<16xi32>
        %scan3A_1476 = arith.constant 3 : i32
        %scan3A_1477 = arith.addi %scan3A_1448, %scan3A_1476 : i32
        %get3A_1478 = arith.constant 2 : i32
        %get3A_1479 = arith.index_cast %get3A_1478 : i32 to index
        %get3A_1480 = arith.index_cast %scan3A_1477 : i32 to index
        %get3A_1481 = arith.constant 0 : index
        %get3A_1482 = tpu.vector_load %arg9[%get3A_1479, %get3A_1480, %get3A_1481] {strides = array<i32>} : memref<8x128x32xbf16, #tpu.memory_space<vmem>>, vector<32xbf16>,
        %unpack3A_1483 = tpu.unpack_subelements %get3A_1482, 0 {pack_format = #tpu.pack_format<interleaved>} : vector<32xbf16> -> vector<16xf32>
        %unpack3A_1484 = tpu.unpack_subelements %get3A_1482, 1 {pack_format = #tpu.pack_format<interleaved>} : vector<32xbf16> -> vector<16xf32>
        tpu.vector_store_idx %arg10[%iota3A, %add3A_1475], %unpack3A_1483 : memref<32x129xf32, #tpu.memory_space<vmem>>[vector<16xi32>, vector<16xi32>], vector<16xf32>,
        tpu.vector_store_idx %arg10[%add3A_6, %add3A_1475], %unpack3A_1484 : memref<32x129xf32, #tpu.memory_space<vmem>>[vector<16xi32>, vector<16xi32>], vector<16xf32>,
        %add3A_1485 = arith.addi %add3A_1475, %broadcast_in_dim3A_1 : vector<16xi32>
        scf.yield %add3A_1485 : vector<16xi32>
      }
      %scan3A_552 = arith.constant 128 : i32
      %mul3A_553 = arith.constant 8 : i32
      %mul3A_554 = arith.muli %select_n3A_139, %mul3A_553 : i32
      %add3A_555 = arith.constant 2 : i32
      %add3A_556 = arith.addi %mul3A_554, %add3A_555 : i32
      %dma_start3A_557 = arith.constant 0 : i32
      %dma_start3A_558 = arith.constant 0 : i32
      %dma_start3A_559 = arith.constant 0 : i32
      %dma_start3A_560 = tpu.memref_slice %arg10[%dma_start3A_558, %dma_start3A_559] : memref<32x129xf32, #tpu.memory_space<vmem>> -> memref<8x128xf32, #tpu.memory_space<vmem>>
      %dma_start3A_561 = arith.constant 0 : i32
      %dma_start3A_562 = arith.constant 0 : i32
      %dma_start3A_563 = tpu.memref_slice %arg5[%add3A_556, %dma_start3A_557, %add3A_158, %dma_start3A_561, %dma_start3A_562] : memref<200x4x128x8x128xf32, #tpu.memory_space<hbm>> -> memref<1x1x1x8x128xf32, #tpu.memory_space<hbm>>
      %dma_start3A_564 = tpu.memref_squeeze %dma_start3A_563 : memref<1x1x1x8x128xf32, #tpu.memory_space<hbm>> -> memref<8x128xf32, #tpu.memory_space<hbm>>
      %dma_start3A_565 = arith.constant 0 : i32
      %dma_start3A_566 = arith.constant 0 : i32
      %dma_start3A_567 = tpu.memref_slice %arg5[%add3A_556, %dma_start3A_557, %add3A_158, %dma_start3A_565, %dma_start3A_566] : memref<200x4x128x8x128xf32, #tpu.memory_space<hbm>> -> memref<1x1x1x8x128xf32, #tpu.memory_space<hbm>>
      %dma_start3A_568 = tpu.memref_squeeze %dma_start3A_567 : memref<1x1x1x8x128xf32, #tpu.memory_space<hbm>> -> memref<8x128xf32, #tpu.memory_space<hbm>>
      %dma_start3A_569 = arith.constant 0 : i32
      %dma_start3A_570 = arith.constant 0 : i32
      %dma_start3A_571 = tpu.memref_slice %arg10[%dma_start3A_569, %dma_start3A_570] : memref<32x129xf32, #tpu.memory_space<vmem>> -> memref<8x128xf32, #tpu.memory_space<vmem>>
      tpu.enqueue_dma source(%dma_start3A_571 : memref<8x128xf32, #tpu.memory_space<vmem>>) target(%dma_start3A_568 : memref<8x128xf32, #tpu.memory_space<hbm>>) target_semaphore(%arg14 : memref<!tpu.dma_semaphore, #tpu.memory_space<semaphore_mem>>)
      %dma_start3A_572 = arith.constant 1 : i32
      %dma_start3A_573 = arith.constant 8 : i32
      %dma_start3A_574 = arith.constant 0 : i32
      %dma_start3A_575 = tpu.memref_slice %arg10[%dma_start3A_573, %dma_start3A_574] : memref<32x129xf32, #tpu.memory_space<vmem>> -> memref<8x128xf32, #tpu.memory_space<vmem>>
      %dma_start3A_576 = arith.constant 0 : i32
      %dma_start3A_577 = arith.constant 0 : i32
      %dma_start3A_578 = tpu.memref_slice %arg5[%add3A_556, %dma_start3A_572, %add3A_158, %dma_start3A_576, %dma_start3A_577] : memref<200x4x128x8x128xf32, #tpu.memory_space<hbm>> -> memref<1x1x1x8x128xf32, #tpu.memory_space<hbm>>
      %dma_start3A_579 = tpu.memref_squeeze %dma_start3A_578 : memref<1x1x1x8x128xf32, #tpu.memory_space<hbm>> -> memref<8x128xf32, #tpu.memory_space<hbm>>
      %dma_start3A_580 = arith.constant 0 : i32
      %dma_start3A_581 = arith.constant 0 : i32
      %dma_start3A_582 = tpu.memref_slice %arg5[%add3A_556, %dma_start3A_572, %add3A_158, %dma_start3A_580, %dma_start3A_581] : memref<200x4x128x8x128xf32, #tpu.memory_space<hbm>> -> memref<1x1x1x8x128xf32, #tpu.memory_space<hbm>>
      %dma_start3A_583 = tpu.memref_squeeze %dma_start3A_582 : memref<1x1x1x8x128xf32, #tpu.memory_space<hbm>> -> memref<8x128xf32, #tpu.memory_space<hbm>>
      %dma_start3A_584 = arith.constant 8 : i32
      %dma_start3A_585 = arith.constant 0 : i32
      %dma_start3A_586 = tpu.memref_slice %arg10[%dma_start3A_584, %dma_start3A_585] : memref<32x129xf32, #tpu.memory_space<vmem>> -> memref<8x128xf32, #tpu.memory_space<vmem>>
      tpu.enqueue_dma source(%dma_start3A_586 : memref<8x128xf32, #tpu.memory_space<vmem>>) target(%dma_start3A_583 : memref<8x128xf32, #tpu.memory_space<hbm>>) target_semaphore(%arg14 : memref<!tpu.dma_semaphore, #tpu.memory_space<semaphore_mem>>)
      %dma_start3A_587 = arith.constant 2 : i32
      %dma_start3A_588 = arith.constant 16 : i32
      %dma_start3A_589 = arith.constant 0 : i32
      %dma_start3A_590 = tpu.memref_slice %arg10[%dma_start3A_588, %dma_start3A_589] : memref<32x129xf32, #tpu.memory_space<vmem>> -> memref<8x128xf32, #tpu.memory_space<vmem>>
      %dma_start3A_591 = arith.constant 0 : i32
      %dma_start3A_592 = arith.constant 0 : i32
      %dma_start3A_593 = tpu.memref_slice %arg5[%add3A_556, %dma_start3A_587, %add3A_158, %dma_start3A_591, %dma_start3A_592] : memref<200x4x128x8x128xf32, #tpu.memory_space<hbm>> -> memref<1x1x1x8x128xf32, #tpu.memory_space<hbm>>
      %dma_start3A_594 = tpu.memref_squeeze %dma_start3A_593 : memref<1x1x1x8x128xf32, #tpu.memory_space<hbm>> -> memref<8x128xf32, #tpu.memory_space<hbm>>
      %dma_start3A_595 = arith.constant 0 : i32
      %dma_start3A_596 = arith.constant 0 : i32
      %dma_start3A_597 = tpu.memref_slice %arg5[%add3A_556, %dma_start3A_587, %add3A_158, %dma_start3A_595, %dma_start3A_596] : memref<200x4x128x8x128xf32, #tpu.memory_space<hbm>> -> memref<1x1x1x8x128xf32, #tpu.memory_space<hbm>>
      %dma_start3A_598 = tpu.memref_squeeze %dma_start3A_597 : memref<1x1x1x8x128xf32, #tpu.memory_space<hbm>> -> memref<8x128xf32, #tpu.memory_space<hbm>>
      %dma_start3A_599 = arith.constant 16 : i32
      %dma_start3A_600 = arith.constant 0 : i32
      %dma_start3A_601 = tpu.memref_slice %arg10[%dma_start3A_599, %dma_start3A_600] : memref<32x129xf32, #tpu.memory_space<vmem>> -> memref<8x128xf32, #tpu.memory_space<vmem>>
      tpu.enqueue_dma source(%dma_start3A_601 : memref<8x128xf32, #tpu.memory_space<vmem>>) target(%dma_start3A_598 : memref<8x128xf32, #tpu.memory_space<hbm>>) target_semaphore(%arg14 : memref<!tpu.dma_semaphore, #tpu.memory_space<semaphore_mem>>)
      %dma_start3A_602 = arith.constant 3 : i32
      %dma_start3A_603 = arith.constant 24 : i32
      %dma_start3A_604 = arith.constant 0 : i32
      %dma_start3A_605 = tpu.memref_slice %arg10[%dma_start3A_603, %dma_start3A_604] : memref<32x129xf32, #tpu.memory_space<vmem>> -> memref<8x128xf32, #tpu.memory_space<vmem>>
      %dma_start3A_606 = arith.constant 0 : i32
      %dma_start3A_607 = arith.constant 0 : i32
      %dma_start3A_608 = tpu.memref_slice %arg5[%add3A_556, %dma_start3A_602, %add3A_158, %dma_start3A_606, %dma_start3A_607] : memref<200x4x128x8x128xf32, #tpu.memory_space<hbm>> -> memref<1x1x1x8x128xf32, #tpu.memory_space<hbm>>
      %dma_start3A_609 = tpu.memref_squeeze %dma_start3A_608 : memref<1x1x1x8x128xf32, #tpu.memory_space<hbm>> -> memref<8x128xf32, #tpu.memory_space<hbm>>
      %dma_start3A_610 = arith.constant 0 : i32
      %dma_start3A_611 = arith.constant 0 : i32
      %dma_start3A_612 = tpu.memref_slice %arg5[%add3A_556, %dma_start3A_602, %add3A_158, %dma_start3A_610, %dma_start3A_611] : memref<200x4x128x8x128xf32, #tpu.memory_space<hbm>> -> memref<1x1x1x8x128xf32, #tpu.memory_space<hbm>>
      %dma_start3A_613 = tpu.memref_squeeze %dma_start3A_612 : memref<1x1x1x8x128xf32, #tpu.memory_space<hbm>> -> memref<8x128xf32, #tpu.memory_space<hbm>>
      %dma_start3A_614 = arith.constant 24 : i32
      %dma_start3A_615 = arith.constant 0 : i32
      %dma_start3A_616 = tpu.memref_slice %arg10[%dma_start3A_614, %dma_start3A_615] : memref<32x129xf32, #tpu.memory_space<vmem>> -> memref<8x128xf32, #tpu.memory_space<vmem>>
      tpu.enqueue_dma source(%dma_start3A_616 : memref<8x128xf32, #tpu.memory_space<vmem>>) target(%dma_start3A_613 : memref<8x128xf32, #tpu.memory_space<hbm>>) target_semaphore(%arg14 : memref<!tpu.dma_semaphore, #tpu.memory_space<semaphore_mem>>)
      %dma_wait3A_617 = arith.constant 3 : i32
      %dma_wait3A_618 = arith.constant 0 : i32
      %dma_wait3A_619 = arith.constant 0 : i32
      %dma_wait3A_620 = tpu.memref_slice %arg9[%dma_wait3A_617, %dma_wait3A_618, %dma_wait3A_619] : memref<8x128x32xbf16, #tpu.memory_space<vmem>> -> memref<1x128x32xbf16, #tpu.memory_space<vmem>>
      %dma_wait3A_621 = tpu.memref_squeeze %dma_wait3A_620 : memref<1x128x32xbf16, #tpu.memory_space<vmem>> -> memref<128x32xbf16, #tpu.memory_space<vmem>>
      %dma_wait3A_622 = arith.constant 384 : i32
      %dma_wait3A_623 = tpu.memref_slice %arg8[%dma_wait3A_622] : memref<1024xi32, #tpu.memory_space<vmem>> -> memref<128xi32, #tpu.memory_space<vmem>>
      %dma_wait3A_624 = arith.constant 0 : i32
      %dma_wait3A_625 = arith.constant 0 : i32
      %dma_wait3A_626 = tpu.memref_slice %arg2[%dma_wait3A_624, %dma_wait3A_625] : memref<10240x32xbf16, #tpu.memory_space<hbm>> -> memref<10240x32xbf16, #tpu.memory_space<hbm>>
      tpu.wait_indirect_dma semaphore(%arg13 : memref<!tpu.dma_semaphore, #tpu.memory_space<semaphore_mem>>) src(%dma_wait3A_626 : memref<10240x32xbf16, #tpu.memory_space<hbm>>) dst(%dma_wait3A_621 : memref<128x32xbf16, #tpu.memory_space<vmem>>)
      %dma_wait3A_627 = arith.constant 0 : i32
      %dma_wait3A_628 = arith.constant 0 : i32
      %dma_wait3A_629 = arith.constant 0 : i32
      %dma_wait3A_630 = tpu.memref_slice %arg11[%dma_wait3A_628, %dma_wait3A_629] : memref<32x129xf32, #tpu.memory_space<vmem>> -> memref<8x128xf32, #tpu.memory_space<vmem>>
      %dma_wait3A_631 = arith.constant 0 : i32
      %dma_wait3A_632 = arith.constant 0 : i32
      %dma_wait3A_633 = tpu.memref_slice %arg5[%add3A_414, %dma_wait3A_627, %add3A_158, %dma_wait3A_631, %dma_wait3A_632] : memref<200x4x128x8x128xf32, #tpu.memory_space<hbm>> -> memref<1x1x1x8x128xf32, #tpu.memory_space<hbm>>
      %dma_wait3A_634 = tpu.memref_squeeze %dma_wait3A_633 : memref<1x1x1x8x128xf32, #tpu.memory_space<hbm>> -> memref<8x128xf32, #tpu.memory_space<hbm>>
      %dma_wait3A_635 = arith.constant 0 : i32
      %dma_wait3A_636 = arith.constant 0 : i32
      %dma_wait3A_637 = tpu.memref_slice %arg5[%add3A_414, %dma_wait3A_627, %add3A_158, %dma_wait3A_635, %dma_wait3A_636] : memref<200x4x128x8x128xf32, #tpu.memory_space<hbm>> -> memref<1x1x1x8x128xf32, #tpu.memory_space<hbm>>
      %dma_wait3A_638 = tpu.memref_squeeze %dma_wait3A_637 : memref<1x1x1x8x128xf32, #tpu.memory_space<hbm>> -> memref<8x128xf32, #tpu.memory_space<hbm>>
      %dma_wait3A_639 = arith.constant 0 : i32
      %dma_wait3A_640 = arith.constant 0 : i32
      %dma_wait3A_641 = tpu.memref_slice %arg11[%dma_wait3A_639, %dma_wait3A_640] : memref<32x129xf32, #tpu.memory_space<vmem>> -> memref<8x128xf32, #tpu.memory_space<vmem>>
      tpu.wait_dma2 semaphore(%arg15 : memref<!tpu.dma_semaphore, #tpu.memory_space<semaphore_mem>>) src(%dma_wait3A_641 : memref<8x128xf32, #tpu.memory_space<vmem>>) dst(%dma_wait3A_638 : memref<8x128xf32, #tpu.memory_space<hbm>>)
      %dma_wait3A_642 = arith.constant 1 : i32
      %dma_wait3A_643 = arith.constant 8 : i32
      %dma_wait3A_644 = arith.constant 0 : i32
      %dma_wait3A_645 = tpu.memref_slice %arg11[%dma_wait3A_643, %dma_wait3A_644] : memref<32x129xf32, #tpu.memory_space<vmem>> -> memref<8x128xf32, #tpu.memory_space<vmem>>
      %dma_wait3A_646 = arith.constant 0 : i32
      %dma_wait3A_647 = arith.constant 0 : i32
      %dma_wait3A_648 = tpu.memref_slice %arg5[%add3A_414, %dma_wait3A_642, %add3A_158, %dma_wait3A_646, %dma_wait3A_647] : memref<200x4x128x8x128xf32, #tpu.memory_space<hbm>> -> memref<1x1x1x8x128xf32, #tpu.memory_space<hbm>>
      %dma_wait3A_649 = tpu.memref_squeeze %dma_wait3A_648 : memref<1x1x1x8x128xf32, #tpu.memory_space<hbm>> -> memref<8x128xf32, #tpu.memory_space<hbm>>
      %dma_wait3A_650 = arith.constant 0 : i32
      %dma_wait3A_651 = arith.constant 0 : i32
      %dma_wait3A_652 = tpu.memref_slice %arg5[%add3A_414, %dma_wait3A_642, %add3A_158, %dma_wait3A_650, %dma_wait3A_651] : memref<200x4x128x8x128xf32, #tpu.memory_space<hbm>> -> memref<1x1x1x8x128xf32, #tpu.memory_space<hbm>>
      %dma_wait3A_653 = tpu.memref_squeeze %dma_wait3A_652 : memref<1x1x1x8x128xf32, #tpu.memory_space<hbm>> -> memref<8x128xf32, #tpu.memory_space<hbm>>
      %dma_wait3A_654 = arith.constant 8 : i32
      %dma_wait3A_655 = arith.constant 0 : i32
      %dma_wait3A_656 = tpu.memref_slice %arg11[%dma_wait3A_654, %dma_wait3A_655] : memref<32x129xf32, #tpu.memory_space<vmem>> -> memref<8x128xf32, #tpu.memory_space<vmem>>
      tpu.wait_dma2 semaphore(%arg15 : memref<!tpu.dma_semaphore, #tpu.memory_space<semaphore_mem>>) src(%dma_wait3A_656 : memref<8x128xf32, #tpu.memory_space<vmem>>) dst(%dma_wait3A_653 : memref<8x128xf32, #tpu.memory_space<hbm>>)
      %dma_wait3A_657 = arith.constant 2 : i32
      %dma_wait3A_658 = arith.constant 16 : i32
      %dma_wait3A_659 = arith.constant 0 : i32
      %dma_wait3A_660 = tpu.memref_slice %arg11[%dma_wait3A_658, %dma_wait3A_659] : memref<32x129xf32, #tpu.memory_space<vmem>> -> memref<8x128xf32, #tpu.memory_space<vmem>>
      %dma_wait3A_661 = arith.constant 0 : i32
      %dma_wait3A_662 = arith.constant 0 : i32
      %dma_wait3A_663 = tpu.memref_slice %arg5[%add3A_414, %dma_wait3A_657, %add3A_158, %dma_wait3A_661, %dma_wait3A_662] : memref<200x4x128x8x128xf32, #tpu.memory_space<hbm>> -> memref<1x1x1x8x128xf32, #tpu.memory_space<hbm>>
      %dma_wait3A_664 = tpu.memref_squeeze %dma_wait3A_663 : memref<1x1x1x8x128xf32, #tpu.memory_space<hbm>> -> memref<8x128xf32, #tpu.memory_space<hbm>>
      %dma_wait3A_665 = arith.constant 0 : i32
      %dma_wait3A_666 = arith.constant 0 : i32
      %dma_wait3A_667 = tpu.memref_slice %arg5[%add3A_414, %dma_wait3A_657, %add3A_158, %dma_wait3A_665, %dma_wait3A_666] : memref<200x4x128x8x128xf32, #tpu.memory_space<hbm>> -> memref<1x1x1x8x128xf32, #tpu.memory_space<hbm>>
      %dma_wait3A_668 = tpu.memref_squeeze %dma_wait3A_667 : memref<1x1x1x8x128xf32, #tpu.memory_space<hbm>> -> memref<8x128xf32, #tpu.memory_space<hbm>>
      %dma_wait3A_669 = arith.constant 16 : i32
      %dma_wait3A_670 = arith.constant 0 : i32
      %dma_wait3A_671 = tpu.memref_slice %arg11[%dma_wait3A_669, %dma_wait3A_670] : memref<32x129xf32, #tpu.memory_space<vmem>> -> memref<8x128xf32, #tpu.memory_space<vmem>>
      tpu.wait_dma2 semaphore(%arg15 : memref<!tpu.dma_semaphore, #tpu.memory_space<semaphore_mem>>) src(%dma_wait3A_671 : memref<8x128xf32, #tpu.memory_space<vmem>>) dst(%dma_wait3A_668 : memref<8x128xf32, #tpu.memory_space<hbm>>)
      %dma_wait3A_672 = arith.constant 3 : i32
      %dma_wait3A_673 = arith.constant 24 : i32
      %dma_wait3A_674 = arith.constant 0 : i32
      %dma_wait3A_675 = tpu.memref_slice %arg11[%dma_wait3A_673, %dma_wait3A_674] : memref<32x129xf32, #tpu.memory_space<vmem>> -> memref<8x128xf32, #tpu.memory_space<vmem>>
      %dma_wait3A_676 = arith.constant 0 : i32
      %dma_wait3A_677 = arith.constant 0 : i32
      %dma_wait3A_678 = tpu.memref_slice %arg5[%add3A_414, %dma_wait3A_672, %add3A_158, %dma_wait3A_676, %dma_wait3A_677] : memref<200x4x128x8x128xf32, #tpu.memory_space<hbm>> -> memref<1x1x1x8x128xf32, #tpu.memory_space<hbm>>
      %dma_wait3A_679 = tpu.memref_squeeze %dma_wait3A_678 : memref<1x1x1x8x128xf32, #tpu.memory_space<hbm>> -> memref<8x128xf32, #tpu.memory_space<hbm>>
      %dma_wait3A_680 = arith.constant 0 : i32
      %dma_wait3A_681 = arith.constant 0 : i32
      %dma_wait3A_682 = tpu.memref_slice %arg5[%add3A_414, %dma_wait3A_672, %add3A_158, %dma_wait3A_680, %dma_wait3A_681] : memref<200x4x128x8x128xf32, #tpu.memory_space<hbm>> -> memref<1x1x1x8x128xf32, #tpu.memory_space<hbm>>
      %dma_wait3A_683 = tpu.memref_squeeze %dma_wait3A_682 : memref<1x1x1x8x128xf32, #tpu.memory_space<hbm>> -> memref<8x128xf32, #tpu.memory_space<hbm>>
      %dma_wait3A_684 = arith.constant 24 : i32
      %dma_wait3A_685 = arith.constant 0 : i32
      %dma_wait3A_686 = tpu.memref_slice %arg11[%dma_wait3A_684, %dma_wait3A_685] : memref<32x129xf32, #tpu.memory_space<vmem>> -> memref<8x128xf32, #tpu.memory_space<vmem>>
      tpu.wait_dma2 semaphore(%arg15 : memref<!tpu.dma_semaphore, #tpu.memory_space<semaphore_mem>>) src(%dma_wait3A_686 : memref<8x128xf32, #tpu.memory_space<vmem>>) dst(%dma_wait3A_683 : memref<8x128xf32, #tpu.memory_space<hbm>>)
      %broadcast_in_dim3A_687 = arith.constant 0 : i32
      %broadcast_in_dim3A_688 = vector.broadcast %broadcast_in_dim3A_687 : i32 to vector<16xi32>
      %scan3A_689 = arith.constant 0 : i32
      %scan3A_690 = arith.constant 128 : i32
      %scan3A_691 = arith.addi %scan3A_689, %scan3A_690 : i32
      %scan3A_692 = arith.constant 4 : i32
      %scan3A_693 = scf.for %scan3A_1448 = %scan3A_689 to %scan3A_691 step %scan3A_692 iter_args(%scan3A_1449 = %broadcast_in_dim3A_688) -> (vector<16xi32>)  : i32 {
        %get3A = arith.constant 3 : i32
        %get3A_1450 = arith.index_cast %get3A : i32 to index
        %get3A_1451 = arith.index_cast %scan3A_1448 : i32 to index
        %get3A_1452 = arith.constant 0 : index
        %get3A_1453 = tpu.vector_load %arg9[%get3A_1450, %get3A_1451, %get3A_1452] {strides = array<i32>} : memref<8x128x32xbf16, #tpu.memory_space<vmem>>, vector<32xbf16>,
        %unpack3A = tpu.unpack_subelements %get3A_1453, 0 {pack_format = #tpu.pack_format<interleaved>} : vector<32xbf16> -> vector<16xf32>
        %unpack3A_1454 = tpu.unpack_subelements %get3A_1453, 1 {pack_format = #tpu.pack_format<interleaved>} : vector<32xbf16> -> vector<16xf32>
        tpu.vector_store_idx %arg11[%iota3A, %scan3A_1449], %unpack3A : memref<32x129xf32, #tpu.memory_space<vmem>>[vector<16xi32>, vector<16xi32>], vector<16xf32>,
        tpu.vector_store_idx %arg11[%add3A_6, %scan3A_1449], %unpack3A_1454 : memref<32x129xf32, #tpu.memory_space<vmem>>[vector<16xi32>, vector<16xi32>], vector<16xf32>,
        %add3A_1455 = arith.addi %scan3A_1449, %broadcast_in_dim3A_1 : vector<16xi32>
        %scan3A_1456 = arith.constant 1 : i32
        %scan3A_1457 = arith.addi %scan3A_1448, %scan3A_1456 : i32
        %get3A_1458 = arith.constant 3 : i32
        %get3A_1459 = arith.index_cast %get3A_1458 : i32 to index
        %get3A_1460 = arith.index_cast %scan3A_1457 : i32 to index
        %get3A_1461 = arith.constant 0 : index
        %get3A_1462 = tpu.vector_load %arg9[%get3A_1459, %get3A_1460, %get3A_1461] {strides = array<i32>} : memref<8x128x32xbf16, #tpu.memory_space<vmem>>, vector<32xbf16>,
        %unpack3A_1463 = tpu.unpack_subelements %get3A_1462, 0 {pack_format = #tpu.pack_format<interleaved>} : vector<32xbf16> -> vector<16xf32>
        %unpack3A_1464 = tpu.unpack_subelements %get3A_1462, 1 {pack_format = #tpu.pack_format<interleaved>} : vector<32xbf16> -> vector<16xf32>
        tpu.vector_store_idx %arg11[%iota3A, %add3A_1455], %unpack3A_1463 : memref<32x129xf32, #tpu.memory_space<vmem>>[vector<16xi32>, vector<16xi32>], vector<16xf32>,
        tpu.vector_store_idx %arg11[%add3A_6, %add3A_1455], %unpack3A_1464 : memref<32x129xf32, #tpu.memory_space<vmem>>[vector<16xi32>, vector<16xi32>], vector<16xf32>,
        %add3A_1465 = arith.addi %add3A_1455, %broadcast_in_dim3A_1 : vector<16xi32>
        %scan3A_1466 = arith.constant 2 : i32
        %scan3A_1467 = arith.addi %scan3A_1448, %scan3A_1466 : i32
        %get3A_1468 = arith.constant 3 : i32
        %get3A_1469 = arith.index_cast %get3A_1468 : i32 to index
        %get3A_1470 = arith.index_cast %scan3A_1467 : i32 to index
        %get3A_1471 = arith.constant 0 : index
        %get3A_1472 = tpu.vector_load %arg9[%get3A_1469, %get3A_1470, %get3A_1471] {strides = array<i32>} : memref<8x128x32xbf16, #tpu.memory_space<vmem>>, vector<32xbf16>,
        %unpack3A_1473 = tpu.unpack_subelements %get3A_1472, 0 {pack_format = #tpu.pack_format<interleaved>} : vector<32xbf16> -> vector<16xf32>
        %unpack3A_1474 = tpu.unpack_subelements %get3A_1472, 1 {pack_format = #tpu.pack_format<interleaved>} : vector<32xbf16> -> vector<16xf32>
        tpu.vector_store_idx %arg11[%iota3A, %add3A_1465], %unpack3A_1473 : memref<32x129xf32, #tpu.memory_space<vmem>>[vector<16xi32>, vector<16xi32>], vector<16xf32>,
        tpu.vector_store_idx %arg11[%add3A_6, %add3A_1465], %unpack3A_1474 : memref<32x129xf32, #tpu.memory_space<vmem>>[vector<16xi32>, vector<16xi32>], vector<16xf32>,
        %add3A_1475 = arith.addi %add3A_1465, %broadcast_in_dim3A_1 : vector<16xi32>
        %scan3A_1476 = arith.constant 3 : i32
        %scan3A_1477 = arith.addi %scan3A_1448, %scan3A_1476 : i32
        %get3A_1478 = arith.constant 3 : i32
        %get3A_1479 = arith.index_cast %get3A_1478 : i32 to index
        %get3A_1480 = arith.index_cast %scan3A_1477 : i32 to index
        %get3A_1481 = arith.constant 0 : index
        %get3A_1482 = tpu.vector_load %arg9[%get3A_1479, %get3A_1480, %get3A_1481] {strides = array<i32>} : memref<8x128x32xbf16, #tpu.memory_space<vmem>>, vector<32xbf16>,
        %unpack3A_1483 = tpu.unpack_subelements %get3A_1482, 0 {pack_format = #tpu.pack_format<interleaved>} : vector<32xbf16> -> vector<16xf32>
        %unpack3A_1484 = tpu.unpack_subelements %get3A_1482, 1 {pack_format = #tpu.pack_format<interleaved>} : vector<32xbf16> -> vector<16xf32>
        tpu.vector_store_idx %arg11[%iota3A, %add3A_1475], %unpack3A_1483 : memref<32x129xf32, #tpu.memory_space<vmem>>[vector<16xi32>, vector<16xi32>], vector<16xf32>,
        tpu.vector_store_idx %arg11[%add3A_6, %add3A_1475], %unpack3A_1484 : memref<32x129xf32, #tpu.memory_space<vmem>>[vector<16xi32>, vector<16xi32>], vector<16xf32>,
        %add3A_1485 = arith.addi %add3A_1475, %broadcast_in_dim3A_1 : vector<16xi32>
        scf.yield %add3A_1485 : vector<16xi32>
      }
      %scan3A_694 = arith.constant 128 : i32
      %mul3A_695 = arith.constant 8 : i32
      %mul3A_696 = arith.muli %select_n3A_139, %mul3A_695 : i32
      %add3A_697 = arith.constant 3 : i32
      %add3A_698 = arith.addi %mul3A_696, %add3A_697 : i32
      %dma_start3A_699 = arith.constant 0 : i32
      %dma_start3A_700 = arith.constant 0 : i32
      %dma_start3A_701 = arith.constant 0 : i32
      %dma_start3A_702 = tpu.memref_slice %arg11[%dma_start3A_700, %dma_start3A_701] : memref<32x129xf32, #tpu.memory_space<vmem>> -> memref<8x128xf32, #tpu.memory_space<vmem>>
      %dma_start3A_703 = arith.constant 0 : i32
      %dma_start3A_704 = arith.constant 0 : i32
      %dma_start3A_705 = tpu.memref_slice %arg5[%add3A_698, %dma_start3A_699, %add3A_158, %dma_start3A_703, %dma_start3A_704] : memref<200x4x128x8x128xf32, #tpu.memory_space<hbm>> -> memref<1x1x1x8x128xf32, #tpu.memory_space<hbm>>
      %dma_start3A_706 = tpu.memref_squeeze %dma_start3A_705 : memref<1x1x1x8x128xf32, #tpu.memory_space<hbm>> -> memref<8x128xf32, #tpu.memory_space<hbm>>
      %dma_start3A_707 = arith.constant 0 : i32
      %dma_start3A_708 = arith.constant 0 : i32
      %dma_start3A_709 = tpu.memref_slice %arg5[%add3A_698, %dma_start3A_699, %add3A_158, %dma_start3A_707, %dma_start3A_708] : memref<200x4x128x8x128xf32, #tpu.memory_space<hbm>> -> memref<1x1x1x8x128xf32, #tpu.memory_space<hbm>>
      %dma_start3A_710 = tpu.memref_squeeze %dma_start3A_709 : memref<1x1x1x8x128xf32, #tpu.memory_space<hbm>> -> memref<8x128xf32, #tpu.memory_space<hbm>>
      %dma_start3A_711 = arith.constant 0 : i32
      %dma_start3A_712 = arith.constant 0 : i32
      %dma_start3A_713 = tpu.memref_slice %arg11[%dma_start3A_711, %dma_start3A_712] : memref<32x129xf32, #tpu.memory_space<vmem>> -> memref<8x128xf32, #tpu.memory_space<vmem>>
      tpu.enqueue_dma source(%dma_start3A_713 : memref<8x128xf32, #tpu.memory_space<vmem>>) target(%dma_start3A_710 : memref<8x128xf32, #tpu.memory_space<hbm>>) target_semaphore(%arg15 : memref<!tpu.dma_semaphore, #tpu.memory_space<semaphore_mem>>)
      %dma_start3A_714 = arith.constant 1 : i32
      %dma_start3A_715 = arith.constant 8 : i32
      %dma_start3A_716 = arith.constant 0 : i32
      %dma_start3A_717 = tpu.memref_slice %arg11[%dma_start3A_715, %dma_start3A_716] : memref<32x129xf32, #tpu.memory_space<vmem>> -> memref<8x128xf32, #tpu.memory_space<vmem>>
      %dma_start3A_718 = arith.constant 0 : i32
      %dma_start3A_719 = arith.constant 0 : i32
      %dma_start3A_720 = tpu.memref_slice %arg5[%add3A_698, %dma_start3A_714, %add3A_158, %dma_start3A_718, %dma_start3A_719] : memref<200x4x128x8x128xf32, #tpu.memory_space<hbm>> -> memref<1x1x1x8x128xf32, #tpu.memory_space<hbm>>
      %dma_start3A_721 = tpu.memref_squeeze %dma_start3A_720 : memref<1x1x1x8x128xf32, #tpu.memory_space<hbm>> -> memref<8x128xf32, #tpu.memory_space<hbm>>
      %dma_start3A_722 = arith.constant 0 : i32
      %dma_start3A_723 = arith.constant 0 : i32
      %dma_start3A_724 = tpu.memref_slice %arg5[%add3A_698, %dma_start3A_714, %add3A_158, %dma_start3A_722, %dma_start3A_723] : memref<200x4x128x8x128xf32, #tpu.memory_space<hbm>> -> memref<1x1x1x8x128xf32, #tpu.memory_space<hbm>>
      %dma_start3A_725 = tpu.memref_squeeze %dma_start3A_724 : memref<1x1x1x8x128xf32, #tpu.memory_space<hbm>> -> memref<8x128xf32, #tpu.memory_space<hbm>>
      %dma_start3A_726 = arith.constant 8 : i32
      %dma_start3A_727 = arith.constant 0 : i32
      %dma_start3A_728 = tpu.memref_slice %arg11[%dma_start3A_726, %dma_start3A_727] : memref<32x129xf32, #tpu.memory_space<vmem>> -> memref<8x128xf32, #tpu.memory_space<vmem>>
      tpu.enqueue_dma source(%dma_start3A_728 : memref<8x128xf32, #tpu.memory_space<vmem>>) target(%dma_start3A_725 : memref<8x128xf32, #tpu.memory_space<hbm>>) target_semaphore(%arg15 : memref<!tpu.dma_semaphore, #tpu.memory_space<semaphore_mem>>)
      %dma_start3A_729 = arith.constant 2 : i32
      %dma_start3A_730 = arith.constant 16 : i32
      %dma_start3A_731 = arith.constant 0 : i32
      %dma_start3A_732 = tpu.memref_slice %arg11[%dma_start3A_730, %dma_start3A_731] : memref<32x129xf32, #tpu.memory_space<vmem>> -> memref<8x128xf32, #tpu.memory_space<vmem>>
      %dma_start3A_733 = arith.constant 0 : i32
      %dma_start3A_734 = arith.constant 0 : i32
      %dma_start3A_735 = tpu.memref_slice %arg5[%add3A_698, %dma_start3A_729, %add3A_158, %dma_start3A_733, %dma_start3A_734] : memref<200x4x128x8x128xf32, #tpu.memory_space<hbm>> -> memref<1x1x1x8x128xf32, #tpu.memory_space<hbm>>
      %dma_start3A_736 = tpu.memref_squeeze %dma_start3A_735 : memref<1x1x1x8x128xf32, #tpu.memory_space<hbm>> -> memref<8x128xf32, #tpu.memory_space<hbm>>
      %dma_start3A_737 = arith.constant 0 : i32
      %dma_start3A_738 = arith.constant 0 : i32
      %dma_start3A_739 = tpu.memref_slice %arg5[%add3A_698, %dma_start3A_729, %add3A_158, %dma_start3A_737, %dma_start3A_738] : memref<200x4x128x8x128xf32, #tpu.memory_space<hbm>> -> memref<1x1x1x8x128xf32, #tpu.memory_space<hbm>>
      %dma_start3A_740 = tpu.memref_squeeze %dma_start3A_739 : memref<1x1x1x8x128xf32, #tpu.memory_space<hbm>> -> memref<8x128xf32, #tpu.memory_space<hbm>>
      %dma_start3A_741 = arith.constant 16 : i32
      %dma_start3A_742 = arith.constant 0 : i32
      %dma_start3A_743 = tpu.memref_slice %arg11[%dma_start3A_741, %dma_start3A_742] : memref<32x129xf32, #tpu.memory_space<vmem>> -> memref<8x128xf32, #tpu.memory_space<vmem>>
      tpu.enqueue_dma source(%dma_start3A_743 : memref<8x128xf32, #tpu.memory_space<vmem>>) target(%dma_start3A_740 : memref<8x128xf32, #tpu.memory_space<hbm>>) target_semaphore(%arg15 : memref<!tpu.dma_semaphore, #tpu.memory_space<semaphore_mem>>)
      %dma_start3A_744 = arith.constant 3 : i32
      %dma_start3A_745 = arith.constant 24 : i32
      %dma_start3A_746 = arith.constant 0 : i32
      %dma_start3A_747 = tpu.memref_slice %arg11[%dma_start3A_745, %dma_start3A_746] : memref<32x129xf32, #tpu.memory_space<vmem>> -> memref<8x128xf32, #tpu.memory_space<vmem>>
      %dma_start3A_748 = arith.constant 0 : i32
      %dma_start3A_749 = arith.constant 0 : i32
      %dma_start3A_750 = tpu.memref_slice %arg5[%add3A_698, %dma_start3A_744, %add3A_158, %dma_start3A_748, %dma_start3A_749] : memref<200x4x128x8x128xf32, #tpu.memory_space<hbm>> -> memref<1x1x1x8x128xf32, #tpu.memory_space<hbm>>
      %dma_start3A_751 = tpu.memref_squeeze %dma_start3A_750 : memref<1x1x1x8x128xf32, #tpu.memory_space<hbm>> -> memref<8x128xf32, #tpu.memory_space<hbm>>
      %dma_start3A_752 = arith.constant 0 : i32
      %dma_start3A_753 = arith.constant 0 : i32
      %dma_start3A_754 = tpu.memref_slice %arg5[%add3A_698, %dma_start3A_744, %add3A_158, %dma_start3A_752, %dma_start3A_753] : memref<200x4x128x8x128xf32, #tpu.memory_space<hbm>> -> memref<1x1x1x8x128xf32, #tpu.memory_space<hbm>>
      %dma_start3A_755 = tpu.memref_squeeze %dma_start3A_754 : memref<1x1x1x8x128xf32, #tpu.memory_space<hbm>> -> memref<8x128xf32, #tpu.memory_space<hbm>>
      %dma_start3A_756 = arith.constant 24 : i32
      %dma_start3A_757 = arith.constant 0 : i32
      %dma_start3A_758 = tpu.memref_slice %arg11[%dma_start3A_756, %dma_start3A_757] : memref<32x129xf32, #tpu.memory_space<vmem>> -> memref<8x128xf32, #tpu.memory_space<vmem>>
      tpu.enqueue_dma source(%dma_start3A_758 : memref<8x128xf32, #tpu.memory_space<vmem>>) target(%dma_start3A_755 : memref<8x128xf32, #tpu.memory_space<hbm>>) target_semaphore(%arg15 : memref<!tpu.dma_semaphore, #tpu.memory_space<semaphore_mem>>)
      %dma_wait3A_759 = arith.constant 4 : i32
      %dma_wait3A_760 = arith.constant 0 : i32
      %dma_wait3A_761 = arith.constant 0 : i32
      %dma_wait3A_762 = tpu.memref_slice %arg9[%dma_wait3A_759, %dma_wait3A_760, %dma_wait3A_761] : memref<8x128x32xbf16, #tpu.memory_space<vmem>> -> memref<1x128x32xbf16, #tpu.memory_space<vmem>>
      %dma_wait3A_763 = tpu.memref_squeeze %dma_wait3A_762 : memref<1x128x32xbf16, #tpu.memory_space<vmem>> -> memref<128x32xbf16, #tpu.memory_space<vmem>>
      %dma_wait3A_764 = arith.constant 512 : i32
      %dma_wait3A_765 = tpu.memref_slice %arg8[%dma_wait3A_764] : memref<1024xi32, #tpu.memory_space<vmem>> -> memref<128xi32, #tpu.memory_space<vmem>>
      %dma_wait3A_766 = arith.constant 0 : i32
      %dma_wait3A_767 = arith.constant 0 : i32
      %dma_wait3A_768 = tpu.memref_slice %arg2[%dma_wait3A_766, %dma_wait3A_767] : memref<10240x32xbf16, #tpu.memory_space<hbm>> -> memref<10240x32xbf16, #tpu.memory_space<hbm>>
      tpu.wait_indirect_dma semaphore(%arg13 : memref<!tpu.dma_semaphore, #tpu.memory_space<semaphore_mem>>) src(%dma_wait3A_768 : memref<10240x32xbf16, #tpu.memory_space<hbm>>) dst(%dma_wait3A_763 : memref<128x32xbf16, #tpu.memory_space<vmem>>)
      %dma_wait3A_769 = arith.constant 0 : i32
      %dma_wait3A_770 = arith.constant 0 : i32
      %dma_wait3A_771 = arith.constant 0 : i32
      %dma_wait3A_772 = tpu.memref_slice %arg10[%dma_wait3A_770, %dma_wait3A_771] : memref<32x129xf32, #tpu.memory_space<vmem>> -> memref<8x128xf32, #tpu.memory_space<vmem>>
      %dma_wait3A_773 = arith.constant 0 : i32
      %dma_wait3A_774 = arith.constant 0 : i32
      %dma_wait3A_775 = tpu.memref_slice %arg5[%add3A_556, %dma_wait3A_769, %add3A_158, %dma_wait3A_773, %dma_wait3A_774] : memref<200x4x128x8x128xf32, #tpu.memory_space<hbm>> -> memref<1x1x1x8x128xf32, #tpu.memory_space<hbm>>
      %dma_wait3A_776 = tpu.memref_squeeze %dma_wait3A_775 : memref<1x1x1x8x128xf32, #tpu.memory_space<hbm>> -> memref<8x128xf32, #tpu.memory_space<hbm>>
      %dma_wait3A_777 = arith.constant 0 : i32
      %dma_wait3A_778 = arith.constant 0 : i32
      %dma_wait3A_779 = tpu.memref_slice %arg5[%add3A_556, %dma_wait3A_769, %add3A_158, %dma_wait3A_777, %dma_wait3A_778] : memref<200x4x128x8x128xf32, #tpu.memory_space<hbm>> -> memref<1x1x1x8x128xf32, #tpu.memory_space<hbm>>
      %dma_wait3A_780 = tpu.memref_squeeze %dma_wait3A_779 : memref<1x1x1x8x128xf32, #tpu.memory_space<hbm>> -> memref<8x128xf32, #tpu.memory_space<hbm>>
      %dma_wait3A_781 = arith.constant 0 : i32
      %dma_wait3A_782 = arith.constant 0 : i32
      %dma_wait3A_783 = tpu.memref_slice %arg10[%dma_wait3A_781, %dma_wait3A_782] : memref<32x129xf32, #tpu.memory_space<vmem>> -> memref<8x128xf32, #tpu.memory_space<vmem>>
      tpu.wait_dma2 semaphore(%arg14 : memref<!tpu.dma_semaphore, #tpu.memory_space<semaphore_mem>>) src(%dma_wait3A_783 : memref<8x128xf32, #tpu.memory_space<vmem>>) dst(%dma_wait3A_780 : memref<8x128xf32, #tpu.memory_space<hbm>>)
      %dma_wait3A_784 = arith.constant 1 : i32
      %dma_wait3A_785 = arith.constant 8 : i32
      %dma_wait3A_786 = arith.constant 0 : i32
      %dma_wait3A_787 = tpu.memref_slice %arg10[%dma_wait3A_785, %dma_wait3A_786] : memref<32x129xf32, #tpu.memory_space<vmem>> -> memref<8x128xf32, #tpu.memory_space<vmem>>
      %dma_wait3A_788 = arith.constant 0 : i32
      %dma_wait3A_789 = arith.constant 0 : i32
      %dma_wait3A_790 = tpu.memref_slice %arg5[%add3A_556, %dma_wait3A_784, %add3A_158, %dma_wait3A_788, %dma_wait3A_789] : memref<200x4x128x8x128xf32, #tpu.memory_space<hbm>> -> memref<1x1x1x8x128xf32, #tpu.memory_space<hbm>>
      %dma_wait3A_791 = tpu.memref_squeeze %dma_wait3A_790 : memref<1x1x1x8x128xf32, #tpu.memory_space<hbm>> -> memref<8x128xf32, #tpu.memory_space<hbm>>
      %dma_wait3A_792 = arith.constant 0 : i32
      %dma_wait3A_793 = arith.constant 0 : i32
      %dma_wait3A_794 = tpu.memref_slice %arg5[%add3A_556, %dma_wait3A_784, %add3A_158, %dma_wait3A_792, %dma_wait3A_793] : memref<200x4x128x8x128xf32, #tpu.memory_space<hbm>> -> memref<1x1x1x8x128xf32, #tpu.memory_space<hbm>>
      %dma_wait3A_795 = tpu.memref_squeeze %dma_wait3A_794 : memref<1x1x1x8x128xf32, #tpu.memory_space<hbm>> -> memref<8x128xf32, #tpu.memory_space<hbm>>
      %dma_wait3A_796 = arith.constant 8 : i32
      %dma_wait3A_797 = arith.constant 0 : i32
      %dma_wait3A_798 = tpu.memref_slice %arg10[%dma_wait3A_796, %dma_wait3A_797] : memref<32x129xf32, #tpu.memory_space<vmem>> -> memref<8x128xf32, #tpu.memory_space<vmem>>
      tpu.wait_dma2 semaphore(%arg14 : memref<!tpu.dma_semaphore, #tpu.memory_space<semaphore_mem>>) src(%dma_wait3A_798 : memref<8x128xf32, #tpu.memory_space<vmem>>) dst(%dma_wait3A_795 : memref<8x128xf32, #tpu.memory_space<hbm>>)
      %dma_wait3A_799 = arith.constant 2 : i32
      %dma_wait3A_800 = arith.constant 16 : i32
      %dma_wait3A_801 = arith.constant 0 : i32
      %dma_wait3A_802 = tpu.memref_slice %arg10[%dma_wait3A_800, %dma_wait3A_801] : memref<32x129xf32, #tpu.memory_space<vmem>> -> memref<8x128xf32, #tpu.memory_space<vmem>>
      %dma_wait3A_803 = arith.constant 0 : i32
      %dma_wait3A_804 = arith.constant 0 : i32
      %dma_wait3A_805 = tpu.memref_slice %arg5[%add3A_556, %dma_wait3A_799, %add3A_158, %dma_wait3A_803, %dma_wait3A_804] : memref<200x4x128x8x128xf32, #tpu.memory_space<hbm>> -> memref<1x1x1x8x128xf32, #tpu.memory_space<hbm>>
      %dma_wait3A_806 = tpu.memref_squeeze %dma_wait3A_805 : memref<1x1x1x8x128xf32, #tpu.memory_space<hbm>> -> memref<8x128xf32, #tpu.memory_space<hbm>>
      %dma_wait3A_807 = arith.constant 0 : i32
      %dma_wait3A_808 = arith.constant 0 : i32
      %dma_wait3A_809 = tpu.memref_slice %arg5[%add3A_556, %dma_wait3A_799, %add3A_158, %dma_wait3A_807, %dma_wait3A_808] : memref<200x4x128x8x128xf32, #tpu.memory_space<hbm>> -> memref<1x1x1x8x128xf32, #tpu.memory_space<hbm>>
      %dma_wait3A_810 = tpu.memref_squeeze %dma_wait3A_809 : memref<1x1x1x8x128xf32, #tpu.memory_space<hbm>> -> memref<8x128xf32, #tpu.memory_space<hbm>>
      %dma_wait3A_811 = arith.constant 16 : i32
      %dma_wait3A_812 = arith.constant 0 : i32
      %dma_wait3A_813 = tpu.memref_slice %arg10[%dma_wait3A_811, %dma_wait3A_812] : memref<32x129xf32, #tpu.memory_space<vmem>> -> memref<8x128xf32, #tpu.memory_space<vmem>>
      tpu.wait_dma2 semaphore(%arg14 : memref<!tpu.dma_semaphore, #tpu.memory_space<semaphore_mem>>) src(%dma_wait3A_813 : memref<8x128xf32, #tpu.memory_space<vmem>>) dst(%dma_wait3A_810 : memref<8x128xf32, #tpu.memory_space<hbm>>)
      %dma_wait3A_814 = arith.constant 3 : i32
      %dma_wait3A_815 = arith.constant 24 : i32
      %dma_wait3A_816 = arith.constant 0 : i32
      %dma_wait3A_817 = tpu.memref_slice %arg10[%dma_wait3A_815, %dma_wait3A_816] : memref<32x129xf32, #tpu.memory_space<vmem>> -> memref<8x128xf32, #tpu.memory_space<vmem>>
      %dma_wait3A_818 = arith.constant 0 : i32
      %dma_wait3A_819 = arith.constant 0 : i32
      %dma_wait3A_820 = tpu.memref_slice %arg5[%add3A_556, %dma_wait3A_814, %add3A_158, %dma_wait3A_818, %dma_wait3A_819] : memref<200x4x128x8x128xf32, #tpu.memory_space<hbm>> -> memref<1x1x1x8x128xf32, #tpu.memory_space<hbm>>
      %dma_wait3A_821 = tpu.memref_squeeze %dma_wait3A_820 : memref<1x1x1x8x128xf32, #tpu.memory_space<hbm>> -> memref<8x128xf32, #tpu.memory_space<hbm>>
      %dma_wait3A_822 = arith.constant 0 : i32
      %dma_wait3A_823 = arith.constant 0 : i32
      %dma_wait3A_824 = tpu.memref_slice %arg5[%add3A_556, %dma_wait3A_814, %add3A_158, %dma_wait3A_822, %dma_wait3A_823] : memref<200x4x128x8x128xf32, #tpu.memory_space<hbm>> -> memref<1x1x1x8x128xf32, #tpu.memory_space<hbm>>
      %dma_wait3A_825 = tpu.memref_squeeze %dma_wait3A_824 : memref<1x1x1x8x128xf32, #tpu.memory_space<hbm>> -> memref<8x128xf32, #tpu.memory_space<hbm>>
      %dma_wait3A_826 = arith.constant 24 : i32
      %dma_wait3A_827 = arith.constant 0 : i32
      %dma_wait3A_828 = tpu.memref_slice %arg10[%dma_wait3A_826, %dma_wait3A_827] : memref<32x129xf32, #tpu.memory_space<vmem>> -> memref<8x128xf32, #tpu.memory_space<vmem>>
      tpu.wait_dma2 semaphore(%arg14 : memref<!tpu.dma_semaphore, #tpu.memory_space<semaphore_mem>>) src(%dma_wait3A_828 : memref<8x128xf32, #tpu.memory_space<vmem>>) dst(%dma_wait3A_825 : memref<8x128xf32, #tpu.memory_space<hbm>>)
      %broadcast_in_dim3A_829 = arith.constant 0 : i32
      %broadcast_in_dim3A_830 = vector.broadcast %broadcast_in_dim3A_829 : i32 to vector<16xi32>
      %scan3A_831 = arith.constant 0 : i32
      %scan3A_832 = arith.constant 128 : i32
      %scan3A_833 = arith.addi %scan3A_831, %scan3A_832 : i32
      %scan3A_834 = arith.constant 4 : i32
      %scan3A_835 = scf.for %scan3A_1448 = %scan3A_831 to %scan3A_833 step %scan3A_834 iter_args(%scan3A_1449 = %broadcast_in_dim3A_830) -> (vector<16xi32>)  : i32 {
        %get3A = arith.constant 4 : i32
        %get3A_1450 = arith.index_cast %get3A : i32 to index
        %get3A_1451 = arith.index_cast %scan3A_1448 : i32 to index
        %get3A_1452 = arith.constant 0 : index
        %get3A_1453 = tpu.vector_load %arg9[%get3A_1450, %get3A_1451, %get3A_1452] {strides = array<i32>} : memref<8x128x32xbf16, #tpu.memory_space<vmem>>, vector<32xbf16>,
        %unpack3A = tpu.unpack_subelements %get3A_1453, 0 {pack_format = #tpu.pack_format<interleaved>} : vector<32xbf16> -> vector<16xf32>
        %unpack3A_1454 = tpu.unpack_subelements %get3A_1453, 1 {pack_format = #tpu.pack_format<interleaved>} : vector<32xbf16> -> vector<16xf32>
        tpu.vector_store_idx %arg10[%iota3A, %scan3A_1449], %unpack3A : memref<32x129xf32, #tpu.memory_space<vmem>>[vector<16xi32>, vector<16xi32>], vector<16xf32>,
        tpu.vector_store_idx %arg10[%add3A_6, %scan3A_1449], %unpack3A_1454 : memref<32x129xf32, #tpu.memory_space<vmem>>[vector<16xi32>, vector<16xi32>], vector<16xf32>,
        %add3A_1455 = arith.addi %scan3A_1449, %broadcast_in_dim3A_1 : vector<16xi32>
        %scan3A_1456 = arith.constant 1 : i32
        %scan3A_1457 = arith.addi %scan3A_1448, %scan3A_1456 : i32
        %get3A_1458 = arith.constant 4 : i32
        %get3A_1459 = arith.index_cast %get3A_1458 : i32 to index
        %get3A_1460 = arith.index_cast %scan3A_1457 : i32 to index
        %get3A_1461 = arith.constant 0 : index
        %get3A_1462 = tpu.vector_load %arg9[%get3A_1459, %get3A_1460, %get3A_1461] {strides = array<i32>} : memref<8x128x32xbf16, #tpu.memory_space<vmem>>, vector<32xbf16>,
        %unpack3A_1463 = tpu.unpack_subelements %get3A_1462, 0 {pack_format = #tpu.pack_format<interleaved>} : vector<32xbf16> -> vector<16xf32>
        %unpack3A_1464 = tpu.unpack_subelements %get3A_1462, 1 {pack_format = #tpu.pack_format<interleaved>} : vector<32xbf16> -> vector<16xf32>
        tpu.vector_store_idx %arg10[%iota3A, %add3A_1455], %unpack3A_1463 : memref<32x129xf32, #tpu.memory_space<vmem>>[vector<16xi32>, vector<16xi32>], vector<16xf32>,
        tpu.vector_store_idx %arg10[%add3A_6, %add3A_1455], %unpack3A_1464 : memref<32x129xf32, #tpu.memory_space<vmem>>[vector<16xi32>, vector<16xi32>], vector<16xf32>,
        %add3A_1465 = arith.addi %add3A_1455, %broadcast_in_dim3A_1 : vector<16xi32>
        %scan3A_1466 = arith.constant 2 : i32
        %scan3A_1467 = arith.addi %scan3A_1448, %scan3A_1466 : i32
        %get3A_1468 = arith.constant 4 : i32
        %get3A_1469 = arith.index_cast %get3A_1468 : i32 to index
        %get3A_1470 = arith.index_cast %scan3A_1467 : i32 to index
        %get3A_1471 = arith.constant 0 : index
        %get3A_1472 = tpu.vector_load %arg9[%get3A_1469, %get3A_1470, %get3A_1471] {strides = array<i32>} : memref<8x128x32xbf16, #tpu.memory_space<vmem>>, vector<32xbf16>,
        %unpack3A_1473 = tpu.unpack_subelements %get3A_1472, 0 {pack_format = #tpu.pack_format<interleaved>} : vector<32xbf16> -> vector<16xf32>
        %unpack3A_1474 = tpu.unpack_subelements %get3A_1472, 1 {pack_format = #tpu.pack_format<interleaved>} : vector<32xbf16> -> vector<16xf32>
        tpu.vector_store_idx %arg10[%iota3A, %add3A_1465], %unpack3A_1473 : memref<32x129xf32, #tpu.memory_space<vmem>>[vector<16xi32>, vector<16xi32>], vector<16xf32>,
        tpu.vector_store_idx %arg10[%add3A_6, %add3A_1465], %unpack3A_1474 : memref<32x129xf32, #tpu.memory_space<vmem>>[vector<16xi32>, vector<16xi32>], vector<16xf32>,
        %add3A_1475 = arith.addi %add3A_1465, %broadcast_in_dim3A_1 : vector<16xi32>
        %scan3A_1476 = arith.constant 3 : i32
        %scan3A_1477 = arith.addi %scan3A_1448, %scan3A_1476 : i32
        %get3A_1478 = arith.constant 4 : i32
        %get3A_1479 = arith.index_cast %get3A_1478 : i32 to index
        %get3A_1480 = arith.index_cast %scan3A_1477 : i32 to index
        %get3A_1481 = arith.constant 0 : index
        %get3A_1482 = tpu.vector_load %arg9[%get3A_1479, %get3A_1480, %get3A_1481] {strides = array<i32>} : memref<8x128x32xbf16, #tpu.memory_space<vmem>>, vector<32xbf16>,
        %unpack3A_1483 = tpu.unpack_subelements %get3A_1482, 0 {pack_format = #tpu.pack_format<interleaved>} : vector<32xbf16> -> vector<16xf32>
        %unpack3A_1484 = tpu.unpack_subelements %get3A_1482, 1 {pack_format = #tpu.pack_format<interleaved>} : vector<32xbf16> -> vector<16xf32>
        tpu.vector_store_idx %arg10[%iota3A, %add3A_1475], %unpack3A_1483 : memref<32x129xf32, #tpu.memory_space<vmem>>[vector<16xi32>, vector<16xi32>], vector<16xf32>,
        tpu.vector_store_idx %arg10[%add3A_6, %add3A_1475], %unpack3A_1484 : memref<32x129xf32, #tpu.memory_space<vmem>>[vector<16xi32>, vector<16xi32>], vector<16xf32>,
        %add3A_1485 = arith.addi %add3A_1475, %broadcast_in_dim3A_1 : vector<16xi32>
        scf.yield %add3A_1485 : vector<16xi32>
      }
      %scan3A_836 = arith.constant 128 : i32
      %mul3A_837 = arith.constant 8 : i32
      %mul3A_838 = arith.muli %select_n3A_139, %mul3A_837 : i32
      %add3A_839 = arith.constant 4 : i32
      %add3A_840 = arith.addi %mul3A_838, %add3A_839 : i32
      %dma_start3A_841 = arith.constant 0 : i32
      %dma_start3A_842 = arith.constant 0 : i32
      %dma_start3A_843 = arith.constant 0 : i32
      %dma_start3A_844 = tpu.memref_slice %arg10[%dma_start3A_842, %dma_start3A_843] : memref<32x129xf32, #tpu.memory_space<vmem>> -> memref<8x128xf32, #tpu.memory_space<vmem>>
      %dma_start3A_845 = arith.constant 0 : i32
      %dma_start3A_846 = arith.constant 0 : i32
      %dma_start3A_847 = tpu.memref_slice %arg5[%add3A_840, %dma_start3A_841, %add3A_158, %dma_start3A_845, %dma_start3A_846] : memref<200x4x128x8x128xf32, #tpu.memory_space<hbm>> -> memref<1x1x1x8x128xf32, #tpu.memory_space<hbm>>
      %dma_start3A_848 = tpu.memref_squeeze %dma_start3A_847 : memref<1x1x1x8x128xf32, #tpu.memory_space<hbm>> -> memref<8x128xf32, #tpu.memory_space<hbm>>
      %dma_start3A_849 = arith.constant 0 : i32
      %dma_start3A_850 = arith.constant 0 : i32
      %dma_start3A_851 = tpu.memref_slice %arg5[%add3A_840, %dma_start3A_841, %add3A_158, %dma_start3A_849, %dma_start3A_850] : memref<200x4x128x8x128xf32, #tpu.memory_space<hbm>> -> memref<1x1x1x8x128xf32, #tpu.memory_space<hbm>>
      %dma_start3A_852 = tpu.memref_squeeze %dma_start3A_851 : memref<1x1x1x8x128xf32, #tpu.memory_space<hbm>> -> memref<8x128xf32, #tpu.memory_space<hbm>>
      %dma_start3A_853 = arith.constant 0 : i32
      %dma_start3A_854 = arith.constant 0 : i32
      %dma_start3A_855 = tpu.memref_slice %arg10[%dma_start3A_853, %dma_start3A_854] : memref<32x129xf32, #tpu.memory_space<vmem>> -> memref<8x128xf32, #tpu.memory_space<vmem>>
      tpu.enqueue_dma source(%dma_start3A_855 : memref<8x128xf32, #tpu.memory_space<vmem>>) target(%dma_start3A_852 : memref<8x128xf32, #tpu.memory_space<hbm>>) target_semaphore(%arg14 : memref<!tpu.dma_semaphore, #tpu.memory_space<semaphore_mem>>)
      %dma_start3A_856 = arith.constant 1 : i32
      %dma_start3A_857 = arith.constant 8 : i32
      %dma_start3A_858 = arith.constant 0 : i32
      %dma_start3A_859 = tpu.memref_slice %arg10[%dma_start3A_857, %dma_start3A_858] : memref<32x129xf32, #tpu.memory_space<vmem>> -> memref<8x128xf32, #tpu.memory_space<vmem>>
      %dma_start3A_860 = arith.constant 0 : i32
      %dma_start3A_861 = arith.constant 0 : i32
      %dma_start3A_862 = tpu.memref_slice %arg5[%add3A_840, %dma_start3A_856, %add3A_158, %dma_start3A_860, %dma_start3A_861] : memref<200x4x128x8x128xf32, #tpu.memory_space<hbm>> -> memref<1x1x1x8x128xf32, #tpu.memory_space<hbm>>
      %dma_start3A_863 = tpu.memref_squeeze %dma_start3A_862 : memref<1x1x1x8x128xf32, #tpu.memory_space<hbm>> -> memref<8x128xf32, #tpu.memory_space<hbm>>
      %dma_start3A_864 = arith.constant 0 : i32
      %dma_start3A_865 = arith.constant 0 : i32
      %dma_start3A_866 = tpu.memref_slice %arg5[%add3A_840, %dma_start3A_856, %add3A_158, %dma_start3A_864, %dma_start3A_865] : memref<200x4x128x8x128xf32, #tpu.memory_space<hbm>> -> memref<1x1x1x8x128xf32, #tpu.memory_space<hbm>>
      %dma_start3A_867 = tpu.memref_squeeze %dma_start3A_866 : memref<1x1x1x8x128xf32, #tpu.memory_space<hbm>> -> memref<8x128xf32, #tpu.memory_space<hbm>>
      %dma_start3A_868 = arith.constant 8 : i32
      %dma_start3A_869 = arith.constant 0 : i32
      %dma_start3A_870 = tpu.memref_slice %arg10[%dma_start3A_868, %dma_start3A_869] : memref<32x129xf32, #tpu.memory_space<vmem>> -> memref<8x128xf32, #tpu.memory_space<vmem>>
      tpu.enqueue_dma source(%dma_start3A_870 : memref<8x128xf32, #tpu.memory_space<vmem>>) target(%dma_start3A_867 : memref<8x128xf32, #tpu.memory_space<hbm>>) target_semaphore(%arg14 : memref<!tpu.dma_semaphore, #tpu.memory_space<semaphore_mem>>)
      %dma_start3A_871 = arith.constant 2 : i32
      %dma_start3A_872 = arith.constant 16 : i32
      %dma_start3A_873 = arith.constant 0 : i32
      %dma_start3A_874 = tpu.memref_slice %arg10[%dma_start3A_872, %dma_start3A_873] : memref<32x129xf32, #tpu.memory_space<vmem>> -> memref<8x128xf32, #tpu.memory_space<vmem>>
      %dma_start3A_875 = arith.constant 0 : i32
      %dma_start3A_876 = arith.constant 0 : i32
      %dma_start3A_877 = tpu.memref_slice %arg5[%add3A_840, %dma_start3A_871, %add3A_158, %dma_start3A_875, %dma_start3A_876] : memref<200x4x128x8x128xf32, #tpu.memory_space<hbm>> -> memref<1x1x1x8x128xf32, #tpu.memory_space<hbm>>
      %dma_start3A_878 = tpu.memref_squeeze %dma_start3A_877 : memref<1x1x1x8x128xf32, #tpu.memory_space<hbm>> -> memref<8x128xf32, #tpu.memory_space<hbm>>
      %dma_start3A_879 = arith.constant 0 : i32
      %dma_start3A_880 = arith.constant 0 : i32
      %dma_start3A_881 = tpu.memref_slice %arg5[%add3A_840, %dma_start3A_871, %add3A_158, %dma_start3A_879, %dma_start3A_880] : memref<200x4x128x8x128xf32, #tpu.memory_space<hbm>> -> memref<1x1x1x8x128xf32, #tpu.memory_space<hbm>>
      %dma_start3A_882 = tpu.memref_squeeze %dma_start3A_881 : memref<1x1x1x8x128xf32, #tpu.memory_space<hbm>> -> memref<8x128xf32, #tpu.memory_space<hbm>>
      %dma_start3A_883 = arith.constant 16 : i32
      %dma_start3A_884 = arith.constant 0 : i32
      %dma_start3A_885 = tpu.memref_slice %arg10[%dma_start3A_883, %dma_start3A_884] : memref<32x129xf32, #tpu.memory_space<vmem>> -> memref<8x128xf32, #tpu.memory_space<vmem>>
      tpu.enqueue_dma source(%dma_start3A_885 : memref<8x128xf32, #tpu.memory_space<vmem>>) target(%dma_start3A_882 : memref<8x128xf32, #tpu.memory_space<hbm>>) target_semaphore(%arg14 : memref<!tpu.dma_semaphore, #tpu.memory_space<semaphore_mem>>)
      %dma_start3A_886 = arith.constant 3 : i32
      %dma_start3A_887 = arith.constant 24 : i32
      %dma_start3A_888 = arith.constant 0 : i32
      %dma_start3A_889 = tpu.memref_slice %arg10[%dma_start3A_887, %dma_start3A_888] : memref<32x129xf32, #tpu.memory_space<vmem>> -> memref<8x128xf32, #tpu.memory_space<vmem>>
      %dma_start3A_890 = arith.constant 0 : i32
      %dma_start3A_891 = arith.constant 0 : i32
      %dma_start3A_892 = tpu.memref_slice %arg5[%add3A_840, %dma_start3A_886, %add3A_158, %dma_start3A_890, %dma_start3A_891] : memref<200x4x128x8x128xf32, #tpu.memory_space<hbm>> -> memref<1x1x1x8x128xf32, #tpu.memory_space<hbm>>
      %dma_start3A_893 = tpu.memref_squeeze %dma_start3A_892 : memref<1x1x1x8x128xf32, #tpu.memory_space<hbm>> -> memref<8x128xf32, #tpu.memory_space<hbm>>
      %dma_start3A_894 = arith.constant 0 : i32
      %dma_start3A_895 = arith.constant 0 : i32
      %dma_start3A_896 = tpu.memref_slice %arg5[%add3A_840, %dma_start3A_886, %add3A_158, %dma_start3A_894, %dma_start3A_895] : memref<200x4x128x8x128xf32, #tpu.memory_space<hbm>> -> memref<1x1x1x8x128xf32, #tpu.memory_space<hbm>>
      %dma_start3A_897 = tpu.memref_squeeze %dma_start3A_896 : memref<1x1x1x8x128xf32, #tpu.memory_space<hbm>> -> memref<8x128xf32, #tpu.memory_space<hbm>>
      %dma_start3A_898 = arith.constant 24 : i32
      %dma_start3A_899 = arith.constant 0 : i32
      %dma_start3A_900 = tpu.memref_slice %arg10[%dma_start3A_898, %dma_start3A_899] : memref<32x129xf32, #tpu.memory_space<vmem>> -> memref<8x128xf32, #tpu.memory_space<vmem>>
      tpu.enqueue_dma source(%dma_start3A_900 : memref<8x128xf32, #tpu.memory_space<vmem>>) target(%dma_start3A_897 : memref<8x128xf32, #tpu.memory_space<hbm>>) target_semaphore(%arg14 : memref<!tpu.dma_semaphore, #tpu.memory_space<semaphore_mem>>)
      %dma_wait3A_901 = arith.constant 5 : i32
      %dma_wait3A_902 = arith.constant 0 : i32
      %dma_wait3A_903 = arith.constant 0 : i32
      %dma_wait3A_904 = tpu.memref_slice %arg9[%dma_wait3A_901, %dma_wait3A_902, %dma_wait3A_903] : memref<8x128x32xbf16, #tpu.memory_space<vmem>> -> memref<1x128x32xbf16, #tpu.memory_space<vmem>>
      %dma_wait3A_905 = tpu.memref_squeeze %dma_wait3A_904 : memref<1x128x32xbf16, #tpu.memory_space<vmem>> -> memref<128x32xbf16, #tpu.memory_space<vmem>>
      %dma_wait3A_906 = arith.constant 640 : i32
      %dma_wait3A_907 = tpu.memref_slice %arg8[%dma_wait3A_906] : memref<1024xi32, #tpu.memory_space<vmem>> -> memref<128xi32, #tpu.memory_space<vmem>>
      %dma_wait3A_908 = arith.constant 0 : i32
      %dma_wait3A_909 = arith.constant 0 : i32
      %dma_wait3A_910 = tpu.memref_slice %arg2[%dma_wait3A_908, %dma_wait3A_909] : memref<10240x32xbf16, #tpu.memory_space<hbm>> -> memref<10240x32xbf16, #tpu.memory_space<hbm>>
      tpu.wait_indirect_dma semaphore(%arg13 : memref<!tpu.dma_semaphore, #tpu.memory_space<semaphore_mem>>) src(%dma_wait3A_910 : memref<10240x32xbf16, #tpu.memory_space<hbm>>) dst(%dma_wait3A_905 : memref<128x32xbf16, #tpu.memory_space<vmem>>)
      %dma_wait3A_911 = arith.constant 0 : i32
      %dma_wait3A_912 = arith.constant 0 : i32
      %dma_wait3A_913 = arith.constant 0 : i32
      %dma_wait3A_914 = tpu.memref_slice %arg11[%dma_wait3A_912, %dma_wait3A_913] : memref<32x129xf32, #tpu.memory_space<vmem>> -> memref<8x128xf32, #tpu.memory_space<vmem>>
      %dma_wait3A_915 = arith.constant 0 : i32
      %dma_wait3A_916 = arith.constant 0 : i32
      %dma_wait3A_917 = tpu.memref_slice %arg5[%add3A_698, %dma_wait3A_911, %add3A_158, %dma_wait3A_915, %dma_wait3A_916] : memref<200x4x128x8x128xf32, #tpu.memory_space<hbm>> -> memref<1x1x1x8x128xf32, #tpu.memory_space<hbm>>
      %dma_wait3A_918 = tpu.memref_squeeze %dma_wait3A_917 : memref<1x1x1x8x128xf32, #tpu.memory_space<hbm>> -> memref<8x128xf32, #tpu.memory_space<hbm>>
      %dma_wait3A_919 = arith.constant 0 : i32
      %dma_wait3A_920 = arith.constant 0 : i32
      %dma_wait3A_921 = tpu.memref_slice %arg5[%add3A_698, %dma_wait3A_911, %add3A_158, %dma_wait3A_919, %dma_wait3A_920] : memref<200x4x128x8x128xf32, #tpu.memory_space<hbm>> -> memref<1x1x1x8x128xf32, #tpu.memory_space<hbm>>
      %dma_wait3A_922 = tpu.memref_squeeze %dma_wait3A_921 : memref<1x1x1x8x128xf32, #tpu.memory_space<hbm>> -> memref<8x128xf32, #tpu.memory_space<hbm>>
      %dma_wait3A_923 = arith.constant 0 : i32
      %dma_wait3A_924 = arith.constant 0 : i32
      %dma_wait3A_925 = tpu.memref_slice %arg11[%dma_wait3A_923, %dma_wait3A_924] : memref<32x129xf32, #tpu.memory_space<vmem>> -> memref<8x128xf32, #tpu.memory_space<vmem>>
      tpu.wait_dma2 semaphore(%arg15 : memref<!tpu.dma_semaphore, #tpu.memory_space<semaphore_mem>>) src(%dma_wait3A_925 : memref<8x128xf32, #tpu.memory_space<vmem>>) dst(%dma_wait3A_922 : memref<8x128xf32, #tpu.memory_space<hbm>>)
      %dma_wait3A_926 = arith.constant 1 : i32
      %dma_wait3A_927 = arith.constant 8 : i32
      %dma_wait3A_928 = arith.constant 0 : i32
      %dma_wait3A_929 = tpu.memref_slice %arg11[%dma_wait3A_927, %dma_wait3A_928] : memref<32x129xf32, #tpu.memory_space<vmem>> -> memref<8x128xf32, #tpu.memory_space<vmem>>
      %dma_wait3A_930 = arith.constant 0 : i32
      %dma_wait3A_931 = arith.constant 0 : i32
      %dma_wait3A_932 = tpu.memref_slice %arg5[%add3A_698, %dma_wait3A_926, %add3A_158, %dma_wait3A_930, %dma_wait3A_931] : memref<200x4x128x8x128xf32, #tpu.memory_space<hbm>> -> memref<1x1x1x8x128xf32, #tpu.memory_space<hbm>>
      %dma_wait3A_933 = tpu.memref_squeeze %dma_wait3A_932 : memref<1x1x1x8x128xf32, #tpu.memory_space<hbm>> -> memref<8x128xf32, #tpu.memory_space<hbm>>
      %dma_wait3A_934 = arith.constant 0 : i32
      %dma_wait3A_935 = arith.constant 0 : i32
      %dma_wait3A_936 = tpu.memref_slice %arg5[%add3A_698, %dma_wait3A_926, %add3A_158, %dma_wait3A_934, %dma_wait3A_935] : memref<200x4x128x8x128xf32, #tpu.memory_space<hbm>> -> memref<1x1x1x8x128xf32, #tpu.memory_space<hbm>>
      %dma_wait3A_937 = tpu.memref_squeeze %dma_wait3A_936 : memref<1x1x1x8x128xf32, #tpu.memory_space<hbm>> -> memref<8x128xf32, #tpu.memory_space<hbm>>
      %dma_wait3A_938 = arith.constant 8 : i32
      %dma_wait3A_939 = arith.constant 0 : i32
      %dma_wait3A_940 = tpu.memref_slice %arg11[%dma_wait3A_938, %dma_wait3A_939] : memref<32x129xf32, #tpu.memory_space<vmem>> -> memref<8x128xf32, #tpu.memory_space<vmem>>
      tpu.wait_dma2 semaphore(%arg15 : memref<!tpu.dma_semaphore, #tpu.memory_space<semaphore_mem>>) src(%dma_wait3A_940 : memref<8x128xf32, #tpu.memory_space<vmem>>) dst(%dma_wait3A_937 : memref<8x128xf32, #tpu.memory_space<hbm>>)
      %dma_wait3A_941 = arith.constant 2 : i32
      %dma_wait3A_942 = arith.constant 16 : i32
      %dma_wait3A_943 = arith.constant 0 : i32
      %dma_wait3A_944 = tpu.memref_slice %arg11[%dma_wait3A_942, %dma_wait3A_943] : memref<32x129xf32, #tpu.memory_space<vmem>> -> memref<8x128xf32, #tpu.memory_space<vmem>>
      %dma_wait3A_945 = arith.constant 0 : i32
      %dma_wait3A_946 = arith.constant 0 : i32
      %dma_wait3A_947 = tpu.memref_slice %arg5[%add3A_698, %dma_wait3A_941, %add3A_158, %dma_wait3A_945, %dma_wait3A_946] : memref<200x4x128x8x128xf32, #tpu.memory_space<hbm>> -> memref<1x1x1x8x128xf32, #tpu.memory_space<hbm>>
      %dma_wait3A_948 = tpu.memref_squeeze %dma_wait3A_947 : memref<1x1x1x8x128xf32, #tpu.memory_space<hbm>> -> memref<8x128xf32, #tpu.memory_space<hbm>>
      %dma_wait3A_949 = arith.constant 0 : i32
      %dma_wait3A_950 = arith.constant 0 : i32
      %dma_wait3A_951 = tpu.memref_slice %arg5[%add3A_698, %dma_wait3A_941, %add3A_158, %dma_wait3A_949, %dma_wait3A_950] : memref<200x4x128x8x128xf32, #tpu.memory_space<hbm>> -> memref<1x1x1x8x128xf32, #tpu.memory_space<hbm>>
      %dma_wait3A_952 = tpu.memref_squeeze %dma_wait3A_951 : memref<1x1x1x8x128xf32, #tpu.memory_space<hbm>> -> memref<8x128xf32, #tpu.memory_space<hbm>>
      %dma_wait3A_953 = arith.constant 16 : i32
      %dma_wait3A_954 = arith.constant 0 : i32
      %dma_wait3A_955 = tpu.memref_slice %arg11[%dma_wait3A_953, %dma_wait3A_954] : memref<32x129xf32, #tpu.memory_space<vmem>> -> memref<8x128xf32, #tpu.memory_space<vmem>>
      tpu.wait_dma2 semaphore(%arg15 : memref<!tpu.dma_semaphore, #tpu.memory_space<semaphore_mem>>) src(%dma_wait3A_955 : memref<8x128xf32, #tpu.memory_space<vmem>>) dst(%dma_wait3A_952 : memref<8x128xf32, #tpu.memory_space<hbm>>)
      %dma_wait3A_956 = arith.constant 3 : i32
      %dma_wait3A_957 = arith.constant 24 : i32
      %dma_wait3A_958 = arith.constant 0 : i32
      %dma_wait3A_959 = tpu.memref_slice %arg11[%dma_wait3A_957, %dma_wait3A_958] : memref<32x129xf32, #tpu.memory_space<vmem>> -> memref<8x128xf32, #tpu.memory_space<vmem>>
      %dma_wait3A_960 = arith.constant 0 : i32
      %dma_wait3A_961 = arith.constant 0 : i32
      %dma_wait3A_962 = tpu.memref_slice %arg5[%add3A_698, %dma_wait3A_956, %add3A_158, %dma_wait3A_960, %dma_wait3A_961] : memref<200x4x128x8x128xf32, #tpu.memory_space<hbm>> -> memref<1x1x1x8x128xf32, #tpu.memory_space<hbm>>
      %dma_wait3A_963 = tpu.memref_squeeze %dma_wait3A_962 : memref<1x1x1x8x128xf32, #tpu.memory_space<hbm>> -> memref<8x128xf32, #tpu.memory_space<hbm>>
      %dma_wait3A_964 = arith.constant 0 : i32
      %dma_wait3A_965 = arith.constant 0 : i32
      %dma_wait3A_966 = tpu.memref_slice %arg5[%add3A_698, %dma_wait3A_956, %add3A_158, %dma_wait3A_964, %dma_wait3A_965] : memref<200x4x128x8x128xf32, #tpu.memory_space<hbm>> -> memref<1x1x1x8x128xf32, #tpu.memory_space<hbm>>
      %dma_wait3A_967 = tpu.memref_squeeze %dma_wait3A_966 : memref<1x1x1x8x128xf32, #tpu.memory_space<hbm>> -> memref<8x128xf32, #tpu.memory_space<hbm>>
      %dma_wait3A_968 = arith.constant 24 : i32
      %dma_wait3A_969 = arith.constant 0 : i32
      %dma_wait3A_970 = tpu.memref_slice %arg11[%dma_wait3A_968, %dma_wait3A_969] : memref<32x129xf32, #tpu.memory_space<vmem>> -> memref<8x128xf32, #tpu.memory_space<vmem>>
      tpu.wait_dma2 semaphore(%arg15 : memref<!tpu.dma_semaphore, #tpu.memory_space<semaphore_mem>>) src(%dma_wait3A_970 : memref<8x128xf32, #tpu.memory_space<vmem>>) dst(%dma_wait3A_967 : memref<8x128xf32, #tpu.memory_space<hbm>>)
      %broadcast_in_dim3A_971 = arith.constant 0 : i32
      %broadcast_in_dim3A_972 = vector.broadcast %broadcast_in_dim3A_971 : i32 to vector<16xi32>
      %scan3A_973 = arith.constant 0 : i32
      %scan3A_974 = arith.constant 128 : i32
      %scan3A_975 = arith.addi %scan3A_973, %scan3A_974 : i32
      %scan3A_976 = arith.constant 4 : i32
      %scan3A_977 = scf.for %scan3A_1448 = %scan3A_973 to %scan3A_975 step %scan3A_976 iter_args(%scan3A_1449 = %broadcast_in_dim3A_972) -> (vector<16xi32>)  : i32 {
        %get3A = arith.constant 5 : i32
        %get3A_1450 = arith.index_cast %get3A : i32 to index
        %get3A_1451 = arith.index_cast %scan3A_1448 : i32 to index
        %get3A_1452 = arith.constant 0 : index
        %get3A_1453 = tpu.vector_load %arg9[%get3A_1450, %get3A_1451, %get3A_1452] {strides = array<i32>} : memref<8x128x32xbf16, #tpu.memory_space<vmem>>, vector<32xbf16>,
        %unpack3A = tpu.unpack_subelements %get3A_1453, 0 {pack_format = #tpu.pack_format<interleaved>} : vector<32xbf16> -> vector<16xf32>
        %unpack3A_1454 = tpu.unpack_subelements %get3A_1453, 1 {pack_format = #tpu.pack_format<interleaved>} : vector<32xbf16> -> vector<16xf32>
        tpu.vector_store_idx %arg11[%iota3A, %scan3A_1449], %unpack3A : memref<32x129xf32, #tpu.memory_space<vmem>>[vector<16xi32>, vector<16xi32>], vector<16xf32>,
        tpu.vector_store_idx %arg11[%add3A_6, %scan3A_1449], %unpack3A_1454 : memref<32x129xf32, #tpu.memory_space<vmem>>[vector<16xi32>, vector<16xi32>], vector<16xf32>,
        %add3A_1455 = arith.addi %scan3A_1449, %broadcast_in_dim3A_1 : vector<16xi32>
        %scan3A_1456 = arith.constant 1 : i32
        %scan3A_1457 = arith.addi %scan3A_1448, %scan3A_1456 : i32
        %get3A_1458 = arith.constant 5 : i32
        %get3A_1459 = arith.index_cast %get3A_1458 : i32 to index
        %get3A_1460 = arith.index_cast %scan3A_1457 : i32 to index
        %get3A_1461 = arith.constant 0 : index
        %get3A_1462 = tpu.vector_load %arg9[%get3A_1459, %get3A_1460, %get3A_1461] {strides = array<i32>} : memref<8x128x32xbf16, #tpu.memory_space<vmem>>, vector<32xbf16>,
        %unpack3A_1463 = tpu.unpack_subelements %get3A_1462, 0 {pack_format = #tpu.pack_format<interleaved>} : vector<32xbf16> -> vector<16xf32>
        %unpack3A_1464 = tpu.unpack_subelements %get3A_1462, 1 {pack_format = #tpu.pack_format<interleaved>} : vector<32xbf16> -> vector<16xf32>
        tpu.vector_store_idx %arg11[%iota3A, %add3A_1455], %unpack3A_1463 : memref<32x129xf32, #tpu.memory_space<vmem>>[vector<16xi32>, vector<16xi32>], vector<16xf32>,
        tpu.vector_store_idx %arg11[%add3A_6, %add3A_1455], %unpack3A_1464 : memref<32x129xf32, #tpu.memory_space<vmem>>[vector<16xi32>, vector<16xi32>], vector<16xf32>,
        %add3A_1465 = arith.addi %add3A_1455, %broadcast_in_dim3A_1 : vector<16xi32>
        %scan3A_1466 = arith.constant 2 : i32
        %scan3A_1467 = arith.addi %scan3A_1448, %scan3A_1466 : i32
        %get3A_1468 = arith.constant 5 : i32
        %get3A_1469 = arith.index_cast %get3A_1468 : i32 to index
        %get3A_1470 = arith.index_cast %scan3A_1467 : i32 to index
        %get3A_1471 = arith.constant 0 : index
        %get3A_1472 = tpu.vector_load %arg9[%get3A_1469, %get3A_1470, %get3A_1471] {strides = array<i32>} : memref<8x128x32xbf16, #tpu.memory_space<vmem>>, vector<32xbf16>,
        %unpack3A_1473 = tpu.unpack_subelements %get3A_1472, 0 {pack_format = #tpu.pack_format<interleaved>} : vector<32xbf16> -> vector<16xf32>
        %unpack3A_1474 = tpu.unpack_subelements %get3A_1472, 1 {pack_format = #tpu.pack_format<interleaved>} : vector<32xbf16> -> vector<16xf32>
        tpu.vector_store_idx %arg11[%iota3A, %add3A_1465], %unpack3A_1473 : memref<32x129xf32, #tpu.memory_space<vmem>>[vector<16xi32>, vector<16xi32>], vector<16xf32>,
        tpu.vector_store_idx %arg11[%add3A_6, %add3A_1465], %unpack3A_1474 : memref<32x129xf32, #tpu.memory_space<vmem>>[vector<16xi32>, vector<16xi32>], vector<16xf32>,
        %add3A_1475 = arith.addi %add3A_1465, %broadcast_in_dim3A_1 : vector<16xi32>
        %scan3A_1476 = arith.constant 3 : i32
        %scan3A_1477 = arith.addi %scan3A_1448, %scan3A_1476 : i32
        %get3A_1478 = arith.constant 5 : i32
        %get3A_1479 = arith.index_cast %get3A_1478 : i32 to index
        %get3A_1480 = arith.index_cast %scan3A_1477 : i32 to index
        %get3A_1481 = arith.constant 0 : index
        %get3A_1482 = tpu.vector_load %arg9[%get3A_1479, %get3A_1480, %get3A_1481] {strides = array<i32>} : memref<8x128x32xbf16, #tpu.memory_space<vmem>>, vector<32xbf16>,
        %unpack3A_1483 = tpu.unpack_subelements %get3A_1482, 0 {pack_format = #tpu.pack_format<interleaved>} : vector<32xbf16> -> vector<16xf32>
        %unpack3A_1484 = tpu.unpack_subelements %get3A_1482, 1 {pack_format = #tpu.pack_format<interleaved>} : vector<32xbf16> -> vector<16xf32>
        tpu.vector_store_idx %arg11[%iota3A, %add3A_1475], %unpack3A_1483 : memref<32x129xf32, #tpu.memory_space<vmem>>[vector<16xi32>, vector<16xi32>], vector<16xf32>,
        tpu.vector_store_idx %arg11[%add3A_6, %add3A_1475], %unpack3A_1484 : memref<32x129xf32, #tpu.memory_space<vmem>>[vector<16xi32>, vector<16xi32>], vector<16xf32>,
        %add3A_1485 = arith.addi %add3A_1475, %broadcast_in_dim3A_1 : vector<16xi32>
        scf.yield %add3A_1485 : vector<16xi32>
      }
      %scan3A_978 = arith.constant 128 : i32
      %mul3A_979 = arith.constant 8 : i32
      %mul3A_980 = arith.muli %select_n3A_139, %mul3A_979 : i32
      %add3A_981 = arith.constant 5 : i32
      %add3A_982 = arith.addi %mul3A_980, %add3A_981 : i32
      %dma_start3A_983 = arith.constant 0 : i32
      %dma_start3A_984 = arith.constant 0 : i32
      %dma_start3A_985 = arith.constant 0 : i32
      %dma_start3A_986 = tpu.memref_slice %arg11[%dma_start3A_984, %dma_start3A_985] : memref<32x129xf32, #tpu.memory_space<vmem>> -> memref<8x128xf32, #tpu.memory_space<vmem>>
      %dma_start3A_987 = arith.constant 0 : i32
      %dma_start3A_988 = arith.constant 0 : i32
      %dma_start3A_989 = tpu.memref_slice %arg5[%add3A_982, %dma_start3A_983, %add3A_158, %dma_start3A_987, %dma_start3A_988] : memref<200x4x128x8x128xf32, #tpu.memory_space<hbm>> -> memref<1x1x1x8x128xf32, #tpu.memory_space<hbm>>
      %dma_start3A_990 = tpu.memref_squeeze %dma_start3A_989 : memref<1x1x1x8x128xf32, #tpu.memory_space<hbm>> -> memref<8x128xf32, #tpu.memory_space<hbm>>
      %dma_start3A_991 = arith.constant 0 : i32
      %dma_start3A_992 = arith.constant 0 : i32
      %dma_start3A_993 = tpu.memref_slice %arg5[%add3A_982, %dma_start3A_983, %add3A_158, %dma_start3A_991, %dma_start3A_992] : memref<200x4x128x8x128xf32, #tpu.memory_space<hbm>> -> memref<1x1x1x8x128xf32, #tpu.memory_space<hbm>>
      %dma_start3A_994 = tpu.memref_squeeze %dma_start3A_993 : memref<1x1x1x8x128xf32, #tpu.memory_space<hbm>> -> memref<8x128xf32, #tpu.memory_space<hbm>>
      %dma_start3A_995 = arith.constant 0 : i32
      %dma_start3A_996 = arith.constant 0 : i32
      %dma_start3A_997 = tpu.memref_slice %arg11[%dma_start3A_995, %dma_start3A_996] : memref<32x129xf32, #tpu.memory_space<vmem>> -> memref<8x128xf32, #tpu.memory_space<vmem>>
      tpu.enqueue_dma source(%dma_start3A_997 : memref<8x128xf32, #tpu.memory_space<vmem>>) target(%dma_start3A_994 : memref<8x128xf32, #tpu.memory_space<hbm>>) target_semaphore(%arg15 : memref<!tpu.dma_semaphore, #tpu.memory_space<semaphore_mem>>)
      %dma_start3A_998 = arith.constant 1 : i32
      %dma_start3A_999 = arith.constant 8 : i32
      %dma_start3A_1000 = arith.constant 0 : i32
      %dma_start3A_1001 = tpu.memref_slice %arg11[%dma_start3A_999, %dma_start3A_1000] : memref<32x129xf32, #tpu.memory_space<vmem>> -> memref<8x128xf32, #tpu.memory_space<vmem>>
      %dma_start3A_1002 = arith.constant 0 : i32
      %dma_start3A_1003 = arith.constant 0 : i32
      %dma_start3A_1004 = tpu.memref_slice %arg5[%add3A_982, %dma_start3A_998, %add3A_158, %dma_start3A_1002, %dma_start3A_1003] : memref<200x4x128x8x128xf32, #tpu.memory_space<hbm>> -> memref<1x1x1x8x128xf32, #tpu.memory_space<hbm>>
      %dma_start3A_1005 = tpu.memref_squeeze %dma_start3A_1004 : memref<1x1x1x8x128xf32, #tpu.memory_space<hbm>> -> memref<8x128xf32, #tpu.memory_space<hbm>>
      %dma_start3A_1006 = arith.constant 0 : i32
      %dma_start3A_1007 = arith.constant 0 : i32
      %dma_start3A_1008 = tpu.memref_slice %arg5[%add3A_982, %dma_start3A_998, %add3A_158, %dma_start3A_1006, %dma_start3A_1007] : memref<200x4x128x8x128xf32, #tpu.memory_space<hbm>> -> memref<1x1x1x8x128xf32, #tpu.memory_space<hbm>>
      %dma_start3A_1009 = tpu.memref_squeeze %dma_start3A_1008 : memref<1x1x1x8x128xf32, #tpu.memory_space<hbm>> -> memref<8x128xf32, #tpu.memory_space<hbm>>
      %dma_start3A_1010 = arith.constant 8 : i32
      %dma_start3A_1011 = arith.constant 0 : i32
      %dma_start3A_1012 = tpu.memref_slice %arg11[%dma_start3A_1010, %dma_start3A_1011] : memref<32x129xf32, #tpu.memory_space<vmem>> -> memref<8x128xf32, #tpu.memory_space<vmem>>
      tpu.enqueue_dma source(%dma_start3A_1012 : memref<8x128xf32, #tpu.memory_space<vmem>>) target(%dma_start3A_1009 : memref<8x128xf32, #tpu.memory_space<hbm>>) target_semaphore(%arg15 : memref<!tpu.dma_semaphore, #tpu.memory_space<semaphore_mem>>)
      %dma_start3A_1013 = arith.constant 2 : i32
      %dma_start3A_1014 = arith.constant 16 : i32
      %dma_start3A_1015 = arith.constant 0 : i32
      %dma_start3A_1016 = tpu.memref_slice %arg11[%dma_start3A_1014, %dma_start3A_1015] : memref<32x129xf32, #tpu.memory_space<vmem>> -> memref<8x128xf32, #tpu.memory_space<vmem>>
      %dma_start3A_1017 = arith.constant 0 : i32
      %dma_start3A_1018 = arith.constant 0 : i32
      %dma_start3A_1019 = tpu.memref_slice %arg5[%add3A_982, %dma_start3A_1013, %add3A_158, %dma_start3A_1017, %dma_start3A_1018] : memref<200x4x128x8x128xf32, #tpu.memory_space<hbm>> -> memref<1x1x1x8x128xf32, #tpu.memory_space<hbm>>
      %dma_start3A_1020 = tpu.memref_squeeze %dma_start3A_1019 : memref<1x1x1x8x128xf32, #tpu.memory_space<hbm>> -> memref<8x128xf32, #tpu.memory_space<hbm>>
      %dma_start3A_1021 = arith.constant 0 : i32
      %dma_start3A_1022 = arith.constant 0 : i32
      %dma_start3A_1023 = tpu.memref_slice %arg5[%add3A_982, %dma_start3A_1013, %add3A_158, %dma_start3A_1021, %dma_start3A_1022] : memref<200x4x128x8x128xf32, #tpu.memory_space<hbm>> -> memref<1x1x1x8x128xf32, #tpu.memory_space<hbm>>
      %dma_start3A_1024 = tpu.memref_squeeze %dma_start3A_1023 : memref<1x1x1x8x128xf32, #tpu.memory_space<hbm>> -> memref<8x128xf32, #tpu.memory_space<hbm>>
      %dma_start3A_1025 = arith.constant 16 : i32
      %dma_start3A_1026 = arith.constant 0 : i32
      %dma_start3A_1027 = tpu.memref_slice %arg11[%dma_start3A_1025, %dma_start3A_1026] : memref<32x129xf32, #tpu.memory_space<vmem>> -> memref<8x128xf32, #tpu.memory_space<vmem>>
      tpu.enqueue_dma source(%dma_start3A_1027 : memref<8x128xf32, #tpu.memory_space<vmem>>) target(%dma_start3A_1024 : memref<8x128xf32, #tpu.memory_space<hbm>>) target_semaphore(%arg15 : memref<!tpu.dma_semaphore, #tpu.memory_space<semaphore_mem>>)
      %dma_start3A_1028 = arith.constant 3 : i32
      %dma_start3A_1029 = arith.constant 24 : i32
      %dma_start3A_1030 = arith.constant 0 : i32
      %dma_start3A_1031 = tpu.memref_slice %arg11[%dma_start3A_1029, %dma_start3A_1030] : memref<32x129xf32, #tpu.memory_space<vmem>> -> memref<8x128xf32, #tpu.memory_space<vmem>>
      %dma_start3A_1032 = arith.constant 0 : i32
      %dma_start3A_1033 = arith.constant 0 : i32
      %dma_start3A_1034 = tpu.memref_slice %arg5[%add3A_982, %dma_start3A_1028, %add3A_158, %dma_start3A_1032, %dma_start3A_1033] : memref<200x4x128x8x128xf32, #tpu.memory_space<hbm>> -> memref<1x1x1x8x128xf32, #tpu.memory_space<hbm>>
      %dma_start3A_1035 = tpu.memref_squeeze %dma_start3A_1034 : memref<1x1x1x8x128xf32, #tpu.memory_space<hbm>> -> memref<8x128xf32, #tpu.memory_space<hbm>>
      %dma_start3A_1036 = arith.constant 0 : i32
      %dma_start3A_1037 = arith.constant 0 : i32
      %dma_start3A_1038 = tpu.memref_slice %arg5[%add3A_982, %dma_start3A_1028, %add3A_158, %dma_start3A_1036, %dma_start3A_1037] : memref<200x4x128x8x128xf32, #tpu.memory_space<hbm>> -> memref<1x1x1x8x128xf32, #tpu.memory_space<hbm>>
      %dma_start3A_1039 = tpu.memref_squeeze %dma_start3A_1038 : memref<1x1x1x8x128xf32, #tpu.memory_space<hbm>> -> memref<8x128xf32, #tpu.memory_space<hbm>>
      %dma_start3A_1040 = arith.constant 24 : i32
      %dma_start3A_1041 = arith.constant 0 : i32
      %dma_start3A_1042 = tpu.memref_slice %arg11[%dma_start3A_1040, %dma_start3A_1041] : memref<32x129xf32, #tpu.memory_space<vmem>> -> memref<8x128xf32, #tpu.memory_space<vmem>>
      tpu.enqueue_dma source(%dma_start3A_1042 : memref<8x128xf32, #tpu.memory_space<vmem>>) target(%dma_start3A_1039 : memref<8x128xf32, #tpu.memory_space<hbm>>) target_semaphore(%arg15 : memref<!tpu.dma_semaphore, #tpu.memory_space<semaphore_mem>>)
      %dma_wait3A_1043 = arith.constant 6 : i32
      %dma_wait3A_1044 = arith.constant 0 : i32
      %dma_wait3A_1045 = arith.constant 0 : i32
      %dma_wait3A_1046 = tpu.memref_slice %arg9[%dma_wait3A_1043, %dma_wait3A_1044, %dma_wait3A_1045] : memref<8x128x32xbf16, #tpu.memory_space<vmem>> -> memref<1x128x32xbf16, #tpu.memory_space<vmem>>
      %dma_wait3A_1047 = tpu.memref_squeeze %dma_wait3A_1046 : memref<1x128x32xbf16, #tpu.memory_space<vmem>> -> memref<128x32xbf16, #tpu.memory_space<vmem>>
      %dma_wait3A_1048 = arith.constant 768 : i32
      %dma_wait3A_1049 = tpu.memref_slice %arg8[%dma_wait3A_1048] : memref<1024xi32, #tpu.memory_space<vmem>> -> memref<128xi32, #tpu.memory_space<vmem>>
      %dma_wait3A_1050 = arith.constant 0 : i32
      %dma_wait3A_1051 = arith.constant 0 : i32
      %dma_wait3A_1052 = tpu.memref_slice %arg2[%dma_wait3A_1050, %dma_wait3A_1051] : memref<10240x32xbf16, #tpu.memory_space<hbm>> -> memref<10240x32xbf16, #tpu.memory_space<hbm>>
      tpu.wait_indirect_dma semaphore(%arg13 : memref<!tpu.dma_semaphore, #tpu.memory_space<semaphore_mem>>) src(%dma_wait3A_1052 : memref<10240x32xbf16, #tpu.memory_space<hbm>>) dst(%dma_wait3A_1047 : memref<128x32xbf16, #tpu.memory_space<vmem>>)
      %dma_wait3A_1053 = arith.constant 0 : i32
      %dma_wait3A_1054 = arith.constant 0 : i32
      %dma_wait3A_1055 = arith.constant 0 : i32
      %dma_wait3A_1056 = tpu.memref_slice %arg10[%dma_wait3A_1054, %dma_wait3A_1055] : memref<32x129xf32, #tpu.memory_space<vmem>> -> memref<8x128xf32, #tpu.memory_space<vmem>>
      %dma_wait3A_1057 = arith.constant 0 : i32
      %dma_wait3A_1058 = arith.constant 0 : i32
      %dma_wait3A_1059 = tpu.memref_slice %arg5[%add3A_840, %dma_wait3A_1053, %add3A_158, %dma_wait3A_1057, %dma_wait3A_1058] : memref<200x4x128x8x128xf32, #tpu.memory_space<hbm>> -> memref<1x1x1x8x128xf32, #tpu.memory_space<hbm>>
      %dma_wait3A_1060 = tpu.memref_squeeze %dma_wait3A_1059 : memref<1x1x1x8x128xf32, #tpu.memory_space<hbm>> -> memref<8x128xf32, #tpu.memory_space<hbm>>
      %dma_wait3A_1061 = arith.constant 0 : i32
      %dma_wait3A_1062 = arith.constant 0 : i32
      %dma_wait3A_1063 = tpu.memref_slice %arg5[%add3A_840, %dma_wait3A_1053, %add3A_158, %dma_wait3A_1061, %dma_wait3A_1062] : memref<200x4x128x8x128xf32, #tpu.memory_space<hbm>> -> memref<1x1x1x8x128xf32, #tpu.memory_space<hbm>>
      %dma_wait3A_1064 = tpu.memref_squeeze %dma_wait3A_1063 : memref<1x1x1x8x128xf32, #tpu.memory_space<hbm>> -> memref<8x128xf32, #tpu.memory_space<hbm>>
      %dma_wait3A_1065 = arith.constant 0 : i32
      %dma_wait3A_1066 = arith.constant 0 : i32
      %dma_wait3A_1067 = tpu.memref_slice %arg10[%dma_wait3A_1065, %dma_wait3A_1066] : memref<32x129xf32, #tpu.memory_space<vmem>> -> memref<8x128xf32, #tpu.memory_space<vmem>>
      tpu.wait_dma2 semaphore(%arg14 : memref<!tpu.dma_semaphore, #tpu.memory_space<semaphore_mem>>) src(%dma_wait3A_1067 : memref<8x128xf32, #tpu.memory_space<vmem>>) dst(%dma_wait3A_1064 : memref<8x128xf32, #tpu.memory_space<hbm>>)
      %dma_wait3A_1068 = arith.constant 1 : i32
      %dma_wait3A_1069 = arith.constant 8 : i32
      %dma_wait3A_1070 = arith.constant 0 : i32
      %dma_wait3A_1071 = tpu.memref_slice %arg10[%dma_wait3A_1069, %dma_wait3A_1070] : memref<32x129xf32, #tpu.memory_space<vmem>> -> memref<8x128xf32, #tpu.memory_space<vmem>>
      %dma_wait3A_1072 = arith.constant 0 : i32
      %dma_wait3A_1073 = arith.constant 0 : i32
      %dma_wait3A_1074 = tpu.memref_slice %arg5[%add3A_840, %dma_wait3A_1068, %add3A_158, %dma_wait3A_1072, %dma_wait3A_1073] : memref<200x4x128x8x128xf32, #tpu.memory_space<hbm>> -> memref<1x1x1x8x128xf32, #tpu.memory_space<hbm>>
      %dma_wait3A_1075 = tpu.memref_squeeze %dma_wait3A_1074 : memref<1x1x1x8x128xf32, #tpu.memory_space<hbm>> -> memref<8x128xf32, #tpu.memory_space<hbm>>
      %dma_wait3A_1076 = arith.constant 0 : i32
      %dma_wait3A_1077 = arith.constant 0 : i32
      %dma_wait3A_1078 = tpu.memref_slice %arg5[%add3A_840, %dma_wait3A_1068, %add3A_158, %dma_wait3A_1076, %dma_wait3A_1077] : memref<200x4x128x8x128xf32, #tpu.memory_space<hbm>> -> memref<1x1x1x8x128xf32, #tpu.memory_space<hbm>>
      %dma_wait3A_1079 = tpu.memref_squeeze %dma_wait3A_1078 : memref<1x1x1x8x128xf32, #tpu.memory_space<hbm>> -> memref<8x128xf32, #tpu.memory_space<hbm>>
      %dma_wait3A_1080 = arith.constant 8 : i32
      %dma_wait3A_1081 = arith.constant 0 : i32
      %dma_wait3A_1082 = tpu.memref_slice %arg10[%dma_wait3A_1080, %dma_wait3A_1081] : memref<32x129xf32, #tpu.memory_space<vmem>> -> memref<8x128xf32, #tpu.memory_space<vmem>>
      tpu.wait_dma2 semaphore(%arg14 : memref<!tpu.dma_semaphore, #tpu.memory_space<semaphore_mem>>) src(%dma_wait3A_1082 : memref<8x128xf32, #tpu.memory_space<vmem>>) dst(%dma_wait3A_1079 : memref<8x128xf32, #tpu.memory_space<hbm>>)
      %dma_wait3A_1083 = arith.constant 2 : i32
      %dma_wait3A_1084 = arith.constant 16 : i32
      %dma_wait3A_1085 = arith.constant 0 : i32
      %dma_wait3A_1086 = tpu.memref_slice %arg10[%dma_wait3A_1084, %dma_wait3A_1085] : memref<32x129xf32, #tpu.memory_space<vmem>> -> memref<8x128xf32, #tpu.memory_space<vmem>>
      %dma_wait3A_1087 = arith.constant 0 : i32
      %dma_wait3A_1088 = arith.constant 0 : i32
      %dma_wait3A_1089 = tpu.memref_slice %arg5[%add3A_840, %dma_wait3A_1083, %add3A_158, %dma_wait3A_1087, %dma_wait3A_1088] : memref<200x4x128x8x128xf32, #tpu.memory_space<hbm>> -> memref<1x1x1x8x128xf32, #tpu.memory_space<hbm>>
      %dma_wait3A_1090 = tpu.memref_squeeze %dma_wait3A_1089 : memref<1x1x1x8x128xf32, #tpu.memory_space<hbm>> -> memref<8x128xf32, #tpu.memory_space<hbm>>
      %dma_wait3A_1091 = arith.constant 0 : i32
      %dma_wait3A_1092 = arith.constant 0 : i32
      %dma_wait3A_1093 = tpu.memref_slice %arg5[%add3A_840, %dma_wait3A_1083, %add3A_158, %dma_wait3A_1091, %dma_wait3A_1092] : memref<200x4x128x8x128xf32, #tpu.memory_space<hbm>> -> memref<1x1x1x8x128xf32, #tpu.memory_space<hbm>>
      %dma_wait3A_1094 = tpu.memref_squeeze %dma_wait3A_1093 : memref<1x1x1x8x128xf32, #tpu.memory_space<hbm>> -> memref<8x128xf32, #tpu.memory_space<hbm>>
      %dma_wait3A_1095 = arith.constant 16 : i32
      %dma_wait3A_1096 = arith.constant 0 : i32
      %dma_wait3A_1097 = tpu.memref_slice %arg10[%dma_wait3A_1095, %dma_wait3A_1096] : memref<32x129xf32, #tpu.memory_space<vmem>> -> memref<8x128xf32, #tpu.memory_space<vmem>>
      tpu.wait_dma2 semaphore(%arg14 : memref<!tpu.dma_semaphore, #tpu.memory_space<semaphore_mem>>) src(%dma_wait3A_1097 : memref<8x128xf32, #tpu.memory_space<vmem>>) dst(%dma_wait3A_1094 : memref<8x128xf32, #tpu.memory_space<hbm>>)
      %dma_wait3A_1098 = arith.constant 3 : i32
      %dma_wait3A_1099 = arith.constant 24 : i32
      %dma_wait3A_1100 = arith.constant 0 : i32
      %dma_wait3A_1101 = tpu.memref_slice %arg10[%dma_wait3A_1099, %dma_wait3A_1100] : memref<32x129xf32, #tpu.memory_space<vmem>> -> memref<8x128xf32, #tpu.memory_space<vmem>>
      %dma_wait3A_1102 = arith.constant 0 : i32
      %dma_wait3A_1103 = arith.constant 0 : i32
      %dma_wait3A_1104 = tpu.memref_slice %arg5[%add3A_840, %dma_wait3A_1098, %add3A_158, %dma_wait3A_1102, %dma_wait3A_1103] : memref<200x4x128x8x128xf32, #tpu.memory_space<hbm>> -> memref<1x1x1x8x128xf32, #tpu.memory_space<hbm>>
      %dma_wait3A_1105 = tpu.memref_squeeze %dma_wait3A_1104 : memref<1x1x1x8x128xf32, #tpu.memory_space<hbm>> -> memref<8x128xf32, #tpu.memory_space<hbm>>
      %dma_wait3A_1106 = arith.constant 0 : i32
      %dma_wait3A_1107 = arith.constant 0 : i32
      %dma_wait3A_1108 = tpu.memref_slice %arg5[%add3A_840, %dma_wait3A_1098, %add3A_158, %dma_wait3A_1106, %dma_wait3A_1107] : memref<200x4x128x8x128xf32, #tpu.memory_space<hbm>> -> memref<1x1x1x8x128xf32, #tpu.memory_space<hbm>>
      %dma_wait3A_1109 = tpu.memref_squeeze %dma_wait3A_1108 : memref<1x1x1x8x128xf32, #tpu.memory_space<hbm>> -> memref<8x128xf32, #tpu.memory_space<hbm>>
      %dma_wait3A_1110 = arith.constant 24 : i32
      %dma_wait3A_1111 = arith.constant 0 : i32
      %dma_wait3A_1112 = tpu.memref_slice %arg10[%dma_wait3A_1110, %dma_wait3A_1111] : memref<32x129xf32, #tpu.memory_space<vmem>> -> memref<8x128xf32, #tpu.memory_space<vmem>>
      tpu.wait_dma2 semaphore(%arg14 : memref<!tpu.dma_semaphore, #tpu.memory_space<semaphore_mem>>) src(%dma_wait3A_1112 : memref<8x128xf32, #tpu.memory_space<vmem>>) dst(%dma_wait3A_1109 : memref<8x128xf32, #tpu.memory_space<hbm>>)
      %broadcast_in_dim3A_1113 = arith.constant 0 : i32
      %broadcast_in_dim3A_1114 = vector.broadcast %broadcast_in_dim3A_1113 : i32 to vector<16xi32>
      %scan3A_1115 = arith.constant 0 : i32
      %scan3A_1116 = arith.constant 128 : i32
      %scan3A_1117 = arith.addi %scan3A_1115, %scan3A_1116 : i32
      %scan3A_1118 = arith.constant 4 : i32
      %scan3A_1119 = scf.for %scan3A_1448 = %scan3A_1115 to %scan3A_1117 step %scan3A_1118 iter_args(%scan3A_1449 = %broadcast_in_dim3A_1114) -> (vector<16xi32>)  : i32 {
        %get3A = arith.constant 6 : i32
        %get3A_1450 = arith.index_cast %get3A : i32 to index
        %get3A_1451 = arith.index_cast %scan3A_1448 : i32 to index
        %get3A_1452 = arith.constant 0 : index
        %get3A_1453 = tpu.vector_load %arg9[%get3A_1450, %get3A_1451, %get3A_1452] {strides = array<i32>} : memref<8x128x32xbf16, #tpu.memory_space<vmem>>, vector<32xbf16>,
        %unpack3A = tpu.unpack_subelements %get3A_1453, 0 {pack_format = #tpu.pack_format<interleaved>} : vector<32xbf16> -> vector<16xf32>
        %unpack3A_1454 = tpu.unpack_subelements %get3A_1453, 1 {pack_format = #tpu.pack_format<interleaved>} : vector<32xbf16> -> vector<16xf32>
        tpu.vector_store_idx %arg10[%iota3A, %scan3A_1449], %unpack3A : memref<32x129xf32, #tpu.memory_space<vmem>>[vector<16xi32>, vector<16xi32>], vector<16xf32>,
        tpu.vector_store_idx %arg10[%add3A_6, %scan3A_1449], %unpack3A_1454 : memref<32x129xf32, #tpu.memory_space<vmem>>[vector<16xi32>, vector<16xi32>], vector<16xf32>,
        %add3A_1455 = arith.addi %scan3A_1449, %broadcast_in_dim3A_1 : vector<16xi32>
        %scan3A_1456 = arith.constant 1 : i32
        %scan3A_1457 = arith.addi %scan3A_1448, %scan3A_1456 : i32
        %get3A_1458 = arith.constant 6 : i32
        %get3A_1459 = arith.index_cast %get3A_1458 : i32 to index
        %get3A_1460 = arith.index_cast %scan3A_1457 : i32 to index
        %get3A_1461 = arith.constant 0 : index
        %get3A_1462 = tpu.vector_load %arg9[%get3A_1459, %get3A_1460, %get3A_1461] {strides = array<i32>} : memref<8x128x32xbf16, #tpu.memory_space<vmem>>, vector<32xbf16>,
        %unpack3A_1463 = tpu.unpack_subelements %get3A_1462, 0 {pack_format = #tpu.pack_format<interleaved>} : vector<32xbf16> -> vector<16xf32>
        %unpack3A_1464 = tpu.unpack_subelements %get3A_1462, 1 {pack_format = #tpu.pack_format<interleaved>} : vector<32xbf16> -> vector<16xf32>
        tpu.vector_store_idx %arg10[%iota3A, %add3A_1455], %unpack3A_1463 : memref<32x129xf32, #tpu.memory_space<vmem>>[vector<16xi32>, vector<16xi32>], vector<16xf32>,
        tpu.vector_store_idx %arg10[%add3A_6, %add3A_1455], %unpack3A_1464 : memref<32x129xf32, #tpu.memory_space<vmem>>[vector<16xi32>, vector<16xi32>], vector<16xf32>,
        %add3A_1465 = arith.addi %add3A_1455, %broadcast_in_dim3A_1 : vector<16xi32>
        %scan3A_1466 = arith.constant 2 : i32
        %scan3A_1467 = arith.addi %scan3A_1448, %scan3A_1466 : i32
        %get3A_1468 = arith.constant 6 : i32
        %get3A_1469 = arith.index_cast %get3A_1468 : i32 to index
        %get3A_1470 = arith.index_cast %scan3A_1467 : i32 to index
        %get3A_1471 = arith.constant 0 : index
        %get3A_1472 = tpu.vector_load %arg9[%get3A_1469, %get3A_1470, %get3A_1471] {strides = array<i32>} : memref<8x128x32xbf16, #tpu.memory_space<vmem>>, vector<32xbf16>,
        %unpack3A_1473 = tpu.unpack_subelements %get3A_1472, 0 {pack_format = #tpu.pack_format<interleaved>} : vector<32xbf16> -> vector<16xf32>
        %unpack3A_1474 = tpu.unpack_subelements %get3A_1472, 1 {pack_format = #tpu.pack_format<interleaved>} : vector<32xbf16> -> vector<16xf32>
        tpu.vector_store_idx %arg10[%iota3A, %add3A_1465], %unpack3A_1473 : memref<32x129xf32, #tpu.memory_space<vmem>>[vector<16xi32>, vector<16xi32>], vector<16xf32>,
        tpu.vector_store_idx %arg10[%add3A_6, %add3A_1465], %unpack3A_1474 : memref<32x129xf32, #tpu.memory_space<vmem>>[vector<16xi32>, vector<16xi32>], vector<16xf32>,
        %add3A_1475 = arith.addi %add3A_1465, %broadcast_in_dim3A_1 : vector<16xi32>
        %scan3A_1476 = arith.constant 3 : i32
        %scan3A_1477 = arith.addi %scan3A_1448, %scan3A_1476 : i32
        %get3A_1478 = arith.constant 6 : i32
        %get3A_1479 = arith.index_cast %get3A_1478 : i32 to index
        %get3A_1480 = arith.index_cast %scan3A_1477 : i32 to index
        %get3A_1481 = arith.constant 0 : index
        %get3A_1482 = tpu.vector_load %arg9[%get3A_1479, %get3A_1480, %get3A_1481] {strides = array<i32>} : memref<8x128x32xbf16, #tpu.memory_space<vmem>>, vector<32xbf16>,
        %unpack3A_1483 = tpu.unpack_subelements %get3A_1482, 0 {pack_format = #tpu.pack_format<interleaved>} : vector<32xbf16> -> vector<16xf32>
        %unpack3A_1484 = tpu.unpack_subelements %get3A_1482, 1 {pack_format = #tpu.pack_format<interleaved>} : vector<32xbf16> -> vector<16xf32>
        tpu.vector_store_idx %arg10[%iota3A, %add3A_1475], %unpack3A_1483 : memref<32x129xf32, #tpu.memory_space<vmem>>[vector<16xi32>, vector<16xi32>], vector<16xf32>,
        tpu.vector_store_idx %arg10[%add3A_6, %add3A_1475], %unpack3A_1484 : memref<32x129xf32, #tpu.memory_space<vmem>>[vector<16xi32>, vector<16xi32>], vector<16xf32>,
        %add3A_1485 = arith.addi %add3A_1475, %broadcast_in_dim3A_1 : vector<16xi32>
        scf.yield %add3A_1485 : vector<16xi32>
      }
      %scan3A_1120 = arith.constant 128 : i32
      %mul3A_1121 = arith.constant 8 : i32
      %mul3A_1122 = arith.muli %select_n3A_139, %mul3A_1121 : i32
      %add3A_1123 = arith.constant 6 : i32
      %add3A_1124 = arith.addi %mul3A_1122, %add3A_1123 : i32
      %dma_start3A_1125 = arith.constant 0 : i32
      %dma_start3A_1126 = arith.constant 0 : i32
      %dma_start3A_1127 = arith.constant 0 : i32
      %dma_start3A_1128 = tpu.memref_slice %arg10[%dma_start3A_1126, %dma_start3A_1127] : memref<32x129xf32, #tpu.memory_space<vmem>> -> memref<8x128xf32, #tpu.memory_space<vmem>>
      %dma_start3A_1129 = arith.constant 0 : i32
      %dma_start3A_1130 = arith.constant 0 : i32
      %dma_start3A_1131 = tpu.memref_slice %arg5[%add3A_1124, %dma_start3A_1125, %add3A_158, %dma_start3A_1129, %dma_start3A_1130] : memref<200x4x128x8x128xf32, #tpu.memory_space<hbm>> -> memref<1x1x1x8x128xf32, #tpu.memory_space<hbm>>
      %dma_start3A_1132 = tpu.memref_squeeze %dma_start3A_1131 : memref<1x1x1x8x128xf32, #tpu.memory_space<hbm>> -> memref<8x128xf32, #tpu.memory_space<hbm>>
      %dma_start3A_1133 = arith.constant 0 : i32
      %dma_start3A_1134 = arith.constant 0 : i32
      %dma_start3A_1135 = tpu.memref_slice %arg5[%add3A_1124, %dma_start3A_1125, %add3A_158, %dma_start3A_1133, %dma_start3A_1134] : memref<200x4x128x8x128xf32, #tpu.memory_space<hbm>> -> memref<1x1x1x8x128xf32, #tpu.memory_space<hbm>>
      %dma_start3A_1136 = tpu.memref_squeeze %dma_start3A_1135 : memref<1x1x1x8x128xf32, #tpu.memory_space<hbm>> -> memref<8x128xf32, #tpu.memory_space<hbm>>
      %dma_start3A_1137 = arith.constant 0 : i32
      %dma_start3A_1138 = arith.constant 0 : i32
      %dma_start3A_1139 = tpu.memref_slice %arg10[%dma_start3A_1137, %dma_start3A_1138] : memref<32x129xf32, #tpu.memory_space<vmem>> -> memref<8x128xf32, #tpu.memory_space<vmem>>
      tpu.enqueue_dma source(%dma_start3A_1139 : memref<8x128xf32, #tpu.memory_space<vmem>>) target(%dma_start3A_1136 : memref<8x128xf32, #tpu.memory_space<hbm>>) target_semaphore(%arg14 : memref<!tpu.dma_semaphore, #tpu.memory_space<semaphore_mem>>)
      %dma_start3A_1140 = arith.constant 1 : i32
      %dma_start3A_1141 = arith.constant 8 : i32
      %dma_start3A_1142 = arith.constant 0 : i32
      %dma_start3A_1143 = tpu.memref_slice %arg10[%dma_start3A_1141, %dma_start3A_1142] : memref<32x129xf32, #tpu.memory_space<vmem>> -> memref<8x128xf32, #tpu.memory_space<vmem>>
      %dma_start3A_1144 = arith.constant 0 : i32
      %dma_start3A_1145 = arith.constant 0 : i32
      %dma_start3A_1146 = tpu.memref_slice %arg5[%add3A_1124, %dma_start3A_1140, %add3A_158, %dma_start3A_1144, %dma_start3A_1145] : memref<200x4x128x8x128xf32, #tpu.memory_space<hbm>> -> memref<1x1x1x8x128xf32, #tpu.memory_space<hbm>>
      %dma_start3A_1147 = tpu.memref_squeeze %dma_start3A_1146 : memref<1x1x1x8x128xf32, #tpu.memory_space<hbm>> -> memref<8x128xf32, #tpu.memory_space<hbm>>
      %dma_start3A_1148 = arith.constant 0 : i32
      %dma_start3A_1149 = arith.constant 0 : i32
      %dma_start3A_1150 = tpu.memref_slice %arg5[%add3A_1124, %dma_start3A_1140, %add3A_158, %dma_start3A_1148, %dma_start3A_1149] : memref<200x4x128x8x128xf32, #tpu.memory_space<hbm>> -> memref<1x1x1x8x128xf32, #tpu.memory_space<hbm>>
      %dma_start3A_1151 = tpu.memref_squeeze %dma_start3A_1150 : memref<1x1x1x8x128xf32, #tpu.memory_space<hbm>> -> memref<8x128xf32, #tpu.memory_space<hbm>>
      %dma_start3A_1152 = arith.constant 8 : i32
      %dma_start3A_1153 = arith.constant 0 : i32
      %dma_start3A_1154 = tpu.memref_slice %arg10[%dma_start3A_1152, %dma_start3A_1153] : memref<32x129xf32, #tpu.memory_space<vmem>> -> memref<8x128xf32, #tpu.memory_space<vmem>>
      tpu.enqueue_dma source(%dma_start3A_1154 : memref<8x128xf32, #tpu.memory_space<vmem>>) target(%dma_start3A_1151 : memref<8x128xf32, #tpu.memory_space<hbm>>) target_semaphore(%arg14 : memref<!tpu.dma_semaphore, #tpu.memory_space<semaphore_mem>>)
      %dma_start3A_1155 = arith.constant 2 : i32
      %dma_start3A_1156 = arith.constant 16 : i32
      %dma_start3A_1157 = arith.constant 0 : i32
      %dma_start3A_1158 = tpu.memref_slice %arg10[%dma_start3A_1156, %dma_start3A_1157] : memref<32x129xf32, #tpu.memory_space<vmem>> -> memref<8x128xf32, #tpu.memory_space<vmem>>
      %dma_start3A_1159 = arith.constant 0 : i32
      %dma_start3A_1160 = arith.constant 0 : i32
      %dma_start3A_1161 = tpu.memref_slice %arg5[%add3A_1124, %dma_start3A_1155, %add3A_158, %dma_start3A_1159, %dma_start3A_1160] : memref<200x4x128x8x128xf32, #tpu.memory_space<hbm>> -> memref<1x1x1x8x128xf32, #tpu.memory_space<hbm>>
      %dma_start3A_1162 = tpu.memref_squeeze %dma_start3A_1161 : memref<1x1x1x8x128xf32, #tpu.memory_space<hbm>> -> memref<8x128xf32, #tpu.memory_space<hbm>>
      %dma_start3A_1163 = arith.constant 0 : i32
      %dma_start3A_1164 = arith.constant 0 : i32
      %dma_start3A_1165 = tpu.memref_slice %arg5[%add3A_1124, %dma_start3A_1155, %add3A_158, %dma_start3A_1163, %dma_start3A_1164] : memref<200x4x128x8x128xf32, #tpu.memory_space<hbm>> -> memref<1x1x1x8x128xf32, #tpu.memory_space<hbm>>
      %dma_start3A_1166 = tpu.memref_squeeze %dma_start3A_1165 : memref<1x1x1x8x128xf32, #tpu.memory_space<hbm>> -> memref<8x128xf32, #tpu.memory_space<hbm>>
      %dma_start3A_1167 = arith.constant 16 : i32
      %dma_start3A_1168 = arith.constant 0 : i32
      %dma_start3A_1169 = tpu.memref_slice %arg10[%dma_start3A_1167, %dma_start3A_1168] : memref<32x129xf32, #tpu.memory_space<vmem>> -> memref<8x128xf32, #tpu.memory_space<vmem>>
      tpu.enqueue_dma source(%dma_start3A_1169 : memref<8x128xf32, #tpu.memory_space<vmem>>) target(%dma_start3A_1166 : memref<8x128xf32, #tpu.memory_space<hbm>>) target_semaphore(%arg14 : memref<!tpu.dma_semaphore, #tpu.memory_space<semaphore_mem>>)
      %dma_start3A_1170 = arith.constant 3 : i32
      %dma_start3A_1171 = arith.constant 24 : i32
      %dma_start3A_1172 = arith.constant 0 : i32
      %dma_start3A_1173 = tpu.memref_slice %arg10[%dma_start3A_1171, %dma_start3A_1172] : memref<32x129xf32, #tpu.memory_space<vmem>> -> memref<8x128xf32, #tpu.memory_space<vmem>>
      %dma_start3A_1174 = arith.constant 0 : i32
      %dma_start3A_1175 = arith.constant 0 : i32
      %dma_start3A_1176 = tpu.memref_slice %arg5[%add3A_1124, %dma_start3A_1170, %add3A_158, %dma_start3A_1174, %dma_start3A_1175] : memref<200x4x128x8x128xf32, #tpu.memory_space<hbm>> -> memref<1x1x1x8x128xf32, #tpu.memory_space<hbm>>
      %dma_start3A_1177 = tpu.memref_squeeze %dma_start3A_1176 : memref<1x1x1x8x128xf32, #tpu.memory_space<hbm>> -> memref<8x128xf32, #tpu.memory_space<hbm>>
      %dma_start3A_1178 = arith.constant 0 : i32
      %dma_start3A_1179 = arith.constant 0 : i32
      %dma_start3A_1180 = tpu.memref_slice %arg5[%add3A_1124, %dma_start3A_1170, %add3A_158, %dma_start3A_1178, %dma_start3A_1179] : memref<200x4x128x8x128xf32, #tpu.memory_space<hbm>> -> memref<1x1x1x8x128xf32, #tpu.memory_space<hbm>>
      %dma_start3A_1181 = tpu.memref_squeeze %dma_start3A_1180 : memref<1x1x1x8x128xf32, #tpu.memory_space<hbm>> -> memref<8x128xf32, #tpu.memory_space<hbm>>
      %dma_start3A_1182 = arith.constant 24 : i32
      %dma_start3A_1183 = arith.constant 0 : i32
      %dma_start3A_1184 = tpu.memref_slice %arg10[%dma_start3A_1182, %dma_start3A_1183] : memref<32x129xf32, #tpu.memory_space<vmem>> -> memref<8x128xf32, #tpu.memory_space<vmem>>
      tpu.enqueue_dma source(%dma_start3A_1184 : memref<8x128xf32, #tpu.memory_space<vmem>>) target(%dma_start3A_1181 : memref<8x128xf32, #tpu.memory_space<hbm>>) target_semaphore(%arg14 : memref<!tpu.dma_semaphore, #tpu.memory_space<semaphore_mem>>)
      %dma_wait3A_1185 = arith.constant 7 : i32
      %dma_wait3A_1186 = arith.constant 0 : i32
      %dma_wait3A_1187 = arith.constant 0 : i32
      %dma_wait3A_1188 = tpu.memref_slice %arg9[%dma_wait3A_1185, %dma_wait3A_1186, %dma_wait3A_1187] : memref<8x128x32xbf16, #tpu.memory_space<vmem>> -> memref<1x128x32xbf16, #tpu.memory_space<vmem>>
      %dma_wait3A_1189 = tpu.memref_squeeze %dma_wait3A_1188 : memref<1x128x32xbf16, #tpu.memory_space<vmem>> -> memref<128x32xbf16, #tpu.memory_space<vmem>>
      %dma_wait3A_1190 = arith.constant 896 : i32
      %dma_wait3A_1191 = tpu.memref_slice %arg8[%dma_wait3A_1190] : memref<1024xi32, #tpu.memory_space<vmem>> -> memref<128xi32, #tpu.memory_space<vmem>>
      %dma_wait3A_1192 = arith.constant 0 : i32
      %dma_wait3A_1193 = arith.constant 0 : i32
      %dma_wait3A_1194 = tpu.memref_slice %arg2[%dma_wait3A_1192, %dma_wait3A_1193] : memref<10240x32xbf16, #tpu.memory_space<hbm>> -> memref<10240x32xbf16, #tpu.memory_space<hbm>>
      tpu.wait_indirect_dma semaphore(%arg13 : memref<!tpu.dma_semaphore, #tpu.memory_space<semaphore_mem>>) src(%dma_wait3A_1194 : memref<10240x32xbf16, #tpu.memory_space<hbm>>) dst(%dma_wait3A_1189 : memref<128x32xbf16, #tpu.memory_space<vmem>>)
      %dma_wait3A_1195 = arith.constant 0 : i32
      %dma_wait3A_1196 = arith.constant 0 : i32
      %dma_wait3A_1197 = arith.constant 0 : i32
      %dma_wait3A_1198 = tpu.memref_slice %arg11[%dma_wait3A_1196, %dma_wait3A_1197] : memref<32x129xf32, #tpu.memory_space<vmem>> -> memref<8x128xf32, #tpu.memory_space<vmem>>
      %dma_wait3A_1199 = arith.constant 0 : i32
      %dma_wait3A_1200 = arith.constant 0 : i32
      %dma_wait3A_1201 = tpu.memref_slice %arg5[%add3A_982, %dma_wait3A_1195, %add3A_158, %dma_wait3A_1199, %dma_wait3A_1200] : memref<200x4x128x8x128xf32, #tpu.memory_space<hbm>> -> memref<1x1x1x8x128xf32, #tpu.memory_space<hbm>>
      %dma_wait3A_1202 = tpu.memref_squeeze %dma_wait3A_1201 : memref<1x1x1x8x128xf32, #tpu.memory_space<hbm>> -> memref<8x128xf32, #tpu.memory_space<hbm>>
      %dma_wait3A_1203 = arith.constant 0 : i32
      %dma_wait3A_1204 = arith.constant 0 : i32
      %dma_wait3A_1205 = tpu.memref_slice %arg5[%add3A_982, %dma_wait3A_1195, %add3A_158, %dma_wait3A_1203, %dma_wait3A_1204] : memref<200x4x128x8x128xf32, #tpu.memory_space<hbm>> -> memref<1x1x1x8x128xf32, #tpu.memory_space<hbm>>
      %dma_wait3A_1206 = tpu.memref_squeeze %dma_wait3A_1205 : memref<1x1x1x8x128xf32, #tpu.memory_space<hbm>> -> memref<8x128xf32, #tpu.memory_space<hbm>>
      %dma_wait3A_1207 = arith.constant 0 : i32
      %dma_wait3A_1208 = arith.constant 0 : i32
      %dma_wait3A_1209 = tpu.memref_slice %arg11[%dma_wait3A_1207, %dma_wait3A_1208] : memref<32x129xf32, #tpu.memory_space<vmem>> -> memref<8x128xf32, #tpu.memory_space<vmem>>
      tpu.wait_dma2 semaphore(%arg15 : memref<!tpu.dma_semaphore, #tpu.memory_space<semaphore_mem>>) src(%dma_wait3A_1209 : memref<8x128xf32, #tpu.memory_space<vmem>>) dst(%dma_wait3A_1206 : memref<8x128xf32, #tpu.memory_space<hbm>>)
      %dma_wait3A_1210 = arith.constant 1 : i32
      %dma_wait3A_1211 = arith.constant 8 : i32
      %dma_wait3A_1212 = arith.constant 0 : i32
      %dma_wait3A_1213 = tpu.memref_slice %arg11[%dma_wait3A_1211, %dma_wait3A_1212] : memref<32x129xf32, #tpu.memory_space<vmem>> -> memref<8x128xf32, #tpu.memory_space<vmem>>
      %dma_wait3A_1214 = arith.constant 0 : i32
      %dma_wait3A_1215 = arith.constant 0 : i32
      %dma_wait3A_1216 = tpu.memref_slice %arg5[%add3A_982, %dma_wait3A_1210, %add3A_158, %dma_wait3A_1214, %dma_wait3A_1215] : memref<200x4x128x8x128xf32, #tpu.memory_space<hbm>> -> memref<1x1x1x8x128xf32, #tpu.memory_space<hbm>>
      %dma_wait3A_1217 = tpu.memref_squeeze %dma_wait3A_1216 : memref<1x1x1x8x128xf32, #tpu.memory_space<hbm>> -> memref<8x128xf32, #tpu.memory_space<hbm>>
      %dma_wait3A_1218 = arith.constant 0 : i32
      %dma_wait3A_1219 = arith.constant 0 : i32
      %dma_wait3A_1220 = tpu.memref_slice %arg5[%add3A_982, %dma_wait3A_1210, %add3A_158, %dma_wait3A_1218, %dma_wait3A_1219] : memref<200x4x128x8x128xf32, #tpu.memory_space<hbm>> -> memref<1x1x1x8x128xf32, #tpu.memory_space<hbm>>
      %dma_wait3A_1221 = tpu.memref_squeeze %dma_wait3A_1220 : memref<1x1x1x8x128xf32, #tpu.memory_space<hbm>> -> memref<8x128xf32, #tpu.memory_space<hbm>>
      %dma_wait3A_1222 = arith.constant 8 : i32
      %dma_wait3A_1223 = arith.constant 0 : i32
      %dma_wait3A_1224 = tpu.memref_slice %arg11[%dma_wait3A_1222, %dma_wait3A_1223] : memref<32x129xf32, #tpu.memory_space<vmem>> -> memref<8x128xf32, #tpu.memory_space<vmem>>
      tpu.wait_dma2 semaphore(%arg15 : memref<!tpu.dma_semaphore, #tpu.memory_space<semaphore_mem>>) src(%dma_wait3A_1224 : memref<8x128xf32, #tpu.memory_space<vmem>>) dst(%dma_wait3A_1221 : memref<8x128xf32, #tpu.memory_space<hbm>>)
      %dma_wait3A_1225 = arith.constant 2 : i32
      %dma_wait3A_1226 = arith.constant 16 : i32
      %dma_wait3A_1227 = arith.constant 0 : i32
      %dma_wait3A_1228 = tpu.memref_slice %arg11[%dma_wait3A_1226, %dma_wait3A_1227] : memref<32x129xf32, #tpu.memory_space<vmem>> -> memref<8x128xf32, #tpu.memory_space<vmem>>
      %dma_wait3A_1229 = arith.constant 0 : i32
      %dma_wait3A_1230 = arith.constant 0 : i32
      %dma_wait3A_1231 = tpu.memref_slice %arg5[%add3A_982, %dma_wait3A_1225, %add3A_158, %dma_wait3A_1229, %dma_wait3A_1230] : memref<200x4x128x8x128xf32, #tpu.memory_space<hbm>> -> memref<1x1x1x8x128xf32, #tpu.memory_space<hbm>>
      %dma_wait3A_1232 = tpu.memref_squeeze %dma_wait3A_1231 : memref<1x1x1x8x128xf32, #tpu.memory_space<hbm>> -> memref<8x128xf32, #tpu.memory_space<hbm>>
      %dma_wait3A_1233 = arith.constant 0 : i32
      %dma_wait3A_1234 = arith.constant 0 : i32
      %dma_wait3A_1235 = tpu.memref_slice %arg5[%add3A_982, %dma_wait3A_1225, %add3A_158, %dma_wait3A_1233, %dma_wait3A_1234] : memref<200x4x128x8x128xf32, #tpu.memory_space<hbm>> -> memref<1x1x1x8x128xf32, #tpu.memory_space<hbm>>
      %dma_wait3A_1236 = tpu.memref_squeeze %dma_wait3A_1235 : memref<1x1x1x8x128xf32, #tpu.memory_space<hbm>> -> memref<8x128xf32, #tpu.memory_space<hbm>>
      %dma_wait3A_1237 = arith.constant 16 : i32
      %dma_wait3A_1238 = arith.constant 0 : i32
      %dma_wait3A_1239 = tpu.memref_slice %arg11[%dma_wait3A_1237, %dma_wait3A_1238] : memref<32x129xf32, #tpu.memory_space<vmem>> -> memref<8x128xf32, #tpu.memory_space<vmem>>
      tpu.wait_dma2 semaphore(%arg15 : memref<!tpu.dma_semaphore, #tpu.memory_space<semaphore_mem>>) src(%dma_wait3A_1239 : memref<8x128xf32, #tpu.memory_space<vmem>>) dst(%dma_wait3A_1236 : memref<8x128xf32, #tpu.memory_space<hbm>>)
      %dma_wait3A_1240 = arith.constant 3 : i32
      %dma_wait3A_1241 = arith.constant 24 : i32
      %dma_wait3A_1242 = arith.constant 0 : i32
      %dma_wait3A_1243 = tpu.memref_slice %arg11[%dma_wait3A_1241, %dma_wait3A_1242] : memref<32x129xf32, #tpu.memory_space<vmem>> -> memref<8x128xf32, #tpu.memory_space<vmem>>
      %dma_wait3A_1244 = arith.constant 0 : i32
      %dma_wait3A_1245 = arith.constant 0 : i32
      %dma_wait3A_1246 = tpu.memref_slice %arg5[%add3A_982, %dma_wait3A_1240, %add3A_158, %dma_wait3A_1244, %dma_wait3A_1245] : memref<200x4x128x8x128xf32, #tpu.memory_space<hbm>> -> memref<1x1x1x8x128xf32, #tpu.memory_space<hbm>>
      %dma_wait3A_1247 = tpu.memref_squeeze %dma_wait3A_1246 : memref<1x1x1x8x128xf32, #tpu.memory_space<hbm>> -> memref<8x128xf32, #tpu.memory_space<hbm>>
      %dma_wait3A_1248 = arith.constant 0 : i32
      %dma_wait3A_1249 = arith.constant 0 : i32
      %dma_wait3A_1250 = tpu.memref_slice %arg5[%add3A_982, %dma_wait3A_1240, %add3A_158, %dma_wait3A_1248, %dma_wait3A_1249] : memref<200x4x128x8x128xf32, #tpu.memory_space<hbm>> -> memref<1x1x1x8x128xf32, #tpu.memory_space<hbm>>
      %dma_wait3A_1251 = tpu.memref_squeeze %dma_wait3A_1250 : memref<1x1x1x8x128xf32, #tpu.memory_space<hbm>> -> memref<8x128xf32, #tpu.memory_space<hbm>>
      %dma_wait3A_1252 = arith.constant 24 : i32
      %dma_wait3A_1253 = arith.constant 0 : i32
      %dma_wait3A_1254 = tpu.memref_slice %arg11[%dma_wait3A_1252, %dma_wait3A_1253] : memref<32x129xf32, #tpu.memory_space<vmem>> -> memref<8x128xf32, #tpu.memory_space<vmem>>
      tpu.wait_dma2 semaphore(%arg15 : memref<!tpu.dma_semaphore, #tpu.memory_space<semaphore_mem>>) src(%dma_wait3A_1254 : memref<8x128xf32, #tpu.memory_space<vmem>>) dst(%dma_wait3A_1251 : memref<8x128xf32, #tpu.memory_space<hbm>>)
      %broadcast_in_dim3A_1255 = arith.constant 0 : i32
      %broadcast_in_dim3A_1256 = vector.broadcast %broadcast_in_dim3A_1255 : i32 to vector<16xi32>
      %scan3A_1257 = arith.constant 0 : i32
      %scan3A_1258 = arith.constant 128 : i32
      %scan3A_1259 = arith.addi %scan3A_1257, %scan3A_1258 : i32
      %scan3A_1260 = arith.constant 4 : i32
      %scan3A_1261 = scf.for %scan3A_1448 = %scan3A_1257 to %scan3A_1259 step %scan3A_1260 iter_args(%scan3A_1449 = %broadcast_in_dim3A_1256) -> (vector<16xi32>)  : i32 {
        %get3A = arith.constant 7 : i32
        %get3A_1450 = arith.index_cast %get3A : i32 to index
        %get3A_1451 = arith.index_cast %scan3A_1448 : i32 to index
        %get3A_1452 = arith.constant 0 : index
        %get3A_1453 = tpu.vector_load %arg9[%get3A_1450, %get3A_1451, %get3A_1452] {strides = array<i32>} : memref<8x128x32xbf16, #tpu.memory_space<vmem>>, vector<32xbf16>,
        %unpack3A = tpu.unpack_subelements %get3A_1453, 0 {pack_format = #tpu.pack_format<interleaved>} : vector<32xbf16> -> vector<16xf32>
        %unpack3A_1454 = tpu.unpack_subelements %get3A_1453, 1 {pack_format = #tpu.pack_format<interleaved>} : vector<32xbf16> -> vector<16xf32>
        tpu.vector_store_idx %arg11[%iota3A, %scan3A_1449], %unpack3A : memref<32x129xf32, #tpu.memory_space<vmem>>[vector<16xi32>, vector<16xi32>], vector<16xf32>,
        tpu.vector_store_idx %arg11[%add3A_6, %scan3A_1449], %unpack3A_1454 : memref<32x129xf32, #tpu.memory_space<vmem>>[vector<16xi32>, vector<16xi32>], vector<16xf32>,
        %add3A_1455 = arith.addi %scan3A_1449, %broadcast_in_dim3A_1 : vector<16xi32>
        %scan3A_1456 = arith.constant 1 : i32
        %scan3A_1457 = arith.addi %scan3A_1448, %scan3A_1456 : i32
        %get3A_1458 = arith.constant 7 : i32
        %get3A_1459 = arith.index_cast %get3A_1458 : i32 to index
        %get3A_1460 = arith.index_cast %scan3A_1457 : i32 to index
        %get3A_1461 = arith.constant 0 : index
        %get3A_1462 = tpu.vector_load %arg9[%get3A_1459, %get3A_1460, %get3A_1461] {strides = array<i32>} : memref<8x128x32xbf16, #tpu.memory_space<vmem>>, vector<32xbf16>,
        %unpack3A_1463 = tpu.unpack_subelements %get3A_1462, 0 {pack_format = #tpu.pack_format<interleaved>} : vector<32xbf16> -> vector<16xf32>
        %unpack3A_1464 = tpu.unpack_subelements %get3A_1462, 1 {pack_format = #tpu.pack_format<interleaved>} : vector<32xbf16> -> vector<16xf32>
        tpu.vector_store_idx %arg11[%iota3A, %add3A_1455], %unpack3A_1463 : memref<32x129xf32, #tpu.memory_space<vmem>>[vector<16xi32>, vector<16xi32>], vector<16xf32>,
        tpu.vector_store_idx %arg11[%add3A_6, %add3A_1455], %unpack3A_1464 : memref<32x129xf32, #tpu.memory_space<vmem>>[vector<16xi32>, vector<16xi32>], vector<16xf32>,
        %add3A_1465 = arith.addi %add3A_1455, %broadcast_in_dim3A_1 : vector<16xi32>
        %scan3A_1466 = arith.constant 2 : i32
        %scan3A_1467 = arith.addi %scan3A_1448, %scan3A_1466 : i32
        %get3A_1468 = arith.constant 7 : i32
        %get3A_1469 = arith.index_cast %get3A_1468 : i32 to index
        %get3A_1470 = arith.index_cast %scan3A_1467 : i32 to index
        %get3A_1471 = arith.constant 0 : index
        %get3A_1472 = tpu.vector_load %arg9[%get3A_1469, %get3A_1470, %get3A_1471] {strides = array<i32>} : memref<8x128x32xbf16, #tpu.memory_space<vmem>>, vector<32xbf16>,
        %unpack3A_1473 = tpu.unpack_subelements %get3A_1472, 0 {pack_format = #tpu.pack_format<interleaved>} : vector<32xbf16> -> vector<16xf32>
        %unpack3A_1474 = tpu.unpack_subelements %get3A_1472, 1 {pack_format = #tpu.pack_format<interleaved>} : vector<32xbf16> -> vector<16xf32>
        tpu.vector_store_idx %arg11[%iota3A, %add3A_1465], %unpack3A_1473 : memref<32x129xf32, #tpu.memory_space<vmem>>[vector<16xi32>, vector<16xi32>], vector<16xf32>,
        tpu.vector_store_idx %arg11[%add3A_6, %add3A_1465], %unpack3A_1474 : memref<32x129xf32, #tpu.memory_space<vmem>>[vector<16xi32>, vector<16xi32>], vector<16xf32>,
        %add3A_1475 = arith.addi %add3A_1465, %broadcast_in_dim3A_1 : vector<16xi32>
        %scan3A_1476 = arith.constant 3 : i32
        %scan3A_1477 = arith.addi %scan3A_1448, %scan3A_1476 : i32
        %get3A_1478 = arith.constant 7 : i32
        %get3A_1479 = arith.index_cast %get3A_1478 : i32 to index
        %get3A_1480 = arith.index_cast %scan3A_1477 : i32 to index
        %get3A_1481 = arith.constant 0 : index
        %get3A_1482 = tpu.vector_load %arg9[%get3A_1479, %get3A_1480, %get3A_1481] {strides = array<i32>} : memref<8x128x32xbf16, #tpu.memory_space<vmem>>, vector<32xbf16>,
        %unpack3A_1483 = tpu.unpack_subelements %get3A_1482, 0 {pack_format = #tpu.pack_format<interleaved>} : vector<32xbf16> -> vector<16xf32>
        %unpack3A_1484 = tpu.unpack_subelements %get3A_1482, 1 {pack_format = #tpu.pack_format<interleaved>} : vector<32xbf16> -> vector<16xf32>
        tpu.vector_store_idx %arg11[%iota3A, %add3A_1475], %unpack3A_1483 : memref<32x129xf32, #tpu.memory_space<vmem>>[vector<16xi32>, vector<16xi32>], vector<16xf32>,
        tpu.vector_store_idx %arg11[%add3A_6, %add3A_1475], %unpack3A_1484 : memref<32x129xf32, #tpu.memory_space<vmem>>[vector<16xi32>, vector<16xi32>], vector<16xf32>,
        %add3A_1485 = arith.addi %add3A_1475, %broadcast_in_dim3A_1 : vector<16xi32>
        scf.yield %add3A_1485 : vector<16xi32>
      }
      %scan3A_1262 = arith.constant 128 : i32
      %mul3A_1263 = arith.constant 8 : i32
      %mul3A_1264 = arith.muli %select_n3A_139, %mul3A_1263 : i32
      %add3A_1265 = arith.constant 7 : i32
      %add3A_1266 = arith.addi %mul3A_1264, %add3A_1265 : i32
      %dma_start3A_1267 = arith.constant 0 : i32
      %dma_start3A_1268 = arith.constant 0 : i32
      %dma_start3A_1269 = arith.constant 0 : i32
      %dma_start3A_1270 = tpu.memref_slice %arg11[%dma_start3A_1268, %dma_start3A_1269] : memref<32x129xf32, #tpu.memory_space<vmem>> -> memref<8x128xf32, #tpu.memory_space<vmem>>
      %dma_start3A_1271 = arith.constant 0 : i32
      %dma_start3A_1272 = arith.constant 0 : i32
      %dma_start3A_1273 = tpu.memref_slice %arg5[%add3A_1266, %dma_start3A_1267, %add3A_158, %dma_start3A_1271, %dma_start3A_1272] : memref<200x4x128x8x128xf32, #tpu.memory_space<hbm>> -> memref<1x1x1x8x128xf32, #tpu.memory_space<hbm>>
      %dma_start3A_1274 = tpu.memref_squeeze %dma_start3A_1273 : memref<1x1x1x8x128xf32, #tpu.memory_space<hbm>> -> memref<8x128xf32, #tpu.memory_space<hbm>>
      %dma_start3A_1275 = arith.constant 0 : i32
      %dma_start3A_1276 = arith.constant 0 : i32
      %dma_start3A_1277 = tpu.memref_slice %arg5[%add3A_1266, %dma_start3A_1267, %add3A_158, %dma_start3A_1275, %dma_start3A_1276] : memref<200x4x128x8x128xf32, #tpu.memory_space<hbm>> -> memref<1x1x1x8x128xf32, #tpu.memory_space<hbm>>
      %dma_start3A_1278 = tpu.memref_squeeze %dma_start3A_1277 : memref<1x1x1x8x128xf32, #tpu.memory_space<hbm>> -> memref<8x128xf32, #tpu.memory_space<hbm>>
      %dma_start3A_1279 = arith.constant 0 : i32
      %dma_start3A_1280 = arith.constant 0 : i32
      %dma_start3A_1281 = tpu.memref_slice %arg11[%dma_start3A_1279, %dma_start3A_1280] : memref<32x129xf32, #tpu.memory_space<vmem>> -> memref<8x128xf32, #tpu.memory_space<vmem>>
      tpu.enqueue_dma source(%dma_start3A_1281 : memref<8x128xf32, #tpu.memory_space<vmem>>) target(%dma_start3A_1278 : memref<8x128xf32, #tpu.memory_space<hbm>>) target_semaphore(%arg15 : memref<!tpu.dma_semaphore, #tpu.memory_space<semaphore_mem>>)
      %dma_start3A_1282 = arith.constant 1 : i32
      %dma_start3A_1283 = arith.constant 8 : i32
      %dma_start3A_1284 = arith.constant 0 : i32
      %dma_start3A_1285 = tpu.memref_slice %arg11[%dma_start3A_1283, %dma_start3A_1284] : memref<32x129xf32, #tpu.memory_space<vmem>> -> memref<8x128xf32, #tpu.memory_space<vmem>>
      %dma_start3A_1286 = arith.constant 0 : i32
      %dma_start3A_1287 = arith.constant 0 : i32
      %dma_start3A_1288 = tpu.memref_slice %arg5[%add3A_1266, %dma_start3A_1282, %add3A_158, %dma_start3A_1286, %dma_start3A_1287] : memref<200x4x128x8x128xf32, #tpu.memory_space<hbm>> -> memref<1x1x1x8x128xf32, #tpu.memory_space<hbm>>
      %dma_start3A_1289 = tpu.memref_squeeze %dma_start3A_1288 : memref<1x1x1x8x128xf32, #tpu.memory_space<hbm>> -> memref<8x128xf32, #tpu.memory_space<hbm>>
      %dma_start3A_1290 = arith.constant 0 : i32
      %dma_start3A_1291 = arith.constant 0 : i32
      %dma_start3A_1292 = tpu.memref_slice %arg5[%add3A_1266, %dma_start3A_1282, %add3A_158, %dma_start3A_1290, %dma_start3A_1291] : memref<200x4x128x8x128xf32, #tpu.memory_space<hbm>> -> memref<1x1x1x8x128xf32, #tpu.memory_space<hbm>>
      %dma_start3A_1293 = tpu.memref_squeeze %dma_start3A_1292 : memref<1x1x1x8x128xf32, #tpu.memory_space<hbm>> -> memref<8x128xf32, #tpu.memory_space<hbm>>
      %dma_start3A_1294 = arith.constant 8 : i32
      %dma_start3A_1295 = arith.constant 0 : i32
      %dma_start3A_1296 = tpu.memref_slice %arg11[%dma_start3A_1294, %dma_start3A_1295] : memref<32x129xf32, #tpu.memory_space<vmem>> -> memref<8x128xf32, #tpu.memory_space<vmem>>
      tpu.enqueue_dma source(%dma_start3A_1296 : memref<8x128xf32, #tpu.memory_space<vmem>>) target(%dma_start3A_1293 : memref<8x128xf32, #tpu.memory_space<hbm>>) target_semaphore(%arg15 : memref<!tpu.dma_semaphore, #tpu.memory_space<semaphore_mem>>)
      %dma_start3A_1297 = arith.constant 2 : i32
      %dma_start3A_1298 = arith.constant 16 : i32
      %dma_start3A_1299 = arith.constant 0 : i32
      %dma_start3A_1300 = tpu.memref_slice %arg11[%dma_start3A_1298, %dma_start3A_1299] : memref<32x129xf32, #tpu.memory_space<vmem>> -> memref<8x128xf32, #tpu.memory_space<vmem>>
      %dma_start3A_1301 = arith.constant 0 : i32
      %dma_start3A_1302 = arith.constant 0 : i32
      %dma_start3A_1303 = tpu.memref_slice %arg5[%add3A_1266, %dma_start3A_1297, %add3A_158, %dma_start3A_1301, %dma_start3A_1302] : memref<200x4x128x8x128xf32, #tpu.memory_space<hbm>> -> memref<1x1x1x8x128xf32, #tpu.memory_space<hbm>>
      %dma_start3A_1304 = tpu.memref_squeeze %dma_start3A_1303 : memref<1x1x1x8x128xf32, #tpu.memory_space<hbm>> -> memref<8x128xf32, #tpu.memory_space<hbm>>
      %dma_start3A_1305 = arith.constant 0 : i32
      %dma_start3A_1306 = arith.constant 0 : i32
      %dma_start3A_1307 = tpu.memref_slice %arg5[%add3A_1266, %dma_start3A_1297, %add3A_158, %dma_start3A_1305, %dma_start3A_1306] : memref<200x4x128x8x128xf32, #tpu.memory_space<hbm>> -> memref<1x1x1x8x128xf32, #tpu.memory_space<hbm>>
      %dma_start3A_1308 = tpu.memref_squeeze %dma_start3A_1307 : memref<1x1x1x8x128xf32, #tpu.memory_space<hbm>> -> memref<8x128xf32, #tpu.memory_space<hbm>>
      %dma_start3A_1309 = arith.constant 16 : i32
      %dma_start3A_1310 = arith.constant 0 : i32
      %dma_start3A_1311 = tpu.memref_slice %arg11[%dma_start3A_1309, %dma_start3A_1310] : memref<32x129xf32, #tpu.memory_space<vmem>> -> memref<8x128xf32, #tpu.memory_space<vmem>>
      tpu.enqueue_dma source(%dma_start3A_1311 : memref<8x128xf32, #tpu.memory_space<vmem>>) target(%dma_start3A_1308 : memref<8x128xf32, #tpu.memory_space<hbm>>) target_semaphore(%arg15 : memref<!tpu.dma_semaphore, #tpu.memory_space<semaphore_mem>>)
      %dma_start3A_1312 = arith.constant 3 : i32
      %dma_start3A_1313 = arith.constant 24 : i32
      %dma_start3A_1314 = arith.constant 0 : i32
      %dma_start3A_1315 = tpu.memref_slice %arg11[%dma_start3A_1313, %dma_start3A_1314] : memref<32x129xf32, #tpu.memory_space<vmem>> -> memref<8x128xf32, #tpu.memory_space<vmem>>
      %dma_start3A_1316 = arith.constant 0 : i32
      %dma_start3A_1317 = arith.constant 0 : i32
      %dma_start3A_1318 = tpu.memref_slice %arg5[%add3A_1266, %dma_start3A_1312, %add3A_158, %dma_start3A_1316, %dma_start3A_1317] : memref<200x4x128x8x128xf32, #tpu.memory_space<hbm>> -> memref<1x1x1x8x128xf32, #tpu.memory_space<hbm>>
      %dma_start3A_1319 = tpu.memref_squeeze %dma_start3A_1318 : memref<1x1x1x8x128xf32, #tpu.memory_space<hbm>> -> memref<8x128xf32, #tpu.memory_space<hbm>>
      %dma_start3A_1320 = arith.constant 0 : i32
      %dma_start3A_1321 = arith.constant 0 : i32
      %dma_start3A_1322 = tpu.memref_slice %arg5[%add3A_1266, %dma_start3A_1312, %add3A_158, %dma_start3A_1320, %dma_start3A_1321] : memref<200x4x128x8x128xf32, #tpu.memory_space<hbm>> -> memref<1x1x1x8x128xf32, #tpu.memory_space<hbm>>
      %dma_start3A_1323 = tpu.memref_squeeze %dma_start3A_1322 : memref<1x1x1x8x128xf32, #tpu.memory_space<hbm>> -> memref<8x128xf32, #tpu.memory_space<hbm>>
      %dma_start3A_1324 = arith.constant 24 : i32
      %dma_start3A_1325 = arith.constant 0 : i32
      %dma_start3A_1326 = tpu.memref_slice %arg11[%dma_start3A_1324, %dma_start3A_1325] : memref<32x129xf32, #tpu.memory_space<vmem>> -> memref<8x128xf32, #tpu.memory_space<vmem>>
      tpu.enqueue_dma source(%dma_start3A_1326 : memref<8x128xf32, #tpu.memory_space<vmem>>) target(%dma_start3A_1323 : memref<8x128xf32, #tpu.memory_space<hbm>>) target_semaphore(%arg15 : memref<!tpu.dma_semaphore, #tpu.memory_space<semaphore_mem>>)
      %dma_wait3A_1327 = arith.constant 0 : i32
      %dma_wait3A_1328 = arith.constant 0 : i32
      %dma_wait3A_1329 = arith.constant 0 : i32
      %dma_wait3A_1330 = tpu.memref_slice %arg10[%dma_wait3A_1328, %dma_wait3A_1329] : memref<32x129xf32, #tpu.memory_space<vmem>> -> memref<8x128xf32, #tpu.memory_space<vmem>>
      %dma_wait3A_1331 = arith.constant 0 : i32
      %dma_wait3A_1332 = arith.constant 0 : i32
      %dma_wait3A_1333 = tpu.memref_slice %arg5[%add3A_1124, %dma_wait3A_1327, %add3A_158, %dma_wait3A_1331, %dma_wait3A_1332] : memref<200x4x128x8x128xf32, #tpu.memory_space<hbm>> -> memref<1x1x1x8x128xf32, #tpu.memory_space<hbm>>
      %dma_wait3A_1334 = tpu.memref_squeeze %dma_wait3A_1333 : memref<1x1x1x8x128xf32, #tpu.memory_space<hbm>> -> memref<8x128xf32, #tpu.memory_space<hbm>>
      %dma_wait3A_1335 = arith.constant 0 : i32
      %dma_wait3A_1336 = arith.constant 0 : i32
      %dma_wait3A_1337 = tpu.memref_slice %arg5[%add3A_1124, %dma_wait3A_1327, %add3A_158, %dma_wait3A_1335, %dma_wait3A_1336] : memref<200x4x128x8x128xf32, #tpu.memory_space<hbm>> -> memref<1x1x1x8x128xf32, #tpu.memory_space<hbm>>
      %dma_wait3A_1338 = tpu.memref_squeeze %dma_wait3A_1337 : memref<1x1x1x8x128xf32, #tpu.memory_space<hbm>> -> memref<8x128xf32, #tpu.memory_space<hbm>>
      %dma_wait3A_1339 = arith.constant 0 : i32
      %dma_wait3A_1340 = arith.constant 0 : i32
      %dma_wait3A_1341 = tpu.memref_slice %arg10[%dma_wait3A_1339, %dma_wait3A_1340] : memref<32x129xf32, #tpu.memory_space<vmem>> -> memref<8x128xf32, #tpu.memory_space<vmem>>
      tpu.wait_dma2 semaphore(%arg14 : memref<!tpu.dma_semaphore, #tpu.memory_space<semaphore_mem>>) src(%dma_wait3A_1341 : memref<8x128xf32, #tpu.memory_space<vmem>>) dst(%dma_wait3A_1338 : memref<8x128xf32, #tpu.memory_space<hbm>>)
      %dma_wait3A_1342 = arith.constant 1 : i32
      %dma_wait3A_1343 = arith.constant 8 : i32
      %dma_wait3A_1344 = arith.constant 0 : i32
      %dma_wait3A_1345 = tpu.memref_slice %arg10[%dma_wait3A_1343, %dma_wait3A_1344] : memref<32x129xf32, #tpu.memory_space<vmem>> -> memref<8x128xf32, #tpu.memory_space<vmem>>
      %dma_wait3A_1346 = arith.constant 0 : i32
      %dma_wait3A_1347 = arith.constant 0 : i32
      %dma_wait3A_1348 = tpu.memref_slice %arg5[%add3A_1124, %dma_wait3A_1342, %add3A_158, %dma_wait3A_1346, %dma_wait3A_1347] : memref<200x4x128x8x128xf32, #tpu.memory_space<hbm>> -> memref<1x1x1x8x128xf32, #tpu.memory_space<hbm>>
      %dma_wait3A_1349 = tpu.memref_squeeze %dma_wait3A_1348 : memref<1x1x1x8x128xf32, #tpu.memory_space<hbm>> -> memref<8x128xf32, #tpu.memory_space<hbm>>
      %dma_wait3A_1350 = arith.constant 0 : i32
      %dma_wait3A_1351 = arith.constant 0 : i32
      %dma_wait3A_1352 = tpu.memref_slice %arg5[%add3A_1124, %dma_wait3A_1342, %add3A_158, %dma_wait3A_1350, %dma_wait3A_1351] : memref<200x4x128x8x128xf32, #tpu.memory_space<hbm>> -> memref<1x1x1x8x128xf32, #tpu.memory_space<hbm>>
      %dma_wait3A_1353 = tpu.memref_squeeze %dma_wait3A_1352 : memref<1x1x1x8x128xf32, #tpu.memory_space<hbm>> -> memref<8x128xf32, #tpu.memory_space<hbm>>
      %dma_wait3A_1354 = arith.constant 8 : i32
      %dma_wait3A_1355 = arith.constant 0 : i32
      %dma_wait3A_1356 = tpu.memref_slice %arg10[%dma_wait3A_1354, %dma_wait3A_1355] : memref<32x129xf32, #tpu.memory_space<vmem>> -> memref<8x128xf32, #tpu.memory_space<vmem>>
      tpu.wait_dma2 semaphore(%arg14 : memref<!tpu.dma_semaphore, #tpu.memory_space<semaphore_mem>>) src(%dma_wait3A_1356 : memref<8x128xf32, #tpu.memory_space<vmem>>) dst(%dma_wait3A_1353 : memref<8x128xf32, #tpu.memory_space<hbm>>)
      %dma_wait3A_1357 = arith.constant 2 : i32
      %dma_wait3A_1358 = arith.constant 16 : i32
      %dma_wait3A_1359 = arith.constant 0 : i32
      %dma_wait3A_1360 = tpu.memref_slice %arg10[%dma_wait3A_1358, %dma_wait3A_1359] : memref<32x129xf32, #tpu.memory_space<vmem>> -> memref<8x128xf32, #tpu.memory_space<vmem>>
      %dma_wait3A_1361 = arith.constant 0 : i32
      %dma_wait3A_1362 = arith.constant 0 : i32
      %dma_wait3A_1363 = tpu.memref_slice %arg5[%add3A_1124, %dma_wait3A_1357, %add3A_158, %dma_wait3A_1361, %dma_wait3A_1362] : memref<200x4x128x8x128xf32, #tpu.memory_space<hbm>> -> memref<1x1x1x8x128xf32, #tpu.memory_space<hbm>>
      %dma_wait3A_1364 = tpu.memref_squeeze %dma_wait3A_1363 : memref<1x1x1x8x128xf32, #tpu.memory_space<hbm>> -> memref<8x128xf32, #tpu.memory_space<hbm>>
      %dma_wait3A_1365 = arith.constant 0 : i32
      %dma_wait3A_1366 = arith.constant 0 : i32
      %dma_wait3A_1367 = tpu.memref_slice %arg5[%add3A_1124, %dma_wait3A_1357, %add3A_158, %dma_wait3A_1365, %dma_wait3A_1366] : memref<200x4x128x8x128xf32, #tpu.memory_space<hbm>> -> memref<1x1x1x8x128xf32, #tpu.memory_space<hbm>>
      %dma_wait3A_1368 = tpu.memref_squeeze %dma_wait3A_1367 : memref<1x1x1x8x128xf32, #tpu.memory_space<hbm>> -> memref<8x128xf32, #tpu.memory_space<hbm>>
      %dma_wait3A_1369 = arith.constant 16 : i32
      %dma_wait3A_1370 = arith.constant 0 : i32
      %dma_wait3A_1371 = tpu.memref_slice %arg10[%dma_wait3A_1369, %dma_wait3A_1370] : memref<32x129xf32, #tpu.memory_space<vmem>> -> memref<8x128xf32, #tpu.memory_space<vmem>>
      tpu.wait_dma2 semaphore(%arg14 : memref<!tpu.dma_semaphore, #tpu.memory_space<semaphore_mem>>) src(%dma_wait3A_1371 : memref<8x128xf32, #tpu.memory_space<vmem>>) dst(%dma_wait3A_1368 : memref<8x128xf32, #tpu.memory_space<hbm>>)
      %dma_wait3A_1372 = arith.constant 3 : i32
      %dma_wait3A_1373 = arith.constant 24 : i32
      %dma_wait3A_1374 = arith.constant 0 : i32
      %dma_wait3A_1375 = tpu.memref_slice %arg10[%dma_wait3A_1373, %dma_wait3A_1374] : memref<32x129xf32, #tpu.memory_space<vmem>> -> memref<8x128xf32, #tpu.memory_space<vmem>>
      %dma_wait3A_1376 = arith.constant 0 : i32
      %dma_wait3A_1377 = arith.constant 0 : i32
      %dma_wait3A_1378 = tpu.memref_slice %arg5[%add3A_1124, %dma_wait3A_1372, %add3A_158, %dma_wait3A_1376, %dma_wait3A_1377] : memref<200x4x128x8x128xf32, #tpu.memory_space<hbm>> -> memref<1x1x1x8x128xf32, #tpu.memory_space<hbm>>
      %dma_wait3A_1379 = tpu.memref_squeeze %dma_wait3A_1378 : memref<1x1x1x8x128xf32, #tpu.memory_space<hbm>> -> memref<8x128xf32, #tpu.memory_space<hbm>>
      %dma_wait3A_1380 = arith.constant 0 : i32
      %dma_wait3A_1381 = arith.constant 0 : i32
      %dma_wait3A_1382 = tpu.memref_slice %arg5[%add3A_1124, %dma_wait3A_1372, %add3A_158, %dma_wait3A_1380, %dma_wait3A_1381] : memref<200x4x128x8x128xf32, #tpu.memory_space<hbm>> -> memref<1x1x1x8x128xf32, #tpu.memory_space<hbm>>
      %dma_wait3A_1383 = tpu.memref_squeeze %dma_wait3A_1382 : memref<1x1x1x8x128xf32, #tpu.memory_space<hbm>> -> memref<8x128xf32, #tpu.memory_space<hbm>>
      %dma_wait3A_1384 = arith.constant 24 : i32
      %dma_wait3A_1385 = arith.constant 0 : i32
      %dma_wait3A_1386 = tpu.memref_slice %arg10[%dma_wait3A_1384, %dma_wait3A_1385] : memref<32x129xf32, #tpu.memory_space<vmem>> -> memref<8x128xf32, #tpu.memory_space<vmem>>
      tpu.wait_dma2 semaphore(%arg14 : memref<!tpu.dma_semaphore, #tpu.memory_space<semaphore_mem>>) src(%dma_wait3A_1386 : memref<8x128xf32, #tpu.memory_space<vmem>>) dst(%dma_wait3A_1383 : memref<8x128xf32, #tpu.memory_space<hbm>>)
      %dma_wait3A_1387 = arith.constant 0 : i32
      %dma_wait3A_1388 = arith.constant 0 : i32
      %dma_wait3A_1389 = arith.constant 0 : i32
      %dma_wait3A_1390 = tpu.memref_slice %arg11[%dma_wait3A_1388, %dma_wait3A_1389] : memref<32x129xf32, #tpu.memory_space<vmem>> -> memref<8x128xf32, #tpu.memory_space<vmem>>
      %dma_wait3A_1391 = arith.constant 0 : i32
      %dma_wait3A_1392 = arith.constant 0 : i32
      %dma_wait3A_1393 = tpu.memref_slice %arg5[%add3A_1266, %dma_wait3A_1387, %add3A_158, %dma_wait3A_1391, %dma_wait3A_1392] : memref<200x4x128x8x128xf32, #tpu.memory_space<hbm>> -> memref<1x1x1x8x128xf32, #tpu.memory_space<hbm>>
      %dma_wait3A_1394 = tpu.memref_squeeze %dma_wait3A_1393 : memref<1x1x1x8x128xf32, #tpu.memory_space<hbm>> -> memref<8x128xf32, #tpu.memory_space<hbm>>
      %dma_wait3A_1395 = arith.constant 0 : i32
      %dma_wait3A_1396 = arith.constant 0 : i32
      %dma_wait3A_1397 = tpu.memref_slice %arg5[%add3A_1266, %dma_wait3A_1387, %add3A_158, %dma_wait3A_1395, %dma_wait3A_1396] : memref<200x4x128x8x128xf32, #tpu.memory_space<hbm>> -> memref<1x1x1x8x128xf32, #tpu.memory_space<hbm>>
      %dma_wait3A_1398 = tpu.memref_squeeze %dma_wait3A_1397 : memref<1x1x1x8x128xf32, #tpu.memory_space<hbm>> -> memref<8x128xf32, #tpu.memory_space<hbm>>
      %dma_wait3A_1399 = arith.constant 0 : i32
      %dma_wait3A_1400 = arith.constant 0 : i32
      %dma_wait3A_1401 = tpu.memref_slice %arg11[%dma_wait3A_1399, %dma_wait3A_1400] : memref<32x129xf32, #tpu.memory_space<vmem>> -> memref<8x128xf32, #tpu.memory_space<vmem>>
      tpu.wait_dma2 semaphore(%arg15 : memref<!tpu.dma_semaphore, #tpu.memory_space<semaphore_mem>>) src(%dma_wait3A_1401 : memref<8x128xf32, #tpu.memory_space<vmem>>) dst(%dma_wait3A_1398 : memref<8x128xf32, #tpu.memory_space<hbm>>)
      %dma_wait3A_1402 = arith.constant 1 : i32
      %dma_wait3A_1403 = arith.constant 8 : i32
      %dma_wait3A_1404 = arith.constant 0 : i32
      %dma_wait3A_1405 = tpu.memref_slice %arg11[%dma_wait3A_1403, %dma_wait3A_1404] : memref<32x129xf32, #tpu.memory_space<vmem>> -> memref<8x128xf32, #tpu.memory_space<vmem>>
      %dma_wait3A_1406 = arith.constant 0 : i32
      %dma_wait3A_1407 = arith.constant 0 : i32
      %dma_wait3A_1408 = tpu.memref_slice %arg5[%add3A_1266, %dma_wait3A_1402, %add3A_158, %dma_wait3A_1406, %dma_wait3A_1407] : memref<200x4x128x8x128xf32, #tpu.memory_space<hbm>> -> memref<1x1x1x8x128xf32, #tpu.memory_space<hbm>>
      %dma_wait3A_1409 = tpu.memref_squeeze %dma_wait3A_1408 : memref<1x1x1x8x128xf32, #tpu.memory_space<hbm>> -> memref<8x128xf32, #tpu.memory_space<hbm>>
      %dma_wait3A_1410 = arith.constant 0 : i32
      %dma_wait3A_1411 = arith.constant 0 : i32
      %dma_wait3A_1412 = tpu.memref_slice %arg5[%add3A_1266, %dma_wait3A_1402, %add3A_158, %dma_wait3A_1410, %dma_wait3A_1411] : memref<200x4x128x8x128xf32, #tpu.memory_space<hbm>> -> memref<1x1x1x8x128xf32, #tpu.memory_space<hbm>>
      %dma_wait3A_1413 = tpu.memref_squeeze %dma_wait3A_1412 : memref<1x1x1x8x128xf32, #tpu.memory_space<hbm>> -> memref<8x128xf32, #tpu.memory_space<hbm>>
      %dma_wait3A_1414 = arith.constant 8 : i32
      %dma_wait3A_1415 = arith.constant 0 : i32
      %dma_wait3A_1416 = tpu.memref_slice %arg11[%dma_wait3A_1414, %dma_wait3A_1415] : memref<32x129xf32, #tpu.memory_space<vmem>> -> memref<8x128xf32, #tpu.memory_space<vmem>>
      tpu.wait_dma2 semaphore(%arg15 : memref<!tpu.dma_semaphore, #tpu.memory_space<semaphore_mem>>) src(%dma_wait3A_1416 : memref<8x128xf32, #tpu.memory_space<vmem>>) dst(%dma_wait3A_1413 : memref<8x128xf32, #tpu.memory_space<hbm>>)
      %dma_wait3A_1417 = arith.constant 2 : i32
      %dma_wait3A_1418 = arith.constant 16 : i32
      %dma_wait3A_1419 = arith.constant 0 : i32
      %dma_wait3A_1420 = tpu.memref_slice %arg11[%dma_wait3A_1418, %dma_wait3A_1419] : memref<32x129xf32, #tpu.memory_space<vmem>> -> memref<8x128xf32, #tpu.memory_space<vmem>>
      %dma_wait3A_1421 = arith.constant 0 : i32
      %dma_wait3A_1422 = arith.constant 0 : i32
      %dma_wait3A_1423 = tpu.memref_slice %arg5[%add3A_1266, %dma_wait3A_1417, %add3A_158, %dma_wait3A_1421, %dma_wait3A_1422] : memref<200x4x128x8x128xf32, #tpu.memory_space<hbm>> -> memref<1x1x1x8x128xf32, #tpu.memory_space<hbm>>
      %dma_wait3A_1424 = tpu.memref_squeeze %dma_wait3A_1423 : memref<1x1x1x8x128xf32, #tpu.memory_space<hbm>> -> memref<8x128xf32, #tpu.memory_space<hbm>>
      %dma_wait3A_1425 = arith.constant 0 : i32
      %dma_wait3A_1426 = arith.constant 0 : i32
      %dma_wait3A_1427 = tpu.memref_slice %arg5[%add3A_1266, %dma_wait3A_1417, %add3A_158, %dma_wait3A_1425, %dma_wait3A_1426] : memref<200x4x128x8x128xf32, #tpu.memory_space<hbm>> -> memref<1x1x1x8x128xf32, #tpu.memory_space<hbm>>
      %dma_wait3A_1428 = tpu.memref_squeeze %dma_wait3A_1427 : memref<1x1x1x8x128xf32, #tpu.memory_space<hbm>> -> memref<8x128xf32, #tpu.memory_space<hbm>>
      %dma_wait3A_1429 = arith.constant 16 : i32
      %dma_wait3A_1430 = arith.constant 0 : i32
      %dma_wait3A_1431 = tpu.memref_slice %arg11[%dma_wait3A_1429, %dma_wait3A_1430] : memref<32x129xf32, #tpu.memory_space<vmem>> -> memref<8x128xf32, #tpu.memory_space<vmem>>
      tpu.wait_dma2 semaphore(%arg15 : memref<!tpu.dma_semaphore, #tpu.memory_space<semaphore_mem>>) src(%dma_wait3A_1431 : memref<8x128xf32, #tpu.memory_space<vmem>>) dst(%dma_wait3A_1428 : memref<8x128xf32, #tpu.memory_space<hbm>>)
      %dma_wait3A_1432 = arith.constant 3 : i32
      %dma_wait3A_1433 = arith.constant 24 : i32
      %dma_wait3A_1434 = arith.constant 0 : i32
      %dma_wait3A_1435 = tpu.memref_slice %arg11[%dma_wait3A_1433, %dma_wait3A_1434] : memref<32x129xf32, #tpu.memory_space<vmem>> -> memref<8x128xf32, #tpu.memory_space<vmem>>
      %dma_wait3A_1436 = arith.constant 0 : i32
      %dma_wait3A_1437 = arith.constant 0 : i32
      %dma_wait3A_1438 = tpu.memref_slice %arg5[%add3A_1266, %dma_wait3A_1432, %add3A_158, %dma_wait3A_1436, %dma_wait3A_1437] : memref<200x4x128x8x128xf32, #tpu.memory_space<hbm>> -> memref<1x1x1x8x128xf32, #tpu.memory_space<hbm>>
      %dma_wait3A_1439 = tpu.memref_squeeze %dma_wait3A_1438 : memref<1x1x1x8x128xf32, #tpu.memory_space<hbm>> -> memref<8x128xf32, #tpu.memory_space<hbm>>
      %dma_wait3A_1440 = arith.constant 0 : i32
      %dma_wait3A_1441 = arith.constant 0 : i32
      %dma_wait3A_1442 = tpu.memref_slice %arg5[%add3A_1266, %dma_wait3A_1432, %add3A_158, %dma_wait3A_1440, %dma_wait3A_1441] : memref<200x4x128x8x128xf32, #tpu.memory_space<hbm>> -> memref<1x1x1x8x128xf32, #tpu.memory_space<hbm>>
      %dma_wait3A_1443 = tpu.memref_squeeze %dma_wait3A_1442 : memref<1x1x1x8x128xf32, #tpu.memory_space<hbm>> -> memref<8x128xf32, #tpu.memory_space<hbm>>
      %dma_wait3A_1444 = arith.constant 24 : i32
      %dma_wait3A_1445 = arith.constant 0 : i32
      %dma_wait3A_1446 = tpu.memref_slice %arg11[%dma_wait3A_1444, %dma_wait3A_1445] : memref<32x129xf32, #tpu.memory_space<vmem>> -> memref<8x128xf32, #tpu.memory_space<vmem>>
      tpu.wait_dma2 semaphore(%arg15 : memref<!tpu.dma_semaphore, #tpu.memory_space<semaphore_mem>>) src(%dma_wait3A_1446 : memref<8x128xf32, #tpu.memory_space<vmem>>) dst(%dma_wait3A_1443 : memref<8x128xf32, #tpu.memory_space<hbm>>)
      %scan3A_1447 = arith.constant 0 : i32
      scf.yield %scan3A_1447 : i32
    }
    %scan3A_43 = arith.constant 100 : i32
    %dma_wait3A = arith.constant 0 : i32
    %dma_wait3A_44 = arith.constant 0 : i32
    %dma_wait3A_45 = arith.constant 0 : i32
    %dma_wait3A_46 = arith.constant 0 : i32
    %dma_wait3A_47 = tpu.memref_slice %arg6[%dma_wait3A_45, %dma_wait3A_46] : memref<2x1024xi32, #tpu.memory_space<vmem>> -> memref<1x1024xi32, #tpu.memory_space<vmem>>
    %dma_wait3A_48 = tpu.memref_squeeze %dma_wait3A_47 : memref<1x1024xi32, #tpu.memory_space<vmem>> -> memref<1024xi32, #tpu.memory_space<vmem>>
    %dma_wait3A_49 = arith.constant 0 : i32
    %dma_wait3A_50 = tpu.memref_slice %arg3[%dma_wait3A, %dma_wait3A_44, %dma_wait3A_49] : memref<25x128x1024xi32, #tpu.memory_space<hbm>> -> memref<1x1x1024xi32, #tpu.memory_space<hbm>>
    %dma_wait3A_51 = tpu.memref_squeeze %dma_wait3A_50 : memref<1x1x1024xi32, #tpu.memory_space<hbm>> -> memref<1024xi32, #tpu.memory_space<hbm>>
    %dma_wait3A_52 = arith.constant 0 : i32
    %dma_wait3A_53 = tpu.memref_slice %arg6[%dma_wait3A_45, %dma_wait3A_52] : memref<2x1024xi32, #tpu.memory_space<vmem>> -> memref<1x1024xi32, #tpu.memory_space<vmem>>
    %dma_wait3A_54 = tpu.memref_squeeze %dma_wait3A_53 : memref<1x1024xi32, #tpu.memory_space<vmem>> -> memref<1024xi32, #tpu.memory_space<vmem>>
    %dma_wait3A_55 = arith.constant 0 : i32
    %dma_wait3A_56 = tpu.memref_slice %arg3[%dma_wait3A, %dma_wait3A_44, %dma_wait3A_55] : memref<25x128x1024xi32, #tpu.memory_space<hbm>> -> memref<1x1x1024xi32, #tpu.memory_space<hbm>>
    %dma_wait3A_57 = tpu.memref_squeeze %dma_wait3A_56 : memref<1x1x1024xi32, #tpu.memory_space<hbm>> -> memref<1024xi32, #tpu.memory_space<hbm>>
    tpu.wait_dma2 semaphore(%arg12 : memref<!tpu.dma_semaphore, #tpu.memory_space<semaphore_mem>>) src(%dma_wait3A_57 : memref<1024xi32, #tpu.memory_space<hbm>>) dst(%dma_wait3A_54 : memref<1024xi32, #tpu.memory_space<vmem>>)
    %dma_wait3A_58 = arith.constant 0 : i32
    %dma_wait3A_59 = arith.constant 0 : i32
    %dma_wait3A_60 = arith.constant 0 : i32
    %dma_wait3A_61 = arith.constant 0 : i32
    %dma_wait3A_62 = tpu.memref_slice %arg7[%dma_wait3A_60, %dma_wait3A_61] : memref<2x1024xi32, #tpu.memory_space<vmem>> -> memref<1x1024xi32, #tpu.memory_space<vmem>>
    %dma_wait3A_63 = tpu.memref_squeeze %dma_wait3A_62 : memref<1x1024xi32, #tpu.memory_space<vmem>> -> memref<1024xi32, #tpu.memory_space<vmem>>
    %dma_wait3A_64 = arith.constant 0 : i32
    %dma_wait3A_65 = tpu.memref_slice %arg4[%dma_wait3A_58, %dma_wait3A_59, %dma_wait3A_64] : memref<25x128x1024xi32, #tpu.memory_space<hbm>> -> memref<1x1x1024xi32, #tpu.memory_space<hbm>>
    %dma_wait3A_66 = tpu.memref_squeeze %dma_wait3A_65 : memref<1x1x1024xi32, #tpu.memory_space<hbm>> -> memref<1024xi32, #tpu.memory_space<hbm>>
    %dma_wait3A_67 = arith.constant 0 : i32
    %dma_wait3A_68 = tpu.memref_slice %arg7[%dma_wait3A_60, %dma_wait3A_67] : memref<2x1024xi32, #tpu.memory_space<vmem>> -> memref<1x1024xi32, #tpu.memory_space<vmem>>
    %dma_wait3A_69 = tpu.memref_squeeze %dma_wait3A_68 : memref<1x1024xi32, #tpu.memory_space<vmem>> -> memref<1024xi32, #tpu.memory_space<vmem>>
    %dma_wait3A_70 = arith.constant 0 : i32
    %dma_wait3A_71 = tpu.memref_slice %arg4[%dma_wait3A_58, %dma_wait3A_59, %dma_wait3A_70] : memref<25x128x1024xi32, #tpu.memory_space<hbm>> -> memref<1x1x1024xi32, #tpu.memory_space<hbm>>
    %dma_wait3A_72 = tpu.memref_squeeze %dma_wait3A_71 : memref<1x1x1024xi32, #tpu.memory_space<hbm>> -> memref<1024xi32, #tpu.memory_space<hbm>>
    tpu.wait_dma2 semaphore(%arg12 : memref<!tpu.dma_semaphore, #tpu.memory_space<semaphore_mem>>) src(%dma_wait3A_72 : memref<1024xi32, #tpu.memory_space<hbm>>) dst(%dma_wait3A_69 : memref<1024xi32, #tpu.memory_space<vmem>>)
    return
  }
}

module attributes {stable_mosaic.version = 14 : i64} {
  func.func @_proj_body(%arg0: memref<512x32xf32, #tpu.memory_space<vmem>>, %arg1: memref<20x8xf32, #tpu.memory_space<vmem>>, %arg2: memref<32x40xf32, #tpu.memory_space<vmem>>, %arg3: memref<1x32xf32, #tpu.memory_space<vmem>>, %arg4: memref<512x20x32xbf16, #tpu.memory_space<vmem>>) attributes {dimension_semantics = [], scalar_prefetch = 0 : i64, scratch_operands = 0 : i64, tpu.core_type = #tpu.core_type<tc>} {
    %get3A = arith.constant 0 : index
    %get3A_0 = arith.constant 0 : index
    %get3A_1 = vector.load %arg0[%get3A, %get3A_0] : memref<512x32xf32, #tpu.memory_space<vmem>>, vector<512x32xf32>
    %iota3A = tpu.iota {dimensions = array<i32: 0>} : vector<512x32xi32>
    %eq3A = arith.constant 0 : i32
    %eq3A_2 = vector.broadcast %eq3A : i32 to vector<512x32xi32>
    %eq3A_3 = arith.cmpi eq, %iota3A, %eq3A_2 : vector<512x32xi32>
    %jit3A = arith.constant 0.000000e+00 : f32
    %broadcast_in_dim3A = vector.broadcast %jit3A : f32 to vector<512x32xf32>
    %select_n3A = arith.select %eq3A_3, %broadcast_in_dim3A, %get3A_1 : vector<512x32xi1>, vector<512x32xf32>
    %get3A_4 = arith.constant 0 : index
    %get3A_5 = arith.constant 0 : index
    %get3A_6 = vector.load %arg2[%get3A_4, %get3A_5] : memref<32x40xf32, #tpu.memory_space<vmem>>, vector<32x40xf32>
    %slice3A = vector.extract_strided_slice %get3A_6 {offsets = [0, 0], sizes = [32, 32], strides = [1, 1]} : vector<32x40xf32> to vector<32x32xf32>
    %slice3A_7 = vector.extract_strided_slice %get3A_6 {offsets = [0, 32], sizes = [32, 8], strides = [1, 1]} : vector<32x40xf32> to vector<32x8xf32>
    %dot_general3A = arith.constant dense<0.000000e+00> : vector<512x32xf32>
    %dot_general3A_8 = tpu.matmul %select_n3A, %slice3A, %dot_general3A {dimension_numbers = #tpu.dot_dimension_numbers<[1], [1], [0], [0], [0, 0, 1, 0], [], []>, transpose_lhs_hint = false} : vector<512x32xf32>, vector<32x32xf32>, vector<512x32xf32> -> vector<512x32xf32>
    %get3A_9 = arith.constant 0 : index
    %get3A_10 = arith.constant 0 : index
    %get3A_11 = vector.load %arg1[%get3A_9, %get3A_10] : memref<20x8xf32, #tpu.memory_space<vmem>>, vector<20x8xf32>
    %dot_general3A_12 = arith.constant dense<0.000000e+00> : vector<20x32xf32>
    %dot_general3A_13 = tpu.matmul %get3A_11, %slice3A_7, %dot_general3A_12 {dimension_numbers = #tpu.dot_dimension_numbers<[1], [1], [0], [0], [0, 0, 1, 0], [], []>, transpose_lhs_hint = false} : vector<20x8xf32>, vector<32x8xf32>, vector<20x32xf32> -> vector<20x32xf32>
    %get3A_14 = arith.constant 0 : index
    %get3A_15 = arith.constant 0 : index
    %get3A_16 = vector.load %arg3[%get3A_14, %get3A_15] : memref<1x32xf32, #tpu.memory_space<vmem>>, vector<1x32xf32>
    %add3A = vector.broadcast %get3A_16 : vector<1x32xf32> to vector<20x32xf32>
    %add3A_17 = arith.addf %dot_general3A_13, %add3A : vector<20x32xf32>
    %broadcast_in_dim3A_18 = vector.shape_cast %dot_general3A_8 : vector<512x32xf32> to vector<512x1x32xf32>
    %broadcast_in_dim3A_19 = vector.shape_cast %broadcast_in_dim3A_18 : vector<512x1x32xf32> to vector<512x1x32xf32>
    %broadcast_in_dim3A_20 = vector.broadcast %broadcast_in_dim3A_19 : vector<512x1x32xf32> to vector<512x20x32xf32>
    %broadcast_in_dim3A_21 = vector.shape_cast %add3A_17 : vector<20x32xf32> to vector<1x20x32xf32>
    %broadcast_in_dim3A_22 = vector.shape_cast %broadcast_in_dim3A_21 : vector<1x20x32xf32> to vector<1x20x32xf32>
    %broadcast_in_dim3A_23 = vector.broadcast %broadcast_in_dim3A_22 : vector<1x20x32xf32> to vector<512x20x32xf32>
    %add3A_24 = arith.addf %broadcast_in_dim3A_20, %broadcast_in_dim3A_23 : vector<512x20x32xf32>
    %convert_element_type3A = arith.truncf %add3A_24 : vector<512x20x32xf32> to vector<512x20x32xbf16>
    %swap3A = arith.constant 0 : index
    %swap3A_25 = arith.constant 0 : index
    %swap3A_26 = arith.constant 0 : index
    %swap3A_27 = vector.load %arg4[%swap3A, %swap3A_25, %swap3A_26] : memref<512x20x32xbf16, #tpu.memory_space<vmem>>, vector<512x20x32xbf16>
    tpu.vector_store %arg4[%swap3A, %swap3A_25, %swap3A_26], %convert_element_type3A {strides = array<i32>} : memref<512x20x32xbf16, #tpu.memory_space<vmem>>, vector<512x20x32xbf16>,
    return
  }
}

</mosaic_0001>

<sc_bundles>
// kernel: kernel.4.cloned.1.call-start
scs
__scs_entry_jumppad:
0x0: {  	(pc) =	sbr.rel $0x88, $3  }
0x1: {  	(tag) =	ssettag $0x0;
	lr =	simm.s32 $0x1  }
0x2: {  	[smem:$0x3F9B] =	sst lr;
	_ =	strace $0xD0000000  }
0x3: {  	_ = 	snop  }
0x4: {  	_ = 	snop  }
0x5: {  	_ = 	snop  }
0x6: {  	_ = 	snop  }
0x7: {  	_ = 	snop  }
__scs_overlays_trampoline_lowered:
0x8: {  	[smem:$0x3FAA] =	sst s0  }
0x9: {  	[smem:$0x3FAB] =	sst s1  }
0xa: {  	[smem:$0x3FAC] =	sst s2  }
0xb: {  	[smem:$0x3FAD] =	sst s3  }
0xc: {  	[smem:$0x3FAE] =	sst s4  }
0xd: {  	[smem:$0x3FAF] =	sst s5  }
0xe: {  	[smem:$0x3FB0] =	sst s6  }
0xf: {  	[smem:$0x3FB1] =	sst s7  }
0x10: {  	[smem:$0x3FB2] =	sst s8  }
0x11: {  	[smem:$0x3FB3] =	sst s9;
	s0 =	simm.s32 @!p0 $0x0  }
0x12: {  	s1 =	sld [smem:$0x3F99];
	s0 =	simm.s32 @p0 $0x1  }
0x13: {  	[smem:$0x3FB4] =	sst s0;
	s0 =	simm.s32 @!p1 $0x0  }
0x14: {  	s2 =	sld [smem:$0x3F98];
	s0 =	simm.s32 @p1 $0x1  }
0x15: {  	[smem:$0x3FB5] =	sst s0;
	s0 =	simm.s32 @!p2 $0x0  }
0x16: {  	s3 =	sld [smem:$0x3FDB];
	s0 =	simm.s32 @p2 $0x1  }
0x17: {  	s4 =	simm.s32 $0x1BF5;
	[smem:$0x3FB7] =	sst s0  }
0x18: {  	s0 =	sld [smem:$0x3F9A];
	_ =	swait.ge [sflag:s4], $0x0  }
0x19: {  	s7 =	sld [smem:$0x3F9B]  }
0x1a: {  	s8 =	sadd.s32 $0xFFFFE003, lr  }
0x1b: {  	s9 =	sadd.s32 $0xFFFFFEF7, lr;
	s5 =	simm.s32 $0xFFFFFFFF;
	p2 =	slt.u32 s8, $0xFFFFF086  }
0x1c: {  	p1 =	slt.u32 s9, $0xF7A;
	s5 =	simm.s32 @!p2 $0x0  }
0x1d: {  	s5 =	simm.s32 @p1 $0x1;
	p0 =	seq.s32 s7, s2  }
0x1e: {  	s7 =	smul.u32 @!p0 $0xF7A, s2;
	p2 =	seq.s32 @!p0 s5, $0x0  }
0x1f: {  	s9 =	smul.u32 $0xF7A, s1;
	s8 =	simm.s32 @!p0 $0x1BF5;
	p2 =	por !p2, p0  }
0x20: {  	[sflag:s8] =	ssyncset.s32 @!p0 $0xFFFFF086;
	s6 =	sadd.s32 @!p0 s3, s7;
	s7 =	simm.s32 @!p0 $0x108  }
0x21: {  	s3 =	sadd.s32 s3, s9;
	s6 =	sadd.s32 @!p0 $0x88, s6;
	s7 =	simm.s32 @p2 $0x1082  }
0x22: {  	[simem:s7], [sflag:s8] =	dma.local @!p0 [hbm:s6], $0xF7A  }
0x23: {  	s9 =	sor.u32 $0xD0000000, s2;
	s6 =	simm.s32 $0x108;
	_ =	swait.ge @!p0 [sflag:s8], $0x0  }
0x24: {  	s3 =	sadd.s32 $0x88, s3;
	s6 =	simm.s32 @!p1 $0x1082;
	[sflag:s4] =	ssyncset.s32 $0xFFFFF086  }
0x25: {  	[simem:s6], [sflag:s4] =	dma.local [hbm:s3], $0xF7A  }
0x26: {  	[smem:$0x3F9B] =	sst s1;
	(tag) =	ssettag s2;
	_ =	strace s9  }
0x27: {  	s1 =	sld [smem:$0x3FAB]  }
0x28: {  	s2 =	sld [smem:$0x3FAC]  }
0x29: {  	s4 =	sld [smem:$0x3FAE]  }
0x2a: {  	p0 =	seq.s32 s5, $0x0;
	s5 =	sld [smem:$0x3FAF]  }
0x2b: {  	s6 =	sld [smem:$0x3FB0]  }
0x2c: {  	s7 =	sld [smem:$0x3FB1]  }
0x2d: {  	s3 =	simm.s32 $0x108;
	s8 =	sld [smem:$0x3FB2]  }
0x2e: {  	s3 =	simm.s32 @!p0 $0x1082;
	s9 =	sld [smem:$0x3FB3]  }
0x2f: {  	lr =	sadd.s32 s0, s3;
	s0 =	sld [smem:$0x3FAA]  }
0x30: {  	s3 =	sld [smem:$0x3FAD]  }
0x31: {  	[smem:$0x3FB6] =	sst s10  }
0x32: {  	s10 =	sld [smem:$0x3FB4];
	_ =	sdelay $0x3  }
0x33: {  	p0 =	seq.s32 s10, $0x1;
	s10 =	sld [smem:$0x3FB6];
	_ =	sdelay $0x3  }
0x34: {  	[smem:$0x3FB6] =	sst s10  }
0x35: {  	s10 =	sld [smem:$0x3FB5];
	_ =	sdelay $0x3  }
0x36: {  	p1 =	seq.s32 s10, $0x1;
	s10 =	sld [smem:$0x3FB6];
	_ =	sdelay $0x3  }
0x37: {  	[smem:$0x3FB6] =	sst s10  }
0x38: {  	s10 =	sld [smem:$0x3FB7]  }
0x39: {  	_ = 	snop;
	(pc) =	sbr.ind lr, $3  }
0x3a: {  	_ = 	snop  }
0x3b: {  	_ = 	snop  }
0x3c: {  	p2 =	seq.s32 s10, $0x1;
	s10 =	sld [smem:$0x3FB6]  }
0x3d: {  	_ =	shalt  }
0x3e: {  	_ =	shalt  }
0x3f: {  	_ =	shalt  }
0x40: {  	_ =	shalt  }
0x41: {  	_ =	shalt  }
0x42: {  	_ =	shalt  }
0x43: {  	_ =	shalt  }
0x44: {  	_ =	shalt  }
0x45: {  	_ =	shalt  }
0x46: {  	_ =	shalt  }
0x47: {  	_ =	shalt  }
0x48: {  	_ =	shalt  }
0x49: {  	_ =	shalt  }
0x4a: {  	_ =	shalt  }
0x4b: {  	_ =	shalt  }
0x4c: {  	_ =	shalt  }
0x4d: {  	_ =	shalt  }
0x4e: {  	_ =	shalt  }
0x4f: {  	_ =	shalt  }
0x50: {  	_ =	shalt  }
0x51: {  	_ =	shalt  }
0x52: {  	_ =	shalt  }
0x53: {  	_ =	shalt  }
0x54: {  	_ =	shalt  }
0x55: {  	_ =	shalt  }
0x56: {  	_ =	shalt  }
0x57: {  	_ =	shalt  }
0x58: {  	_ =	shalt  }
0x59: {  	_ =	shalt  }
0x5a: {  	_ =	shalt  }
0x5b: {  	_ =	shalt  }
0x5c: {  	_ =	shalt  }
0x5d: {  	_ =	shalt  }
0x5e: {  	_ =	shalt  }
0x5f: {  	_ =	shalt  }
0x60: {  	_ =	shalt  }
0x61: {  	_ =	shalt  }
0x62: {  	_ =	shalt  }
0x63: {  	_ =	shalt  }
0x64: {  	_ =	shalt  }
0x65: {  	_ =	shalt  }
0x66: {  	_ =	shalt  }
0x67: {  	_ =	shalt  }
0x68: {  	_ =	shalt  }
0x69: {  	_ =	shalt  }
0x6a: {  	_ =	shalt  }
0x6b: {  	_ =	shalt  }
0x6c: {  	_ =	shalt  }
0x6d: {  	_ =	shalt  }
0x6e: {  	_ =	shalt  }
0x6f: {  	_ =	shalt  }
0x70: {  	_ =	shalt  }
0x71: {  	_ =	shalt  }
0x72: {  	_ =	shalt  }
0x73: {  	_ =	shalt  }
0x74: {  	_ =	shalt  }
0x75: {  	_ =	shalt  }
0x76: {  	_ =	shalt  }
0x77: {  	_ =	shalt  }
0x78: {  	_ =	shalt  }
0x79: {  	_ =	shalt  }
0x7a: {  	_ =	shalt  }
0x7b: {  	_ =	shalt  }
0x7c: {  	_ =	shalt  }
0x7d: {  	_ =	shalt  }
0x7e: {  	_ =	shalt  }
0x7f: {  	_ =	shalt  }
0x80: {  	_ =	shalt  }
0x81: {  	_ =	shalt  }
0x82: {  	_ =	shalt  }
0x83: {  	_ =	shalt  }
0x84: {  	_ =	shalt  }
0x85: {  	_ =	shalt  }
0x86: {  	_ =	shalt  }
0x87: {  	_ =	shalt  }
.Lfunc_end0:
.L_simem_size_0:
called_computation_lowered:
.L_overlay_start_0:
0x88: {  	s2 =	sld [smem:$0x3FD9]  }
0x89: {  	s3 =	sld [smem:$0x3FFE];
	_ =	sdelay $0x1  }
0x8a: {  	s1 =	srdreg.scid  }
0x8b: {  	s0 =	sand.u32 $0x1, s1  }
0x8c: {  	s17 =	sshll.u32 s0, $0xA;
	s2 =	sadd.s32 s3, s2  }
0x8d: {  	s2 =	sadd.s32 s2, s17  }
0x8e: {  	[smem:$0x3FC2] =	sst s2  }
0x8f: {  	_ = 	snop  }
0x90: {  	s2 =	sld [smem:$0x3FC9]  }
0x91: {  	s18 =	sld [smem:$0x3FC8]  }
0x92: {  	s4 =	sld [smem:$0x3FD0];
	(tm) =	ssettm $0x1  }
0x93: {  	s5 =	sld [smem:$0x3FFB];
	_ =	sdelay $0x3  }
0x94: {  	_ =	strace s5  }
0x95: {  	s5 =	sld [smem:$0x3FFC];
	_ =	sdelay $0x3  }
0x96: {  	_ =	strace s5  }
0x97: {  	s5 =	sld [smem:$0x3FFD];
	_ =	sdelay $0x3  }
0x98: {  	_ =	strace s5  }
0x99: {  	_ =	strace $0x8FFFFFFF  }
0x9a: {  	s19 =	sld [smem:$0x3FDB];
	_ =	sdelay $0x1  }
0x9b: {  	s6 =	simm.s32 $_scs_section_size  }
0x9c: {  	s7 =	simm.s32 $_size__tile_overlayer_lowered;
	s8 =	simm.s32 $_tile_overlayer_lowered  }
0x9d: {  	s22 =	simm.s32 $0x1BFF;
	s21 =	sshll.u32 s8, $0x1;
	s5 =	sadd.s32 s6, s19  }
0x9e: {  	s9 =	simm.s32 $0x0;
	s20 =	sshll.u32 s7, $0x1;
	s7 =	sadd.s32 s21, s5  }
0x9f: {  	[timem:s9], [sflag:s22] =	dma.local [hbm:s7], s20  }
0xa0: {  	_ =	swait.ge [sflag:s22], s20  }
0xa1: {  	s6 =	ssub.s32 $0x0, s20;
	[sflag:s22] =	ssyncset.done $0x0  }
0xa2: {  	[sflag:s22] =	ssyncadd.s32 s6;
	_ =	sdelay $0x1  }
0xa3: {  	s23 =	simm.s32 $0x1B8B  }
0xa4: {  	_ =	swait.ge [sflag:s23], $0x1  }
0xa5: {  	[sflag:s23] =	ssyncset.done $0x0  }
0xa6: {  	s25 =	simm.s32 $0x1B8E;
	s24 =	sld [smem:$0x3FFE];
	[sflag:s23] =	ssyncadd.s32 $0xFFFFFFFF  }
0xa7: {  	s26 =	simm.s32 $execute0_lowered;
	[smem:$0x3FD2] =	sst s25  }
0xa8: {  	s7 =	sshll.u32 s26, $0x1;
	_ =	strace $0x80000046;
	[dreg:$0x1] =	wrdreg $0xFFFFFFFF  }
0xa9: {  	s28 =	simm.s32 $_size_execute0_lowered;
	s5 =	sadd.s32 s5, s7;
	[dreg:$0x0] =	wrdreg $0x0  }
0xaa: {  	s7 =	sshll.u32 s28, $0x1;
	[dreg:$0x2] =	wrdreg s5  }
0xab: {  	[dreg:$0x3] =	wrdreg s7  }
0xac: {  	[dreg:$0x4] =	wrdreg $0xC0  }
0xad: {  	_ =	task [dreg:s9], $0x5FFFF  }
0xae: {  	[dreg:$0x1] =	wrdreg $0xFFFFFFFF  }
0xaf: {  	[dreg:$0x0] =	wrdreg $0x60  }
0xb0: {  	[dreg:$0x2] =	wrdreg s24  }
0xb1: {  	[dreg:$0x3] =	wrdreg s2  }
0xb2: {  	[dreg:$0x4] =	wrdreg s18  }
0xb3: {  	[dreg:$0x5] =	wrdreg s4  }
0xb4: {  	[dreg:$0x6] =	wrdreg $0x9  }
0xb5: {  	_ =	task.clear_ibuf [dreg:s9], $0x7FFFF;
	_ =	strace $0x90000046  }
0xb6: {  	s29 =	simm.s32 $0x9;
	_ =	strace $0x80000048  }
0xb7: {  	_ =	swait.ge [sflag:s29], $0x1  }
0xb8: {  	[sflag:s29] =	ssyncadd.s32 $0xFFFFFFFF  }
0xb9: {  	_ =	strace $0x90000048  }
0xba: {  	_ =	sfence  }
0xbb: {  	s30 =	sld [smem:$0x0];
	_ =	sdelay $0x2  }
0xbc: {  	s31 =	sshll.u32 s1, $0xD;
	s1 =	sshrl.u32 s1, $0x2  }
0xbd: {  	s3 =	sand.u32 $0x4000, s31;
	s1 =	sadd.s32 s1, s30  }
0xbe: {  	s0 =	sor.u32 s3, s0;
	s1 =	sshll.u32 s1, $0x11  }
0xbf: {  	s0 =	sor.u32 s1, s0  }
0xc0: {  	s0 =	sadd.s32 $0x8F2B, s0  }
0xc1: {  	[sflag:s0] =	ssyncadd.remote.s32 $0x1  }
0xc2: {  	_ =	sfence.sel $0xFFFF  }
0xc3: {  	[dreg:$0x0] =	wrdreg $0xFFFFFFFF;
	(pc) =	sbr.abs _section_cstart, $3  }
0xc4: {  	[dreg:$0x1] =	wrdreg $0xFFFFFFFF  }
0xc5: {  	_ =	task.clear_ibuf [dreg:s9], $0x2FFFF;
	_ =	strace $0x9FFFFFFF  }
0xc6: {  	(tm) =	ssettm $0x7FFFFFFF  }
0xc7: {  	_ =	shalt  }
tec
execute0_lowered:
.L_overlay_start_1:
0x0: {  	(tag) =	ssettag $0x1  }
0x1: {  	s0 =	rddreg [dreg:$0x0]  }
0x2: {  	s4 =	rddreg [dreg:$0x1]  }
0x3: {  	s6 =	rddreg [dreg:$0x2]  }
0x4: {  	s8 =	rddreg [dreg:$0x3];
	s5 =	simm.s32 $0x0  }
0x5: {  	[smem:$0x7FF] =	sst s5;
	s18 =	sadd.s32 $0x4000, s8  }
0x6: {  	s19 =	sadd.s32 $0x8000, s8;
	_ =	strace $0x80000047;
	[dreg:$0x8] =	wrdreg s18  }
0x7: {  	s20 =	sadd.s32 $0xC000, s8;
	[dreg:$0x9] =	wrdreg s19  }
0x8: {  	s21 =	sadd.s32 $0x10000, s8;
	[dreg:$0xa] =	wrdreg s20  }
0x9: {  	s22 =	sadd.s32 $0x14000, s8;
	[dreg:$0xb] =	wrdreg s21  }
0xa: {  	s23 =	sadd.s32 $0x18000, s8;
	[dreg:$0xc] =	wrdreg s22  }
0xb: {  	s24 =	sadd.s32 $0x1C000, s8;
	[dreg:$0xd] =	wrdreg s23  }
0xc: {  	s1 =	srdreg.scid;
	s25 =	sadd.s32 $0x20000, s8;
	[dreg:$0xe] =	wrdreg s24  }
0xd: {  	s2 =	stileid.u32;
	s26 =	sadd.s32 $0x24000, s8;
	[dreg:$0xf] =	wrdreg s25  }
0xe: {  	s28 =	simm.s32 $0x7358;
	s9 =	sadd.s32 $0x38000, s8;
	[dreg:$0x10] =	wrdreg s26  }
0xf: {  	s29 =	simm.s32 $0x73E0;
	s10 =	sadd.s32 $0x3C000, s8;
	[dreg:$0x15] =	wrdreg s9  }
0x10: {  	s30 =	simm.s32 $0x7468;
	s11 =	sadd.s32 $0x40000, s8;
	[dreg:$0x16] =	wrdreg s10  }
0x11: {  	s31 =	simm.s32 $0x74F0;
	s12 =	sadd.s32 $0x44000, s8;
	[dreg:$0x18] =	wrdreg s11  }
0x12: {  	s1 =	sand.u32 $0x1, s1;
	s13 =	sadd.s32 $0x48000, s8;
	[dreg:$0x19] =	wrdreg s12  }
0x13: {  	s2 =	sshll.u32 s2, $0x3;
	[dreg:$0x1a] =	wrdreg s13;
	s18 =	sadd.s32 $0x5C000, s8  }
0x14: {  	s7 =	sadd.s32 $0x600, s0;
	s19 =	sadd.s32 $0x60000, s8;
	[dreg:$0x1f] =	wrdreg s18  }
0x15: {  	s3 =	sshll.u32 s1, $0x2;
	s20 =	sadd.s32 $0x64000, s8;
	[smem:$0x7F6] =	sst s19  }
0x16: {  	s1 =	ssub.s32 $0x2, s1;
	s21 =	sadd.s32 $0x68000, s8;
	[smem:$0x7F7] =	sst s20  }
0x17: {  	s22 =	sadd.s32 $0x6C000, s8;
	s23 =	sadd.s32 $0x70000, s8;
	[smem:$0x7F8] =	sst s21  }
0x18: {  	s24 =	sadd.s32 $0x74000, s8;
	s25 =	sadd.s32 $0x78000, s8;
	[smem:$0x7F9] =	sst s22  }
0x19: {  	s26 =	sadd.s32 $0x7C000, s8;
	s13 =	simm.s32 $0x1;
	[smem:$0x7FA] =	sst s23  }
0x1a: {  	s12 =	simm.s32 $0x6E08;
	s3 =	sor.u32 s3, s2;
	[smem:$0x7FB] =	sst s24  }
0x1b: {  	s14 =	sshrl.u32 s1, $0x1;
	s2 =	sadd.s32 $0x28000, s8;
	[smem:$0x7FC] =	sst s25  }
0x1c: {  	[smem:$0x7FD] =	sst s26;
	s23 =	simm.s32 $0x6500;
	s18 =	simm.s32 $0x6FA0  }
0x1d: {  	s19 =	simm.s32 $0x7028;
	[dreg:$0x5] =	wrdreg s3;
	s3 =	sshll.u32 s3, $0x7  }
0x1e: {  	s15 =	ssub.s32 s1, s14;
	[dreg:$0x11] =	wrdreg s2;
	s14 =	sadd.s32 $0x4C000, s8  }
0x1f: {  	s20 =	simm.s32 $0x70B0;
	s16 =	sadd.s32 s4, s3;
	[dreg:$0x1b] =	wrdreg s14  }
0x20: {  	s21 =	simm.s32 $0x7138;
	s17 =	sadd.s32 s6, s3;
	[dreg:$0x6] =	wrdreg s16  }
0x21: {  	s22 =	simm.s32 $0x71C0;
	s3 =	sadd.s32 $0x2C000, s8;
	[dreg:$0x7] =	wrdreg s17  }
0x22: {  	s24 =	simm.s32 $0x7248;
	s4 =	sadd.s32 $0x30000, s8;
	[dreg:$0x12] =	wrdreg s3  }
0x23: {  	s26 =	simm.s32 $0x72D0;
	s6 =	sadd.s32 $0x34000, s8;
	[dreg:$0x13] =	wrdreg s4  }
0x24: {  	s2 =	simm.s32 $0x3;
	s0 =	smax.u32 s15, $0x1;
	[dreg:$0x14] =	wrdreg s6  }
0x25: {  	s15 =	sadd.s32 $0x50000, s8;
	s14 =	simm.s32 $0x80;
	[dreg:$0x17] =	wrdreg s0  }
0x26: {  	v0 =	vlaneseq.u32;
	[dreg:$0x1c] =	wrdreg s15;
	s16 =	sadd.s32 $0x54000, s8;
	s17 =	sadd.s32 $0x58000, s8  }
0x27: {  	v0 =	vmul.u32 $0x88, v0;
	s15 =	simm.s32 $0x2;
	s6 =	simm.s32 $0x6E90;
	s0 =	simm.s32 $0x7578  }
0x28: {  	s8 =	simm.s32 $0x4;
	s3 =	simm.s32 $0x0;
	[dreg:$0x1d] =	wrdreg s16  }
0x29: {  	v1 =	vadd.s32 $0x880, v0;
	[dreg:$0x1e] =	wrdreg s17;
	s16 =	simm.s32 $0x5400;
	s17 =	simm.s32 $0x6F18  }
.LBB2_1:
0x2a: {  	s1 =	rddreg [dreg:$0x6]  }
0x2b: {  	[tilespmem:s5], [sflag:$0x1] =	stream.linear.gather [hbm4b:s1+s5], $0x400, $0x38;
	[tilespmem:$0x7600] =	vst v63  }
0x2c: {  	s11 =	rddreg [dreg:$0x7];
	s25 =	simm.s32 $0x800  }
0x2d: {  	[tilespmem:s25], [sflag:$0x1] =	stream.linear.gather [hbm4b:s11+s5], $0x400, $0x38;
	[tilespmem:$0x7600] =	vst v63  }
0x2e: {  	[smem:$0x7F5] =	sst s3;
	p0 =	por $0x0, $0x0;
	s25 =	simm.s32 $0x0  }
.LBB2_2:
0x2f: {  	_ =	swait.ge [sflag:s13], $0x400  }
0x30: {  	[sflag:s13] =	ssyncset.done $0x0  }
0x31: {  	s1 =	simm.s32 $0x1;
	[sflag:s13] =	ssyncadd.s32 $0xFFFFFC00  }
0x32: {  	s1 =	simm.s32 @!p0 $0x0;
	_ =	swait.ge [sflag:s13], $0x400  }
0x33: {  	s1 =	sshll.u32 s1, $0xA;
	[sflag:s13] =	ssyncset.done $0x0  }
0x34: {  	s10 =	sor.u32 $0x40, s1;
	[sflag:s13] =	ssyncadd.s32 $0xFFFFFC00  }
0x35: {  	v2 =	vld [tilespmem:s10+$0xFFFFFFC0]  }
0x36: {  	s9 =	sor.u32 $0x840, s1  }
0x37: {  	v3 =	vld [tilespmem:s9+$0xFFFFFFC0];
	_ =	sdelay $0x2  }
0x38: {  	v2 =	vmul.u32 $0x14, v2;
	_ =	sdelay $0x1  }
0x39: {  	s1 =	simm.s32 $0x1040;
	v2 =	vadd.s32 v3, v2  }
0x3a: {  	[tilespmem:s1+$0xFFFFFFC0] =	vst v2  }
0x3b: {  	v2 =	vld [tilespmem:s10+$0xFFFFFFD0];
	_ =	sdelay $0x1  }
0x3c: {  	v3 =	vld [tilespmem:s9+$0xFFFFFFD0];
	_ =	sdelay $0x2  }
0x3d: {  	v2 =	vmul.u32 $0x14, v2;
	_ =	sdelay $0x1  }
0x3e: {  	v2 =	vadd.s32 v3, v2  }
0x3f: {  	[tilespmem:s1+$0xFFFFFFD0] =	vst v2  }
0x40: {  	v2 =	vld [tilespmem:s10+$0xFFFFFFE0];
	_ =	sdelay $0x1  }
0x41: {  	v3 =	vld [tilespmem:s9+$0xFFFFFFE0];
	_ =	sdelay $0x2  }
0x42: {  	v2 =	vmul.u32 $0x14, v2;
	_ =	sdelay $0x1  }
0x43: {  	v2 =	vadd.s32 v3, v2  }
0x44: {  	[tilespmem:s1+$0xFFFFFFE0] =	vst v2  }
0x45: {  	v2 =	vld [tilespmem:s10+$0xFFFFFFF0];
	_ =	sdelay $0x1  }
0x46: {  	v3 =	vld [tilespmem:s9+$0xFFFFFFF0];
	_ =	sdelay $0x2  }
0x47: {  	v2 =	vmul.u32 $0x14, v2;
	_ =	sdelay $0x1  }
0x48: {  	v2 =	vadd.s32 v3, v2  }
0x49: {  	[tilespmem:s1+$0xFFFFFFF0] =	vst v2  }
0x4a: {  	v2 =	vld [tilespmem:s10+$0x0];
	_ =	sdelay $0x1  }
0x4b: {  	v3 =	vld [tilespmem:s9+$0x0];
	_ =	sdelay $0x2  }
0x4c: {  	v2 =	vmul.u32 $0x14, v2;
	_ =	sdelay $0x1  }
0x4d: {  	v2 =	vadd.s32 v3, v2  }
0x4e: {  	[tilespmem:s1+$0x0] =	vst v2  }
0x4f: {  	v2 =	vld [tilespmem:s10+$0x10];
	_ =	sdelay $0x1  }
0x50: {  	v3 =	vld [tilespmem:s9+$0x10];
	_ =	sdelay $0x2  }
0x51: {  	v2 =	vmul.u32 $0x14, v2;
	_ =	sdelay $0x1  }
0x52: {  	v2 =	vadd.s32 v3, v2  }
0x53: {  	[tilespmem:s1+$0x10] =	vst v2  }
0x54: {  	v2 =	vld [tilespmem:s10+$0x20];
	_ =	sdelay $0x1  }
0x55: {  	v3 =	vld [tilespmem:s9+$0x20];
	_ =	sdelay $0x2  }
0x56: {  	v2 =	vmul.u32 $0x14, v2;
	_ =	sdelay $0x1  }
0x57: {  	v2 =	vadd.s32 v3, v2  }
0x58: {  	[tilespmem:s1+$0x20] =	vst v2  }
0x59: {  	v2 =	vld [tilespmem:s10+$0x30];
	_ =	sdelay $0x1  }
0x5a: {  	v3 =	vld [tilespmem:s9+$0x30];
	_ =	sdelay $0x2  }
0x5b: {  	v2 =	vmul.u32 $0x14, v2;
	_ =	sdelay $0x1  }
0x5c: {  	s3 =	sshll.u32 s25, $0xA;
	v2 =	vadd.s32 v3, v2  }
0x5d: {  	s4 =	simm.s32 $0x0;
	s3 =	sand.u32 $0x400, s3;
	s10 =	sadd.s32 $0x80, s10;
	[tilespmem:s1+$0x30] =	vst v2  }
.LBB2_3:
0x5e: {  	v2 =	vld [tilespmem:s10+$0xFFFFFFC0];
	s4 =	sadd.s32 $0x8, s4;
	s9 =	sadd.s32 $0x80, s9  }
0x5f: {  	v3 =	vld [tilespmem:s9+$0xFFFFFFC0];
	p1 =	slt.u32 s4, $0x38;
	_ =	sdelay $0x3  }
0x60: {  	v2 =	vmul.u32 $0x14, v2;
	_ =	sdelay $0x1  }
0x61: {  	s1 =	sadd.s32 $0x80, s1;
	v2 =	vadd.s32 v3, v2  }
0x62: {  	[tilespmem:s1+$0xFFFFFFC0] =	vst v2  }
0x63: {  	v2 =	vld [tilespmem:s10+$0xFFFFFFD0];
	_ =	sdelay $0x1  }
0x64: {  	v3 =	vld [tilespmem:s9+$0xFFFFFFD0];
	_ =	sdelay $0x2  }
0x65: {  	v2 =	vmul.u32 $0x14, v2;
	_ =	sdelay $0x1  }
0x66: {  	v2 =	vadd.s32 v3, v2  }
0x67: {  	[tilespmem:s1+$0xFFFFFFD0] =	vst v2  }
0x68: {  	v2 =	vld [tilespmem:s10+$0xFFFFFFE0];
	_ =	sdelay $0x1  }
0x69: {  	v3 =	vld [tilespmem:s9+$0xFFFFFFE0];
	_ =	sdelay $0x2  }
0x6a: {  	v2 =	vmul.u32 $0x14, v2;
	_ =	sdelay $0x1  }
0x6b: {  	v2 =	vadd.s32 v3, v2  }
0x6c: {  	[tilespmem:s1+$0xFFFFFFE0] =	vst v2  }
0x6d: {  	v2 =	vld [tilespmem:s10+$0xFFFFFFF0];
	_ =	sdelay $0x1  }
0x6e: {  	v3 =	vld [tilespmem:s9+$0xFFFFFFF0];
	_ =	sdelay $0x2  }
0x6f: {  	v2 =	vmul.u32 $0x14, v2;
	_ =	sdelay $0x1  }
0x70: {  	v2 =	vadd.s32 v3, v2  }
0x71: {  	[tilespmem:s1+$0xFFFFFFF0] =	vst v2  }
0x72: {  	v2 =	vld [tilespmem:s10+$0x0];
	_ =	sdelay $0x1  }
0x73: {  	v3 =	vld [tilespmem:s9+$0x0];
	_ =	sdelay $0x2  }
0x74: {  	v2 =	vmul.u32 $0x14, v2;
	_ =	sdelay $0x1  }
0x75: {  	v2 =	vadd.s32 v3, v2  }
0x76: {  	[tilespmem:s1+$0x0] =	vst v2  }
0x77: {  	v2 =	vld [tilespmem:s10+$0x10];
	_ =	sdelay $0x1  }
0x78: {  	v3 =	vld [tilespmem:s9+$0x10];
	_ =	sdelay $0x2  }
0x79: {  	v2 =	vmul.u32 $0x14, v2;
	_ =	sdelay $0x1  }
0x7a: {  	v2 =	vadd.s32 v3, v2  }
0x7b: {  	[tilespmem:s1+$0x10] =	vst v2  }
0x7c: {  	v2 =	vld [tilespmem:s10+$0x20]  }
0x7d: {  	v3 =	vld [tilespmem:s9+$0x20];
	_ =	sdelay $0x3  }
0x7e: {  	v2 =	vmul.u32 $0x14, v2;
	_ =	sdelay $0x1  }
0x7f: {  	v2 =	vadd.s32 v3, v2  }
0x80: {  	[tilespmem:s1+$0x20] =	vst v2  }
0x81: {  	v2 =	vld [tilespmem:s10+$0x30]  }
0x82: {  	v3 =	vld [tilespmem:s9+$0x30];
	_ =	sdelay $0x2  }
.Ltmp0:
0x83: {  	(pc) =	sbr.rel @p1 .LBB2_3-.Ltmp0, $3  }
0x84: {  	v2 =	vmul.u32 $0x14, v2;
	_ =	sdelay $0x1  }
0x85: {  	v2 =	vadd.s32 v3, v2  }
0x86: {  	s10 =	sadd.s32 $0x80, s10;
	[tilespmem:s1+$0x30] =	vst v2  }
0x87: {  	s1 =	simm.s32 $0x1000;
	s4 =	simm.s32 $0x1400  }
0x88: {  	[tilespmem:s4], [sflag:$0x2] =	stream.indirect.gather [hbm4b:s7+s14], $0x10, s1, s14, $0xb8;
	[tilespmem:$0x7600] =	vst v63  }
0x89: {  	s9 =	simm.s32 $0x1C00;
	s4 =	simm.s32 $0x1080  }
0x8a: {  	[tilespmem:s9], [sflag:$0x2] =	stream.indirect.gather [hbm4b:s7+s14], $0x10, s4, s14, $0xb8;
	[tilespmem:$0x7600] =	vst v63  }
0x8b: {  	s10 =	simm.s32 $0x1100;
	s11 =	simm.s32 $0x2400  }
0x8c: {  	[tilespmem:s11], [sflag:$0x2] =	stream.indirect.gather [hbm4b:s7+s14], $0x10, s10, s14, $0xb8;
	[tilespmem:$0x7600] =	vst v63  }
0x8d: {  	s4 =	simm.s32 $0x1180;
	s9 =	simm.s32 $0x2C00  }
0x8e: {  	[tilespmem:s9], [sflag:$0x2] =	stream.indirect.gather [hbm4b:s7+s14], $0x10, s4, s14, $0xb8;
	[tilespmem:$0x7600] =	vst v63  }
0x8f: {  	s10 =	simm.s32 $0x1200;
	s11 =	simm.s32 $0x3400  }
0x90: {  	[tilespmem:s11], [sflag:$0x2] =	stream.indirect.gather [hbm4b:s7+s14], $0x10, s10, s14, $0xb8;
	[tilespmem:$0x7600] =	vst v63  }
0x91: {  	s4 =	simm.s32 $0x1280;
	s9 =	simm.s32 $0x3C00  }
0x92: {  	[tilespmem:s9], [sflag:$0x2] =	stream.indirect.gather [hbm4b:s7+s14], $0x10, s4, s14, $0xb8;
	[tilespmem:$0x7600] =	vst v63  }
0x93: {  	s10 =	simm.s32 $0x1300;
	s11 =	simm.s32 $0x4400  }
0x94: {  	[tilespmem:s11], [sflag:$0x2] =	stream.indirect.gather [hbm4b:s7+s14], $0x10, s10, s14, $0xb8;
	[tilespmem:$0x7600] =	vst v63  }
0x95: {  	s9 =	simm.s32 $0x1380;
	s10 =	simm.s32 $0x4C00  }
0x96: {  	[tilespmem:s10], [sflag:$0x2] =	stream.indirect.gather [hbm4b:s7+s14], $0x10, s9, s14, $0xb8;
	[tilespmem:$0x7600] =	vst v63  }
0x97: {  	s9 =	sadd.s32 $0x1, s25  }
0x98: {  	p1 =	slt.s32 s9, $0x63;
	s1 =	smov.u32 s9  }
0x99: {  	s1 =	simm.s32 @!p1 $0x63  }
0x9a: {  	s10 =	rddreg [dreg:$0x5];
	s11 =	sand.u32 $0x3, s1  }
0x9b: {  	s1 =	sshll.u32 s1, $0xC;
	s4 =	sor.u32 s10, s11  }
0x9c: {  	s1 =	sand.u32 $0x7C000, s1;
	s4 =	sshll.u32 s4, $0x7  }
0x9d: {  	s10 =	rddreg [dreg:$0x1];
	s1 =	sor.u32 s1, s4  }
0x9e: {  	s3 =	sxor.u32 $0x400, s3;
	s11 =	rddreg [dreg:$0x2];
	s4 =	sadd.s32 s10, s1  }
0x9f: {  	[tilespmem:s3], [sflag:$0x1] =	stream.linear.gather [hbm4b:s4+s5], $0x400, $0x38;
	[tilespmem:$0x7600] =	vst v63  }
0xa0: {  	s1 =	sadd.s32 s11, s1;
	s3 =	sor.u32 $0x800, s3  }
0xa1: {  	[tilespmem:s3], [sflag:$0x1] =	stream.linear.gather [hbm4b:s1+s5], $0x400, $0x38;
	[tilespmem:$0x7600] =	vst v63  }
0xa2: {  	_ =	swait.ge [sflag:s15], $0x800  }
0xa3: {  	v2 =	vimm.s32 $0x0;
	[sflag:s15] =	ssyncset.done $0x0  }
0xa4: {  	v3 =	vand.u32 $0xFFFFFFF8, v2;
	s1 =	simm.s32 $0x1420;
	[sflag:s15] =	ssyncadd.s32 $0xFFFFF800  }
0xa5: {  	v5 =	vand.u32 $0x4, v2;
	v6 =	vadd.s32 v0, v3;
	v4 =	vld [tilespmem:s1+$0xFFFFFFE0]  }
0xa6: {  	v3 =	vadd.s32 v1, v3;
	v7 =	vor.u32 v5, v6  }
0xa7: {  	v8 =	vor.u32 v5, v3;
	_ =	sdelay $0x2  }
0xa8: {  	v9 =	vunpack.i.l.bf16.f32 v4  }
0xa9: {  	v4 =	vunpack.i.u.bf16.f32 v4;
	[tilespmem:v7+s16+$0x0] =	vst.idx.msk $0xffff, v9  }
0xaa: {  	[tilespmem:v8+s16+$0x0] =	vst.idx.msk $0xffff, v4  }
0xab: {  	v7 =	vor.u32 $0x1, v5;
	v4 =	vld [tilespmem:s1+$0xFFFFFFF0]  }
0xac: {  	v60 =	vor.u32 v7, v6  }
0xad: {  	v7 =	vor.u32 v7, v3;
	_ =	sdelay $0x2  }
0xae: {  	v61 =	vunpack.i.l.bf16.f32 v4  }
0xaf: {  	v4 =	vunpack.i.u.bf16.f32 v4;
	[tilespmem:v60+s16+$0x0] =	vst.idx.msk $0xffff, v61  }
0xb0: {  	[tilespmem:v7+s16+$0x0] =	vst.idx.msk $0xffff, v4  }
0xb1: {  	v7 =	vor.u32 $0x2, v5;
	v4 =	vld [tilespmem:s1+$0x0]  }
0xb2: {  	v62 =	vor.u32 v7, v6  }
0xb3: {  	v7 =	vor.u32 v7, v3;
	_ =	sdelay $0x2  }
0xb4: {  	v63 =	vunpack.i.l.bf16.f32 v4  }
0xb5: {  	v4 =	vunpack.i.u.bf16.f32 v4;
	[tilespmem:v62+s16+$0x0] =	vst.idx.msk $0xffff, v63  }
0xb6: {  	[tilespmem:v7+s16+$0x0] =	vst.idx.msk $0xffff, v4  }
0xb7: {  	v5 =	vor.u32 $0x3, v5;
	v4 =	vld [tilespmem:s1+$0x10]  }
0xb8: {  	v6 =	vor.u32 v5, v6  }
0xb9: {  	v3 =	vor.u32 v5, v3;
	_ =	sdelay $0x2  }
0xba: {  	v7 =	vunpack.i.l.bf16.f32 v4  }
0xbb: {  	v2 =	vadd.s32 $0x4, v2;
	s3 =	simm.s32 $0x4;
	v4 =	vunpack.i.u.bf16.f32 v4;
	[tilespmem:v6+s16+$0x0] =	vst.idx.msk $0xffff, v7  }
.LBB2_5:
0xbc: {  	s3 =	sadd.s32 $0x4, s3;
	v5 =	vand.u32 $0xFFFFFFF8, v2;
	[tilespmem:v3+s16+$0x0] =	vst.idx.msk $0xffff, v4;
	s1 =	sadd.s32 $0x40, s1  }
0xbd: {  	v4 =	vand.u32 $0x4, v2;
	p1 =	slt.u32 s3, $0x7C;
	v3 =	vld [tilespmem:s1+$0xFFFFFFE0];
	v6 =	vadd.s32 v0, v5;
	v5 =	vadd.s32 v1, v5  }
0xbe: {  	v7 =	vor.u32 v4, v6  }
0xbf: {  	v8 =	vor.u32 v4, v5;
	_ =	sdelay $0x2  }
0xc0: {  	v9 =	vunpack.i.l.bf16.f32 v3  }
0xc1: {  	v3 =	vunpack.i.u.bf16.f32 v3;
	[tilespmem:v7+s16+$0x0] =	vst.idx.msk $0xffff, v9  }
0xc2: {  	[tilespmem:v8+s16+$0x0] =	vst.idx.msk $0xffff, v3  }
0xc3: {  	v7 =	vor.u32 $0x1, v4;
	v3 =	vld [tilespmem:s1+$0xFFFFFFF0]  }
0xc4: {  	v8 =	vor.u32 v7, v6  }
0xc5: {  	v7 =	vor.u32 v7, v5;
	_ =	sdelay $0x2  }
0xc6: {  	v9 =	vunpack.i.l.bf16.f32 v3  }
0xc7: {  	v3 =	vunpack.i.u.bf16.f32 v3;
	[tilespmem:v8+s16+$0x0] =	vst.idx.msk $0xffff, v9  }
0xc8: {  	[tilespmem:v7+s16+$0x0] =	vst.idx.msk $0xffff, v3  }
0xc9: {  	v7 =	vor.u32 $0x2, v4;
	v3 =	vld [tilespmem:s1+$0x0]  }
0xca: {  	v8 =	vor.u32 v7, v6  }
0xcb: {  	v7 =	vor.u32 v7, v5;
	_ =	sdelay $0x2  }
0xcc: {  	v9 =	vunpack.i.l.bf16.f32 v3  }
0xcd: {  	v3 =	vunpack.i.u.bf16.f32 v3;
	[tilespmem:v8+s16+$0x0] =	vst.idx.msk $0xffff, v9  }
0xce: {  	[tilespmem:v7+s16+$0x0] =	vst.idx.msk $0xffff, v3  }
0xcf: {  	v3 =	vor.u32 $0x3, v4;
	v7 =	vld [tilespmem:s1+$0x10]  }
0xd0: {  	v6 =	vor.u32 v3, v6  }
.Ltmp1:
0xd1: {  	v3 =	vor.u32 v3, v5;
	(pc) =	sbr.rel @p1 .LBB2_5-.Ltmp1, $3  }
0xd2: {  	_ =	sdelay $0x1  }
0xd3: {  	v5 =	vunpack.i.l.bf16.f32 v7  }
0xd4: {  	v2 =	vadd.s32 $0x4, v2;
	v4 =	vunpack.i.u.bf16.f32 v7;
	[tilespmem:v6+s16+$0x0] =	vst.idx.msk $0xffff, v5  }
0xd5: {  	_ =	sdelay $0x3  }
0xd6: {  	v5 =	vand.u32 $0xFFFFFFF8, v2;
	[tilespmem:v3+s16+$0x0] =	vst.idx.msk $0xffff, v4;
	s1 =	sadd.s32 $0x40, s1  }
0xd7: {  	v2 =	vand.u32 $0x4, v2;
	v3 =	vld [tilespmem:s1+$0xFFFFFFE0];
	v4 =	vadd.s32 v0, v5  }
0xd8: {  	v5 =	vadd.s32 v1, v5;
	v6 =	vor.u32 v2, v4  }
0xd9: {  	v7 =	vor.u32 v2, v5;
	_ =	sdelay $0x2  }
0xda: {  	v8 =	vunpack.i.l.bf16.f32 v3  }
0xdb: {  	v3 =	vunpack.i.u.bf16.f32 v3;
	[tilespmem:v6+s16+$0x0] =	vst.idx.msk $0xffff, v8  }
0xdc: {  	[tilespmem:v7+s16+$0x0] =	vst.idx.msk $0xffff, v3  }
0xdd: {  	v6 =	vor.u32 $0x1, v2;
	v3 =	vld [tilespmem:s1+$0xFFFFFFF0]  }
0xde: {  	v7 =	vor.u32 v6, v4  }
0xdf: {  	v6 =	vor.u32 v6, v5;
	_ =	sdelay $0x2  }
0xe0: {  	v57 =	vunpack.i.l.bf16.f32 v3  }
0xe1: {  	v3 =	vunpack.i.u.bf16.f32 v3;
	[tilespmem:v7+s16+$0x0] =	vst.idx.msk $0xffff, v57  }
0xe2: {  	[tilespmem:v6+s16+$0x0] =	vst.idx.msk $0xffff, v3  }
0xe3: {  	v6 =	vor.u32 $0x2, v2;
	v3 =	vld [tilespmem:s1+$0x0]  }
0xe4: {  	v7 =	vor.u32 v6, v4  }
0xe5: {  	v6 =	vor.u32 v6, v5;
	_ =	sdelay $0x2  }
0xe6: {  	v58 =	vunpack.i.l.bf16.f32 v3  }
0xe7: {  	v3 =	vunpack.i.u.bf16.f32 v3;
	[tilespmem:v7+s16+$0x0] =	vst.idx.msk $0xffff, v58  }
0xe8: {  	[tilespmem:v6+s16+$0x0] =	vst.idx.msk $0xffff, v3  }
0xe9: {  	v2 =	vor.u32 $0x3, v2;
	v3 =	vld [tilespmem:s1+$0x10]  }
0xea: {  	v4 =	vor.u32 v2, v4  }
0xeb: {  	v2 =	vor.u32 v2, v5  }
0xec: {  	s11 =	sand.u32 $0x3, s25;
	s3 =	rddreg [dreg:$0x5]  }
0xed: {  	s25 =	sshll.u32 s25, $0x11;
	s1 =	sor.u32 s3, s11  }
0xee: {  	s3 =	sand.u32 $0xF80000, s25;
	s1 =	sshll.u32 s1, $0x7;
	v5 =	vunpack.i.l.bf16.f32 v3  }
0xef: {  	s4 =	rddreg [dreg:$0x3];
	s25 =	sor.u32 s3, s1;
	v3 =	vunpack.i.u.bf16.f32 v3;
	[tilespmem:v4+s16+$0x0] =	vst.idx.msk $0xffff, v5  }
0xf0: {  	s1 =	sadd.s32 s4, s25;
	[tilespmem:v2+s16+$0x0] =	vst.idx.msk $0xffff, v3  }
0xf1: {  	[hbm4b:s1+s5] =	stream.linear.scatter [tilespmem:s16], [sflag:$0x3], $0x80, $0x38;
	[tilespmem:$0x7600] =	vst v63  }
0xf2: {  	s4 =	simm.s32 $0x5488;
	s10 =	sadd.s32 $0x10, s1  }
0xf3: {  	[hbm4b:s10+s5] =	stream.linear.scatter [tilespmem:s4], [sflag:$0x3], $0x80, $0x38;
	[tilespmem:$0x7600] =	vst v63  }
0xf4: {  	s11 =	sadd.s32 $0x20, s1;
	s10 =	simm.s32 $0x5510  }
0xf5: {  	[hbm4b:s11+s5] =	stream.linear.scatter [tilespmem:s10], [sflag:$0x3], $0x80, $0x38;
	[tilespmem:$0x7600] =	vst v63  }
0xf6: {  	s3 =	sadd.s32 $0x30, s1;
	s11 =	simm.s32 $0x5598  }
0xf7: {  	[hbm4b:s3+s5] =	stream.linear.scatter [tilespmem:s11], [sflag:$0x3], $0x80, $0x38;
	[tilespmem:$0x7600] =	vst v63  }
0xf8: {  	s3 =	sadd.s32 $0x40, s1;
	s11 =	simm.s32 $0x5620  }
0xf9: {  	[hbm4b:s3+s5] =	stream.linear.scatter [tilespmem:s11], [sflag:$0x3], $0x80, $0x38;
	[tilespmem:$0x7600] =	vst v63  }
0xfa: {  	s3 =	sadd.s32 $0x50, s1;
	s11 =	simm.s32 $0x56A8  }
0xfb: {  	[hbm4b:s3+s5] =	stream.linear.scatter [tilespmem:s11], [sflag:$0x3], $0x80, $0x38;
	[tilespmem:$0x7600] =	vst v63  }
0xfc: {  	s3 =	sadd.s32 $0x60, s1;
	s11 =	simm.s32 $0x5730  }
0xfd: {  	[hbm4b:s3+s5] =	stream.linear.scatter [tilespmem:s11], [sflag:$0x3], $0x80, $0x38;
	[tilespmem:$0x7600] =	vst v63  }
0xfe: {  	s1 =	sadd.s32 $0x70, s1;
	s11 =	simm.s32 $0x57B8;
	s3 =	rddreg [dreg:$0x8]  }
0xff: {  	[hbm4b:s1+s5] =	stream.linear.scatter [tilespmem:s11], [sflag:$0x3], $0x80, $0x38;
	[tilespmem:$0x7600] =	vst v63  }
0x100: {  	s1 =	sadd.s32 s25, s3;
	s11 =	simm.s32 $0x5840  }
0x101: {  	[hbm4b:s1+s5] =	stream.linear.scatter [tilespmem:s11], [sflag:$0x3], $0x80, $0x38;
	[tilespmem:$0x7600] =	vst v63  }
0x102: {  	s3 =	sadd.s32 $0x10, s1;
	s11 =	simm.s32 $0x58C8  }
0x103: {  	[hbm4b:s3+s5] =	stream.linear.scatter [tilespmem:s11], [sflag:$0x3], $0x80, $0x38;
	[tilespmem:$0x7600] =	vst v63  }
0x104: {  	s3 =	sadd.s32 $0x20, s1;
	s11 =	simm.s32 $0x5950  }
0x105: {  	[hbm4b:s3+s5] =	stream.linear.scatter [tilespmem:s11], [sflag:$0x3], $0x80, $0x38;
	[tilespmem:$0x7600] =	vst v63  }
0x106: {  	s3 =	sadd.s32 $0x30, s1;
	s11 =	simm.s32 $0x59D8  }
0x107: {  	[hbm4b:s3+s5] =	stream.linear.scatter [tilespmem:s11], [sflag:$0x3], $0x80, $0x38;
	[tilespmem:$0x7600] =	vst v63  }
0x108: {  	s3 =	sadd.s32 $0x40, s1;
	s11 =	simm.s32 $0x5A60  }
0x109: {  	[hbm4b:s3+s5] =	stream.linear.scatter [tilespmem:s11], [sflag:$0x3], $0x80, $0x38;
	[tilespmem:$0x7600] =	vst v63  }
0x10a: {  	s3 =	sadd.s32 $0x50, s1;
	s11 =	simm.s32 $0x5AE8  }
0x10b: {  	[hbm4b:s3+s5] =	stream.linear.scatter [tilespmem:s11], [sflag:$0x3], $0x80, $0x38;
	[tilespmem:$0x7600] =	vst v63  }
0x10c: {  	s3 =	sadd.s32 $0x60, s1;
	s11 =	simm.s32 $0x5B70  }
0x10d: {  	[hbm4b:s3+s5] =	stream.linear.scatter [tilespmem:s11], [sflag:$0x3], $0x80, $0x38;
	[tilespmem:$0x7600] =	vst v63  }
0x10e: {  	s1 =	sadd.s32 $0x70, s1;
	s11 =	simm.s32 $0x5BF8;
	s3 =	rddreg [dreg:$0x9]  }
0x10f: {  	[hbm4b:s1+s5] =	stream.linear.scatter [tilespmem:s11], [sflag:$0x3], $0x80, $0x38;
	[tilespmem:$0x7600] =	vst v63  }
0x110: {  	s1 =	sadd.s32 s25, s3;
	s11 =	simm.s32 $0x5C80  }
0x111: {  	[hbm4b:s1+s5] =	stream.linear.scatter [tilespmem:s11], [sflag:$0x3], $0x80, $0x38;
	[tilespmem:$0x7600] =	vst v63  }
0x112: {  	s3 =	sadd.s32 $0x10, s1;
	s11 =	simm.s32 $0x5D08  }
0x113: {  	[hbm4b:s3+s5] =	stream.linear.scatter [tilespmem:s11], [sflag:$0x3], $0x80, $0x38;
	[tilespmem:$0x7600] =	vst v63  }
0x114: {  	s3 =	sadd.s32 $0x20, s1;
	s11 =	simm.s32 $0x5D90  }
0x115: {  	[hbm4b:s3+s5] =	stream.linear.scatter [tilespmem:s11], [sflag:$0x3], $0x80, $0x38;
	[tilespmem:$0x7600] =	vst v63  }
0x116: {  	s3 =	sadd.s32 $0x30, s1;
	s11 =	simm.s32 $0x5E18  }
0x117: {  	[hbm4b:s3+s5] =	stream.linear.scatter [tilespmem:s11], [sflag:$0x3], $0x80, $0x38;
	[tilespmem:$0x7600] =	vst v63  }
0x118: {  	s3 =	sadd.s32 $0x40, s1;
	s11 =	simm.s32 $0x5EA0  }
0x119: {  	[hbm4b:s3+s5] =	stream.linear.scatter [tilespmem:s11], [sflag:$0x3], $0x80, $0x38;
	[tilespmem:$0x7600] =	vst v63  }
0x11a: {  	s3 =	sadd.s32 $0x50, s1;
	s11 =	simm.s32 $0x5F28  }
0x11b: {  	[hbm4b:s3+s5] =	stream.linear.scatter [tilespmem:s11], [sflag:$0x3], $0x80, $0x38;
	[tilespmem:$0x7600] =	vst v63  }
0x11c: {  	s3 =	sadd.s32 $0x60, s1;
	s11 =	simm.s32 $0x5FB0  }
0x11d: {  	[hbm4b:s3+s5] =	stream.linear.scatter [tilespmem:s11], [sflag:$0x3], $0x80, $0x38;
	[tilespmem:$0x7600] =	vst v63  }
0x11e: {  	s1 =	sadd.s32 $0x70, s1;
	s11 =	simm.s32 $0x6038;
	s3 =	rddreg [dreg:$0xa]  }
0x11f: {  	[hbm4b:s1+s5] =	stream.linear.scatter [tilespmem:s11], [sflag:$0x3], $0x80, $0x38;
	[tilespmem:$0x7600] =	vst v63  }
0x120: {  	s1 =	sadd.s32 s25, s3;
	s11 =	simm.s32 $0x60C0  }
0x121: {  	[hbm4b:s1+s5] =	stream.linear.scatter [tilespmem:s11], [sflag:$0x3], $0x80, $0x38;
	[tilespmem:$0x7600] =	vst v63  }
0x122: {  	s3 =	sadd.s32 $0x10, s1;
	s11 =	simm.s32 $0x6148  }
0x123: {  	[hbm4b:s3+s5] =	stream.linear.scatter [tilespmem:s11], [sflag:$0x3], $0x80, $0x38;
	[tilespmem:$0x7600] =	vst v63  }
0x124: {  	s3 =	sadd.s32 $0x20, s1;
	s11 =	simm.s32 $0x61D0  }
0x125: {  	[hbm4b:s3+s5] =	stream.linear.scatter [tilespmem:s11], [sflag:$0x3], $0x80, $0x38;
	[tilespmem:$0x7600] =	vst v63  }
0x126: {  	s3 =	sadd.s32 $0x30, s1;
	s11 =	simm.s32 $0x6258  }
0x127: {  	[hbm4b:s3+s5] =	stream.linear.scatter [tilespmem:s11], [sflag:$0x3], $0x80, $0x38;
	[tilespmem:$0x7600] =	vst v63  }
0x128: {  	s3 =	sadd.s32 $0x40, s1;
	s11 =	simm.s32 $0x62E0  }
0x129: {  	[hbm4b:s3+s5] =	stream.linear.scatter [tilespmem:s11], [sflag:$0x3], $0x80, $0x38;
	[tilespmem:$0x7600] =	vst v63  }
0x12a: {  	s3 =	sadd.s32 $0x50, s1;
	s11 =	simm.s32 $0x6368  }
0x12b: {  	[hbm4b:s3+s5] =	stream.linear.scatter [tilespmem:s11], [sflag:$0x3], $0x80, $0x38;
	[tilespmem:$0x7600] =	vst v63  }
0x12c: {  	s3 =	sadd.s32 $0x60, s1;
	s11 =	simm.s32 $0x63F0  }
0x12d: {  	[hbm4b:s3+s5] =	stream.linear.scatter [tilespmem:s11], [sflag:$0x3], $0x80, $0x38;
	[tilespmem:$0x7600] =	vst v63  }
0x12e: {  	s1 =	sadd.s32 $0x70, s1;
	s11 =	simm.s32 $0x6478  }
0x12f: {  	[hbm4b:s1+s5] =	stream.linear.scatter [tilespmem:s11], [sflag:$0x3], $0x80, $0x38;
	[tilespmem:$0x7600] =	vst v63  }
0x130: {  	_ =	swait.ge [sflag:s15], $0x800  }
0x131: {  	v2 =	vimm.s32 $0x0;
	[sflag:s15] =	ssyncset.done $0x0  }
0x132: {  	v3 =	vand.u32 $0xFFFFFFF8, v2;
	s1 =	simm.s32 $0x1C30;
	[sflag:s15] =	ssyncadd.s32 $0xFFFFF800  }
0x133: {  	v5 =	vand.u32 $0x4, v2;
	v6 =	vadd.s32 v0, v3;
	v4 =	vld [tilespmem:s1+$0xFFFFFFD0]  }
0x134: {  	v3 =	vadd.s32 v1, v3;
	v7 =	vor.u32 v5, v6  }
0x135: {  	v59 =	vor.u32 v5, v3;
	_ =	sdelay $0x2  }
0x136: {  	v9 =	vunpack.i.l.bf16.f32 v4  }
0x137: {  	v4 =	vunpack.i.u.bf16.f32 v4;
	[tilespmem:v7+s23+$0x0] =	vst.idx.msk $0xffff, v9  }
0x138: {  	[tilespmem:v59+s23+$0x0] =	vst.idx.msk $0xffff, v4  }
0x139: {  	v7 =	vor.u32 $0x1, v5;
	v4 =	vld [tilespmem:s1+$0xFFFFFFE0]  }
0x13a: {  	v60 =	vor.u32 v7, v6  }
0x13b: {  	v7 =	vor.u32 v7, v3;
	_ =	sdelay $0x2  }
0x13c: {  	v61 =	vunpack.i.l.bf16.f32 v4  }
0x13d: {  	v4 =	vunpack.i.u.bf16.f32 v4;
	[tilespmem:v60+s23+$0x0] =	vst.idx.msk $0xffff, v61  }
0x13e: {  	[tilespmem:v7+s23+$0x0] =	vst.idx.msk $0xffff, v4  }
0x13f: {  	v7 =	vor.u32 $0x2, v5;
	v4 =	vld [tilespmem:s1+$0xFFFFFFF0]  }
0x140: {  	v62 =	vor.u32 v7, v6  }
0x141: {  	v7 =	vor.u32 v7, v3;
	_ =	sdelay $0x2  }
0x142: {  	v63 =	vunpack.i.l.bf16.f32 v4  }
0x143: {  	v4 =	vunpack.i.u.bf16.f32 v4;
	[tilespmem:v62+s23+$0x0] =	vst.idx.msk $0xffff, v63  }
0x144: {  	[tilespmem:v7+s23+$0x0] =	vst.idx.msk $0xffff, v4  }
0x145: {  	v5 =	vor.u32 $0x3, v5;
	v4 =	vld [tilespmem:s1+$0x0]  }
0x146: {  	v6 =	vor.u32 v5, v6  }
0x147: {  	v3 =	vor.u32 v5, v3;
	_ =	sdelay $0x2  }
0x148: {  	v7 =	vunpack.i.l.bf16.f32 v4  }
0x149: {  	v2 =	vadd.s32 $0x4, v2;
	s3 =	simm.s32 $0x4;
	v4 =	vunpack.i.u.bf16.f32 v4;
	[tilespmem:v6+s23+$0x0] =	vst.idx.msk $0xffff, v7  }
.LBB2_7:
0x14a: {  	s3 =	sadd.s32 $0x4, s3;
	v5 =	vand.u32 $0xFFFFFFF8, v2;
	[tilespmem:v3+s23+$0x0] =	vst.idx.msk $0xffff, v4;
	s1 =	sadd.s32 $0x40, s1  }
0x14b: {  	v4 =	vand.u32 $0x4, v2;
	p1 =	slt.u32 s3, $0x7C;
	v3 =	vld [tilespmem:s1+$0xFFFFFFD0];
	v6 =	vadd.s32 v0, v5;
	v5 =	vadd.s32 v1, v5  }
0x14c: {  	v7 =	vor.u32 v4, v6  }
0x14d: {  	v8 =	vor.u32 v4, v5;
	_ =	sdelay $0x2  }
0x14e: {  	v9 =	vunpack.i.l.bf16.f32 v3  }
0x14f: {  	v3 =	vunpack.i.u.bf16.f32 v3;
	[tilespmem:v7+s23+$0x0] =	vst.idx.msk $0xffff, v9  }
0x150: {  	[tilespmem:v8+s23+$0x0] =	vst.idx.msk $0xffff, v3  }
0x151: {  	v7 =	vor.u32 $0x1, v4;
	v3 =	vld [tilespmem:s1+$0xFFFFFFE0]  }
0x152: {  	v8 =	vor.u32 v7, v6  }
0x153: {  	v7 =	vor.u32 v7, v5;
	_ =	sdelay $0x2  }
0x154: {  	v9 =	vunpack.i.l.bf16.f32 v3  }
0x155: {  	v3 =	vunpack.i.u.bf16.f32 v3;
	[tilespmem:v8+s23+$0x0] =	vst.idx.msk $0xffff, v9  }
0x156: {  	[tilespmem:v7+s23+$0x0] =	vst.idx.msk $0xffff, v3  }
0x157: {  	v7 =	vor.u32 $0x2, v4;
	v3 =	vld [tilespmem:s1+$0xFFFFFFF0]  }
0x158: {  	v8 =	vor.u32 v7, v6  }
0x159: {  	v7 =	vor.u32 v7, v5;
	_ =	sdelay $0x2  }
0x15a: {  	v9 =	vunpack.i.l.bf16.f32 v3  }
0x15b: {  	v3 =	vunpack.i.u.bf16.f32 v3;
	[tilespmem:v8+s23+$0x0] =	vst.idx.msk $0xffff, v9  }
0x15c: {  	[tilespmem:v7+s23+$0x0] =	vst.idx.msk $0xffff, v3  }
0x15d: {  	v3 =	vor.u32 $0x3, v4;
	v7 =	vld [tilespmem:s1+$0x0]  }
0x15e: {  	v6 =	vor.u32 v3, v6  }
.Ltmp2:
0x15f: {  	v3 =	vor.u32 v3, v5;
	(pc) =	sbr.rel @p1 .LBB2_7-.Ltmp2, $3  }
0x160: {  	_ =	sdelay $0x1  }
0x161: {  	v5 =	vunpack.i.l.bf16.f32 v7  }
0x162: {  	v2 =	vadd.s32 $0x4, v2;
	v4 =	vunpack.i.u.bf16.f32 v7;
	[tilespmem:v6+s23+$0x0] =	vst.idx.msk $0xffff, v5  }
0x163: {  	_ =	sdelay $0x3  }
0x164: {  	v5 =	vand.u32 $0xFFFFFFF8, v2;
	[tilespmem:v3+s23+$0x0] =	vst.idx.msk $0xffff, v4;
	s1 =	sadd.s32 $0x40, s1  }
0x165: {  	v2 =	vand.u32 $0x4, v2;
	v3 =	vld [tilespmem:s1+$0xFFFFFFD0];
	v4 =	vadd.s32 v0, v5  }
0x166: {  	v5 =	vadd.s32 v1, v5;
	v6 =	vor.u32 v2, v4  }
0x167: {  	v7 =	vor.u32 v2, v5;
	_ =	sdelay $0x2  }
0x168: {  	v8 =	vunpack.i.l.bf16.f32 v3  }
0x169: {  	v3 =	vunpack.i.u.bf16.f32 v3;
	[tilespmem:v6+s23+$0x0] =	vst.idx.msk $0xffff, v8  }
0x16a: {  	[tilespmem:v7+s23+$0x0] =	vst.idx.msk $0xffff, v3  }
0x16b: {  	v6 =	vor.u32 $0x1, v2;
	v3 =	vld [tilespmem:s1+$0xFFFFFFE0]  }
0x16c: {  	v7 =	vor.u32 v6, v4  }
0x16d: {  	v6 =	vor.u32 v6, v5;
	_ =	sdelay $0x2  }
0x16e: {  	v57 =	vunpack.i.l.bf16.f32 v3  }
0x16f: {  	v3 =	vunpack.i.u.bf16.f32 v3;
	[tilespmem:v7+s23+$0x0] =	vst.idx.msk $0xffff, v57  }
0x170: {  	[tilespmem:v6+s23+$0x0] =	vst.idx.msk $0xffff, v3  }
0x171: {  	v6 =	vor.u32 $0x2, v2;
	v3 =	vld [tilespmem:s1+$0xFFFFFFF0]  }
0x172: {  	v7 =	vor.u32 v6, v4  }
0x173: {  	v6 =	vor.u32 v6, v5;
	_ =	sdelay $0x2  }
0x174: {  	v58 =	vunpack.i.l.bf16.f32 v3  }
0x175: {  	v3 =	vunpack.i.u.bf16.f32 v3;
	[tilespmem:v7+s23+$0x0] =	vst.idx.msk $0xffff, v58  }
0x176: {  	[tilespmem:v6+s23+$0x0] =	vst.idx.msk $0xffff, v3  }
0x177: {  	v2 =	vor.u32 $0x3, v2;
	v3 =	vld [tilespmem:s1+$0x0]  }
0x178: {  	v4 =	vor.u32 v2, v4  }
0x179: {  	v2 =	vor.u32 v2, v5;
	_ =	sdelay $0x2  }
0x17a: {  	v5 =	vunpack.i.l.bf16.f32 v3  }
0x17b: {  	s3 =	rddreg [dreg:$0xb];
	v3 =	vunpack.i.u.bf16.f32 v3;
	[tilespmem:v4+s23+$0x0] =	vst.idx.msk $0xffff, v5  }
0x17c: {  	s1 =	sadd.s32 s25, s3;
	[tilespmem:v2+s23+$0x0] =	vst.idx.msk $0xffff, v3  }
0x17d: {  	[hbm4b:s1+s5] =	stream.linear.scatter [tilespmem:s23], [sflag:$0x4], $0x80, $0x38;
	[tilespmem:$0x7600] =	vst v63  }
0x17e: {  	s11 =	simm.s32 $0x6588;
	s3 =	sadd.s32 $0x10, s1  }
0x17f: {  	[hbm4b:s3+s5] =	stream.linear.scatter [tilespmem:s11], [sflag:$0x4], $0x80, $0x38;
	[tilespmem:$0x7600] =	vst v63  }
0x180: {  	s3 =	sadd.s32 $0x20, s1;
	s11 =	simm.s32 $0x6610  }
0x181: {  	[hbm4b:s3+s5] =	stream.linear.scatter [tilespmem:s11], [sflag:$0x4], $0x80, $0x38;
	[tilespmem:$0x7600] =	vst v63  }
0x182: {  	s3 =	sadd.s32 $0x30, s1;
	s11 =	simm.s32 $0x6698  }
0x183: {  	[hbm4b:s3+s5] =	stream.linear.scatter [tilespmem:s11], [sflag:$0x4], $0x80, $0x38;
	[tilespmem:$0x7600] =	vst v63  }
0x184: {  	s3 =	sadd.s32 $0x40, s1;
	s11 =	simm.s32 $0x6720  }
0x185: {  	[hbm4b:s3+s5] =	stream.linear.scatter [tilespmem:s11], [sflag:$0x4], $0x80, $0x38;
	[tilespmem:$0x7600] =	vst v63  }
0x186: {  	s3 =	sadd.s32 $0x50, s1;
	s11 =	simm.s32 $0x67A8  }
0x187: {  	[hbm4b:s3+s5] =	stream.linear.scatter [tilespmem:s11], [sflag:$0x4], $0x80, $0x38;
	[tilespmem:$0x7600] =	vst v63  }
0x188: {  	s3 =	sadd.s32 $0x60, s1;
	s11 =	simm.s32 $0x6830  }
0x189: {  	[hbm4b:s3+s5] =	stream.linear.scatter [tilespmem:s11], [sflag:$0x4], $0x80, $0x38;
	[tilespmem:$0x7600] =	vst v63  }
0x18a: {  	s1 =	sadd.s32 $0x70, s1;
	s11 =	simm.s32 $0x68B8;
	s3 =	rddreg [dreg:$0xc]  }
0x18b: {  	[hbm4b:s1+s5] =	stream.linear.scatter [tilespmem:s11], [sflag:$0x4], $0x80, $0x38;
	[tilespmem:$0x7600] =	vst v63  }
0x18c: {  	s1 =	sadd.s32 s25, s3;
	s11 =	simm.s32 $0x6940  }
0x18d: {  	[hbm4b:s1+s5] =	stream.linear.scatter [tilespmem:s11], [sflag:$0x4], $0x80, $0x38;
	[tilespmem:$0x7600] =	vst v63  }
0x18e: {  	s3 =	sadd.s32 $0x10, s1;
	s11 =	simm.s32 $0x69C8  }
0x18f: {  	[hbm4b:s3+s5] =	stream.linear.scatter [tilespmem:s11], [sflag:$0x4], $0x80, $0x38;
	[tilespmem:$0x7600] =	vst v63  }
0x190: {  	s3 =	sadd.s32 $0x20, s1;
	s11 =	simm.s32 $0x6A50  }
0x191: {  	[hbm4b:s3+s5] =	stream.linear.scatter [tilespmem:s11], [sflag:$0x4], $0x80, $0x38;
	[tilespmem:$0x7600] =	vst v63  }
0x192: {  	s3 =	sadd.s32 $0x30, s1;
	s11 =	simm.s32 $0x6AD8  }
0x193: {  	[hbm4b:s3+s5] =	stream.linear.scatter [tilespmem:s11], [sflag:$0x4], $0x80, $0x38;
	[tilespmem:$0x7600] =	vst v63  }
0x194: {  	s3 =	sadd.s32 $0x40, s1;
	s11 =	simm.s32 $0x6B60  }
0x195: {  	[hbm4b:s3+s5] =	stream.linear.scatter [tilespmem:s11], [sflag:$0x4], $0x80, $0x38;
	[tilespmem:$0x7600] =	vst v63  }
0x196: {  	s3 =	sadd.s32 $0x50, s1;
	s11 =	simm.s32 $0x6BE8  }
0x197: {  	[hbm4b:s3+s5] =	stream.linear.scatter [tilespmem:s11], [sflag:$0x4], $0x80, $0x38;
	[tilespmem:$0x7600] =	vst v63  }
0x198: {  	s3 =	sadd.s32 $0x60, s1;
	s11 =	simm.s32 $0x6C70  }
0x199: {  	[hbm4b:s3+s5] =	stream.linear.scatter [tilespmem:s11], [sflag:$0x4], $0x80, $0x38;
	[tilespmem:$0x7600] =	vst v63  }
0x19a: {  	s1 =	sadd.s32 $0x70, s1;
	s11 =	simm.s32 $0x6CF8;
	s3 =	rddreg [dreg:$0xd]  }
0x19b: {  	[hbm4b:s1+s5] =	stream.linear.scatter [tilespmem:s11], [sflag:$0x4], $0x80, $0x38;
	[tilespmem:$0x7600] =	vst v63  }
0x19c: {  	s1 =	sadd.s32 s25, s3;
	s11 =	simm.s32 $0x6D80  }
0x19d: {  	[hbm4b:s1+s5] =	stream.linear.scatter [tilespmem:s11], [sflag:$0x4], $0x80, $0x38;
	[tilespmem:$0x7600] =	vst v63  }
0x19e: {  	s11 =	sadd.s32 $0x10, s1  }
0x19f: {  	[hbm4b:s11+s5] =	stream.linear.scatter [tilespmem:s12], [sflag:$0x4], $0x80, $0x38;
	[tilespmem:$0x7600] =	vst v63  }
0x1a0: {  	s11 =	sadd.s32 $0x20, s1  }
0x1a1: {  	[hbm4b:s11+s5] =	stream.linear.scatter [tilespmem:s6], [sflag:$0x4], $0x80, $0x38;
	[tilespmem:$0x7600] =	vst v63  }
0x1a2: {  	s11 =	sadd.s32 $0x30, s1  }
0x1a3: {  	[hbm4b:s11+s5] =	stream.linear.scatter [tilespmem:s17], [sflag:$0x4], $0x80, $0x38;
	[tilespmem:$0x7600] =	vst v63  }
0x1a4: {  	s11 =	sadd.s32 $0x40, s1  }
0x1a5: {  	[hbm4b:s11+s5] =	stream.linear.scatter [tilespmem:s18], [sflag:$0x4], $0x80, $0x38;
	[tilespmem:$0x7600] =	vst v63  }
0x1a6: {  	s11 =	sadd.s32 $0x50, s1  }
0x1a7: {  	[hbm4b:s11+s5] =	stream.linear.scatter [tilespmem:s19], [sflag:$0x4], $0x80, $0x38;
	[tilespmem:$0x7600] =	vst v63  }
0x1a8: {  	s11 =	sadd.s32 $0x60, s1  }
0x1a9: {  	[hbm4b:s11+s5] =	stream.linear.scatter [tilespmem:s20], [sflag:$0x4], $0x80, $0x38;
	[tilespmem:$0x7600] =	vst v63  }
0x1aa: {  	s3 =	rddreg [dreg:$0xe];
	s1 =	sadd.s32 $0x70, s1  }
0x1ab: {  	[hbm4b:s1+s5] =	stream.linear.scatter [tilespmem:s21], [sflag:$0x4], $0x80, $0x38;
	[tilespmem:$0x7600] =	vst v63  }
0x1ac: {  	s1 =	sadd.s32 s25, s3  }
0x1ad: {  	[hbm4b:s1+s5] =	stream.linear.scatter [tilespmem:s22], [sflag:$0x4], $0x80, $0x38;
	[tilespmem:$0x7600] =	vst v63  }
0x1ae: {  	s11 =	sadd.s32 $0x10, s1  }
0x1af: {  	[hbm4b:s11+s5] =	stream.linear.scatter [tilespmem:s24], [sflag:$0x4], $0x80, $0x38;
	[tilespmem:$0x7600] =	vst v63  }
0x1b0: {  	s11 =	sadd.s32 $0x20, s1  }
0x1b1: {  	[hbm4b:s11+s5] =	stream.linear.scatter [tilespmem:s26], [sflag:$0x4], $0x80, $0x38;
	[tilespmem:$0x7600] =	vst v63  }
0x1b2: {  	s11 =	sadd.s32 $0x30, s1  }
0x1b3: {  	[hbm4b:s11+s5] =	stream.linear.scatter [tilespmem:s28], [sflag:$0x4], $0x80, $0x38;
	[tilespmem:$0x7600] =	vst v63  }
0x1b4: {  	s11 =	sadd.s32 $0x40, s1  }
0x1b5: {  	[hbm4b:s11+s5] =	stream.linear.scatter [tilespmem:s29], [sflag:$0x4], $0x80, $0x38;
	[tilespmem:$0x7600] =	vst v63  }
0x1b6: {  	s11 =	sadd.s32 $0x50, s1  }
0x1b7: {  	[hbm4b:s11+s5] =	stream.linear.scatter [tilespmem:s30], [sflag:$0x4], $0x80, $0x38;
	[tilespmem:$0x7600] =	vst v63  }
0x1b8: {  	s11 =	sadd.s32 $0x60, s1  }
0x1b9: {  	[hbm4b:s11+s5] =	stream.linear.scatter [tilespmem:s31], [sflag:$0x4], $0x80, $0x38;
	[tilespmem:$0x7600] =	vst v63  }
0x1ba: {  	s1 =	sadd.s32 $0x70, s1  }
0x1bb: {  	[hbm4b:s1+s5] =	stream.linear.scatter [tilespmem:s0], [sflag:$0x4], $0x80, $0x38;
	[tilespmem:$0x7600] =	vst v63  }
0x1bc: {  	_ =	swait.ge [sflag:s15], $0x800  }
0x1bd: {  	[sflag:s15] =	ssyncset.done $0x0  }
0x1be: {  	[sflag:s15] =	ssyncadd.s32 $0xFFFFF800  }
0x1bf: {  	_ =	swait.ge [sflag:s2], $0x400  }
0x1c0: {  	[sflag:s2] =	ssyncset.done $0x0  }
0x1c1: {  	[sflag:s2] =	ssyncadd.s32 $0xFFFFFC00  }
0x1c2: {  	_ =	swait.ge [sflag:s2], $0x400  }
0x1c3: {  	[sflag:s2] =	ssyncset.done $0x0  }
0x1c4: {  	[sflag:s2] =	ssyncadd.s32 $0xFFFFFC00  }
0x1c5: {  	_ =	swait.ge [sflag:s2], $0x400  }
0x1c6: {  	[sflag:s2] =	ssyncset.done $0x0  }
0x1c7: {  	[sflag:s2] =	ssyncadd.s32 $0xFFFFFC00  }
0x1c8: {  	_ =	swait.ge [sflag:s2], $0x400  }
0x1c9: {  	v2 =	vimm.s32 $0x0;
	[sflag:s2] =	ssyncset.done $0x0  }
0x1ca: {  	v3 =	vand.u32 $0xFFFFFFF8, v2;
	s1 =	simm.s32 $0x2430;
	[sflag:s2] =	ssyncadd.s32 $0xFFFFFC00  }
0x1cb: {  	v5 =	vand.u32 $0x4, v2;
	v6 =	vadd.s32 v0, v3;
	v4 =	vld [tilespmem:s1+$0xFFFFFFD0]  }
0x1cc: {  	v3 =	vadd.s32 v1, v3;
	v7 =	vor.u32 v5, v6  }
0x1cd: {  	v59 =	vor.u32 v5, v3;
	_ =	sdelay $0x2  }
0x1ce: {  	v9 =	vunpack.i.l.bf16.f32 v4  }
0x1cf: {  	v4 =	vunpack.i.u.bf16.f32 v4;
	[tilespmem:v7+s16+$0x0] =	vst.idx.msk $0xffff, v9  }
0x1d0: {  	[tilespmem:v59+s16+$0x0] =	vst.idx.msk $0xffff, v4  }
0x1d1: {  	v7 =	vor.u32 $0x1, v5;
	v4 =	vld [tilespmem:s1+$0xFFFFFFE0]  }
0x1d2: {  	v60 =	vor.u32 v7, v6  }
0x1d3: {  	v7 =	vor.u32 v7, v3;
	_ =	sdelay $0x2  }
0x1d4: {  	v61 =	vunpack.i.l.bf16.f32 v4  }
0x1d5: {  	v4 =	vunpack.i.u.bf16.f32 v4;
	[tilespmem:v60+s16+$0x0] =	vst.idx.msk $0xffff, v61  }
0x1d6: {  	[tilespmem:v7+s16+$0x0] =	vst.idx.msk $0xffff, v4  }
0x1d7: {  	v7 =	vor.u32 $0x2, v5;
	v4 =	vld [tilespmem:s1+$0xFFFFFFF0]  }
0x1d8: {  	v62 =	vor.u32 v7, v6  }
0x1d9: {  	v7 =	vor.u32 v7, v3;
	_ =	sdelay $0x2  }
0x1da: {  	v63 =	vunpack.i.l.bf16.f32 v4  }
0x1db: {  	v4 =	vunpack.i.u.bf16.f32 v4;
	[tilespmem:v62+s16+$0x0] =	vst.idx.msk $0xffff, v63  }
0x1dc: {  	[tilespmem:v7+s16+$0x0] =	vst.idx.msk $0xffff, v4  }
0x1dd: {  	v5 =	vor.u32 $0x3, v5;
	v4 =	vld [tilespmem:s1+$0x0]  }
0x1de: {  	v6 =	vor.u32 v5, v6  }
0x1df: {  	v3 =	vor.u32 v5, v3;
	_ =	sdelay $0x2  }
0x1e0: {  	v7 =	vunpack.i.l.bf16.f32 v4  }
0x1e1: {  	v2 =	vadd.s32 $0x4, v2;
	s3 =	simm.s32 $0x4;
	v4 =	vunpack.i.u.bf16.f32 v4;
	[tilespmem:v6+s16+$0x0] =	vst.idx.msk $0xffff, v7  }
.LBB2_9:
0x1e2: {  	s3 =	sadd.s32 $0x4, s3;
	v5 =	vand.u32 $0xFFFFFFF8, v2;
	[tilespmem:v3+s16+$0x0] =	vst.idx.msk $0xffff, v4;
	s1 =	sadd.s32 $0x40, s1  }
0x1e3: {  	v4 =	vand.u32 $0x4, v2;
	p1 =	slt.u32 s3, $0x7C;
	v3 =	vld [tilespmem:s1+$0xFFFFFFD0];
	v6 =	vadd.s32 v0, v5;
	v5 =	vadd.s32 v1, v5  }
0x1e4: {  	v7 =	vor.u32 v4, v6  }
0x1e5: {  	v8 =	vor.u32 v4, v5;
	_ =	sdelay $0x2  }
0x1e6: {  	v9 =	vunpack.i.l.bf16.f32 v3  }
0x1e7: {  	v3 =	vunpack.i.u.bf16.f32 v3;
	[tilespmem:v7+s16+$0x0] =	vst.idx.msk $0xffff, v9  }
0x1e8: {  	[tilespmem:v8+s16+$0x0] =	vst.idx.msk $0xffff, v3  }
0x1e9: {  	v7 =	vor.u32 $0x1, v4;
	v3 =	vld [tilespmem:s1+$0xFFFFFFE0]  }
0x1ea: {  	v8 =	vor.u32 v7, v6  }
0x1eb: {  	v7 =	vor.u32 v7, v5;
	_ =	sdelay $0x2  }
0x1ec: {  	v9 =	vunpack.i.l.bf16.f32 v3  }
0x1ed: {  	v3 =	vunpack.i.u.bf16.f32 v3;
	[tilespmem:v8+s16+$0x0] =	vst.idx.msk $0xffff, v9  }
0x1ee: {  	[tilespmem:v7+s16+$0x0] =	vst.idx.msk $0xffff, v3  }
0x1ef: {  	v7 =	vor.u32 $0x2, v4;
	v3 =	vld [tilespmem:s1+$0xFFFFFFF0]  }
0x1f0: {  	v8 =	vor.u32 v7, v6  }
0x1f1: {  	v7 =	vor.u32 v7, v5;
	_ =	sdelay $0x2  }
0x1f2: {  	v9 =	vunpack.i.l.bf16.f32 v3  }
0x1f3: {  	v3 =	vunpack.i.u.bf16.f32 v3;
	[tilespmem:v8+s16+$0x0] =	vst.idx.msk $0xffff, v9  }
0x1f4: {  	[tilespmem:v7+s16+$0x0] =	vst.idx.msk $0xffff, v3  }
0x1f5: {  	v3 =	vor.u32 $0x3, v4;
	v7 =	vld [tilespmem:s1+$0x0]  }
0x1f6: {  	v6 =	vor.u32 v3, v6  }
.Ltmp3:
0x1f7: {  	v3 =	vor.u32 v3, v5;
	(pc) =	sbr.rel @p1 .LBB2_9-.Ltmp3, $3  }
0x1f8: {  	_ =	sdelay $0x1  }
0x1f9: {  	v5 =	vunpack.i.l.bf16.f32 v7  }
0x1fa: {  	v2 =	vadd.s32 $0x4, v2;
	v4 =	vunpack.i.u.bf16.f32 v7;
	[tilespmem:v6+s16+$0x0] =	vst.idx.msk $0xffff, v5  }
0x1fb: {  	_ =	sdelay $0x3  }
0x1fc: {  	v5 =	vand.u32 $0xFFFFFFF8, v2;
	[tilespmem:v3+s16+$0x0] =	vst.idx.msk $0xffff, v4;
	s1 =	sadd.s32 $0x40, s1  }
0x1fd: {  	v2 =	vand.u32 $0x4, v2;
	v3 =	vld [tilespmem:s1+$0xFFFFFFD0];
	v4 =	vadd.s32 v0, v5  }
0x1fe: {  	v5 =	vadd.s32 v1, v5;
	v6 =	vor.u32 v2, v4  }
0x1ff: {  	v7 =	vor.u32 v2, v5;
	_ =	sdelay $0x2  }
0x200: {  	v8 =	vunpack.i.l.bf16.f32 v3  }
0x201: {  	v3 =	vunpack.i.u.bf16.f32 v3;
	[tilespmem:v6+s16+$0x0] =	vst.idx.msk $0xffff, v8  }
0x202: {  	[tilespmem:v7+s16+$0x0] =	vst.idx.msk $0xffff, v3  }
0x203: {  	v6 =	vor.u32 $0x1, v2;
	v3 =	vld [tilespmem:s1+$0xFFFFFFE0]  }
0x204: {  	v7 =	vor.u32 v6, v4  }
0x205: {  	v6 =	vor.u32 v6, v5;
	_ =	sdelay $0x2  }
0x206: {  	v57 =	vunpack.i.l.bf16.f32 v3  }
0x207: {  	v3 =	vunpack.i.u.bf16.f32 v3;
	[tilespmem:v7+s16+$0x0] =	vst.idx.msk $0xffff, v57  }
0x208: {  	[tilespmem:v6+s16+$0x0] =	vst.idx.msk $0xffff, v3  }
0x209: {  	v6 =	vor.u32 $0x2, v2;
	v3 =	vld [tilespmem:s1+$0xFFFFFFF0]  }
0x20a: {  	v7 =	vor.u32 v6, v4  }
0x20b: {  	v6 =	vor.u32 v6, v5;
	_ =	sdelay $0x2  }
0x20c: {  	v58 =	vunpack.i.l.bf16.f32 v3  }
0x20d: {  	v3 =	vunpack.i.u.bf16.f32 v3;
	[tilespmem:v7+s16+$0x0] =	vst.idx.msk $0xffff, v58  }
0x20e: {  	[tilespmem:v6+s16+$0x0] =	vst.idx.msk $0xffff, v3  }
0x20f: {  	v2 =	vor.u32 $0x3, v2;
	v3 =	vld [tilespmem:s1+$0x0]  }
0x210: {  	v4 =	vor.u32 v2, v4  }
0x211: {  	v2 =	vor.u32 v2, v5;
	_ =	sdelay $0x2  }
0x212: {  	v5 =	vunpack.i.l.bf16.f32 v3  }
0x213: {  	s3 =	rddreg [dreg:$0xf];
	v3 =	vunpack.i.u.bf16.f32 v3;
	[tilespmem:v4+s16+$0x0] =	vst.idx.msk $0xffff, v5  }
0x214: {  	s1 =	sadd.s32 s25, s3;
	[tilespmem:v2+s16+$0x0] =	vst.idx.msk $0xffff, v3  }
0x215: {  	[hbm4b:s1+s5] =	stream.linear.scatter [tilespmem:s16], [sflag:$0x3], $0x80, $0x38;
	[tilespmem:$0x7600] =	vst v63  }
0x216: {  	s3 =	sadd.s32 $0x10, s1  }
0x217: {  	[hbm4b:s3+s5] =	stream.linear.scatter [tilespmem:s4], [sflag:$0x3], $0x80, $0x38;
	[tilespmem:$0x7600] =	vst v63  }
0x218: {  	s11 =	sadd.s32 $0x20, s1  }
0x219: {  	[hbm4b:s11+s5] =	stream.linear.scatter [tilespmem:s10], [sflag:$0x3], $0x80, $0x38;
	[tilespmem:$0x7600] =	vst v63  }
0x21a: {  	s3 =	sadd.s32 $0x30, s1;
	s11 =	simm.s32 $0x5598  }
0x21b: {  	[hbm4b:s3+s5] =	stream.linear.scatter [tilespmem:s11], [sflag:$0x3], $0x80, $0x38;
	[tilespmem:$0x7600] =	vst v63  }
0x21c: {  	s3 =	sadd.s32 $0x40, s1;
	s11 =	simm.s32 $0x5620  }
0x21d: {  	[hbm4b:s3+s5] =	stream.linear.scatter [tilespmem:s11], [sflag:$0x3], $0x80, $0x38;
	[tilespmem:$0x7600] =	vst v63  }
0x21e: {  	s3 =	sadd.s32 $0x50, s1;
	s11 =	simm.s32 $0x56A8  }
0x21f: {  	[hbm4b:s3+s5] =	stream.linear.scatter [tilespmem:s11], [sflag:$0x3], $0x80, $0x38;
	[tilespmem:$0x7600] =	vst v63  }
0x220: {  	s3 =	sadd.s32 $0x60, s1;
	s11 =	simm.s32 $0x5730  }
0x221: {  	[hbm4b:s3+s5] =	stream.linear.scatter [tilespmem:s11], [sflag:$0x3], $0x80, $0x38;
	[tilespmem:$0x7600] =	vst v63  }
0x222: {  	s1 =	sadd.s32 $0x70, s1;
	s11 =	simm.s32 $0x57B8;
	s3 =	rddreg [dreg:$0x10]  }
0x223: {  	[hbm4b:s1+s5] =	stream.linear.scatter [tilespmem:s11], [sflag:$0x3], $0x80, $0x38;
	[tilespmem:$0x7600] =	vst v63  }
0x224: {  	s1 =	sadd.s32 s25, s3;
	s11 =	simm.s32 $0x5840  }
0x225: {  	[hbm4b:s1+s5] =	stream.linear.scatter [tilespmem:s11], [sflag:$0x3], $0x80, $0x38;
	[tilespmem:$0x7600] =	vst v63  }
0x226: {  	s3 =	sadd.s32 $0x10, s1;
	s11 =	simm.s32 $0x58C8  }
0x227: {  	[hbm4b:s3+s5] =	stream.linear.scatter [tilespmem:s11], [sflag:$0x3], $0x80, $0x38;
	[tilespmem:$0x7600] =	vst v63  }
0x228: {  	s3 =	sadd.s32 $0x20, s1;
	s11 =	simm.s32 $0x5950  }
0x229: {  	[hbm4b:s3+s5] =	stream.linear.scatter [tilespmem:s11], [sflag:$0x3], $0x80, $0x38;
	[tilespmem:$0x7600] =	vst v63  }
0x22a: {  	s3 =	sadd.s32 $0x30, s1;
	s11 =	simm.s32 $0x59D8  }
0x22b: {  	[hbm4b:s3+s5] =	stream.linear.scatter [tilespmem:s11], [sflag:$0x3], $0x80, $0x38;
	[tilespmem:$0x7600] =	vst v63  }
0x22c: {  	s3 =	sadd.s32 $0x40, s1;
	s11 =	simm.s32 $0x5A60  }
0x22d: {  	[hbm4b:s3+s5] =	stream.linear.scatter [tilespmem:s11], [sflag:$0x3], $0x80, $0x38;
	[tilespmem:$0x7600] =	vst v63  }
0x22e: {  	s3 =	sadd.s32 $0x50, s1;
	s11 =	simm.s32 $0x5AE8  }
0x22f: {  	[hbm4b:s3+s5] =	stream.linear.scatter [tilespmem:s11], [sflag:$0x3], $0x80, $0x38;
	[tilespmem:$0x7600] =	vst v63  }
0x230: {  	s3 =	sadd.s32 $0x60, s1;
	s11 =	simm.s32 $0x5B70  }
0x231: {  	[hbm4b:s3+s5] =	stream.linear.scatter [tilespmem:s11], [sflag:$0x3], $0x80, $0x38;
	[tilespmem:$0x7600] =	vst v63  }
0x232: {  	s1 =	sadd.s32 $0x70, s1;
	s11 =	simm.s32 $0x5BF8;
	s3 =	rddreg [dreg:$0x11]  }
0x233: {  	[hbm4b:s1+s5] =	stream.linear.scatter [tilespmem:s11], [sflag:$0x3], $0x80, $0x38;
	[tilespmem:$0x7600] =	vst v63  }
0x234: {  	s1 =	sadd.s32 s25, s3;
	s11 =	simm.s32 $0x5C80  }
0x235: {  	[hbm4b:s1+s5] =	stream.linear.scatter [tilespmem:s11], [sflag:$0x3], $0x80, $0x38;
	[tilespmem:$0x7600] =	vst v63  }
0x236: {  	s3 =	sadd.s32 $0x10, s1;
	s11 =	simm.s32 $0x5D08  }
0x237: {  	[hbm4b:s3+s5] =	stream.linear.scatter [tilespmem:s11], [sflag:$0x3], $0x80, $0x38;
	[tilespmem:$0x7600] =	vst v63  }
0x238: {  	s3 =	sadd.s32 $0x20, s1;
	s11 =	simm.s32 $0x5D90  }
0x239: {  	[hbm4b:s3+s5] =	stream.linear.scatter [tilespmem:s11], [sflag:$0x3], $0x80, $0x38;
	[tilespmem:$0x7600] =	vst v63  }
0x23a: {  	s3 =	sadd.s32 $0x30, s1;
	s11 =	simm.s32 $0x5E18  }
0x23b: {  	[hbm4b:s3+s5] =	stream.linear.scatter [tilespmem:s11], [sflag:$0x3], $0x80, $0x38;
	[tilespmem:$0x7600] =	vst v63  }
0x23c: {  	s3 =	sadd.s32 $0x40, s1;
	s11 =	simm.s32 $0x5EA0  }
0x23d: {  	[hbm4b:s3+s5] =	stream.linear.scatter [tilespmem:s11], [sflag:$0x3], $0x80, $0x38;
	[tilespmem:$0x7600] =	vst v63  }
0x23e: {  	s3 =	sadd.s32 $0x50, s1;
	s11 =	simm.s32 $0x5F28  }
0x23f: {  	[hbm4b:s3+s5] =	stream.linear.scatter [tilespmem:s11], [sflag:$0x3], $0x80, $0x38;
	[tilespmem:$0x7600] =	vst v63  }
0x240: {  	s3 =	sadd.s32 $0x60, s1;
	s11 =	simm.s32 $0x5FB0  }
0x241: {  	[hbm4b:s3+s5] =	stream.linear.scatter [tilespmem:s11], [sflag:$0x3], $0x80, $0x38;
	[tilespmem:$0x7600] =	vst v63  }
0x242: {  	s1 =	sadd.s32 $0x70, s1;
	s11 =	simm.s32 $0x6038;
	s3 =	rddreg [dreg:$0x12]  }
0x243: {  	[hbm4b:s1+s5] =	stream.linear.scatter [tilespmem:s11], [sflag:$0x3], $0x80, $0x38;
	[tilespmem:$0x7600] =	vst v63  }
0x244: {  	s1 =	sadd.s32 s25, s3;
	s11 =	simm.s32 $0x60C0  }
0x245: {  	[hbm4b:s1+s5] =	stream.linear.scatter [tilespmem:s11], [sflag:$0x3], $0x80, $0x38;
	[tilespmem:$0x7600] =	vst v63  }
0x246: {  	s3 =	sadd.s32 $0x10, s1;
	s11 =	simm.s32 $0x6148  }
0x247: {  	[hbm4b:s3+s5] =	stream.linear.scatter [tilespmem:s11], [sflag:$0x3], $0x80, $0x38;
	[tilespmem:$0x7600] =	vst v63  }
0x248: {  	s3 =	sadd.s32 $0x20, s1;
	s11 =	simm.s32 $0x61D0  }
0x249: {  	[hbm4b:s3+s5] =	stream.linear.scatter [tilespmem:s11], [sflag:$0x3], $0x80, $0x38;
	[tilespmem:$0x7600] =	vst v63  }
0x24a: {  	s3 =	sadd.s32 $0x30, s1;
	s11 =	simm.s32 $0x6258  }
0x24b: {  	[hbm4b:s3+s5] =	stream.linear.scatter [tilespmem:s11], [sflag:$0x3], $0x80, $0x38;
	[tilespmem:$0x7600] =	vst v63  }
0x24c: {  	s3 =	sadd.s32 $0x40, s1;
	s11 =	simm.s32 $0x62E0  }
0x24d: {  	[hbm4b:s3+s5] =	stream.linear.scatter [tilespmem:s11], [sflag:$0x3], $0x80, $0x38;
	[tilespmem:$0x7600] =	vst v63  }
0x24e: {  	s3 =	sadd.s32 $0x50, s1;
	s11 =	simm.s32 $0x6368  }
0x24f: {  	[hbm4b:s3+s5] =	stream.linear.scatter [tilespmem:s11], [sflag:$0x3], $0x80, $0x38;
	[tilespmem:$0x7600] =	vst v63  }
0x250: {  	s3 =	sadd.s32 $0x60, s1;
	s11 =	simm.s32 $0x63F0  }
0x251: {  	[hbm4b:s3+s5] =	stream.linear.scatter [tilespmem:s11], [sflag:$0x3], $0x80, $0x38;
	[tilespmem:$0x7600] =	vst v63  }
0x252: {  	s1 =	sadd.s32 $0x70, s1;
	s11 =	simm.s32 $0x6478  }
0x253: {  	[hbm4b:s1+s5] =	stream.linear.scatter [tilespmem:s11], [sflag:$0x3], $0x80, $0x38;
	[tilespmem:$0x7600] =	vst v63  }
0x254: {  	_ =	swait.ge [sflag:s15], $0x800  }
0x255: {  	[sflag:s15] =	ssyncset.done $0x0  }
0x256: {  	[sflag:s15] =	ssyncadd.s32 $0xFFFFF800  }
0x257: {  	_ =	swait.ge [sflag:s8], $0x400  }
0x258: {  	[sflag:s8] =	ssyncset.done $0x0  }
0x259: {  	[sflag:s8] =	ssyncadd.s32 $0xFFFFFC00  }
0x25a: {  	_ =	swait.ge [sflag:s8], $0x400  }
0x25b: {  	[sflag:s8] =	ssyncset.done $0x0  }
0x25c: {  	[sflag:s8] =	ssyncadd.s32 $0xFFFFFC00  }
0x25d: {  	_ =	swait.ge [sflag:s8], $0x400  }
0x25e: {  	[sflag:s8] =	ssyncset.done $0x0  }
0x25f: {  	[sflag:s8] =	ssyncadd.s32 $0xFFFFFC00  }
0x260: {  	_ =	swait.ge [sflag:s8], $0x400  }
0x261: {  	v2 =	vimm.s32 $0x0;
	[sflag:s8] =	ssyncset.done $0x0  }
0x262: {  	v3 =	vand.u32 $0xFFFFFFF8, v2;
	s1 =	simm.s32 $0x2C30;
	[sflag:s8] =	ssyncadd.s32 $0xFFFFFC00  }
0x263: {  	v5 =	vand.u32 $0x4, v2;
	v6 =	vadd.s32 v0, v3;
	v4 =	vld [tilespmem:s1+$0xFFFFFFD0]  }
0x264: {  	v3 =	vadd.s32 v1, v3;
	v7 =	vor.u32 v5, v6  }
0x265: {  	v59 =	vor.u32 v5, v3;
	_ =	sdelay $0x2  }
0x266: {  	v9 =	vunpack.i.l.bf16.f32 v4  }
0x267: {  	v4 =	vunpack.i.u.bf16.f32 v4;
	[tilespmem:v7+s23+$0x0] =	vst.idx.msk $0xffff, v9  }
0x268: {  	[tilespmem:v59+s23+$0x0] =	vst.idx.msk $0xffff, v4  }
0x269: {  	v7 =	vor.u32 $0x1, v5;
	v4 =	vld [tilespmem:s1+$0xFFFFFFE0]  }
0x26a: {  	v60 =	vor.u32 v7, v6  }
0x26b: {  	v7 =	vor.u32 v7, v3;
	_ =	sdelay $0x2  }
0x26c: {  	v61 =	vunpack.i.l.bf16.f32 v4  }
0x26d: {  	v4 =	vunpack.i.u.bf16.f32 v4;
	[tilespmem:v60+s23+$0x0] =	vst.idx.msk $0xffff, v61  }
0x26e: {  	[tilespmem:v7+s23+$0x0] =	vst.idx.msk $0xffff, v4  }
0x26f: {  	v7 =	vor.u32 $0x2, v5;
	v4 =	vld [tilespmem:s1+$0xFFFFFFF0]  }
0x270: {  	v62 =	vor.u32 v7, v6  }
0x271: {  	v7 =	vor.u32 v7, v3;
	_ =	sdelay $0x2  }
0x272: {  	v63 =	vunpack.i.l.bf16.f32 v4  }
0x273: {  	v4 =	vunpack.i.u.bf16.f32 v4;
	[tilespmem:v62+s23+$0x0] =	vst.idx.msk $0xffff, v63  }
0x274: {  	[tilespmem:v7+s23+$0x0] =	vst.idx.msk $0xffff, v4  }
0x275: {  	v5 =	vor.u32 $0x3, v5;
	v4 =	vld [tilespmem:s1+$0x0]  }
0x276: {  	v6 =	vor.u32 v5, v6  }
0x277: {  	v3 =	vor.u32 v5, v3;
	_ =	sdelay $0x2  }
0x278: {  	v7 =	vunpack.i.l.bf16.f32 v4  }
0x279: {  	v2 =	vadd.s32 $0x4, v2;
	s3 =	simm.s32 $0x4;
	v4 =	vunpack.i.u.bf16.f32 v4;
	[tilespmem:v6+s23+$0x0] =	vst.idx.msk $0xffff, v7  }
.LBB2_11:
0x27a: {  	s3 =	sadd.s32 $0x4, s3;
	v5 =	vand.u32 $0xFFFFFFF8, v2;
	[tilespmem:v3+s23+$0x0] =	vst.idx.msk $0xffff, v4;
	s1 =	sadd.s32 $0x40, s1  }
0x27b: {  	v4 =	vand.u32 $0x4, v2;
	p1 =	slt.u32 s3, $0x7C;
	v3 =	vld [tilespmem:s1+$0xFFFFFFD0];
	v6 =	vadd.s32 v0, v5;
	v5 =	vadd.s32 v1, v5  }
0x27c: {  	v7 =	vor.u32 v4, v6  }
0x27d: {  	v8 =	vor.u32 v4, v5;
	_ =	sdelay $0x2  }
0x27e: {  	v9 =	vunpack.i.l.bf16.f32 v3  }
0x27f: {  	v3 =	vunpack.i.u.bf16.f32 v3;
	[tilespmem:v7+s23+$0x0] =	vst.idx.msk $0xffff, v9  }
0x280: {  	[tilespmem:v8+s23+$0x0] =	vst.idx.msk $0xffff, v3  }
0x281: {  	v7 =	vor.u32 $0x1, v4;
	v3 =	vld [tilespmem:s1+$0xFFFFFFE0]  }
0x282: {  	v8 =	vor.u32 v7, v6  }
0x283: {  	v7 =	vor.u32 v7, v5;
	_ =	sdelay $0x2  }
0x284: {  	v9 =	vunpack.i.l.bf16.f32 v3  }
0x285: {  	v3 =	vunpack.i.u.bf16.f32 v3;
	[tilespmem:v8+s23+$0x0] =	vst.idx.msk $0xffff, v9  }
0x286: {  	[tilespmem:v7+s23+$0x0] =	vst.idx.msk $0xffff, v3  }
0x287: {  	v7 =	vor.u32 $0x2, v4;
	v3 =	vld [tilespmem:s1+$0xFFFFFFF0]  }
0x288: {  	v8 =	vor.u32 v7, v6  }
0x289: {  	v7 =	vor.u32 v7, v5;
	_ =	sdelay $0x2  }
0x28a: {  	v9 =	vunpack.i.l.bf16.f32 v3  }
0x28b: {  	v3 =	vunpack.i.u.bf16.f32 v3;
	[tilespmem:v8+s23+$0x0] =	vst.idx.msk $0xffff, v9  }
0x28c: {  	[tilespmem:v7+s23+$0x0] =	vst.idx.msk $0xffff, v3  }
0x28d: {  	v3 =	vor.u32 $0x3, v4;
	v7 =	vld [tilespmem:s1+$0x0]  }
0x28e: {  	v6 =	vor.u32 v3, v6  }
.Ltmp4:
0x28f: {  	v3 =	vor.u32 v3, v5;
	(pc) =	sbr.rel @p1 .LBB2_11-.Ltmp4, $3  }
0x290: {  	_ =	sdelay $0x1  }
0x291: {  	v5 =	vunpack.i.l.bf16.f32 v7  }
0x292: {  	v2 =	vadd.s32 $0x4, v2;
	v4 =	vunpack.i.u.bf16.f32 v7;
	[tilespmem:v6+s23+$0x0] =	vst.idx.msk $0xffff, v5  }
0x293: {  	_ =	sdelay $0x3  }
0x294: {  	v5 =	vand.u32 $0xFFFFFFF8, v2;
	[tilespmem:v3+s23+$0x0] =	vst.idx.msk $0xffff, v4;
	s1 =	sadd.s32 $0x40, s1  }
0x295: {  	v2 =	vand.u32 $0x4, v2;
	v3 =	vld [tilespmem:s1+$0xFFFFFFD0];
	v4 =	vadd.s32 v0, v5  }
0x296: {  	v5 =	vadd.s32 v1, v5;
	v6 =	vor.u32 v2, v4  }
0x297: {  	v7 =	vor.u32 v2, v5;
	_ =	sdelay $0x2  }
0x298: {  	v8 =	vunpack.i.l.bf16.f32 v3  }
0x299: {  	v3 =	vunpack.i.u.bf16.f32 v3;
	[tilespmem:v6+s23+$0x0] =	vst.idx.msk $0xffff, v8  }
0x29a: {  	[tilespmem:v7+s23+$0x0] =	vst.idx.msk $0xffff, v3  }
0x29b: {  	v6 =	vor.u32 $0x1, v2;
	v3 =	vld [tilespmem:s1+$0xFFFFFFE0]  }
0x29c: {  	v7 =	vor.u32 v6, v4  }
0x29d: {  	v6 =	vor.u32 v6, v5;
	_ =	sdelay $0x2  }
0x29e: {  	v57 =	vunpack.i.l.bf16.f32 v3  }
0x29f: {  	v3 =	vunpack.i.u.bf16.f32 v3;
	[tilespmem:v7+s23+$0x0] =	vst.idx.msk $0xffff, v57  }
0x2a0: {  	[tilespmem:v6+s23+$0x0] =	vst.idx.msk $0xffff, v3  }
0x2a1: {  	v6 =	vor.u32 $0x2, v2;
	v3 =	vld [tilespmem:s1+$0xFFFFFFF0]  }
0x2a2: {  	v7 =	vor.u32 v6, v4  }
0x2a3: {  	v6 =	vor.u32 v6, v5;
	_ =	sdelay $0x2  }
0x2a4: {  	v58 =	vunpack.i.l.bf16.f32 v3  }
0x2a5: {  	v3 =	vunpack.i.u.bf16.f32 v3;
	[tilespmem:v7+s23+$0x0] =	vst.idx.msk $0xffff, v58  }
0x2a6: {  	[tilespmem:v6+s23+$0x0] =	vst.idx.msk $0xffff, v3  }
0x2a7: {  	v2 =	vor.u32 $0x3, v2;
	v3 =	vld [tilespmem:s1+$0x0]  }
0x2a8: {  	v4 =	vor.u32 v2, v4  }
0x2a9: {  	v2 =	vor.u32 v2, v5;
	_ =	sdelay $0x2  }
0x2aa: {  	v5 =	vunpack.i.l.bf16.f32 v3  }
0x2ab: {  	s3 =	rddreg [dreg:$0x13];
	v3 =	vunpack.i.u.bf16.f32 v3;
	[tilespmem:v4+s23+$0x0] =	vst.idx.msk $0xffff, v5  }
0x2ac: {  	s1 =	sadd.s32 s25, s3;
	[tilespmem:v2+s23+$0x0] =	vst.idx.msk $0xffff, v3  }
0x2ad: {  	[hbm4b:s1+s5] =	stream.linear.scatter [tilespmem:s23], [sflag:$0x4], $0x80, $0x38;
	[tilespmem:$0x7600] =	vst v63  }
0x2ae: {  	s11 =	simm.s32 $0x6588;
	s3 =	sadd.s32 $0x10, s1  }
0x2af: {  	[hbm4b:s3+s5] =	stream.linear.scatter [tilespmem:s11], [sflag:$0x4], $0x80, $0x38;
	[tilespmem:$0x7600] =	vst v63  }
0x2b0: {  	s3 =	sadd.s32 $0x20, s1;
	s11 =	simm.s32 $0x6610  }
0x2b1: {  	[hbm4b:s3+s5] =	stream.linear.scatter [tilespmem:s11], [sflag:$0x4], $0x80, $0x38;
	[tilespmem:$0x7600] =	vst v63  }
0x2b2: {  	s3 =	sadd.s32 $0x30, s1;
	s11 =	simm.s32 $0x6698  }
0x2b3: {  	[hbm4b:s3+s5] =	stream.linear.scatter [tilespmem:s11], [sflag:$0x4], $0x80, $0x38;
	[tilespmem:$0x7600] =	vst v63  }
0x2b4: {  	s3 =	sadd.s32 $0x40, s1;
	s11 =	simm.s32 $0x6720  }
0x2b5: {  	[hbm4b:s3+s5] =	stream.linear.scatter [tilespmem:s11], [sflag:$0x4], $0x80, $0x38;
	[tilespmem:$0x7600] =	vst v63  }
0x2b6: {  	s3 =	sadd.s32 $0x50, s1;
	s11 =	simm.s32 $0x67A8  }
0x2b7: {  	[hbm4b:s3+s5] =	stream.linear.scatter [tilespmem:s11], [sflag:$0x4], $0x80, $0x38;
	[tilespmem:$0x7600] =	vst v63  }
0x2b8: {  	s3 =	sadd.s32 $0x60, s1;
	s11 =	simm.s32 $0x6830  }
0x2b9: {  	[hbm4b:s3+s5] =	stream.linear.scatter [tilespmem:s11], [sflag:$0x4], $0x80, $0x38;
	[tilespmem:$0x7600] =	vst v63  }
0x2ba: {  	s1 =	sadd.s32 $0x70, s1;
	s11 =	simm.s32 $0x68B8;
	s3 =	rddreg [dreg:$0x14]  }
0x2bb: {  	[hbm4b:s1+s5] =	stream.linear.scatter [tilespmem:s11], [sflag:$0x4], $0x80, $0x38;
	[tilespmem:$0x7600] =	vst v63  }
0x2bc: {  	s1 =	sadd.s32 s25, s3;
	s11 =	simm.s32 $0x6940  }
0x2bd: {  	[hbm4b:s1+s5] =	stream.linear.scatter [tilespmem:s11], [sflag:$0x4], $0x80, $0x38;
	[tilespmem:$0x7600] =	vst v63  }
0x2be: {  	s3 =	sadd.s32 $0x10, s1;
	s11 =	simm.s32 $0x69C8  }
0x2bf: {  	[hbm4b:s3+s5] =	stream.linear.scatter [tilespmem:s11], [sflag:$0x4], $0x80, $0x38;
	[tilespmem:$0x7600] =	vst v63  }
0x2c0: {  	s3 =	sadd.s32 $0x20, s1;
	s11 =	simm.s32 $0x6A50  }
0x2c1: {  	[hbm4b:s3+s5] =	stream.linear.scatter [tilespmem:s11], [sflag:$0x4], $0x80, $0x38;
	[tilespmem:$0x7600] =	vst v63  }
0x2c2: {  	s3 =	sadd.s32 $0x30, s1;
	s11 =	simm.s32 $0x6AD8  }
0x2c3: {  	[hbm4b:s3+s5] =	stream.linear.scatter [tilespmem:s11], [sflag:$0x4], $0x80, $0x38;
	[tilespmem:$0x7600] =	vst v63  }
0x2c4: {  	s3 =	sadd.s32 $0x40, s1;
	s11 =	simm.s32 $0x6B60  }
0x2c5: {  	[hbm4b:s3+s5] =	stream.linear.scatter [tilespmem:s11], [sflag:$0x4], $0x80, $0x38;
	[tilespmem:$0x7600] =	vst v63  }
0x2c6: {  	s3 =	sadd.s32 $0x50, s1;
	s11 =	simm.s32 $0x6BE8  }
0x2c7: {  	[hbm4b:s3+s5] =	stream.linear.scatter [tilespmem:s11], [sflag:$0x4], $0x80, $0x38;
	[tilespmem:$0x7600] =	vst v63  }
0x2c8: {  	s3 =	sadd.s32 $0x60, s1;
	s11 =	simm.s32 $0x6C70  }
0x2c9: {  	[hbm4b:s3+s5] =	stream.linear.scatter [tilespmem:s11], [sflag:$0x4], $0x80, $0x38;
	[tilespmem:$0x7600] =	vst v63  }
0x2ca: {  	s1 =	sadd.s32 $0x70, s1;
	s11 =	simm.s32 $0x6CF8;
	s3 =	rddreg [dreg:$0x15]  }
0x2cb: {  	[hbm4b:s1+s5] =	stream.linear.scatter [tilespmem:s11], [sflag:$0x4], $0x80, $0x38;
	[tilespmem:$0x7600] =	vst v63  }
0x2cc: {  	s1 =	sadd.s32 s25, s3;
	s11 =	simm.s32 $0x6D80  }
0x2cd: {  	[hbm4b:s1+s5] =	stream.linear.scatter [tilespmem:s11], [sflag:$0x4], $0x80, $0x38;
	[tilespmem:$0x7600] =	vst v63  }
0x2ce: {  	s11 =	sadd.s32 $0x10, s1  }
0x2cf: {  	[hbm4b:s11+s5] =	stream.linear.scatter [tilespmem:s12], [sflag:$0x4], $0x80, $0x38;
	[tilespmem:$0x7600] =	vst v63  }
0x2d0: {  	s11 =	sadd.s32 $0x20, s1  }
0x2d1: {  	[hbm4b:s11+s5] =	stream.linear.scatter [tilespmem:s6], [sflag:$0x4], $0x80, $0x38;
	[tilespmem:$0x7600] =	vst v63  }
0x2d2: {  	s11 =	sadd.s32 $0x30, s1  }
0x2d3: {  	[hbm4b:s11+s5] =	stream.linear.scatter [tilespmem:s17], [sflag:$0x4], $0x80, $0x38;
	[tilespmem:$0x7600] =	vst v63  }
0x2d4: {  	s11 =	sadd.s32 $0x40, s1  }
0x2d5: {  	[hbm4b:s11+s5] =	stream.linear.scatter [tilespmem:s18], [sflag:$0x4], $0x80, $0x38;
	[tilespmem:$0x7600] =	vst v63  }
0x2d6: {  	s11 =	sadd.s32 $0x50, s1  }
0x2d7: {  	[hbm4b:s11+s5] =	stream.linear.scatter [tilespmem:s19], [sflag:$0x4], $0x80, $0x38;
	[tilespmem:$0x7600] =	vst v63  }
0x2d8: {  	s11 =	sadd.s32 $0x60, s1  }
0x2d9: {  	[hbm4b:s11+s5] =	stream.linear.scatter [tilespmem:s20], [sflag:$0x4], $0x80, $0x38;
	[tilespmem:$0x7600] =	vst v63  }
0x2da: {  	s3 =	rddreg [dreg:$0x16];
	s1 =	sadd.s32 $0x70, s1  }
0x2db: {  	[hbm4b:s1+s5] =	stream.linear.scatter [tilespmem:s21], [sflag:$0x4], $0x80, $0x38;
	[tilespmem:$0x7600] =	vst v63  }
0x2dc: {  	s1 =	sadd.s32 s25, s3  }
0x2dd: {  	[hbm4b:s1+s5] =	stream.linear.scatter [tilespmem:s22], [sflag:$0x4], $0x80, $0x38;
	[tilespmem:$0x7600] =	vst v63  }
0x2de: {  	s11 =	sadd.s32 $0x10, s1  }
0x2df: {  	[hbm4b:s11+s5] =	stream.linear.scatter [tilespmem:s24], [sflag:$0x4], $0x80, $0x38;
	[tilespmem:$0x7600] =	vst v63  }
0x2e0: {  	s11 =	sadd.s32 $0x20, s1  }
0x2e1: {  	[hbm4b:s11+s5] =	stream.linear.scatter [tilespmem:s26], [sflag:$0x4], $0x80, $0x38;
	[tilespmem:$0x7600] =	vst v63  }
0x2e2: {  	s11 =	sadd.s32 $0x30, s1  }
0x2e3: {  	[hbm4b:s11+s5] =	stream.linear.scatter [tilespmem:s28], [sflag:$0x4], $0x80, $0x38;
	[tilespmem:$0x7600] =	vst v63  }
0x2e4: {  	s11 =	sadd.s32 $0x40, s1  }
0x2e5: {  	[hbm4b:s11+s5] =	stream.linear.scatter [tilespmem:s29], [sflag:$0x4], $0x80, $0x38;
	[tilespmem:$0x7600] =	vst v63  }
0x2e6: {  	s11 =	sadd.s32 $0x50, s1  }
0x2e7: {  	[hbm4b:s11+s5] =	stream.linear.scatter [tilespmem:s30], [sflag:$0x4], $0x80, $0x38;
	[tilespmem:$0x7600] =	vst v63  }
0x2e8: {  	s11 =	sadd.s32 $0x60, s1  }
0x2e9: {  	[hbm4b:s11+s5] =	stream.linear.scatter [tilespmem:s31], [sflag:$0x4], $0x80, $0x38;
	[tilespmem:$0x7600] =	vst v63  }
0x2ea: {  	s1 =	sadd.s32 $0x70, s1  }
0x2eb: {  	[hbm4b:s1+s5] =	stream.linear.scatter [tilespmem:s0], [sflag:$0x4], $0x80, $0x38;
	[tilespmem:$0x7600] =	vst v63  }
0x2ec: {  	_ =	swait.ge [sflag:s15], $0x800  }
0x2ed: {  	[sflag:s15] =	ssyncset.done $0x0  }
0x2ee: {  	[sflag:s15] =	ssyncadd.s32 $0xFFFFF800  }
0x2ef: {  	_ =	swait.ge [sflag:s2], $0x400  }
0x2f0: {  	[sflag:s2] =	ssyncset.done $0x0  }
0x2f1: {  	[sflag:s2] =	ssyncadd.s32 $0xFFFFFC00  }
0x2f2: {  	_ =	swait.ge [sflag:s2], $0x400  }
0x2f3: {  	[sflag:s2] =	ssyncset.done $0x0  }
0x2f4: {  	[sflag:s2] =	ssyncadd.s32 $0xFFFFFC00  }
0x2f5: {  	_ =	swait.ge [sflag:s2], $0x400  }
0x2f6: {  	[sflag:s2] =	ssyncset.done $0x0  }
0x2f7: {  	[sflag:s2] =	ssyncadd.s32 $0xFFFFFC00  }
0x2f8: {  	_ =	swait.ge [sflag:s2], $0x400  }
0x2f9: {  	v2 =	vimm.s32 $0x0;
	[sflag:s2] =	ssyncset.done $0x0  }
0x2fa: {  	v3 =	vand.u32 $0xFFFFFFF8, v2;
	s1 =	simm.s32 $0x3430;
	[sflag:s2] =	ssyncadd.s32 $0xFFFFFC00  }
0x2fb: {  	v5 =	vand.u32 $0x4, v2;
	v6 =	vadd.s32 v0, v3;
	v4 =	vld [tilespmem:s1+$0xFFFFFFD0]  }
0x2fc: {  	v3 =	vadd.s32 v1, v3;
	v7 =	vor.u32 v5, v6  }
0x2fd: {  	v59 =	vor.u32 v5, v3;
	_ =	sdelay $0x2  }
0x2fe: {  	v9 =	vunpack.i.l.bf16.f32 v4  }
0x2ff: {  	v4 =	vunpack.i.u.bf16.f32 v4;
	[tilespmem:v7+s16+$0x0] =	vst.idx.msk $0xffff, v9  }
0x300: {  	[tilespmem:v59+s16+$0x0] =	vst.idx.msk $0xffff, v4  }
0x301: {  	v7 =	vor.u32 $0x1, v5;
	v4 =	vld [tilespmem:s1+$0xFFFFFFE0]  }
0x302: {  	v60 =	vor.u32 v7, v6  }
0x303: {  	v7 =	vor.u32 v7, v3;
	_ =	sdelay $0x2  }
0x304: {  	v61 =	vunpack.i.l.bf16.f32 v4  }
0x305: {  	v4 =	vunpack.i.u.bf16.f32 v4;
	[tilespmem:v60+s16+$0x0] =	vst.idx.msk $0xffff, v61  }
0x306: {  	[tilespmem:v7+s16+$0x0] =	vst.idx.msk $0xffff, v4  }
0x307: {  	v7 =	vor.u32 $0x2, v5;
	v4 =	vld [tilespmem:s1+$0xFFFFFFF0]  }
0x308: {  	v62 =	vor.u32 v7, v6  }
0x309: {  	v7 =	vor.u32 v7, v3;
	_ =	sdelay $0x2  }
0x30a: {  	v63 =	vunpack.i.l.bf16.f32 v4  }
0x30b: {  	v4 =	vunpack.i.u.bf16.f32 v4;
	[tilespmem:v62+s16+$0x0] =	vst.idx.msk $0xffff, v63  }
0x30c: {  	[tilespmem:v7+s16+$0x0] =	vst.idx.msk $0xffff, v4  }
0x30d: {  	v5 =	vor.u32 $0x3, v5;
	v4 =	vld [tilespmem:s1+$0x0]  }
0x30e: {  	v6 =	vor.u32 v5, v6  }
0x30f: {  	v3 =	vor.u32 v5, v3;
	_ =	sdelay $0x2  }
0x310: {  	v7 =	vunpack.i.l.bf16.f32 v4  }
0x311: {  	v2 =	vadd.s32 $0x4, v2;
	s3 =	simm.s32 $0x4;
	v4 =	vunpack.i.u.bf16.f32 v4;
	[tilespmem:v6+s16+$0x0] =	vst.idx.msk $0xffff, v7  }
.LBB2_13:
0x312: {  	s3 =	sadd.s32 $0x4, s3;
	v5 =	vand.u32 $0xFFFFFFF8, v2;
	[tilespmem:v3+s16+$0x0] =	vst.idx.msk $0xffff, v4;
	s1 =	sadd.s32 $0x40, s1  }
0x313: {  	v4 =	vand.u32 $0x4, v2;
	p1 =	slt.u32 s3, $0x7C;
	v3 =	vld [tilespmem:s1+$0xFFFFFFD0];
	v6 =	vadd.s32 v0, v5;
	v5 =	vadd.s32 v1, v5  }
0x314: {  	v7 =	vor.u32 v4, v6  }
0x315: {  	v8 =	vor.u32 v4, v5;
	_ =	sdelay $0x2  }
0x316: {  	v9 =	vunpack.i.l.bf16.f32 v3  }
0x317: {  	v3 =	vunpack.i.u.bf16.f32 v3;
	[tilespmem:v7+s16+$0x0] =	vst.idx.msk $0xffff, v9  }
0x318: {  	[tilespmem:v8+s16+$0x0] =	vst.idx.msk $0xffff, v3  }
0x319: {  	v7 =	vor.u32 $0x1, v4;
	v3 =	vld [tilespmem:s1+$0xFFFFFFE0]  }
0x31a: {  	v8 =	vor.u32 v7, v6  }
0x31b: {  	v7 =	vor.u32 v7, v5;
	_ =	sdelay $0x2  }
0x31c: {  	v9 =	vunpack.i.l.bf16.f32 v3  }
0x31d: {  	v3 =	vunpack.i.u.bf16.f32 v3;
	[tilespmem:v8+s16+$0x0] =	vst.idx.msk $0xffff, v9  }
0x31e: {  	[tilespmem:v7+s16+$0x0] =	vst.idx.msk $0xffff, v3  }
0x31f: {  	v7 =	vor.u32 $0x2, v4;
	v3 =	vld [tilespmem:s1+$0xFFFFFFF0]  }
0x320: {  	v8 =	vor.u32 v7, v6  }
0x321: {  	v7 =	vor.u32 v7, v5;
	_ =	sdelay $0x2  }
0x322: {  	v9 =	vunpack.i.l.bf16.f32 v3  }
0x323: {  	v3 =	vunpack.i.u.bf16.f32 v3;
	[tilespmem:v8+s16+$0x0] =	vst.idx.msk $0xffff, v9  }
0x324: {  	[tilespmem:v7+s16+$0x0] =	vst.idx.msk $0xffff, v3  }
0x325: {  	v3 =	vor.u32 $0x3, v4;
	v7 =	vld [tilespmem:s1+$0x0]  }
0x326: {  	v6 =	vor.u32 v3, v6  }
.Ltmp5:
0x327: {  	v3 =	vor.u32 v3, v5;
	(pc) =	sbr.rel @p1 .LBB2_13-.Ltmp5, $3  }
0x328: {  	_ =	sdelay $0x1  }
0x329: {  	v5 =	vunpack.i.l.bf16.f32 v7  }
0x32a: {  	v2 =	vadd.s32 $0x4, v2;
	v4 =	vunpack.i.u.bf16.f32 v7;
	[tilespmem:v6+s16+$0x0] =	vst.idx.msk $0xffff, v5  }
0x32b: {  	_ =	sdelay $0x3  }
0x32c: {  	v5 =	vand.u32 $0xFFFFFFF8, v2;
	[tilespmem:v3+s16+$0x0] =	vst.idx.msk $0xffff, v4;
	s1 =	sadd.s32 $0x40, s1  }
0x32d: {  	v2 =	vand.u32 $0x4, v2;
	v3 =	vld [tilespmem:s1+$0xFFFFFFD0];
	v4 =	vadd.s32 v0, v5  }
0x32e: {  	v5 =	vadd.s32 v1, v5;
	v6 =	vor.u32 v2, v4  }
0x32f: {  	v7 =	vor.u32 v2, v5;
	_ =	sdelay $0x2  }
0x330: {  	v8 =	vunpack.i.l.bf16.f32 v3  }
0x331: {  	v3 =	vunpack.i.u.bf16.f32 v3;
	[tilespmem:v6+s16+$0x0] =	vst.idx.msk $0xffff, v8  }
0x332: {  	[tilespmem:v7+s16+$0x0] =	vst.idx.msk $0xffff, v3  }
0x333: {  	v6 =	vor.u32 $0x1, v2;
	v3 =	vld [tilespmem:s1+$0xFFFFFFE0]  }
0x334: {  	v7 =	vor.u32 v6, v4  }
0x335: {  	v6 =	vor.u32 v6, v5;
	_ =	sdelay $0x2  }
0x336: {  	v57 =	vunpack.i.l.bf16.f32 v3  }
0x337: {  	v3 =	vunpack.i.u.bf16.f32 v3;
	[tilespmem:v7+s16+$0x0] =	vst.idx.msk $0xffff, v57  }
0x338: {  	[tilespmem:v6+s16+$0x0] =	vst.idx.msk $0xffff, v3  }
0x339: {  	v6 =	vor.u32 $0x2, v2;
	v3 =	vld [tilespmem:s1+$0xFFFFFFF0]  }
0x33a: {  	v7 =	vor.u32 v6, v4  }
0x33b: {  	v6 =	vor.u32 v6, v5;
	_ =	sdelay $0x2  }
0x33c: {  	v58 =	vunpack.i.l.bf16.f32 v3  }
0x33d: {  	v3 =	vunpack.i.u.bf16.f32 v3;
	[tilespmem:v7+s16+$0x0] =	vst.idx.msk $0xffff, v58  }
0x33e: {  	[tilespmem:v6+s16+$0x0] =	vst.idx.msk $0xffff, v3  }
0x33f: {  	v2 =	vor.u32 $0x3, v2;
	v3 =	vld [tilespmem:s1+$0x0]  }
0x340: {  	v4 =	vor.u32 v2, v4  }
0x341: {  	v2 =	vor.u32 v2, v5;
	_ =	sdelay $0x2  }
0x342: {  	v5 =	vunpack.i.l.bf16.f32 v3  }
0x343: {  	s3 =	rddreg [dreg:$0x18];
	v3 =	vunpack.i.u.bf16.f32 v3;
	[tilespmem:v4+s16+$0x0] =	vst.idx.msk $0xffff, v5  }
0x344: {  	s1 =	sadd.s32 s25, s3;
	[tilespmem:v2+s16+$0x0] =	vst.idx.msk $0xffff, v3  }
0x345: {  	[hbm4b:s1+s5] =	stream.linear.scatter [tilespmem:s16], [sflag:$0x3], $0x80, $0x38;
	[tilespmem:$0x7600] =	vst v63  }
0x346: {  	s3 =	sadd.s32 $0x10, s1  }
0x347: {  	[hbm4b:s3+s5] =	stream.linear.scatter [tilespmem:s4], [sflag:$0x3], $0x80, $0x38;
	[tilespmem:$0x7600] =	vst v63  }
0x348: {  	s11 =	sadd.s32 $0x20, s1  }
0x349: {  	[hbm4b:s11+s5] =	stream.linear.scatter [tilespmem:s10], [sflag:$0x3], $0x80, $0x38;
	[tilespmem:$0x7600] =	vst v63  }
0x34a: {  	s3 =	sadd.s32 $0x30, s1;
	s11 =	simm.s32 $0x5598  }
0x34b: {  	[hbm4b:s3+s5] =	stream.linear.scatter [tilespmem:s11], [sflag:$0x3], $0x80, $0x38;
	[tilespmem:$0x7600] =	vst v63  }
0x34c: {  	s3 =	sadd.s32 $0x40, s1;
	s11 =	simm.s32 $0x5620  }
0x34d: {  	[hbm4b:s3+s5] =	stream.linear.scatter [tilespmem:s11], [sflag:$0x3], $0x80, $0x38;
	[tilespmem:$0x7600] =	vst v63  }
0x34e: {  	s3 =	sadd.s32 $0x50, s1;
	s11 =	simm.s32 $0x56A8  }
0x34f: {  	[hbm4b:s3+s5] =	stream.linear.scatter [tilespmem:s11], [sflag:$0x3], $0x80, $0x38;
	[tilespmem:$0x7600] =	vst v63  }
0x350: {  	s3 =	sadd.s32 $0x60, s1;
	s11 =	simm.s32 $0x5730  }
0x351: {  	[hbm4b:s3+s5] =	stream.linear.scatter [tilespmem:s11], [sflag:$0x3], $0x80, $0x38;
	[tilespmem:$0x7600] =	vst v63  }
0x352: {  	s1 =	sadd.s32 $0x70, s1;
	s11 =	simm.s32 $0x57B8;
	s3 =	rddreg [dreg:$0x19]  }
0x353: {  	[hbm4b:s1+s5] =	stream.linear.scatter [tilespmem:s11], [sflag:$0x3], $0x80, $0x38;
	[tilespmem:$0x7600] =	vst v63  }
0x354: {  	s1 =	sadd.s32 s25, s3;
	s11 =	simm.s32 $0x5840  }
0x355: {  	[hbm4b:s1+s5] =	stream.linear.scatter [tilespmem:s11], [sflag:$0x3], $0x80, $0x38;
	[tilespmem:$0x7600] =	vst v63  }
0x356: {  	s3 =	sadd.s32 $0x10, s1;
	s11 =	simm.s32 $0x58C8  }
0x357: {  	[hbm4b:s3+s5] =	stream.linear.scatter [tilespmem:s11], [sflag:$0x3], $0x80, $0x38;
	[tilespmem:$0x7600] =	vst v63  }
0x358: {  	s3 =	sadd.s32 $0x20, s1;
	s11 =	simm.s32 $0x5950  }
0x359: {  	[hbm4b:s3+s5] =	stream.linear.scatter [tilespmem:s11], [sflag:$0x3], $0x80, $0x38;
	[tilespmem:$0x7600] =	vst v63  }
0x35a: {  	s3 =	sadd.s32 $0x30, s1;
	s11 =	simm.s32 $0x59D8  }
0x35b: {  	[hbm4b:s3+s5] =	stream.linear.scatter [tilespmem:s11], [sflag:$0x3], $0x80, $0x38;
	[tilespmem:$0x7600] =	vst v63  }
0x35c: {  	s3 =	sadd.s32 $0x40, s1;
	s11 =	simm.s32 $0x5A60  }
0x35d: {  	[hbm4b:s3+s5] =	stream.linear.scatter [tilespmem:s11], [sflag:$0x3], $0x80, $0x38;
	[tilespmem:$0x7600] =	vst v63  }
0x35e: {  	s3 =	sadd.s32 $0x50, s1;
	s11 =	simm.s32 $0x5AE8  }
0x35f: {  	[hbm4b:s3+s5] =	stream.linear.scatter [tilespmem:s11], [sflag:$0x3], $0x80, $0x38;
	[tilespmem:$0x7600] =	vst v63  }
0x360: {  	s3 =	sadd.s32 $0x60, s1;
	s11 =	simm.s32 $0x5B70  }
0x361: {  	[hbm4b:s3+s5] =	stream.linear.scatter [tilespmem:s11], [sflag:$0x3], $0x80, $0x38;
	[tilespmem:$0x7600] =	vst v63  }
0x362: {  	s1 =	sadd.s32 $0x70, s1;
	s11 =	simm.s32 $0x5BF8;
	s3 =	rddreg [dreg:$0x1a]  }
0x363: {  	[hbm4b:s1+s5] =	stream.linear.scatter [tilespmem:s11], [sflag:$0x3], $0x80, $0x38;
	[tilespmem:$0x7600] =	vst v63  }
0x364: {  	s1 =	sadd.s32 s25, s3;
	s11 =	simm.s32 $0x5C80  }
0x365: {  	[hbm4b:s1+s5] =	stream.linear.scatter [tilespmem:s11], [sflag:$0x3], $0x80, $0x38;
	[tilespmem:$0x7600] =	vst v63  }
0x366: {  	s3 =	sadd.s32 $0x10, s1;
	s11 =	simm.s32 $0x5D08  }
0x367: {  	[hbm4b:s3+s5] =	stream.linear.scatter [tilespmem:s11], [sflag:$0x3], $0x80, $0x38;
	[tilespmem:$0x7600] =	vst v63  }
0x368: {  	s3 =	sadd.s32 $0x20, s1;
	s11 =	simm.s32 $0x5D90  }
0x369: {  	[hbm4b:s3+s5] =	stream.linear.scatter [tilespmem:s11], [sflag:$0x3], $0x80, $0x38;
	[tilespmem:$0x7600] =	vst v63  }
0x36a: {  	s3 =	sadd.s32 $0x30, s1;
	s11 =	simm.s32 $0x5E18  }
0x36b: {  	[hbm4b:s3+s5] =	stream.linear.scatter [tilespmem:s11], [sflag:$0x3], $0x80, $0x38;
	[tilespmem:$0x7600] =	vst v63  }
0x36c: {  	s3 =	sadd.s32 $0x40, s1;
	s11 =	simm.s32 $0x5EA0  }
0x36d: {  	[hbm4b:s3+s5] =	stream.linear.scatter [tilespmem:s11], [sflag:$0x3], $0x80, $0x38;
	[tilespmem:$0x7600] =	vst v63  }
0x36e: {  	s3 =	sadd.s32 $0x50, s1;
	s11 =	simm.s32 $0x5F28  }
0x36f: {  	[hbm4b:s3+s5] =	stream.linear.scatter [tilespmem:s11], [sflag:$0x3], $0x80, $0x38;
	[tilespmem:$0x7600] =	vst v63  }
0x370: {  	s3 =	sadd.s32 $0x60, s1;
	s11 =	simm.s32 $0x5FB0  }
0x371: {  	[hbm4b:s3+s5] =	stream.linear.scatter [tilespmem:s11], [sflag:$0x3], $0x80, $0x38;
	[tilespmem:$0x7600] =	vst v63  }
0x372: {  	s1 =	sadd.s32 $0x70, s1;
	s11 =	simm.s32 $0x6038;
	s3 =	rddreg [dreg:$0x1b]  }
0x373: {  	[hbm4b:s1+s5] =	stream.linear.scatter [tilespmem:s11], [sflag:$0x3], $0x80, $0x38;
	[tilespmem:$0x7600] =	vst v63  }
0x374: {  	s1 =	sadd.s32 s25, s3;
	s11 =	simm.s32 $0x60C0  }
0x375: {  	[hbm4b:s1+s5] =	stream.linear.scatter [tilespmem:s11], [sflag:$0x3], $0x80, $0x38;
	[tilespmem:$0x7600] =	vst v63  }
0x376: {  	s3 =	sadd.s32 $0x10, s1;
	s11 =	simm.s32 $0x6148  }
0x377: {  	[hbm4b:s3+s5] =	stream.linear.scatter [tilespmem:s11], [sflag:$0x3], $0x80, $0x38;
	[tilespmem:$0x7600] =	vst v63  }
0x378: {  	s3 =	sadd.s32 $0x20, s1;
	s11 =	simm.s32 $0x61D0  }
0x379: {  	[hbm4b:s3+s5] =	stream.linear.scatter [tilespmem:s11], [sflag:$0x3], $0x80, $0x38;
	[tilespmem:$0x7600] =	vst v63  }
0x37a: {  	s3 =	sadd.s32 $0x30, s1;
	s11 =	simm.s32 $0x6258  }
0x37b: {  	[hbm4b:s3+s5] =	stream.linear.scatter [tilespmem:s11], [sflag:$0x3], $0x80, $0x38;
	[tilespmem:$0x7600] =	vst v63  }
0x37c: {  	s3 =	sadd.s32 $0x40, s1;
	s11 =	simm.s32 $0x62E0  }
0x37d: {  	[hbm4b:s3+s5] =	stream.linear.scatter [tilespmem:s11], [sflag:$0x3], $0x80, $0x38;
	[tilespmem:$0x7600] =	vst v63  }
0x37e: {  	s3 =	sadd.s32 $0x50, s1;
	s11 =	simm.s32 $0x6368  }
0x37f: {  	[hbm4b:s3+s5] =	stream.linear.scatter [tilespmem:s11], [sflag:$0x3], $0x80, $0x38;
	[tilespmem:$0x7600] =	vst v63  }
0x380: {  	s3 =	sadd.s32 $0x60, s1;
	s11 =	simm.s32 $0x63F0  }
0x381: {  	[hbm4b:s3+s5] =	stream.linear.scatter [tilespmem:s11], [sflag:$0x3], $0x80, $0x38;
	[tilespmem:$0x7600] =	vst v63  }
0x382: {  	s1 =	sadd.s32 $0x70, s1;
	s11 =	simm.s32 $0x6478  }
0x383: {  	[hbm4b:s1+s5] =	stream.linear.scatter [tilespmem:s11], [sflag:$0x3], $0x80, $0x38;
	[tilespmem:$0x7600] =	vst v63  }
0x384: {  	_ =	swait.ge [sflag:s15], $0x800  }
0x385: {  	[sflag:s15] =	ssyncset.done $0x0  }
0x386: {  	[sflag:s15] =	ssyncadd.s32 $0xFFFFF800  }
0x387: {  	_ =	swait.ge [sflag:s8], $0x400  }
0x388: {  	[sflag:s8] =	ssyncset.done $0x0  }
0x389: {  	[sflag:s8] =	ssyncadd.s32 $0xFFFFFC00  }
0x38a: {  	_ =	swait.ge [sflag:s8], $0x400  }
0x38b: {  	[sflag:s8] =	ssyncset.done $0x0  }
0x38c: {  	[sflag:s8] =	ssyncadd.s32 $0xFFFFFC00  }
0x38d: {  	_ =	swait.ge [sflag:s8], $0x400  }
0x38e: {  	[sflag:s8] =	ssyncset.done $0x0  }
0x38f: {  	[sflag:s8] =	ssyncadd.s32 $0xFFFFFC00  }
0x390: {  	_ =	swait.ge [sflag:s8], $0x400  }
0x391: {  	v2 =	vimm.s32 $0x0;
	[sflag:s8] =	ssyncset.done $0x0  }
0x392: {  	v3 =	vand.u32 $0xFFFFFFF8, v2;
	s1 =	simm.s32 $0x3C30;
	[sflag:s8] =	ssyncadd.s32 $0xFFFFFC00  }
0x393: {  	v5 =	vand.u32 $0x4, v2;
	v6 =	vadd.s32 v0, v3;
	v4 =	vld [tilespmem:s1+$0xFFFFFFD0]  }
0x394: {  	v3 =	vadd.s32 v1, v3;
	v7 =	vor.u32 v5, v6  }
0x395: {  	v59 =	vor.u32 v5, v3;
	_ =	sdelay $0x2  }
0x396: {  	v9 =	vunpack.i.l.bf16.f32 v4  }
0x397: {  	v4 =	vunpack.i.u.bf16.f32 v4;
	[tilespmem:v7+s23+$0x0] =	vst.idx.msk $0xffff, v9  }
0x398: {  	[tilespmem:v59+s23+$0x0] =	vst.idx.msk $0xffff, v4  }
0x399: {  	v7 =	vor.u32 $0x1, v5;
	v4 =	vld [tilespmem:s1+$0xFFFFFFE0]  }
0x39a: {  	v60 =	vor.u32 v7, v6  }
0x39b: {  	v7 =	vor.u32 v7, v3;
	_ =	sdelay $0x2  }
0x39c: {  	v61 =	vunpack.i.l.bf16.f32 v4  }
0x39d: {  	v4 =	vunpack.i.u.bf16.f32 v4;
	[tilespmem:v60+s23+$0x0] =	vst.idx.msk $0xffff, v61  }
0x39e: {  	[tilespmem:v7+s23+$0x0] =	vst.idx.msk $0xffff, v4  }
0x39f: {  	v7 =	vor.u32 $0x2, v5;
	v4 =	vld [tilespmem:s1+$0xFFFFFFF0]  }
0x3a0: {  	v62 =	vor.u32 v7, v6  }
0x3a1: {  	v7 =	vor.u32 v7, v3;
	_ =	sdelay $0x2  }
0x3a2: {  	v63 =	vunpack.i.l.bf16.f32 v4  }
0x3a3: {  	v4 =	vunpack.i.u.bf16.f32 v4;
	[tilespmem:v62+s23+$0x0] =	vst.idx.msk $0xffff, v63  }
0x3a4: {  	[tilespmem:v7+s23+$0x0] =	vst.idx.msk $0xffff, v4  }
0x3a5: {  	v5 =	vor.u32 $0x3, v5;
	v4 =	vld [tilespmem:s1+$0x0]  }
0x3a6: {  	v6 =	vor.u32 v5, v6  }
0x3a7: {  	v3 =	vor.u32 v5, v3;
	_ =	sdelay $0x2  }
0x3a8: {  	v7 =	vunpack.i.l.bf16.f32 v4  }
0x3a9: {  	v2 =	vadd.s32 $0x4, v2;
	s3 =	simm.s32 $0x4;
	v4 =	vunpack.i.u.bf16.f32 v4;
	[tilespmem:v6+s23+$0x0] =	vst.idx.msk $0xffff, v7  }
.LBB2_15:
0x3aa: {  	s3 =	sadd.s32 $0x4, s3;
	v5 =	vand.u32 $0xFFFFFFF8, v2;
	[tilespmem:v3+s23+$0x0] =	vst.idx.msk $0xffff, v4;
	s1 =	sadd.s32 $0x40, s1  }
0x3ab: {  	v4 =	vand.u32 $0x4, v2;
	p1 =	slt.u32 s3, $0x7C;
	v3 =	vld [tilespmem:s1+$0xFFFFFFD0];
	v6 =	vadd.s32 v0, v5;
	v5 =	vadd.s32 v1, v5  }
0x3ac: {  	v7 =	vor.u32 v4, v6  }
0x3ad: {  	v8 =	vor.u32 v4, v5;
	_ =	sdelay $0x2  }
0x3ae: {  	v9 =	vunpack.i.l.bf16.f32 v3  }
0x3af: {  	v3 =	vunpack.i.u.bf16.f32 v3;
	[tilespmem:v7+s23+$0x0] =	vst.idx.msk $0xffff, v9  }
0x3b0: {  	[tilespmem:v8+s23+$0x0] =	vst.idx.msk $0xffff, v3  }
0x3b1: {  	v7 =	vor.u32 $0x1, v4;
	v3 =	vld [tilespmem:s1+$0xFFFFFFE0]  }
0x3b2: {  	v8 =	vor.u32 v7, v6  }
0x3b3: {  	v7 =	vor.u32 v7, v5;
	_ =	sdelay $0x2  }
0x3b4: {  	v9 =	vunpack.i.l.bf16.f32 v3  }
0x3b5: {  	v3 =	vunpack.i.u.bf16.f32 v3;
	[tilespmem:v8+s23+$0x0] =	vst.idx.msk $0xffff, v9  }
0x3b6: {  	[tilespmem:v7+s23+$0x0] =	vst.idx.msk $0xffff, v3  }
0x3b7: {  	v7 =	vor.u32 $0x2, v4;
	v3 =	vld [tilespmem:s1+$0xFFFFFFF0]  }
0x3b8: {  	v8 =	vor.u32 v7, v6  }
0x3b9: {  	v7 =	vor.u32 v7, v5;
	_ =	sdelay $0x2  }
0x3ba: {  	v9 =	vunpack.i.l.bf16.f32 v3  }
0x3bb: {  	v3 =	vunpack.i.u.bf16.f32 v3;
	[tilespmem:v8+s23+$0x0] =	vst.idx.msk $0xffff, v9  }
0x3bc: {  	[tilespmem:v7+s23+$0x0] =	vst.idx.msk $0xffff, v3  }
0x3bd: {  	v3 =	vor.u32 $0x3, v4;
	v7 =	vld [tilespmem:s1+$0x0]  }
0x3be: {  	v6 =	vor.u32 v3, v6  }
.Ltmp6:
0x3bf: {  	v3 =	vor.u32 v3, v5;
	(pc) =	sbr.rel @p1 .LBB2_15-.Ltmp6, $3  }
0x3c0: {  	_ =	sdelay $0x1  }
0x3c1: {  	v5 =	vunpack.i.l.bf16.f32 v7  }
0x3c2: {  	v2 =	vadd.s32 $0x4, v2;
	v4 =	vunpack.i.u.bf16.f32 v7;
	[tilespmem:v6+s23+$0x0] =	vst.idx.msk $0xffff, v5  }
0x3c3: {  	_ =	sdelay $0x3  }
0x3c4: {  	v5 =	vand.u32 $0xFFFFFFF8, v2;
	[tilespmem:v3+s23+$0x0] =	vst.idx.msk $0xffff, v4;
	s1 =	sadd.s32 $0x40, s1  }
0x3c5: {  	v2 =	vand.u32 $0x4, v2;
	v3 =	vld [tilespmem:s1+$0xFFFFFFD0];
	v4 =	vadd.s32 v0, v5  }
0x3c6: {  	v5 =	vadd.s32 v1, v5;
	v6 =	vor.u32 v2, v4  }
0x3c7: {  	v7 =	vor.u32 v2, v5;
	_ =	sdelay $0x2  }
0x3c8: {  	v8 =	vunpack.i.l.bf16.f32 v3  }
0x3c9: {  	v3 =	vunpack.i.u.bf16.f32 v3;
	[tilespmem:v6+s23+$0x0] =	vst.idx.msk $0xffff, v8  }
0x3ca: {  	[tilespmem:v7+s23+$0x0] =	vst.idx.msk $0xffff, v3  }
0x3cb: {  	v6 =	vor.u32 $0x1, v2;
	v3 =	vld [tilespmem:s1+$0xFFFFFFE0]  }
0x3cc: {  	v7 =	vor.u32 v6, v4  }
0x3cd: {  	v6 =	vor.u32 v6, v5;
	_ =	sdelay $0x2  }
0x3ce: {  	v57 =	vunpack.i.l.bf16.f32 v3  }
0x3cf: {  	v3 =	vunpack.i.u.bf16.f32 v3;
	[tilespmem:v7+s23+$0x0] =	vst.idx.msk $0xffff, v57  }
0x3d0: {  	[tilespmem:v6+s23+$0x0] =	vst.idx.msk $0xffff, v3  }
0x3d1: {  	v6 =	vor.u32 $0x2, v2;
	v3 =	vld [tilespmem:s1+$0xFFFFFFF0]  }
0x3d2: {  	v7 =	vor.u32 v6, v4  }
0x3d3: {  	v6 =	vor.u32 v6, v5;
	_ =	sdelay $0x2  }
0x3d4: {  	v58 =	vunpack.i.l.bf16.f32 v3  }
0x3d5: {  	v3 =	vunpack.i.u.bf16.f32 v3;
	[tilespmem:v7+s23+$0x0] =	vst.idx.msk $0xffff, v58  }
0x3d6: {  	[tilespmem:v6+s23+$0x0] =	vst.idx.msk $0xffff, v3  }
0x3d7: {  	v2 =	vor.u32 $0x3, v2;
	v3 =	vld [tilespmem:s1+$0x0]  }
0x3d8: {  	v4 =	vor.u32 v2, v4  }
0x3d9: {  	v2 =	vor.u32 v2, v5;
	_ =	sdelay $0x2  }
0x3da: {  	v5 =	vunpack.i.l.bf16.f32 v3  }
0x3db: {  	s3 =	rddreg [dreg:$0x1c];
	v3 =	vunpack.i.u.bf16.f32 v3;
	[tilespmem:v4+s23+$0x0] =	vst.idx.msk $0xffff, v5  }
0x3dc: {  	s1 =	sadd.s32 s25, s3;
	[tilespmem:v2+s23+$0x0] =	vst.idx.msk $0xffff, v3  }
0x3dd: {  	[hbm4b:s1+s5] =	stream.linear.scatter [tilespmem:s23], [sflag:$0x4], $0x80, $0x38;
	[tilespmem:$0x7600] =	vst v63  }
0x3de: {  	s11 =	simm.s32 $0x6588;
	s3 =	sadd.s32 $0x10, s1  }
0x3df: {  	[hbm4b:s3+s5] =	stream.linear.scatter [tilespmem:s11], [sflag:$0x4], $0x80, $0x38;
	[tilespmem:$0x7600] =	vst v63  }
0x3e0: {  	s3 =	sadd.s32 $0x20, s1;
	s11 =	simm.s32 $0x6610  }
0x3e1: {  	[hbm4b:s3+s5] =	stream.linear.scatter [tilespmem:s11], [sflag:$0x4], $0x80, $0x38;
	[tilespmem:$0x7600] =	vst v63  }
0x3e2: {  	s3 =	sadd.s32 $0x30, s1;
	s11 =	simm.s32 $0x6698  }
0x3e3: {  	[hbm4b:s3+s5] =	stream.linear.scatter [tilespmem:s11], [sflag:$0x4], $0x80, $0x38;
	[tilespmem:$0x7600] =	vst v63  }
0x3e4: {  	s3 =	sadd.s32 $0x40, s1;
	s11 =	simm.s32 $0x6720  }
0x3e5: {  	[hbm4b:s3+s5] =	stream.linear.scatter [tilespmem:s11], [sflag:$0x4], $0x80, $0x38;
	[tilespmem:$0x7600] =	vst v63  }
0x3e6: {  	s3 =	sadd.s32 $0x50, s1;
	s11 =	simm.s32 $0x67A8  }
0x3e7: {  	[hbm4b:s3+s5] =	stream.linear.scatter [tilespmem:s11], [sflag:$0x4], $0x80, $0x38;
	[tilespmem:$0x7600] =	vst v63  }
0x3e8: {  	s3 =	sadd.s32 $0x60, s1;
	s11 =	simm.s32 $0x6830  }
0x3e9: {  	[hbm4b:s3+s5] =	stream.linear.scatter [tilespmem:s11], [sflag:$0x4], $0x80, $0x38;
	[tilespmem:$0x7600] =	vst v63  }
0x3ea: {  	s1 =	sadd.s32 $0x70, s1;
	s11 =	simm.s32 $0x68B8;
	s3 =	rddreg [dreg:$0x1d]  }
0x3eb: {  	[hbm4b:s1+s5] =	stream.linear.scatter [tilespmem:s11], [sflag:$0x4], $0x80, $0x38;
	[tilespmem:$0x7600] =	vst v63  }
0x3ec: {  	s1 =	sadd.s32 s25, s3;
	s11 =	simm.s32 $0x6940  }
0x3ed: {  	[hbm4b:s1+s5] =	stream.linear.scatter [tilespmem:s11], [sflag:$0x4], $0x80, $0x38;
	[tilespmem:$0x7600] =	vst v63  }
0x3ee: {  	s3 =	sadd.s32 $0x10, s1;
	s11 =	simm.s32 $0x69C8  }
0x3ef: {  	[hbm4b:s3+s5] =	stream.linear.scatter [tilespmem:s11], [sflag:$0x4], $0x80, $0x38;
	[tilespmem:$0x7600] =	vst v63  }
0x3f0: {  	s3 =	sadd.s32 $0x20, s1;
	s11 =	simm.s32 $0x6A50  }
0x3f1: {  	[hbm4b:s3+s5] =	stream.linear.scatter [tilespmem:s11], [sflag:$0x4], $0x80, $0x38;
	[tilespmem:$0x7600] =	vst v63  }
0x3f2: {  	s3 =	sadd.s32 $0x30, s1;
	s11 =	simm.s32 $0x6AD8  }
0x3f3: {  	[hbm4b:s3+s5] =	stream.linear.scatter [tilespmem:s11], [sflag:$0x4], $0x80, $0x38;
	[tilespmem:$0x7600] =	vst v63  }
0x3f4: {  	s3 =	sadd.s32 $0x40, s1;
	s11 =	simm.s32 $0x6B60  }
0x3f5: {  	[hbm4b:s3+s5] =	stream.linear.scatter [tilespmem:s11], [sflag:$0x4], $0x80, $0x38;
	[tilespmem:$0x7600] =	vst v63  }
0x3f6: {  	s3 =	sadd.s32 $0x50, s1;
	s11 =	simm.s32 $0x6BE8  }
0x3f7: {  	[hbm4b:s3+s5] =	stream.linear.scatter [tilespmem:s11], [sflag:$0x4], $0x80, $0x38;
	[tilespmem:$0x7600] =	vst v63  }
0x3f8: {  	s3 =	sadd.s32 $0x60, s1;
	s11 =	simm.s32 $0x6C70  }
0x3f9: {  	[hbm4b:s3+s5] =	stream.linear.scatter [tilespmem:s11], [sflag:$0x4], $0x80, $0x38;
	[tilespmem:$0x7600] =	vst v63  }
0x3fa: {  	s1 =	sadd.s32 $0x70, s1;
	s11 =	simm.s32 $0x6CF8;
	s3 =	rddreg [dreg:$0x1e]  }
0x3fb: {  	[hbm4b:s1+s5] =	stream.linear.scatter [tilespmem:s11], [sflag:$0x4], $0x80, $0x38;
	[tilespmem:$0x7600] =	vst v63  }
0x3fc: {  	s1 =	sadd.s32 s25, s3;
	s11 =	simm.s32 $0x6D80  }
0x3fd: {  	[hbm4b:s1+s5] =	stream.linear.scatter [tilespmem:s11], [sflag:$0x4], $0x80, $0x38;
	[tilespmem:$0x7600] =	vst v63  }
0x3fe: {  	s11 =	sadd.s32 $0x10, s1  }
0x3ff: {  	[hbm4b:s11+s5] =	stream.linear.scatter [tilespmem:s12], [sflag:$0x4], $0x80, $0x38;
	[tilespmem:$0x7600] =	vst v63  }
0x400: {  	s11 =	sadd.s32 $0x20, s1  }
0x401: {  	[hbm4b:s11+s5] =	stream.linear.scatter [tilespmem:s6], [sflag:$0x4], $0x80, $0x38;
	[tilespmem:$0x7600] =	vst v63  }
0x402: {  	s11 =	sadd.s32 $0x30, s1  }
0x403: {  	[hbm4b:s11+s5] =	stream.linear.scatter [tilespmem:s17], [sflag:$0x4], $0x80, $0x38;
	[tilespmem:$0x7600] =	vst v63  }
0x404: {  	s11 =	sadd.s32 $0x40, s1  }
0x405: {  	[hbm4b:s11+s5] =	stream.linear.scatter [tilespmem:s18], [sflag:$0x4], $0x80, $0x38;
	[tilespmem:$0x7600] =	vst v63  }
0x406: {  	s11 =	sadd.s32 $0x50, s1  }
0x407: {  	[hbm4b:s11+s5] =	stream.linear.scatter [tilespmem:s19], [sflag:$0x4], $0x80, $0x38;
	[tilespmem:$0x7600] =	vst v63  }
0x408: {  	s11 =	sadd.s32 $0x60, s1  }
0x409: {  	[hbm4b:s11+s5] =	stream.linear.scatter [tilespmem:s20], [sflag:$0x4], $0x80, $0x38;
	[tilespmem:$0x7600] =	vst v63  }
0x40a: {  	s3 =	rddreg [dreg:$0x1f];
	s1 =	sadd.s32 $0x70, s1  }
0x40b: {  	[hbm4b:s1+s5] =	stream.linear.scatter [tilespmem:s21], [sflag:$0x4], $0x80, $0x38;
	[tilespmem:$0x7600] =	vst v63  }
0x40c: {  	s1 =	sadd.s32 s25, s3  }
0x40d: {  	[hbm4b:s1+s5] =	stream.linear.scatter [tilespmem:s22], [sflag:$0x4], $0x80, $0x38;
	[tilespmem:$0x7600] =	vst v63  }
0x40e: {  	s11 =	sadd.s32 $0x10, s1  }
0x40f: {  	[hbm4b:s11+s5] =	stream.linear.scatter [tilespmem:s24], [sflag:$0x4], $0x80, $0x38;
	[tilespmem:$0x7600] =	vst v63  }
0x410: {  	s11 =	sadd.s32 $0x20, s1  }
0x411: {  	[hbm4b:s11+s5] =	stream.linear.scatter [tilespmem:s26], [sflag:$0x4], $0x80, $0x38;
	[tilespmem:$0x7600] =	vst v63  }
0x412: {  	s11 =	sadd.s32 $0x30, s1  }
0x413: {  	[hbm4b:s11+s5] =	stream.linear.scatter [tilespmem:s28], [sflag:$0x4], $0x80, $0x38;
	[tilespmem:$0x7600] =	vst v63  }
0x414: {  	s11 =	sadd.s32 $0x40, s1  }
0x415: {  	[hbm4b:s11+s5] =	stream.linear.scatter [tilespmem:s29], [sflag:$0x4], $0x80, $0x38;
	[tilespmem:$0x7600] =	vst v63  }
0x416: {  	s11 =	sadd.s32 $0x50, s1  }
0x417: {  	[hbm4b:s11+s5] =	stream.linear.scatter [tilespmem:s30], [sflag:$0x4], $0x80, $0x38;
	[tilespmem:$0x7600] =	vst v63  }
0x418: {  	s11 =	sadd.s32 $0x60, s1  }
0x419: {  	[hbm4b:s11+s5] =	stream.linear.scatter [tilespmem:s31], [sflag:$0x4], $0x80, $0x38;
	[tilespmem:$0x7600] =	vst v63  }
0x41a: {  	s1 =	sadd.s32 $0x70, s1  }
0x41b: {  	[hbm4b:s1+s5] =	stream.linear.scatter [tilespmem:s0], [sflag:$0x4], $0x80, $0x38;
	[tilespmem:$0x7600] =	vst v63  }
0x41c: {  	_ =	swait.ge [sflag:s15], $0x800  }
0x41d: {  	[sflag:s15] =	ssyncset.done $0x0  }
0x41e: {  	[sflag:s15] =	ssyncadd.s32 $0xFFFFF800  }
0x41f: {  	_ =	swait.ge [sflag:s2], $0x400  }
0x420: {  	[sflag:s2] =	ssyncset.done $0x0  }
0x421: {  	[sflag:s2] =	ssyncadd.s32 $0xFFFFFC00  }
0x422: {  	_ =	swait.ge [sflag:s2], $0x400  }
0x423: {  	[sflag:s2] =	ssyncset.done $0x0  }
0x424: {  	[sflag:s2] =	ssyncadd.s32 $0xFFFFFC00  }
0x425: {  	_ =	swait.ge [sflag:s2], $0x400  }
0x426: {  	[sflag:s2] =	ssyncset.done $0x0  }
0x427: {  	[sflag:s2] =	ssyncadd.s32 $0xFFFFFC00  }
0x428: {  	_ =	swait.ge [sflag:s2], $0x400  }
0x429: {  	v2 =	vimm.s32 $0x0;
	[sflag:s2] =	ssyncset.done $0x0  }
0x42a: {  	v3 =	vand.u32 $0xFFFFFFF8, v2;
	s1 =	simm.s32 $0x4430;
	[sflag:s2] =	ssyncadd.s32 $0xFFFFFC00  }
0x42b: {  	v5 =	vand.u32 $0x4, v2;
	v6 =	vadd.s32 v0, v3;
	v4 =	vld [tilespmem:s1+$0xFFFFFFD0]  }
0x42c: {  	v3 =	vadd.s32 v1, v3;
	v7 =	vor.u32 v5, v6  }
0x42d: {  	v59 =	vor.u32 v5, v3;
	_ =	sdelay $0x2  }
0x42e: {  	v9 =	vunpack.i.l.bf16.f32 v4  }
0x42f: {  	v4 =	vunpack.i.u.bf16.f32 v4;
	[tilespmem:v7+s16+$0x0] =	vst.idx.msk $0xffff, v9  }
0x430: {  	[tilespmem:v59+s16+$0x0] =	vst.idx.msk $0xffff, v4  }
0x431: {  	v7 =	vor.u32 $0x1, v5;
	v4 =	vld [tilespmem:s1+$0xFFFFFFE0]  }
0x432: {  	v60 =	vor.u32 v7, v6  }
0x433: {  	v7 =	vor.u32 v7, v3;
	_ =	sdelay $0x2  }
0x434: {  	v61 =	vunpack.i.l.bf16.f32 v4  }
0x435: {  	v4 =	vunpack.i.u.bf16.f32 v4;
	[tilespmem:v60+s16+$0x0] =	vst.idx.msk $0xffff, v61  }
0x436: {  	[tilespmem:v7+s16+$0x0] =	vst.idx.msk $0xffff, v4  }
0x437: {  	v7 =	vor.u32 $0x2, v5;
	v4 =	vld [tilespmem:s1+$0xFFFFFFF0]  }
0x438: {  	v62 =	vor.u32 v7, v6  }
0x439: {  	v7 =	vor.u32 v7, v3;
	_ =	sdelay $0x2  }
0x43a: {  	v63 =	vunpack.i.l.bf16.f32 v4  }
0x43b: {  	v4 =	vunpack.i.u.bf16.f32 v4;
	[tilespmem:v62+s16+$0x0] =	vst.idx.msk $0xffff, v63  }
0x43c: {  	[tilespmem:v7+s16+$0x0] =	vst.idx.msk $0xffff, v4  }
0x43d: {  	v5 =	vor.u32 $0x3, v5;
	v4 =	vld [tilespmem:s1+$0x0]  }
0x43e: {  	v6 =	vor.u32 v5, v6  }
0x43f: {  	v3 =	vor.u32 v5, v3;
	_ =	sdelay $0x2  }
0x440: {  	v7 =	vunpack.i.l.bf16.f32 v4  }
0x441: {  	v2 =	vadd.s32 $0x4, v2;
	s3 =	simm.s32 $0x4;
	v4 =	vunpack.i.u.bf16.f32 v4;
	[tilespmem:v6+s16+$0x0] =	vst.idx.msk $0xffff, v7  }
.LBB2_17:
0x442: {  	s3 =	sadd.s32 $0x4, s3;
	v5 =	vand.u32 $0xFFFFFFF8, v2;
	[tilespmem:v3+s16+$0x0] =	vst.idx.msk $0xffff, v4;
	s1 =	sadd.s32 $0x40, s1  }
0x443: {  	v4 =	vand.u32 $0x4, v2;
	p1 =	slt.u32 s3, $0x7C;
	v3 =	vld [tilespmem:s1+$0xFFFFFFD0];
	v6 =	vadd.s32 v0, v5;
	v5 =	vadd.s32 v1, v5  }
0x444: {  	v7 =	vor.u32 v4, v6  }
0x445: {  	v8 =	vor.u32 v4, v5;
	_ =	sdelay $0x2  }
0x446: {  	v9 =	vunpack.i.l.bf16.f32 v3  }
0x447: {  	v3 =	vunpack.i.u.bf16.f32 v3;
	[tilespmem:v7+s16+$0x0] =	vst.idx.msk $0xffff, v9  }
0x448: {  	[tilespmem:v8+s16+$0x0] =	vst.idx.msk $0xffff, v3  }
0x449: {  	v7 =	vor.u32 $0x1, v4;
	v3 =	vld [tilespmem:s1+$0xFFFFFFE0]  }
0x44a: {  	v8 =	vor.u32 v7, v6  }
0x44b: {  	v7 =	vor.u32 v7, v5;
	_ =	sdelay $0x2  }
0x44c: {  	v9 =	vunpack.i.l.bf16.f32 v3  }
0x44d: {  	v3 =	vunpack.i.u.bf16.f32 v3;
	[tilespmem:v8+s16+$0x0] =	vst.idx.msk $0xffff, v9  }
0x44e: {  	[tilespmem:v7+s16+$0x0] =	vst.idx.msk $0xffff, v3  }
0x44f: {  	v7 =	vor.u32 $0x2, v4;
	v3 =	vld [tilespmem:s1+$0xFFFFFFF0]  }
0x450: {  	v8 =	vor.u32 v7, v6  }
0x451: {  	v7 =	vor.u32 v7, v5;
	_ =	sdelay $0x2  }
0x452: {  	v9 =	vunpack.i.l.bf16.f32 v3  }
0x453: {  	v3 =	vunpack.i.u.bf16.f32 v3;
	[tilespmem:v8+s16+$0x0] =	vst.idx.msk $0xffff, v9  }
0x454: {  	[tilespmem:v7+s16+$0x0] =	vst.idx.msk $0xffff, v3  }
0x455: {  	v3 =	vor.u32 $0x3, v4;
	v7 =	vld [tilespmem:s1+$0x0]  }
0x456: {  	v6 =	vor.u32 v3, v6  }
.Ltmp7:
0x457: {  	v3 =	vor.u32 v3, v5;
	(pc) =	sbr.rel @p1 .LBB2_17-.Ltmp7, $3  }
0x458: {  	_ =	sdelay $0x1  }
0x459: {  	v5 =	vunpack.i.l.bf16.f32 v7  }
0x45a: {  	v2 =	vadd.s32 $0x4, v2;
	v4 =	vunpack.i.u.bf16.f32 v7;
	[tilespmem:v6+s16+$0x0] =	vst.idx.msk $0xffff, v5  }
0x45b: {  	_ =	sdelay $0x3  }
0x45c: {  	v5 =	vand.u32 $0xFFFFFFF8, v2;
	[tilespmem:v3+s16+$0x0] =	vst.idx.msk $0xffff, v4;
	s1 =	sadd.s32 $0x40, s1  }
0x45d: {  	v2 =	vand.u32 $0x4, v2;
	v3 =	vld [tilespmem:s1+$0xFFFFFFD0];
	v4 =	vadd.s32 v0, v5  }
0x45e: {  	v5 =	vadd.s32 v1, v5;
	v6 =	vor.u32 v2, v4  }
0x45f: {  	v7 =	vor.u32 v2, v5;
	_ =	sdelay $0x2  }
0x460: {  	v8 =	vunpack.i.l.bf16.f32 v3  }
0x461: {  	v3 =	vunpack.i.u.bf16.f32 v3;
	[tilespmem:v6+s16+$0x0] =	vst.idx.msk $0xffff, v8  }
0x462: {  	[tilespmem:v7+s16+$0x0] =	vst.idx.msk $0xffff, v3  }
0x463: {  	v6 =	vor.u32 $0x1, v2;
	v3 =	vld [tilespmem:s1+$0xFFFFFFE0]  }
0x464: {  	v7 =	vor.u32 v6, v4  }
0x465: {  	v6 =	vor.u32 v6, v5;
	_ =	sdelay $0x2  }
0x466: {  	v57 =	vunpack.i.l.bf16.f32 v3  }
0x467: {  	v3 =	vunpack.i.u.bf16.f32 v3;
	[tilespmem:v7+s16+$0x0] =	vst.idx.msk $0xffff, v57  }
0x468: {  	[tilespmem:v6+s16+$0x0] =	vst.idx.msk $0xffff, v3  }
0x469: {  	v6 =	vor.u32 $0x2, v2;
	v3 =	vld [tilespmem:s1+$0xFFFFFFF0]  }
0x46a: {  	v7 =	vor.u32 v6, v4  }
0x46b: {  	v6 =	vor.u32 v6, v5;
	_ =	sdelay $0x2  }
0x46c: {  	v58 =	vunpack.i.l.bf16.f32 v3  }
0x46d: {  	v3 =	vunpack.i.u.bf16.f32 v3;
	[tilespmem:v7+s16+$0x0] =	vst.idx.msk $0xffff, v58  }
0x46e: {  	[tilespmem:v6+s16+$0x0] =	vst.idx.msk $0xffff, v3  }
0x46f: {  	v2 =	vor.u32 $0x3, v2;
	v3 =	vld [tilespmem:s1+$0x0]  }
0x470: {  	v4 =	vor.u32 v2, v4  }
0x471: {  	v2 =	vor.u32 v2, v5;
	_ =	sdelay $0x1  }
0x472: {  	s3 =	sld [smem:$0x7F6]  }
0x473: {  	v5 =	vunpack.i.l.bf16.f32 v3  }
0x474: {  	v3 =	vunpack.i.u.bf16.f32 v3;
	[tilespmem:v4+s16+$0x0] =	vst.idx.msk $0xffff, v5  }
0x475: {  	s1 =	sadd.s32 s25, s3;
	[tilespmem:v2+s16+$0x0] =	vst.idx.msk $0xffff, v3  }
0x476: {  	[hbm4b:s1+s5] =	stream.linear.scatter [tilespmem:s16], [sflag:$0x3], $0x80, $0x38;
	[tilespmem:$0x7600] =	vst v63  }
0x477: {  	s3 =	sadd.s32 $0x10, s1  }
0x478: {  	[hbm4b:s3+s5] =	stream.linear.scatter [tilespmem:s4], [sflag:$0x3], $0x80, $0x38;
	[tilespmem:$0x7600] =	vst v63  }
0x479: {  	s4 =	sadd.s32 $0x20, s1  }
0x47a: {  	[hbm4b:s4+s5] =	stream.linear.scatter [tilespmem:s10], [sflag:$0x3], $0x80, $0x38;
	[tilespmem:$0x7600] =	vst v63  }
0x47b: {  	s11 =	simm.s32 $0x5598;
	s10 =	sadd.s32 $0x30, s1  }
0x47c: {  	[hbm4b:s10+s5] =	stream.linear.scatter [tilespmem:s11], [sflag:$0x3], $0x80, $0x38;
	[tilespmem:$0x7600] =	vst v63  }
0x47d: {  	s10 =	sadd.s32 $0x40, s1;
	s11 =	simm.s32 $0x5620  }
0x47e: {  	[hbm4b:s10+s5] =	stream.linear.scatter [tilespmem:s11], [sflag:$0x3], $0x80, $0x38;
	[tilespmem:$0x7600] =	vst v63  }
0x47f: {  	s10 =	sadd.s32 $0x50, s1;
	s11 =	simm.s32 $0x56A8  }
0x480: {  	[hbm4b:s10+s5] =	stream.linear.scatter [tilespmem:s11], [sflag:$0x3], $0x80, $0x38;
	[tilespmem:$0x7600] =	vst v63  }
0x481: {  	s3 =	sld [smem:$0x7F7];
	s4 =	sadd.s32 $0x60, s1;
	s10 =	simm.s32 $0x5730  }
0x482: {  	[hbm4b:s4+s5] =	stream.linear.scatter [tilespmem:s10], [sflag:$0x3], $0x80, $0x38;
	[tilespmem:$0x7600] =	vst v63  }
0x483: {  	s1 =	sadd.s32 $0x70, s1;
	s11 =	simm.s32 $0x57B8  }
0x484: {  	[hbm4b:s1+s5] =	stream.linear.scatter [tilespmem:s11], [sflag:$0x3], $0x80, $0x38;
	[tilespmem:$0x7600] =	vst v63  }
0x485: {  	s4 =	simm.s32 $0x5840;
	s1 =	sadd.s32 s25, s3  }
0x486: {  	[hbm4b:s1+s5] =	stream.linear.scatter [tilespmem:s4], [sflag:$0x3], $0x80, $0x38;
	[tilespmem:$0x7600] =	vst v63  }
0x487: {  	s11 =	simm.s32 $0x58C8;
	s10 =	sadd.s32 $0x10, s1  }
0x488: {  	[hbm4b:s10+s5] =	stream.linear.scatter [tilespmem:s11], [sflag:$0x3], $0x80, $0x38;
	[tilespmem:$0x7600] =	vst v63  }
0x489: {  	s10 =	sadd.s32 $0x20, s1;
	s11 =	simm.s32 $0x5950  }
0x48a: {  	[hbm4b:s10+s5] =	stream.linear.scatter [tilespmem:s11], [sflag:$0x3], $0x80, $0x38;
	[tilespmem:$0x7600] =	vst v63  }
0x48b: {  	s10 =	sadd.s32 $0x30, s1;
	s11 =	simm.s32 $0x59D8  }
0x48c: {  	[hbm4b:s10+s5] =	stream.linear.scatter [tilespmem:s11], [sflag:$0x3], $0x80, $0x38;
	[tilespmem:$0x7600] =	vst v63  }
0x48d: {  	s10 =	sadd.s32 $0x40, s1;
	s11 =	simm.s32 $0x5A60  }
0x48e: {  	[hbm4b:s10+s5] =	stream.linear.scatter [tilespmem:s11], [sflag:$0x3], $0x80, $0x38;
	[tilespmem:$0x7600] =	vst v63  }
0x48f: {  	s10 =	sadd.s32 $0x50, s1;
	s11 =	simm.s32 $0x5AE8  }
0x490: {  	[hbm4b:s10+s5] =	stream.linear.scatter [tilespmem:s11], [sflag:$0x3], $0x80, $0x38;
	[tilespmem:$0x7600] =	vst v63  }
0x491: {  	s3 =	sld [smem:$0x7F8];
	s4 =	sadd.s32 $0x60, s1;
	s10 =	simm.s32 $0x5B70  }
0x492: {  	[hbm4b:s4+s5] =	stream.linear.scatter [tilespmem:s10], [sflag:$0x3], $0x80, $0x38;
	[tilespmem:$0x7600] =	vst v63  }
0x493: {  	s1 =	sadd.s32 $0x70, s1;
	s11 =	simm.s32 $0x5BF8  }
0x494: {  	[hbm4b:s1+s5] =	stream.linear.scatter [tilespmem:s11], [sflag:$0x3], $0x80, $0x38;
	[tilespmem:$0x7600] =	vst v63  }
0x495: {  	s4 =	simm.s32 $0x5C80;
	s1 =	sadd.s32 s25, s3  }
0x496: {  	[hbm4b:s1+s5] =	stream.linear.scatter [tilespmem:s4], [sflag:$0x3], $0x80, $0x38;
	[tilespmem:$0x7600] =	vst v63  }
0x497: {  	s11 =	simm.s32 $0x5D08;
	s10 =	sadd.s32 $0x10, s1  }
0x498: {  	[hbm4b:s10+s5] =	stream.linear.scatter [tilespmem:s11], [sflag:$0x3], $0x80, $0x38;
	[tilespmem:$0x7600] =	vst v63  }
0x499: {  	s10 =	sadd.s32 $0x20, s1;
	s11 =	simm.s32 $0x5D90  }
0x49a: {  	[hbm4b:s10+s5] =	stream.linear.scatter [tilespmem:s11], [sflag:$0x3], $0x80, $0x38;
	[tilespmem:$0x7600] =	vst v63  }
0x49b: {  	s10 =	sadd.s32 $0x30, s1;
	s11 =	simm.s32 $0x5E18  }
0x49c: {  	[hbm4b:s10+s5] =	stream.linear.scatter [tilespmem:s11], [sflag:$0x3], $0x80, $0x38;
	[tilespmem:$0x7600] =	vst v63  }
0x49d: {  	s10 =	sadd.s32 $0x40, s1;
	s11 =	simm.s32 $0x5EA0  }
0x49e: {  	[hbm4b:s10+s5] =	stream.linear.scatter [tilespmem:s11], [sflag:$0x3], $0x80, $0x38;
	[tilespmem:$0x7600] =	vst v63  }
0x49f: {  	s10 =	sadd.s32 $0x50, s1;
	s11 =	simm.s32 $0x5F28  }
0x4a0: {  	[hbm4b:s10+s5] =	stream.linear.scatter [tilespmem:s11], [sflag:$0x3], $0x80, $0x38;
	[tilespmem:$0x7600] =	vst v63  }
0x4a1: {  	s3 =	sld [smem:$0x7F9];
	s4 =	sadd.s32 $0x60, s1;
	s10 =	simm.s32 $0x5FB0  }
0x4a2: {  	[hbm4b:s4+s5] =	stream.linear.scatter [tilespmem:s10], [sflag:$0x3], $0x80, $0x38;
	[tilespmem:$0x7600] =	vst v63  }
0x4a3: {  	s1 =	sadd.s32 $0x70, s1;
	s11 =	simm.s32 $0x6038  }
0x4a4: {  	[hbm4b:s1+s5] =	stream.linear.scatter [tilespmem:s11], [sflag:$0x3], $0x80, $0x38;
	[tilespmem:$0x7600] =	vst v63  }
0x4a5: {  	s4 =	simm.s32 $0x60C0;
	s1 =	sadd.s32 s25, s3  }
0x4a6: {  	[hbm4b:s1+s5] =	stream.linear.scatter [tilespmem:s4], [sflag:$0x3], $0x80, $0x38;
	[tilespmem:$0x7600] =	vst v63  }
0x4a7: {  	s11 =	simm.s32 $0x6148;
	s10 =	sadd.s32 $0x10, s1  }
0x4a8: {  	[hbm4b:s10+s5] =	stream.linear.scatter [tilespmem:s11], [sflag:$0x3], $0x80, $0x38;
	[tilespmem:$0x7600] =	vst v63  }
0x4a9: {  	s10 =	sadd.s32 $0x20, s1;
	s11 =	simm.s32 $0x61D0  }
0x4aa: {  	[hbm4b:s10+s5] =	stream.linear.scatter [tilespmem:s11], [sflag:$0x3], $0x80, $0x38;
	[tilespmem:$0x7600] =	vst v63  }
0x4ab: {  	s10 =	sadd.s32 $0x30, s1;
	s11 =	simm.s32 $0x6258  }
0x4ac: {  	[hbm4b:s10+s5] =	stream.linear.scatter [tilespmem:s11], [sflag:$0x3], $0x80, $0x38;
	[tilespmem:$0x7600] =	vst v63  }
0x4ad: {  	s10 =	sadd.s32 $0x40, s1;
	s11 =	simm.s32 $0x62E0  }
0x4ae: {  	[hbm4b:s10+s5] =	stream.linear.scatter [tilespmem:s11], [sflag:$0x3], $0x80, $0x38;
	[tilespmem:$0x7600] =	vst v63  }
0x4af: {  	s10 =	sadd.s32 $0x50, s1;
	s11 =	simm.s32 $0x6368  }
0x4b0: {  	[hbm4b:s10+s5] =	stream.linear.scatter [tilespmem:s11], [sflag:$0x3], $0x80, $0x38;
	[tilespmem:$0x7600] =	vst v63  }
0x4b1: {  	s4 =	sadd.s32 $0x60, s1;
	s10 =	simm.s32 $0x63F0  }
0x4b2: {  	[hbm4b:s4+s5] =	stream.linear.scatter [tilespmem:s10], [sflag:$0x3], $0x80, $0x38;
	[tilespmem:$0x7600] =	vst v63  }
0x4b3: {  	s1 =	sadd.s32 $0x70, s1;
	s11 =	simm.s32 $0x6478  }
0x4b4: {  	[hbm4b:s1+s5] =	stream.linear.scatter [tilespmem:s11], [sflag:$0x3], $0x80, $0x38;
	[tilespmem:$0x7600] =	vst v63  }
0x4b5: {  	_ =	swait.ge [sflag:s15], $0x800  }
0x4b6: {  	[sflag:s15] =	ssyncset.done $0x0  }
0x4b7: {  	[sflag:s15] =	ssyncadd.s32 $0xFFFFF800  }
0x4b8: {  	_ =	swait.ge [sflag:s8], $0x400  }
0x4b9: {  	[sflag:s8] =	ssyncset.done $0x0  }
0x4ba: {  	[sflag:s8] =	ssyncadd.s32 $0xFFFFFC00  }
0x4bb: {  	_ =	swait.ge [sflag:s8], $0x400  }
0x4bc: {  	[sflag:s8] =	ssyncset.done $0x0  }
0x4bd: {  	[sflag:s8] =	ssyncadd.s32 $0xFFFFFC00  }
0x4be: {  	_ =	swait.ge [sflag:s8], $0x400  }
0x4bf: {  	[sflag:s8] =	ssyncset.done $0x0  }
0x4c0: {  	[sflag:s8] =	ssyncadd.s32 $0xFFFFFC00  }
0x4c1: {  	_ =	swait.ge [sflag:s8], $0x400  }
0x4c2: {  	v2 =	vimm.s32 $0x0;
	[sflag:s8] =	ssyncset.done $0x0  }
0x4c3: {  	v3 =	vand.u32 $0xFFFFFFF8, v2;
	s1 =	simm.s32 $0x4C30;
	[sflag:s8] =	ssyncadd.s32 $0xFFFFFC00  }
0x4c4: {  	v5 =	vand.u32 $0x4, v2;
	v6 =	vadd.s32 v0, v3;
	v4 =	vld [tilespmem:s1+$0xFFFFFFD0]  }
0x4c5: {  	v3 =	vadd.s32 v1, v3;
	v7 =	vor.u32 v5, v6  }
0x4c6: {  	v59 =	vor.u32 v5, v3;
	_ =	sdelay $0x2  }
0x4c7: {  	v9 =	vunpack.i.l.bf16.f32 v4  }
0x4c8: {  	v4 =	vunpack.i.u.bf16.f32 v4;
	[tilespmem:v7+s23+$0x0] =	vst.idx.msk $0xffff, v9  }
0x4c9: {  	[tilespmem:v59+s23+$0x0] =	vst.idx.msk $0xffff, v4  }
0x4ca: {  	v7 =	vor.u32 $0x1, v5;
	v4 =	vld [tilespmem:s1+$0xFFFFFFE0]  }
0x4cb: {  	v60 =	vor.u32 v7, v6  }
0x4cc: {  	v7 =	vor.u32 v7, v3;
	_ =	sdelay $0x2  }
0x4cd: {  	v61 =	vunpack.i.l.bf16.f32 v4  }
0x4ce: {  	v4 =	vunpack.i.u.bf16.f32 v4;
	[tilespmem:v60+s23+$0x0] =	vst.idx.msk $0xffff, v61  }
0x4cf: {  	[tilespmem:v7+s23+$0x0] =	vst.idx.msk $0xffff, v4  }
0x4d0: {  	v7 =	vor.u32 $0x2, v5;
	v4 =	vld [tilespmem:s1+$0xFFFFFFF0]  }
0x4d1: {  	v62 =	vor.u32 v7, v6  }
0x4d2: {  	v7 =	vor.u32 v7, v3;
	_ =	sdelay $0x2  }
0x4d3: {  	v63 =	vunpack.i.l.bf16.f32 v4  }
0x4d4: {  	v4 =	vunpack.i.u.bf16.f32 v4;
	[tilespmem:v62+s23+$0x0] =	vst.idx.msk $0xffff, v63  }
0x4d5: {  	[tilespmem:v7+s23+$0x0] =	vst.idx.msk $0xffff, v4  }
0x4d6: {  	v5 =	vor.u32 $0x3, v5;
	v4 =	vld [tilespmem:s1+$0x0]  }
0x4d7: {  	v6 =	vor.u32 v5, v6  }
0x4d8: {  	v3 =	vor.u32 v5, v3;
	_ =	sdelay $0x2  }
0x4d9: {  	v7 =	vunpack.i.l.bf16.f32 v4  }
0x4da: {  	v2 =	vadd.s32 $0x4, v2;
	s3 =	simm.s32 $0x4;
	v4 =	vunpack.i.u.bf16.f32 v4;
	[tilespmem:v6+s23+$0x0] =	vst.idx.msk $0xffff, v7  }
.LBB2_19:
0x4db: {  	s3 =	sadd.s32 $0x4, s3;
	v5 =	vand.u32 $0xFFFFFFF8, v2;
	[tilespmem:v3+s23+$0x0] =	vst.idx.msk $0xffff, v4;
	s1 =	sadd.s32 $0x40, s1  }
0x4dc: {  	v4 =	vand.u32 $0x4, v2;
	p1 =	slt.u32 s3, $0x7C;
	v3 =	vld [tilespmem:s1+$0xFFFFFFD0];
	v6 =	vadd.s32 v0, v5;
	v5 =	vadd.s32 v1, v5  }
0x4dd: {  	v7 =	vor.u32 v4, v6  }
0x4de: {  	v8 =	vor.u32 v4, v5;
	_ =	sdelay $0x2  }
0x4df: {  	v9 =	vunpack.i.l.bf16.f32 v3  }
0x4e0: {  	v3 =	vunpack.i.u.bf16.f32 v3;
	[tilespmem:v7+s23+$0x0] =	vst.idx.msk $0xffff, v9  }
0x4e1: {  	[tilespmem:v8+s23+$0x0] =	vst.idx.msk $0xffff, v3  }
0x4e2: {  	v7 =	vor.u32 $0x1, v4;
	v3 =	vld [tilespmem:s1+$0xFFFFFFE0]  }
0x4e3: {  	v8 =	vor.u32 v7, v6  }
0x4e4: {  	v7 =	vor.u32 v7, v5;
	_ =	sdelay $0x2  }
0x4e5: {  	v9 =	vunpack.i.l.bf16.f32 v3  }
0x4e6: {  	v3 =	vunpack.i.u.bf16.f32 v3;
	[tilespmem:v8+s23+$0x0] =	vst.idx.msk $0xffff, v9  }
0x4e7: {  	[tilespmem:v7+s23+$0x0] =	vst.idx.msk $0xffff, v3  }
0x4e8: {  	v7 =	vor.u32 $0x2, v4;
	v3 =	vld [tilespmem:s1+$0xFFFFFFF0]  }
0x4e9: {  	v8 =	vor.u32 v7, v6  }
0x4ea: {  	v7 =	vor.u32 v7, v5;
	_ =	sdelay $0x2  }
0x4eb: {  	v9 =	vunpack.i.l.bf16.f32 v3  }
0x4ec: {  	v3 =	vunpack.i.u.bf16.f32 v3;
	[tilespmem:v8+s23+$0x0] =	vst.idx.msk $0xffff, v9  }
0x4ed: {  	[tilespmem:v7+s23+$0x0] =	vst.idx.msk $0xffff, v3  }
0x4ee: {  	v3 =	vor.u32 $0x3, v4;
	v7 =	vld [tilespmem:s1+$0x0]  }
0x4ef: {  	v6 =	vor.u32 v3, v6  }
.Ltmp8:
0x4f0: {  	v3 =	vor.u32 v3, v5;
	(pc) =	sbr.rel @p1 .LBB2_19-.Ltmp8, $3  }
0x4f1: {  	_ =	sdelay $0x1  }
0x4f2: {  	v5 =	vunpack.i.l.bf16.f32 v7  }
0x4f3: {  	v2 =	vadd.s32 $0x4, v2;
	v4 =	vunpack.i.u.bf16.f32 v7;
	[tilespmem:v6+s23+$0x0] =	vst.idx.msk $0xffff, v5  }
0x4f4: {  	_ =	sdelay $0x3  }
0x4f5: {  	v5 =	vand.u32 $0xFFFFFFF8, v2;
	[tilespmem:v3+s23+$0x0] =	vst.idx.msk $0xffff, v4;
	s1 =	sadd.s32 $0x40, s1  }
0x4f6: {  	v2 =	vand.u32 $0x4, v2;
	v3 =	vld [tilespmem:s1+$0xFFFFFFD0];
	v56 =	vadd.s32 v0, v5  }
0x4f7: {  	v5 =	vadd.s32 v1, v5;
	v6 =	vor.u32 v2, v56  }
0x4f8: {  	v7 =	vor.u32 v2, v5;
	_ =	sdelay $0x2  }
0x4f9: {  	v8 =	vunpack.i.l.bf16.f32 v3  }
0x4fa: {  	v3 =	vunpack.i.u.bf16.f32 v3;
	[tilespmem:v6+s23+$0x0] =	vst.idx.msk $0xffff, v8  }
0x4fb: {  	[tilespmem:v7+s23+$0x0] =	vst.idx.msk $0xffff, v3  }
0x4fc: {  	v57 =	vor.u32 $0x1, v2;
	v3 =	vld [tilespmem:s1+$0xFFFFFFE0]  }
0x4fd: {  	v58 =	vor.u32 v57, v56  }
0x4fe: {  	v6 =	vor.u32 v57, v5;
	_ =	sdelay $0x2  }
0x4ff: {  	v59 =	vunpack.i.l.bf16.f32 v3  }
0x500: {  	v3 =	vunpack.i.u.bf16.f32 v3;
	[tilespmem:v58+s23+$0x0] =	vst.idx.msk $0xffff, v59  }
0x501: {  	[tilespmem:v6+s23+$0x0] =	vst.idx.msk $0xffff, v3  }
0x502: {  	v60 =	vor.u32 $0x2, v2;
	v3 =	vld [tilespmem:s1+$0xFFFFFFF0]  }
0x503: {  	v61 =	vor.u32 v60, v56  }
0x504: {  	v6 =	vor.u32 v60, v5;
	_ =	sdelay $0x2  }
0x505: {  	v62 =	vunpack.i.l.bf16.f32 v3  }
0x506: {  	v3 =	vunpack.i.u.bf16.f32 v3;
	[tilespmem:v61+s23+$0x0] =	vst.idx.msk $0xffff, v62  }
0x507: {  	[tilespmem:v6+s23+$0x0] =	vst.idx.msk $0xffff, v3  }
0x508: {  	v2 =	vor.u32 $0x3, v2;
	v3 =	vld [tilespmem:s1+$0x0]  }
0x509: {  	v4 =	vor.u32 v2, v56  }
0x50a: {  	v2 =	vor.u32 v2, v5;
	_ =	sdelay $0x1  }
0x50b: {  	s4 =	sld [smem:$0x7FA]  }
0x50c: {  	v63 =	vunpack.i.l.bf16.f32 v3  }
0x50d: {  	v3 =	vunpack.i.u.bf16.f32 v3;
	[tilespmem:v4+s23+$0x0] =	vst.idx.msk $0xffff, v63  }
0x50e: {  	s1 =	sadd.s32 s25, s4;
	[tilespmem:v2+s23+$0x0] =	vst.idx.msk $0xffff, v3  }
0x50f: {  	[hbm4b:s1+s5] =	stream.linear.scatter [tilespmem:s23], [sflag:$0x4], $0x80, $0x38;
	[tilespmem:$0x7600] =	vst v63  }
0x510: {  	s4 =	simm.s32 $0x6588;
	s3 =	sadd.s32 $0x10, s1  }
0x511: {  	[hbm4b:s3+s5] =	stream.linear.scatter [tilespmem:s4], [sflag:$0x4], $0x80, $0x38;
	[tilespmem:$0x7600] =	vst v63  }
0x512: {  	s11 =	simm.s32 $0x6610;
	s10 =	sadd.s32 $0x20, s1  }
0x513: {  	[hbm4b:s10+s5] =	stream.linear.scatter [tilespmem:s11], [sflag:$0x4], $0x80, $0x38;
	[tilespmem:$0x7600] =	vst v63  }
0x514: {  	s10 =	sadd.s32 $0x30, s1;
	s11 =	simm.s32 $0x6698  }
0x515: {  	[hbm4b:s10+s5] =	stream.linear.scatter [tilespmem:s11], [sflag:$0x4], $0x80, $0x38;
	[tilespmem:$0x7600] =	vst v63  }
0x516: {  	s10 =	sadd.s32 $0x40, s1;
	s11 =	simm.s32 $0x6720  }
0x517: {  	[hbm4b:s10+s5] =	stream.linear.scatter [tilespmem:s11], [sflag:$0x4], $0x80, $0x38;
	[tilespmem:$0x7600] =	vst v63  }
0x518: {  	s10 =	sadd.s32 $0x50, s1;
	s11 =	simm.s32 $0x67A8  }
0x519: {  	[hbm4b:s10+s5] =	stream.linear.scatter [tilespmem:s11], [sflag:$0x4], $0x80, $0x38;
	[tilespmem:$0x7600] =	vst v63  }
0x51a: {  	s4 =	sadd.s32 $0x60, s1;
	s3 =	sld [smem:$0x7FB];
	s10 =	simm.s32 $0x6830  }
0x51b: {  	[hbm4b:s4+s5] =	stream.linear.scatter [tilespmem:s10], [sflag:$0x4], $0x80, $0x38;
	[tilespmem:$0x7600] =	vst v63  }
0x51c: {  	s1 =	sadd.s32 $0x70, s1;
	s11 =	simm.s32 $0x68B8  }
0x51d: {  	[hbm4b:s1+s5] =	stream.linear.scatter [tilespmem:s11], [sflag:$0x4], $0x80, $0x38;
	[tilespmem:$0x7600] =	vst v63  }
0x51e: {  	s4 =	simm.s32 $0x6940;
	s1 =	sadd.s32 s25, s3  }
0x51f: {  	[hbm4b:s1+s5] =	stream.linear.scatter [tilespmem:s4], [sflag:$0x4], $0x80, $0x38;
	[tilespmem:$0x7600] =	vst v63  }
0x520: {  	s11 =	simm.s32 $0x69C8;
	s10 =	sadd.s32 $0x10, s1  }
0x521: {  	[hbm4b:s10+s5] =	stream.linear.scatter [tilespmem:s11], [sflag:$0x4], $0x80, $0x38;
	[tilespmem:$0x7600] =	vst v63  }
0x522: {  	s10 =	sadd.s32 $0x20, s1;
	s11 =	simm.s32 $0x6A50  }
0x523: {  	[hbm4b:s10+s5] =	stream.linear.scatter [tilespmem:s11], [sflag:$0x4], $0x80, $0x38;
	[tilespmem:$0x7600] =	vst v63  }
0x524: {  	s10 =	sadd.s32 $0x30, s1;
	s11 =	simm.s32 $0x6AD8  }
0x525: {  	[hbm4b:s10+s5] =	stream.linear.scatter [tilespmem:s11], [sflag:$0x4], $0x80, $0x38;
	[tilespmem:$0x7600] =	vst v63  }
0x526: {  	s10 =	sadd.s32 $0x40, s1;
	s11 =	simm.s32 $0x6B60  }
0x527: {  	[hbm4b:s10+s5] =	stream.linear.scatter [tilespmem:s11], [sflag:$0x4], $0x80, $0x38;
	[tilespmem:$0x7600] =	vst v63  }
0x528: {  	s10 =	sadd.s32 $0x50, s1;
	s11 =	simm.s32 $0x6BE8  }
0x529: {  	[hbm4b:s10+s5] =	stream.linear.scatter [tilespmem:s11], [sflag:$0x4], $0x80, $0x38;
	[tilespmem:$0x7600] =	vst v63  }
0x52a: {  	s3 =	sld [smem:$0x7FC];
	s4 =	sadd.s32 $0x60, s1;
	s10 =	simm.s32 $0x6C70  }
0x52b: {  	[hbm4b:s4+s5] =	stream.linear.scatter [tilespmem:s10], [sflag:$0x4], $0x80, $0x38;
	[tilespmem:$0x7600] =	vst v63  }
0x52c: {  	s1 =	sadd.s32 $0x70, s1;
	s11 =	simm.s32 $0x6CF8  }
0x52d: {  	[hbm4b:s1+s5] =	stream.linear.scatter [tilespmem:s11], [sflag:$0x4], $0x80, $0x38;
	[tilespmem:$0x7600] =	vst v63  }
0x52e: {  	s4 =	simm.s32 $0x6D80;
	s1 =	sadd.s32 s25, s3  }
0x52f: {  	[hbm4b:s1+s5] =	stream.linear.scatter [tilespmem:s4], [sflag:$0x4], $0x80, $0x38;
	[tilespmem:$0x7600] =	vst v63  }
0x530: {  	s10 =	sadd.s32 $0x10, s1  }
0x531: {  	[hbm4b:s10+s5] =	stream.linear.scatter [tilespmem:s12], [sflag:$0x4], $0x80, $0x38;
	[tilespmem:$0x7600] =	vst v63  }
0x532: {  	s11 =	sadd.s32 $0x20, s1  }
0x533: {  	[hbm4b:s11+s5] =	stream.linear.scatter [tilespmem:s6], [sflag:$0x4], $0x80, $0x38;
	[tilespmem:$0x7600] =	vst v63  }
0x534: {  	s4 =	sadd.s32 $0x30, s1  }
0x535: {  	[hbm4b:s4+s5] =	stream.linear.scatter [tilespmem:s17], [sflag:$0x4], $0x80, $0x38;
	[tilespmem:$0x7600] =	vst v63  }
0x536: {  	s10 =	sadd.s32 $0x40, s1  }
0x537: {  	[hbm4b:s10+s5] =	stream.linear.scatter [tilespmem:s18], [sflag:$0x4], $0x80, $0x38;
	[tilespmem:$0x7600] =	vst v63  }
0x538: {  	s11 =	sadd.s32 $0x50, s1  }
0x539: {  	[hbm4b:s11+s5] =	stream.linear.scatter [tilespmem:s19], [sflag:$0x4], $0x80, $0x38;
	[tilespmem:$0x7600] =	vst v63  }
0x53a: {  	s4 =	sadd.s32 $0x60, s1;
	s10 =	sld [smem:$0x7FD]  }
0x53b: {  	[hbm4b:s4+s5] =	stream.linear.scatter [tilespmem:s20], [sflag:$0x4], $0x80, $0x38;
	[tilespmem:$0x7600] =	vst v63  }
0x53c: {  	s1 =	sadd.s32 $0x70, s1  }
0x53d: {  	[hbm4b:s1+s5] =	stream.linear.scatter [tilespmem:s21], [sflag:$0x4], $0x80, $0x38;
	[tilespmem:$0x7600] =	vst v63  }
0x53e: {  	s1 =	sadd.s32 s25, s10  }
0x53f: {  	[hbm4b:s1+s5] =	stream.linear.scatter [tilespmem:s22], [sflag:$0x4], $0x80, $0x38;
	[tilespmem:$0x7600] =	vst v63  }
0x540: {  	s11 =	sadd.s32 $0x10, s1  }
0x541: {  	[hbm4b:s11+s5] =	stream.linear.scatter [tilespmem:s24], [sflag:$0x4], $0x80, $0x38;
	[tilespmem:$0x7600] =	vst v63  }
0x542: {  	s25 =	sadd.s32 $0x20, s1  }
0x543: {  	[hbm4b:s25+s5] =	stream.linear.scatter [tilespmem:s26], [sflag:$0x4], $0x80, $0x38;
	[tilespmem:$0x7600] =	vst v63  }
0x544: {  	s4 =	sadd.s32 $0x30, s1  }
0x545: {  	[hbm4b:s4+s5] =	stream.linear.scatter [tilespmem:s28], [sflag:$0x4], $0x80, $0x38;
	[tilespmem:$0x7600] =	vst v63  }
0x546: {  	s10 =	sadd.s32 $0x40, s1  }
0x547: {  	[hbm4b:s10+s5] =	stream.linear.scatter [tilespmem:s29], [sflag:$0x4], $0x80, $0x38;
	[tilespmem:$0x7600] =	vst v63  }
0x548: {  	s11 =	sadd.s32 $0x50, s1  }
0x549: {  	[hbm4b:s11+s5] =	stream.linear.scatter [tilespmem:s30], [sflag:$0x4], $0x80, $0x38;
	[tilespmem:$0x7600] =	vst v63  }
0x54a: {  	s25 =	sadd.s32 $0x60, s1  }
0x54b: {  	[hbm4b:s25+s5] =	stream.linear.scatter [tilespmem:s31], [sflag:$0x4], $0x80, $0x38;
	[tilespmem:$0x7600] =	vst v63  }
0x54c: {  	s1 =	sadd.s32 $0x70, s1  }
0x54d: {  	[hbm4b:s1+s5] =	stream.linear.scatter [tilespmem:s0], [sflag:$0x4], $0x80, $0x38;
	[tilespmem:$0x7600] =	vst v63  }
0x54e: {  	_ =	swait.ge [sflag:s2], $0x400  }
0x54f: {  	[sflag:s2] =	ssyncset.done $0x0  }
0x550: {  	[sflag:s2] =	ssyncadd.s32 $0xFFFFFC00  }
0x551: {  	_ =	swait.ge [sflag:s2], $0x400  }
0x552: {  	[sflag:s2] =	ssyncset.done $0x0  }
0x553: {  	[sflag:s2] =	ssyncadd.s32 $0xFFFFFC00  }
0x554: {  	_ =	swait.ge [sflag:s2], $0x400  }
0x555: {  	[sflag:s2] =	ssyncset.done $0x0  }
0x556: {  	[sflag:s2] =	ssyncadd.s32 $0xFFFFFC00  }
0x557: {  	_ =	swait.ge [sflag:s2], $0x400  }
0x558: {  	[sflag:s2] =	ssyncset.done $0x0  }
0x559: {  	[sflag:s2] =	ssyncadd.s32 $0xFFFFFC00  }
0x55a: {  	_ =	swait.ge [sflag:s8], $0x400  }
0x55b: {  	[sflag:s8] =	ssyncset.done $0x0  }
0x55c: {  	[sflag:s8] =	ssyncadd.s32 $0xFFFFFC00  }
0x55d: {  	_ =	swait.ge [sflag:s8], $0x400  }
0x55e: {  	[sflag:s8] =	ssyncset.done $0x0  }
0x55f: {  	[sflag:s8] =	ssyncadd.s32 $0xFFFFFC00  }
0x560: {  	p1 =	sne.s32 s9, $0x64;
	_ =	swait.ge [sflag:s8], $0x400  }
.Ltmp9:
0x561: {  	[sflag:s8] =	ssyncset.done $0x0;
	(pc) =	sbr.rel @p1 .LBB2_2-.Ltmp9, $4  }
0x562: {  	[sflag:s8] =	ssyncadd.s32 $0xFFFFFC00  }
0x563: {  	_ =	swait.ge [sflag:s8], $0x400  }
0x564: {  	[sflag:s8] =	ssyncset.done $0x0  }
0x565: {  	p0 =	por !p0, !p0;
	s25 =	smov.u32 s9;
	[sflag:s8] =	ssyncadd.s32 $0xFFFFFC00  }
0x566: {  	_ =	swait.ge [sflag:s13], $0x400  }
0x567: {  	[sflag:s13] =	ssyncset.done $0x0  }
0x568: {  	[sflag:s13] =	ssyncadd.s32 $0xFFFFFC00  }
0x569: {  	_ =	swait.ge [sflag:s13], $0x400  }
0x56a: {  	s3 =	sld [smem:$0x7F5];
	_ =	sdelay $0x2  }
0x56b: {  	s1 =	rddreg [dreg:$0x17];
	s3 =	sadd.s32 $0x1, s3  }
0x56c: {  	p0 =	sne.s32 s3, s1  }
.Ltmp10:
0x56d: {  	_ = 	snop;
	(pc) =	sbr.rel @p0 .LBB2_1-.Ltmp10, $3  }
0x56e: {  	_ =	sdelay $0x1  }
0x56f: {  	[sflag:s13] =	ssyncset.done $0x0  }
0x570: {  	[sflag:s13] =	ssyncadd.s32 $0xFFFFFC00  }
0x571: {  	_ =	sfence.sel $0x180000  }
0x572: {  	[bflag:$0x0] =	sbarrier.arrive $0xFFFF  }
0x573: {  	_ =	strace $0x90000047  }
0x574: {  	s0 =	stileid.u32;
	[bflag:$0x2] =	sbarrier.arrive $0xFFFF  }
0x575: {  	p0 =	sne.s32 s0, $0x0;
	s0 =	rddreg [dreg:$0x4]  }
0x576: {  	s0 =	sadd.s32 @!p0 $0x100000, s0  }
0x577: {  	[sflag:s0] =	ssyncadd.tile.s32 @!p0 $0x1;
	_ =	shalt  }
.Lfunc_end2:
_tile_overlayer_lowered:
.L_overlay_start_2:
0x578: {  	(tag) =	ssettag $0x2  }
0x579: {  	s0 =	rddreg [dreg:$0x0];
	s2 =	stileid.u32  }
0x57a: {  	s1 =	rddreg [dreg:$0x1];
	p0 =	sne.s32 s2, $0x0  }
0x57b: {  	s3 =	rddreg [dreg:$0x2];
	[bflag:$0x3] =	sbarrier.arrive $0xFFFF;
	s2 =	simm.s32 @!p0 $0x1C05  }
0x57c: {  	[timem:s3], [sflag:s2] =	dma.local @!p0 [hbm:s0], s1  }
0x57d: {  	s0 =	simm.s32 @!p0 $0x5  }
0x57e: {  	_ =	swait.ge @!p0 [sflag:s0], s1  }
0x57f: {  	s1 =	ssub.s32 @!p0 $0x0, s1;
	[sflag:s0] =	ssyncset.done @!p0 $0x0  }
0x580: {  	[sflag:s0] =	ssyncadd.s32 @!p0 s1  }
0x581: {  	[bflag:$0x3] =	sbarrier.arrive $0xFFFF  }
0x582: {  	_ =	shalt  }

</sc_bundles>
